<compile_context>
chip_gen: v7x
topology: tpu7x:2x2x1
jax: 0.10.2.dev20260603
libtpu: 0.0.44.dev20260713+nightly
codegen_flags: <defaults>
</compile_context>

<pallas_src>
import functools

import jax
import jax.numpy as jnp
from jax import lax
from jax.experimental import pallas as pl
from jax.experimental.pallas import tpu as pltpu
from jax.experimental.pallas import tpu_sc as plsc

N = 10000
E = 160000
H = 256
G = 64
NP = 10240
RB = 1000
EB = 1600
GB = 2000
KE = 40
EPT = E // 16
NCH = EPT // KE
GRP = 50
GEPT = GRP * KE
NGRP = NCH // GRP
ZR = 640
EPS = 1e-5


def _mm(a, b):
    return jax.lax.dot_general(a, b, (((1,), (0,)), ((), ())),
                               preferred_element_type=jnp.float32)


def _mmT(a, b):
    return jax.lax.dot_general(a, b, (((0,), (0,)), ((), ())),
                               preferred_element_type=jnp.float32)


def _a1_body(x_ref, w_ref, z_ref, st_ref):
    i = pl.program_id(0)
    z = _mm(x_ref[...], w_ref[...])
    z_ref[...] = z

    @pl.when(i == 0)
    def _():
        st_ref[...] = jnp.zeros_like(st_ref)

    st_ref[0:1, :] += jnp.sum(z, axis=0, keepdims=True)
    st_ref[1:2, :] += jnp.sum(z * z, axis=0, keepdims=True)


def _a2_body(z_ref, st_ref, g_ref, be_ref, xt_ref, xts_ref):
    mu = st_ref[0:1, :] / N
    var = st_ref[1:2, :] / N - mu * mu
    xt = jnp.maximum(g_ref[...] * (z_ref[...] - mu) * lax.rsqrt(var + EPS)
                     + be_ref[...], 0.0)
    xt_ref[...] = xt
    xts_ref[0] = xt[:, :128]
    xts_ref[1] = xt[:, 128:]


def _stage_a(x, w, g, be):
    z, st = pl.pallas_call(
        _a1_body,
        grid=(N // RB,),
        in_specs=[pl.BlockSpec((RB, H), lambda i: (i, 0)),
                  pl.BlockSpec((H, H), lambda i: (0, 0))],
        out_specs=[pl.BlockSpec((RB, H), lambda i: (i, 0)),
                   pl.BlockSpec((8, H), lambda i: (0, 0))],
        out_shape=[jax.ShapeDtypeStruct((N, H), jnp.float32),
                   jax.ShapeDtypeStruct((8, H), jnp.float32)],
    )(x, w)
    xt, xts = pl.pallas_call(
        _a2_body,
        grid=(N // RB,),
        in_specs=[pl.BlockSpec((RB, H), lambda i: (i, 0)),
                  pl.BlockSpec((8, H), lambda i: (0, 0)),
                  pl.BlockSpec((1, H), lambda i: (0, 0)),
                  pl.BlockSpec((1, H), lambda i: (0, 0))],
        out_specs=[pl.BlockSpec((RB, H), lambda i: (i, 0)),
                   pl.BlockSpec((2, RB, 128), lambda i: (0, i, 0))],
        out_shape=[jax.ShapeDtypeStruct((N, H), jnp.float32),
                   jax.ShapeDtypeStruct((2, N, 128), jnp.float32)],
    )(z, st, g, be)
    return xt, xts


def _b0_body(f_ref, cs_ref, gr_ref):
    i = pl.program_id(0)
    blk = f_ref[...]

    @pl.when(i == 0)
    def _():
        cs_ref[...] = jnp.zeros_like(cs_ref)
        gr_ref[...] = jnp.zeros_like(gr_ref)

    cs_ref[0:1, :] += jnp.sum(blk, axis=0, keepdims=True)
    gr_ref[...] += _mmT(blk, blk)


def _b1_body(cs_ref, gr_ref, w1_ref, g_ref, be_ref, w1s_ref, b1s_ref):
    mean_f = cs_ref[0:1, :] / E
    mu1 = _mm(mean_f, w1_ref[...])
    cov = gr_ref[...] / E - _mmT(mean_f, mean_f)
    cw = _mm(cov, w1_ref[...])
    var = jnp.sum(cw * w1_ref[...], axis=0, keepdims=True)
    s = g_ref[...] * lax.rsqrt(var + EPS)
    w1s_ref[...] = w1_ref[...] * s
    b1s_ref[...] = be_ref[...] - mu1 * s


def _b2_body(f_ref, w1s_ref, b1s_ref, w2_ref, b2_ref, hfs_ref):
    h1 = jnp.maximum(_mm(f_ref[...], w1s_ref[...]) + b1s_ref[...], 0.0)
    hf = jnp.maximum(_mm(h1.astype(jnp.bfloat16), w2_ref[...])
                     + b2_ref[...], 0.0)
    hfs_ref[0] = hf[:, :128]
    hfs_ref[1] = hf[:, 128:]


def _stage_b(f, w1, g, be, w2, b2):
    dp = f.shape[1]
    cs, gr = pl.pallas_call(
        _b0_body,
        grid=(E // GB,),
        in_specs=[pl.BlockSpec((GB, dp), lambda i: (i, 0))],
        out_specs=[pl.BlockSpec((8, dp), lambda i: (0, 0)),
                   pl.BlockSpec((dp, dp), lambda i: (0, 0))],
        out_shape=[jax.ShapeDtypeStruct((8, dp), jnp.float32),
                   jax.ShapeDtypeStruct((dp, dp), jnp.float32)],
    )(f)
    w1s, b1s = pl.pallas_call(
        _b1_body,
        in_specs=[pl.BlockSpec((8, dp), lambda: (0, 0)),
                  pl.BlockSpec((dp, dp), lambda: (0, 0)),
                  pl.BlockSpec((dp, H), lambda: (0, 0)),
                  pl.BlockSpec((1, H), lambda: (0, 0)),
                  pl.BlockSpec((1, H), lambda: (0, 0))],
        out_specs=[pl.BlockSpec((dp, H), lambda: (0, 0)),
                   pl.BlockSpec((1, H), lambda: (0, 0))],
        out_shape=[jax.ShapeDtypeStruct((dp, H), jnp.float32),
                   jax.ShapeDtypeStruct((1, H), jnp.float32)],
    )(cs, gr, w1, g, be)
    hfs = pl.pallas_call(
        _b2_body,
        grid=(E // EB,),
        in_specs=[pl.BlockSpec((EB, dp), lambda i: (i, 0)),
                  pl.BlockSpec((dp, H), lambda i: (0, 0)),
                  pl.BlockSpec((1, H), lambda i: (0, 0)),
                  pl.BlockSpec((H, H), lambda i: (0, 0)),
                  pl.BlockSpec((1, H), lambda i: (0, 0))],
        out_specs=pl.BlockSpec((2, EB, 128), lambda i: (0, i, 0)),
        out_shape=jax.ShapeDtypeStruct((2, E, 128), jnp.float32),
    )(f, w1s, b1s, w2.astype(jnp.bfloat16), b2)
    return hfs


def _sc_body(xt2, hf2, src_h, dst_h, out, srcv, dstv, rows, hfv0, hfv1, msg,
             agg, sg0, sg1, sh0, sh1, ss0, ss1):
    c = lax.axis_index("c")
    s = lax.axis_index("s")
    sgs = (sg0, sg1)
    shs = (sh0, sh1)
    sss = (ss0, ss1)
    hfvs = (hfv0, hfv1)
    coff = c * N

    def zrow(i, carry):
        for j in range(8):
            msg[0, i, pl.ds(j * 16, 16)] = jnp.zeros((16,), jnp.float32)
        return carry

    lax.fori_loop(0, KE, zrow, 0)

    def zchunk(t, carry):
        pltpu.sync_copy(msg.at[0], agg.at[pl.ds(s * ZR + t * KE, KE)])
        return carry

    lax.fori_loop(0, ZR // KE, zchunk, 0)
    plsc.subcore_barrier()

    def issue(g, cl, b):
        pltpu.async_copy(xt2.at[srcv.at[pl.ds(cl * KE, KE)]], rows.at[b],
                         sgs[b])
        hoff = c * E + s * EPT + g * GEPT + cl * KE
        pltpu.async_copy(hf2.at[pl.ds(hoff, KE)], hfvs[b], shs[b])

    def wait_scatter(b):
        pltpu.make_async_copy(msg.at[b], agg.at[pl.ds(0, KE)], sss[b]).wait()

    def drain(cl, b):
        pltpu.make_async_copy(xt2.at[pl.ds(0, KE)], rows.at[b], sgs[b]).wait()
        pltpu.make_async_copy(hf2.at[pl.ds(0, KE)], hfvs[b], shs[b]).wait()

        @pl.when(jnp.int32(cl) >= 2)
        def _():
            wait_scatter(b)

        @plsc.parallel_loop(0, KE, 1, unroll=4)
        def _(i):
            for j in range(8):
                sl = pl.ds(j * 16, 16)
                msg[b, i, sl] = rows[b, i, sl] * hfvs[b][i, sl]

        pltpu.async_copy(msg.at[b], agg.at[dstv.at[cl]], sss[b], add=True)

    def group(g, carry):
        @pl.when(g > 0)
        def _():
            wait_scatter(0)
            wait_scatter(1)

        pltpu.sync_copy(src_h.at[pl.ds(s * EPT + g * GEPT, GEPT)], srcv)
        pltpu.sync_copy(dst_h.at[s, g], dstv)

        def arow(i, icarry):
            sl = pl.ds(i * 16, 16)
            srcv[sl] = srcv[sl] + coff
            return icarry

        lax.fori_loop(0, GEPT // 16, arow, 0)
        issue(g, 0, 0)

        def pair(p, pcarry):
            cl = 2 * p
            issue(g, cl + 1, 1)
            drain(cl, 0)
            issue(g, cl + 2, 0)
            drain(cl + 1, 1)
            return pcarry

        lax.fori_loop(0, GRP // 2 - 1, pair, 0)
        issue(g, GRP - 1, 1)
        drain(GRP - 2, 0)
        drain(GRP - 1, 1)
        return carry

    lax.fori_loop(0, NGRP, group, 0)
    wait_scatter(0)
    wait_scatter(1)
    plsc.subcore_barrier()
    pltpu.sync_copy(agg.at[pl.ds(s * ZR, ZR)], out.at[c, pl.ds(s * ZR, ZR)])


def _sc_conv(xt2, hf2, src3, dst3):
    mesh = plsc.VectorSubcoreMesh(core_axis_name="c", subcore_axis_name="s")
    k = functools.partial(
        pl.kernel,
        out_type=jax.ShapeDtypeStruct((2, NP, 128), jnp.float32),
        mesh=mesh,
        scratch_types=[
            pltpu.VMEM((GEPT,), jnp.int32),
            pltpu.VMEM((GRP, KE), jnp.int32),
            pltpu.VMEM((2, KE, 128), jnp.float32),
            pltpu.VMEM((KE, 128), jnp.float32),
            pltpu.VMEM((KE, 128), jnp.float32),
            pltpu.VMEM((2, KE, 128), jnp.float32),
            pltpu.VMEM_SHARED((NP, 128), jnp.float32),
            pltpu.SemaphoreType.DMA,
            pltpu.SemaphoreType.DMA,
            pltpu.SemaphoreType.DMA,
            pltpu.SemaphoreType.DMA,
            pltpu.SemaphoreType.DMA,
            pltpu.SemaphoreType.DMA,
        ],
    )(_sc_body)
    return k(xt2, hf2, src3, dst3)


def _c1_body(ag1_ref, ag2_ref, xt_ref, bc_ref, relw_ref, relb_ref, rootw_ref,
             catw_ref, catb_ref, l0w_ref, l0b_ref, l1w_ref, l1b_ref,
             l2w_ref, l2b_ref, h_ref, seg_ref, cnt_ref):
    i = pl.program_id(0)
    xt = xt_ref[...]
    root = _mm(xt, rootw_ref[...])
    a1 = (_mm(ag1_ref[0], relw_ref[0:128, :]) +
          _mm(ag1_ref[1], relw_ref[128:256, :]))
    h1 = jnp.maximum(a1 + relb_ref[...] + root, 0.0)
    a2 = (_mm(ag2_ref[0], relw_ref[0:128, :]) +
          _mm(ag2_ref[1], relw_ref[128:256, :]))
    h2 = jnp.maximum(a2 + relb_ref[...] + root, 0.0)
    h = jnp.maximum(_mm(h1, catw_ref[0:256, :]) + _mm(h2, catw_ref[256:512, :])
                    + catb_ref[...], 0.0)
    h = h + xt
    for wr, br in ((l0w_ref, l0b_ref), (l1w_ref, l1b_ref), (l2w_ref, l2b_ref)):
        h = jnp.maximum(_mm(h, wr[...]) + br[...], 0.0) + h
    h_ref[...] = h

    oh = (bc_ref[...] ==
          lax.broadcasted_iota(jnp.int32, (RB, G), 1).astype(jnp.float32)
          ).astype(jnp.float32)

    @pl.when(i == 0)
    def _():
        seg_ref[...] = jnp.zeros_like(seg_ref)
        cnt_ref[...] = jnp.zeros_like(cnt_ref)

    seg_ref[...] += _mmT(oh, h)
    cnt_ref[0:1, :] += jnp.sum(oh, axis=0, keepdims=True)


def _c2_body(h_ref, bc_ref, seg_ref, cnt_ref, ms_ref, sub_ref, vseg_ref):
    i = pl.program_id(0)
    oh = (bc_ref[...] ==
          lax.broadcasted_iota(jnp.int32, (RB, G), 1).astype(jnp.float32)
          ).astype(jnp.float32)
    recip = 1.0 / jnp.maximum(cnt_ref[0:1, :], 1.0)
    meanb = _mm(oh * recip, seg_ref[...])
    sub = h_ref[...] - meanb * ms_ref[...]
    sub_ref[...] = sub

    @pl.when(i == 0)
    def _():
        vseg_ref[...] = jnp.zeros_like(vseg_ref)

    vseg_ref[...] += _mmT(oh, sub * sub)


def _c3_body(sub_ref, bc_ref, vseg_ref, cnt_ref, gw_ref, gb_ref,
             finw_ref, finb_ref, out_ref):
    oh = (bc_ref[...] ==
          lax.broadcasted_iota(jnp.int32, (RB, G), 1).astype(jnp.float32)
          ).astype(jnp.float32)
    recip = 1.0 / jnp.maximum(cnt_ref[0:1, :], 1.0)
    varb = _mm(oh * recip, vseg_ref[...])
    sub = sub_ref[...]
    hh = gw_ref[...] * sub * lax.rsqrt(varb + EPS) + gb_ref[...]
    out_ref[...] = _mm(hh, finw_ref[...]) + finb_ref[...]


def _stage_c(ag1, ag2, xt, bcol, relw, relb, rootw, catw, catb,
             lws, gn_w, gn_b, gn_ms, finw, finb):
    l0w, l0b, l1w, l1b, l2w, l2b = lws
    nb = N // RB
    row = lambda i: (i, 0)
    const2 = lambda i: (0, 0)
    wspec = lambda r: pl.BlockSpec((r, H), const2)
    vspec = pl.BlockSpec((1, H), const2)
    h, seg, cnt = pl.pallas_call(
        _c1_body,
        grid=(nb,),
        in_specs=[pl.BlockSpec((2, RB, 128), lambda i: (0, i, 0)),
                  pl.BlockSpec((2, RB, 128), lambda i: (0, i, 0)),
                  pl.BlockSpec((RB, H), row),
                  pl.BlockSpec((RB, 1), row),
                  wspec(H), vspec, wspec(H),
                  wspec(2 * H), vspec,
                  wspec(H), vspec, wspec(H), vspec, wspec(H), vspec],
        out_specs=[pl.BlockSpec((RB, H), row),
                   pl.BlockSpec((G, H), const2),
                   pl.BlockSpec((8, G), const2)],
        out_shape=[jax.ShapeDtypeStruct((N, H), jnp.float32),
                   jax.ShapeDtypeStruct((G, H), jnp.float32),
                   jax.ShapeDtypeStruct((8, G), jnp.float32)],
    )(ag1, ag2, xt, bcol, relw, relb, rootw, catw, catb,
      l0w, l0b, l1w, l1b, l2w, l2b)
    sub, vseg = pl.pallas_call(
        _c2_body,
        grid=(nb,),
        in_specs=[pl.BlockSpec((RB, H), row),
                  pl.BlockSpec((RB, 1), row),
                  pl.BlockSpec((G, H), const2),
                  pl.BlockSpec((8, G), const2),
                  vspec],
        out_specs=[pl.BlockSpec((RB, H), row),
                   pl.BlockSpec((G, H), const2)],
        out_shape=[jax.ShapeDtypeStruct((N, H), jnp.float32),
                   jax.ShapeDtypeStruct((G, H), jnp.float32)],
    )(h, bcol, seg, cnt, gn_ms)
    out = pl.pallas_call(
        _c3_body,
        grid=(nb,),
        in_specs=[pl.BlockSpec((RB, H), row),
                  pl.BlockSpec((RB, 1), row),
                  pl.BlockSpec((G, H), const2),
                  pl.BlockSpec((8, G), const2),
                  vspec, vspec, wspec(H), vspec],
        out_specs=pl.BlockSpec((RB, H), row),
        out_shape=jax.ShapeDtypeStruct((N, H), jnp.float32),
    )(sub, bcol, vseg, cnt, gn_w, gn_b, finw, finb)
    return out


def kernel(x, edge_index, edge_attr, feature1, feature2, batch,
           lin_x_W, lin_x_b, lin_x_g, lin_x_be,
           f1_W1, f1_b1, f1_g, f1_be, f1_W2, f1_b2,
           f2_W1, f2_b1, f2_g, f2_be, f2_W2, f2_b2,
           c1_rel_W, c1_rel_b, c1_root_W,
           cat_W, cat_b,
           l0_W, l0_b, l1_W, l1_b, l2_W, l2_b,
           gn_w, gn_b, gn_ms,
           fin_W, fin_b):
    del edge_attr, lin_x_b, f1_b1, f2_b1
    row = lambda v: v.reshape(1, H)

    xt, xts = _stage_a(x, lin_x_W, row(lin_x_g), row(lin_x_be))

    xt2 = xts.reshape(2 * N, 128)
    src3 = edge_index[0]
    dst3 = edge_index[1].reshape(16, NGRP, GRP, KE)
    hfs1 = _stage_b(feature1, f1_W1, row(f1_g), row(f1_be), f1_W2, row(f1_b2))
    ag1 = _sc_conv(xt2, hfs1.reshape(2 * E, 128), src3, dst3)
    hfs2 = _stage_b(feature2, f2_W1, row(f2_g), row(f2_be), f2_W2, row(f2_b2))
    ag2 = _sc_conv(xt2, hfs2.reshape(2 * E, 128), src3, dst3)

    bcol = batch.astype(jnp.float32).reshape(N, 1)
    return _stage_c(ag1, ag2, xt, bcol,
                    c1_rel_W, row(c1_rel_b), c1_root_W,
                    cat_W, row(cat_b),
                    (l0_W, row(l0_b), l1_W, row(l1_b), l2_W, row(l2_b)),
                    row(gn_w), row(gn_b), row(gn_ms),
                    fin_W, row(fin_b))

# --- scband reference (transcript-rebuilt; emitter-appended) ---
"""Pipeline reference for scband-inter-bock-30932354466026 (READ-ONLY COPY).

The authoritative reference and input builder live on the scoring server;
editing this copy changes nothing except your own understanding.
"""

import jax, jax.numpy as jnp
import numpy as np

N = 10000
E = 160000
H = 256
D1 = 6 * 3 ** 2
D2 = 6 * 3
G = 64


def _bn(h, gamma, beta, eps=1e-5):
    mu = jnp.mean(h, axis=0)
    var = jnp.var(h, axis=0)
    return gamma * (h - mu) / jnp.sqrt(var + eps) + beta


PARAM_SHAPES = [
    ("lin_x_W", (H, H)), ("lin_x_b", (H,)), ("lin_x_g", (H,)), ("lin_x_be", (H,)),
    ("f1_W1", (D1, H)), ("f1_b1", (H,)), ("f1_g", (H,)), ("f1_be", (H,)), ("f1_W2", (H, H)), ("f1_b2", (H,)),
    ("f2_W1", (D2, H)), ("f2_b1", (H,)), ("f2_g", (H,)), ("f2_be", (H,)), ("f2_W2", (H, H)), ("f2_b2", (H,)),
    ("c1_rel_W", (H, H)), ("c1_rel_b", (H,)), ("c1_root_W", (H, H)),
    ("cat_W", (2 * H, H)), ("cat_b", (H,)),
    ("l0_W", (H, H)), ("l0_b", (H,)), ("l1_W", (H, H)), ("l1_b", (H,)), ("l2_W", (H, H)), ("l2_b", (H,)),
    ("gn_w", (H,)), ("gn_b", (H,)), ("gn_ms", (H,)),
    ("fin_W", (H, H)), ("fin_b", (H,)),
]
PARAM_NAMES = [n for n, _ in PARAM_SHAPES]


def setup_inputs(seed: int = 0):
    key = jax.random.key(seed)
    inp = {}
    inp["x"] = jax.random.normal(jax.random.fold_in(key, 0), (N, H), dtype=jnp.float32)
    inp["edge_index"] = jax.random.randint(jax.random.fold_in(key, 1), (2, E), 0, N, dtype=jnp.int32)
    inp["edge_attr"] = jax.random.normal(jax.random.fold_in(key, 2), (E, 16), dtype=jnp.float32)
    inp["feature1"] = jax.random.normal(jax.random.fold_in(key, 3), (E, D1), dtype=jnp.float32)
    inp["feature2"] = jax.random.normal(jax.random.fold_in(key, 4), (E, D2), dtype=jnp.float32)
    inp["batch"] = jnp.sort(jax.random.randint(jax.random.fold_in(key, 5), (N,), 0, G, dtype=jnp.int32))
    for i, (name, shp) in enumerate(PARAM_SHAPES):
        inp[name] = jax.random.normal(jax.random.fold_in(key, 100 + i), shp, dtype=jnp.float32) * 0.05
    return inp


def _forward(x, edge_attr, feature1, feature2, params, edge_index, batch):
    p = dict(zip(PARAM_NAMES, params))
    n = x.shape[0]
    # lin_x: Linear + BatchNorm1d (batch stats) + ReLU
    xt = jax.nn.relu(_bn(x @ p["lin_x_W"] + p["lin_x_b"], p["lin_x_g"], p["lin_x_be"]))
    # lin_feat1 / lin_feat2 edge MLPs -> hidden_channels (used as per-edge weights)
    hf1 = jax.nn.relu(jax.nn.relu(_bn(feature1 @ p["f1_W1"] + p["f1_b1"], p["f1_g"], p["f1_be"])) @ p["f1_W2"] + p["f1_b2"])
    hf2 = jax.nn.relu(jax.nn.relu(_bn(feature2 @ p["f2_W1"] + p["f2_b1"], p["f2_g"], p["f2_be"])) @ p["f2_W2"] + p["f2_b2"])
    src = edge_index[0]
    dst = edge_index[1]
    def conv(ew):
        # EdgeGraphConv(GraphConv, aggr='add'): message = edge_weight * x_j; out = lin_rel(agg) + lin_root(x)
        msg = xt[src] * ew
        agg = jax.ops.segment_sum(msg, dst, num_segments=n)
        return agg @ p["c1_rel_W"] + p["c1_rel_b"] + xt @ p["c1_root_W"]
    h1 = jax.nn.relu(conv(hf1))
    h2 = jax.nn.relu(conv(hf2))  # code calls self.conv1 for both branches
    h = jax.nn.relu(jnp.concatenate([h1, h2], axis=1) @ p["cat_W"] + p["cat_b"])
    h = h + xt
    for Wn, bn_ in (("l0_W", "l0_b"), ("l1_W", "l1_b"), ("l2_W", "l2_b")):
        h = jax.nn.relu(h @ p[Wn] + p[bn_]) + h
    # GraphNorm over per-graph segments
    ones = jnp.ones((n,), dtype=h.dtype)
    cnt = jnp.maximum(jax.ops.segment_sum(ones, batch, num_segments=G), 1.0)
    mean = jax.ops.segment_sum(h, batch, num_segments=G) / cnt[:, None]
    sub = h - mean[batch] * p["gn_ms"]
    var = jax.ops.segment_sum(sub * sub, batch, num_segments=G) / cnt[:, None]
    h = p["gn_w"] * sub / jnp.sqrt(var[batch] + 1e-5) + p["gn_b"]
    return h @ p["fin_W"] + p["fin_b"]


def reference(x, edge_index, edge_attr, feature1, feature2, batch,
              lin_x_W, lin_x_b, lin_x_g, lin_x_be,
              f1_W1, f1_b1, f1_g, f1_be, f1_W2, f1_b2,
              f2_W1, f2_b1, f2_g, f2_be, f2_W2, f2_b2,
              c1_rel_W, c1_rel_b, c1_root_W,
              cat_W, cat_b,
              l0_W, l0_b, l1_W, l1_b, l2_W, l2_b,
              gn_w, gn_b, gn_ms,
              fin_W, fin_b):
    _loc = locals()
    ps = tuple(_loc[n] for n in PARAM_NAMES)
    return _forward(x, edge_attr, feature1, feature2, ps, edge_index, batch)

if __name__ == "__main__":
    import jax
    _d = setup_inputs()
    print(jax.jit(kernel)(*tuple(_d.values())))

</pallas_src>

<mosaic_0001>
#map = affine_map<(d0, d1) -> (0, 0)>
#map1 = affine_map<(d0, d1) -> (0)>
#map2 = affine_map<(d0, d1) -> (0, 0, 0, 0)>
#map3 = affine_map<(d0, d1) -> (0, 0, 0)>
module attributes {stable_mosaic.version = 14 : i64} {
  func.func @_sc_body(%arg0: i32, %arg1: i32, %arg2: memref<20000x128xf32, #tpu.memory_space<hbm>>, %arg3: memref<320000x128xf32, #tpu.memory_space<hbm>>, %arg4: memref<160000xi32, #tpu.memory_space<hbm>>, %arg5: memref<16x5x50x40xi32, #tpu.memory_space<hbm>>, %arg6: memref<2x10240x128xf32, #tpu.memory_space<hbm>>, %arg7: memref<2000xi32, #tpu.memory_space<vmem>>, %arg8: memref<50x40xi32, #tpu.memory_space<vmem>>, %arg9: memref<2x40x128xf32, #tpu.memory_space<vmem>>, %arg10: memref<40x128xf32, #tpu.memory_space<vmem>>, %arg11: memref<40x128xf32, #tpu.memory_space<vmem>>, %arg12: memref<2x40x128xf32, #tpu.memory_space<vmem>>, %arg13: memref<10240x128xf32, #tpu.memory_space<vmem_shared>>, %arg14: memref<!tpu.dma_semaphore, #tpu.memory_space<semaphore_mem>>, %arg15: memref<!tpu.dma_semaphore, #tpu.memory_space<semaphore_mem>>, %arg16: memref<!tpu.dma_semaphore, #tpu.memory_space<semaphore_mem>>, %arg17: memref<!tpu.dma_semaphore, #tpu.memory_space<semaphore_mem>>, %arg18: memref<!tpu.dma_semaphore, #tpu.memory_space<semaphore_mem>>, %arg19: memref<!tpu.dma_semaphore, #tpu.memory_space<semaphore_mem>>) attributes {dimension_semantics = [#tpu.dimension_semantics<core_parallel>, #tpu.dimension_semantics<subcore_parallel>], iteration_bounds = array<i64: 2, 16>, scalar_prefetch = 0 : i64, scratch_operands = 13 : i64, tpu.core_type = #tpu.core_type<sc_vector_subcore>, window_params = [{transform_indices = #map}, {transform_indices = #map}, {transform_indices = #map1}, {transform_indices = #map2}, {transform_indices = #map3}]} {
    %mul3A = arith.constant 10000 : i32
    %mul3A_0 = arith.muli %arg0, %mul3A : i32
    %scan3A = arith.constant 0 : i32
    %scan3A_1 = arith.constant 0 : i32
    %scan3A_2 = arith.constant 40 : i32
    %scan3A_3 = arith.addi %scan3A_1, %scan3A_2 : i32
    %scan3A_4 = arith.constant 1 : i32
    scf.for %scan3A_52 = %scan3A_1 to %scan3A_3 step %scan3A_4  : i32 {
      %broadcast_in_dim3A = arith.constant 0.000000e+00 : f32
      %broadcast_in_dim3A_53 = vector.broadcast %broadcast_in_dim3A : f32 to vector<16xf32>
      %swap3A = arith.constant 0 : i32
      %swap3A_54 = arith.index_cast %swap3A : i32 to index
      %swap3A_55 = arith.index_cast %scan3A_52 : i32 to index
      %swap3A_56 = arith.constant 0 : index
      %swap3A_57 = tpu.vector_load %arg12[%swap3A_54, %swap3A_55, %swap3A_56] {strides = array<i32>} : memref<2x40x128xf32, #tpu.memory_space<vmem>>, vector<1x1x16xf32>,
      %swap3A_58 = vector.shape_cast %swap3A_57 : vector<1x1x16xf32> to vector<16xf32>
      %swap3A_59 = vector.shape_cast %broadcast_in_dim3A_53 : vector<16xf32> to vector<1x1x16xf32>
      tpu.vector_store %arg12[%swap3A_54, %swap3A_55, %swap3A_56], %swap3A_59 {strides = array<i32>} : memref<2x40x128xf32, #tpu.memory_space<vmem>>, vector<1x1x16xf32>,
      %broadcast_in_dim3A_60 = arith.constant 0.000000e+00 : f32
      %broadcast_in_dim3A_61 = vector.broadcast %broadcast_in_dim3A_60 : f32 to vector<16xf32>
      %swap3A_62 = arith.constant 0 : i32
      %swap3A_63 = arith.index_cast %swap3A_62 : i32 to index
      %swap3A_64 = arith.index_cast %scan3A_52 : i32 to index
      %swap3A_65 = arith.constant 16 : index
      %swap3A_66 = tpu.vector_load %arg12[%swap3A_63, %swap3A_64, %swap3A_65] {strides = array<i32>} : memref<2x40x128xf32, #tpu.memory_space<vmem>>, vector<1x1x16xf32>,
      %swap3A_67 = vector.shape_cast %swap3A_66 : vector<1x1x16xf32> to vector<16xf32>
      %swap3A_68 = vector.shape_cast %broadcast_in_dim3A_61 : vector<16xf32> to vector<1x1x16xf32>
      tpu.vector_store %arg12[%swap3A_63, %swap3A_64, %swap3A_65], %swap3A_68 {strides = array<i32>} : memref<2x40x128xf32, #tpu.memory_space<vmem>>, vector<1x1x16xf32>,
      %broadcast_in_dim3A_69 = arith.constant 0.000000e+00 : f32
      %broadcast_in_dim3A_70 = vector.broadcast %broadcast_in_dim3A_69 : f32 to vector<16xf32>
      %swap3A_71 = arith.constant 0 : i32
      %swap3A_72 = arith.index_cast %swap3A_71 : i32 to index
      %swap3A_73 = arith.index_cast %scan3A_52 : i32 to index
      %swap3A_74 = arith.constant 32 : index
      %swap3A_75 = tpu.vector_load %arg12[%swap3A_72, %swap3A_73, %swap3A_74] {strides = array<i32>} : memref<2x40x128xf32, #tpu.memory_space<vmem>>, vector<1x1x16xf32>,
      %swap3A_76 = vector.shape_cast %swap3A_75 : vector<1x1x16xf32> to vector<16xf32>
      %swap3A_77 = vector.shape_cast %broadcast_in_dim3A_70 : vector<16xf32> to vector<1x1x16xf32>
      tpu.vector_store %arg12[%swap3A_72, %swap3A_73, %swap3A_74], %swap3A_77 {strides = array<i32>} : memref<2x40x128xf32, #tpu.memory_space<vmem>>, vector<1x1x16xf32>,
      %broadcast_in_dim3A_78 = arith.constant 0.000000e+00 : f32
      %broadcast_in_dim3A_79 = vector.broadcast %broadcast_in_dim3A_78 : f32 to vector<16xf32>
      %swap3A_80 = arith.constant 0 : i32
      %swap3A_81 = arith.index_cast %swap3A_80 : i32 to index
      %swap3A_82 = arith.index_cast %scan3A_52 : i32 to index
      %swap3A_83 = arith.constant 48 : index
      %swap3A_84 = tpu.vector_load %arg12[%swap3A_81, %swap3A_82, %swap3A_83] {strides = array<i32>} : memref<2x40x128xf32, #tpu.memory_space<vmem>>, vector<1x1x16xf32>,
      %swap3A_85 = vector.shape_cast %swap3A_84 : vector<1x1x16xf32> to vector<16xf32>
      %swap3A_86 = vector.shape_cast %broadcast_in_dim3A_79 : vector<16xf32> to vector<1x1x16xf32>
      tpu.vector_store %arg12[%swap3A_81, %swap3A_82, %swap3A_83], %swap3A_86 {strides = array<i32>} : memref<2x40x128xf32, #tpu.memory_space<vmem>>, vector<1x1x16xf32>,
      %broadcast_in_dim3A_87 = arith.constant 0.000000e+00 : f32
      %broadcast_in_dim3A_88 = vector.broadcast %broadcast_in_dim3A_87 : f32 to vector<16xf32>
      %swap3A_89 = arith.constant 0 : i32
      %swap3A_90 = arith.index_cast %swap3A_89 : i32 to index
      %swap3A_91 = arith.index_cast %scan3A_52 : i32 to index
      %swap3A_92 = arith.constant 64 : index
      %swap3A_93 = tpu.vector_load %arg12[%swap3A_90, %swap3A_91, %swap3A_92] {strides = array<i32>} : memref<2x40x128xf32, #tpu.memory_space<vmem>>, vector<1x1x16xf32>,
      %swap3A_94 = vector.shape_cast %swap3A_93 : vector<1x1x16xf32> to vector<16xf32>
      %swap3A_95 = vector.shape_cast %broadcast_in_dim3A_88 : vector<16xf32> to vector<1x1x16xf32>
      tpu.vector_store %arg12[%swap3A_90, %swap3A_91, %swap3A_92], %swap3A_95 {strides = array<i32>} : memref<2x40x128xf32, #tpu.memory_space<vmem>>, vector<1x1x16xf32>,
      %broadcast_in_dim3A_96 = arith.constant 0.000000e+00 : f32
      %broadcast_in_dim3A_97 = vector.broadcast %broadcast_in_dim3A_96 : f32 to vector<16xf32>
      %swap3A_98 = arith.constant 0 : i32
      %swap3A_99 = arith.index_cast %swap3A_98 : i32 to index
      %swap3A_100 = arith.index_cast %scan3A_52 : i32 to index
      %swap3A_101 = arith.constant 80 : index
      %swap3A_102 = tpu.vector_load %arg12[%swap3A_99, %swap3A_100, %swap3A_101] {strides = array<i32>} : memref<2x40x128xf32, #tpu.memory_space<vmem>>, vector<1x1x16xf32>,
      %swap3A_103 = vector.shape_cast %swap3A_102 : vector<1x1x16xf32> to vector<16xf32>
      %swap3A_104 = vector.shape_cast %broadcast_in_dim3A_97 : vector<16xf32> to vector<1x1x16xf32>
      tpu.vector_store %arg12[%swap3A_99, %swap3A_100, %swap3A_101], %swap3A_104 {strides = array<i32>} : memref<2x40x128xf32, #tpu.memory_space<vmem>>, vector<1x1x16xf32>,
      %broadcast_in_dim3A_105 = arith.constant 0.000000e+00 : f32
      %broadcast_in_dim3A_106 = vector.broadcast %broadcast_in_dim3A_105 : f32 to vector<16xf32>
      %swap3A_107 = arith.constant 0 : i32
      %swap3A_108 = arith.index_cast %swap3A_107 : i32 to index
      %swap3A_109 = arith.index_cast %scan3A_52 : i32 to index
      %swap3A_110 = arith.constant 96 : index
      %swap3A_111 = tpu.vector_load %arg12[%swap3A_108, %swap3A_109, %swap3A_110] {strides = array<i32>} : memref<2x40x128xf32, #tpu.memory_space<vmem>>, vector<1x1x16xf32>,
      %swap3A_112 = vector.shape_cast %swap3A_111 : vector<1x1x16xf32> to vector<16xf32>
      %swap3A_113 = vector.shape_cast %broadcast_in_dim3A_106 : vector<16xf32> to vector<1x1x16xf32>
      tpu.vector_store %arg12[%swap3A_108, %swap3A_109, %swap3A_110], %swap3A_113 {strides = array<i32>} : memref<2x40x128xf32, #tpu.memory_space<vmem>>, vector<1x1x16xf32>,
      %broadcast_in_dim3A_114 = arith.constant 0.000000e+00 : f32
      %broadcast_in_dim3A_115 = vector.broadcast %broadcast_in_dim3A_114 : f32 to vector<16xf32>
      %swap3A_116 = arith.constant 0 : i32
      %swap3A_117 = arith.index_cast %swap3A_116 : i32 to index
      %swap3A_118 = arith.index_cast %scan3A_52 : i32 to index
      %swap3A_119 = arith.constant 112 : index
      %swap3A_120 = tpu.vector_load %arg12[%swap3A_117, %swap3A_118, %swap3A_119] {strides = array<i32>} : memref<2x40x128xf32, #tpu.memory_space<vmem>>, vector<1x1x16xf32>,
      %swap3A_121 = vector.shape_cast %swap3A_120 : vector<1x1x16xf32> to vector<16xf32>
      %swap3A_122 = vector.shape_cast %broadcast_in_dim3A_115 : vector<16xf32> to vector<1x1x16xf32>
      tpu.vector_store %arg12[%swap3A_117, %swap3A_118, %swap3A_119], %swap3A_122 {strides = array<i32>} : memref<2x40x128xf32, #tpu.memory_space<vmem>>, vector<1x1x16xf32>,
    }
    %scan3A_5 = arith.constant 40 : i32
    %scan3A_6 = arith.constant 0 : i32
    %scan3A_7 = arith.constant 0 : i32
    %scan3A_8 = arith.constant 16 : i32
    %scan3A_9 = arith.addi %scan3A_7, %scan3A_8 : i32
    %scan3A_10 = arith.constant 1 : i32
    scf.for %scan3A_52 = %scan3A_7 to %scan3A_9 step %scan3A_10  : i32 {
      %mul3A_53 = arith.constant 640 : i32
      %mul3A_54 = arith.muli %arg1, %mul3A_53 : i32
      %mul3A_55 = arith.constant 40 : i32
      %mul3A_56 = arith.muli %scan3A_52, %mul3A_55 : i32
      %add3A = arith.addi %mul3A_54, %mul3A_56 : i32
      %run_scoped3A = arith.constant 0 : i32
      "tpu.region"() ({
        %run_scoped3A_57 = tpu.sem_alloc : memref<!tpu.dma_semaphore, #tpu.memory_space<semaphore_mem>>
        %dma_start3A = arith.constant 0 : i32
        %dma_start3A_58 = arith.constant 0 : i32
        %dma_start3A_59 = tpu.memref_slice %arg12[%run_scoped3A, %dma_start3A, %dma_start3A_58] : memref<2x40x128xf32, #tpu.memory_space<vmem>> -> memref<1x40x128xf32, #tpu.memory_space<vmem>>
        %dma_start3A_60 = tpu.memref_squeeze %dma_start3A_59 : memref<1x40x128xf32, #tpu.memory_space<vmem>> -> memref<40x128xf32, #tpu.memory_space<vmem>>
        %dma_start3A_61 = arith.constant 0 : i32
        %dma_start3A_62 = tpu.memref_slice %arg13[%add3A, %dma_start3A_61] : memref<10240x128xf32, #tpu.memory_space<vmem_shared>> -> memref<40x128xf32, #tpu.memory_space<vmem_shared>>
        %dma_start3A_63 = arith.constant 0 : i32
        %dma_start3A_64 = tpu.memref_slice %arg13[%add3A, %dma_start3A_63] : memref<10240x128xf32, #tpu.memory_space<vmem_shared>> -> memref<40x128xf32, #tpu.memory_space<vmem_shared>>
        %dma_start3A_65 = arith.constant 0 : i32
        %dma_start3A_66 = arith.constant 0 : i32
        %dma_start3A_67 = tpu.memref_slice %arg12[%run_scoped3A, %dma_start3A_65, %dma_start3A_66] : memref<2x40x128xf32, #tpu.memory_space<vmem>> -> memref<1x40x128xf32, #tpu.memory_space<vmem>>
        %dma_start3A_68 = tpu.memref_squeeze %dma_start3A_67 : memref<1x40x128xf32, #tpu.memory_space<vmem>> -> memref<40x128xf32, #tpu.memory_space<vmem>>
        tpu.enqueue_dma source(%dma_start3A_68 : memref<40x128xf32, #tpu.memory_space<vmem>>) target(%dma_start3A_64 : memref<40x128xf32, #tpu.memory_space<vmem_shared>>) target_semaphore(%run_scoped3A_57 : memref<!tpu.dma_semaphore, #tpu.memory_space<semaphore_mem>>)
        %dma_wait3A_69 = arith.constant 0 : i32
        %dma_wait3A_70 = arith.constant 0 : i32
        %dma_wait3A_71 = tpu.memref_slice %arg12[%run_scoped3A, %dma_wait3A_69, %dma_wait3A_70] : memref<2x40x128xf32, #tpu.memory_space<vmem>> -> memref<1x40x128xf32, #tpu.memory_space<vmem>>
        %dma_wait3A_72 = tpu.memref_squeeze %dma_wait3A_71 : memref<1x40x128xf32, #tpu.memory_space<vmem>> -> memref<40x128xf32, #tpu.memory_space<vmem>>
        %dma_wait3A_73 = arith.constant 0 : i32
        %dma_wait3A_74 = tpu.memref_slice %arg13[%add3A, %dma_wait3A_73] : memref<10240x128xf32, #tpu.memory_space<vmem_shared>> -> memref<40x128xf32, #tpu.memory_space<vmem_shared>>
        %dma_wait3A_75 = arith.constant 0 : i32
        %dma_wait3A_76 = tpu.memref_slice %arg13[%add3A, %dma_wait3A_75] : memref<10240x128xf32, #tpu.memory_space<vmem_shared>> -> memref<40x128xf32, #tpu.memory_space<vmem_shared>>
        %dma_wait3A_77 = arith.constant 0 : i32
        %dma_wait3A_78 = arith.constant 0 : i32
        %dma_wait3A_79 = tpu.memref_slice %arg12[%run_scoped3A, %dma_wait3A_77, %dma_wait3A_78] : memref<2x40x128xf32, #tpu.memory_space<vmem>> -> memref<1x40x128xf32, #tpu.memory_space<vmem>>
        %dma_wait3A_80 = tpu.memref_squeeze %dma_wait3A_79 : memref<1x40x128xf32, #tpu.memory_space<vmem>> -> memref<40x128xf32, #tpu.memory_space<vmem>>
        tpu.wait_dma2 semaphore(%run_scoped3A_57 : memref<!tpu.dma_semaphore, #tpu.memory_space<semaphore_mem>>) src(%dma_wait3A_80 : memref<40x128xf32, #tpu.memory_space<vmem>>) dst(%dma_wait3A_76 : memref<40x128xf32, #tpu.memory_space<vmem_shared>>)
        tpu.yield
      }) : () -> ()
    }
    %scan3A_11 = arith.constant 16 : i32
    %barrier3A = arith.constant 0 : index
    tpu.barrier barrier_id(%barrier3A)
    %scan3A_12 = arith.constant 0 : i32
    %scan3A_13 = arith.constant 0 : i32
    %scan3A_14 = arith.constant 5 : i32
    %scan3A_15 = arith.addi %scan3A_13, %scan3A_14 : i32
    %scan3A_16 = arith.constant 1 : i32
    scf.for %scan3A_52 = %scan3A_13 to %scan3A_15 step %scan3A_16  : i32 {
      %gt3A = arith.constant 0 : i32
      %gt3A_53 = arith.cmpi sgt, %scan3A_52, %gt3A : i32
      %convert_element_type3A = arith.extui %gt3A_53 : i1 to i32
      %cond3A = arith.constant 0 : i32
      %cond3A_54 = arith.cmpi ne, %convert_element_type3A, %cond3A : i32
      scf.if %cond3A_54 {
        %dma_wait3A_200 = arith.constant 0 : i32
        %dma_wait3A_201 = arith.constant 0 : i32
        %dma_wait3A_202 = arith.constant 0 : i32
        %dma_wait3A_203 = tpu.memref_slice %arg12[%dma_wait3A_200, %dma_wait3A_201, %dma_wait3A_202] : memref<2x40x128xf32, #tpu.memory_space<vmem>> -> memref<1x40x128xf32, #tpu.memory_space<vmem>>
        %dma_wait3A_204 = tpu.memref_squeeze %dma_wait3A_203 : memref<1x40x128xf32, #tpu.memory_space<vmem>> -> memref<40x128xf32, #tpu.memory_space<vmem>>
        %dma_wait3A_205 = arith.constant 0 : i32
        %dma_wait3A_206 = arith.constant 0 : i32
        %dma_wait3A_207 = tpu.memref_slice %arg13[%dma_wait3A_205, %dma_wait3A_206] : memref<10240x128xf32, #tpu.memory_space<vmem_shared>> -> memref<40x128xf32, #tpu.memory_space<vmem_shared>>
        %dma_wait3A_208 = arith.constant 0 : i32
        %dma_wait3A_209 = arith.constant 0 : i32
        %dma_wait3A_210 = tpu.memref_slice %arg13[%dma_wait3A_208, %dma_wait3A_209] : memref<10240x128xf32, #tpu.memory_space<vmem_shared>> -> memref<40x128xf32, #tpu.memory_space<vmem_shared>>
        %dma_wait3A_211 = arith.constant 0 : i32
        %dma_wait3A_212 = arith.constant 0 : i32
        %dma_wait3A_213 = tpu.memref_slice %arg12[%dma_wait3A_200, %dma_wait3A_211, %dma_wait3A_212] : memref<2x40x128xf32, #tpu.memory_space<vmem>> -> memref<1x40x128xf32, #tpu.memory_space<vmem>>
        %dma_wait3A_214 = tpu.memref_squeeze %dma_wait3A_213 : memref<1x40x128xf32, #tpu.memory_space<vmem>> -> memref<40x128xf32, #tpu.memory_space<vmem>>
        tpu.wait_dma2 semaphore(%arg18 : memref<!tpu.dma_semaphore, #tpu.memory_space<semaphore_mem>>) src(%dma_wait3A_214 : memref<40x128xf32, #tpu.memory_space<vmem>>) dst(%dma_wait3A_210 : memref<40x128xf32, #tpu.memory_space<vmem_shared>>)
        %dma_wait3A_215 = arith.constant 1 : i32
        %dma_wait3A_216 = arith.constant 0 : i32
        %dma_wait3A_217 = arith.constant 0 : i32
        %dma_wait3A_218 = tpu.memref_slice %arg12[%dma_wait3A_215, %dma_wait3A_216, %dma_wait3A_217] : memref<2x40x128xf32, #tpu.memory_space<vmem>> -> memref<1x40x128xf32, #tpu.memory_space<vmem>>
        %dma_wait3A_219 = tpu.memref_squeeze %dma_wait3A_218 : memref<1x40x128xf32, #tpu.memory_space<vmem>> -> memref<40x128xf32, #tpu.memory_space<vmem>>
        %dma_wait3A_220 = arith.constant 0 : i32
        %dma_wait3A_221 = arith.constant 0 : i32
        %dma_wait3A_222 = tpu.memref_slice %arg13[%dma_wait3A_220, %dma_wait3A_221] : memref<10240x128xf32, #tpu.memory_space<vmem_shared>> -> memref<40x128xf32, #tpu.memory_space<vmem_shared>>
        %dma_wait3A_223 = arith.constant 0 : i32
        %dma_wait3A_224 = arith.constant 0 : i32
        %dma_wait3A_225 = tpu.memref_slice %arg13[%dma_wait3A_223, %dma_wait3A_224] : memref<10240x128xf32, #tpu.memory_space<vmem_shared>> -> memref<40x128xf32, #tpu.memory_space<vmem_shared>>
        %dma_wait3A_226 = arith.constant 0 : i32
        %dma_wait3A_227 = arith.constant 0 : i32
        %dma_wait3A_228 = tpu.memref_slice %arg12[%dma_wait3A_215, %dma_wait3A_226, %dma_wait3A_227] : memref<2x40x128xf32, #tpu.memory_space<vmem>> -> memref<1x40x128xf32, #tpu.memory_space<vmem>>
        %dma_wait3A_229 = tpu.memref_squeeze %dma_wait3A_228 : memref<1x40x128xf32, #tpu.memory_space<vmem>> -> memref<40x128xf32, #tpu.memory_space<vmem>>
        tpu.wait_dma2 semaphore(%arg19 : memref<!tpu.dma_semaphore, #tpu.memory_space<semaphore_mem>>) src(%dma_wait3A_229 : memref<40x128xf32, #tpu.memory_space<vmem>>) dst(%dma_wait3A_225 : memref<40x128xf32, #tpu.memory_space<vmem_shared>>)
      } else {
      }
      %mul3A_55 = arith.constant 10000 : i32
      %mul3A_56 = arith.muli %arg1, %mul3A_55 : i32
      %mul3A_57 = arith.constant 2000 : i32
      %mul3A_58 = arith.muli %scan3A_52, %mul3A_57 : i32
      %add3A = arith.addi %mul3A_56, %mul3A_58 : i32
      "tpu.region"() ({
        %run_scoped3A = tpu.sem_alloc : memref<!tpu.dma_semaphore, #tpu.memory_space<semaphore_mem>>
        %dma_start3A_200 = tpu.memref_slice %arg4[%add3A] : memref<160000xi32, #tpu.memory_space<hbm>> -> memref<2000xi32, #tpu.memory_space<hbm>>
        %dma_start3A_201 = tpu.memref_slice %arg4[%add3A] : memref<160000xi32, #tpu.memory_space<hbm>> -> memref<2000xi32, #tpu.memory_space<hbm>>
        tpu.enqueue_dma source(%dma_start3A_201 : memref<2000xi32, #tpu.memory_space<hbm>>) target(%arg7 : memref<2000xi32, #tpu.memory_space<vmem>>) target_semaphore(%run_scoped3A : memref<!tpu.dma_semaphore, #tpu.memory_space<semaphore_mem>>)
        %dma_wait3A_202 = tpu.memref_slice %arg4[%add3A] : memref<160000xi32, #tpu.memory_space<hbm>> -> memref<2000xi32, #tpu.memory_space<hbm>>
        %dma_wait3A_203 = tpu.memref_slice %arg4[%add3A] : memref<160000xi32, #tpu.memory_space<hbm>> -> memref<2000xi32, #tpu.memory_space<hbm>>
        tpu.wait_dma2 semaphore(%run_scoped3A : memref<!tpu.dma_semaphore, #tpu.memory_space<semaphore_mem>>) src(%dma_wait3A_203 : memref<2000xi32, #tpu.memory_space<hbm>>) dst(%arg7 : memref<2000xi32, #tpu.memory_space<vmem>>)
        tpu.yield
      }) : () -> ()
      "tpu.region"() ({
        %run_scoped3A = tpu.sem_alloc : memref<!tpu.dma_semaphore, #tpu.memory_space<semaphore_mem>>
        %dma_start3A_200 = arith.constant 0 : i32
        %dma_start3A_201 = arith.constant 0 : i32
        %dma_start3A_202 = tpu.memref_slice %arg5[%arg1, %scan3A_52, %dma_start3A_200, %dma_start3A_201] : memref<16x5x50x40xi32, #tpu.memory_space<hbm>> -> memref<1x1x50x40xi32, #tpu.memory_space<hbm>>
        %dma_start3A_203 = tpu.memref_squeeze %dma_start3A_202 : memref<1x1x50x40xi32, #tpu.memory_space<hbm>> -> memref<50x40xi32, #tpu.memory_space<hbm>>
        %dma_start3A_204 = arith.constant 0 : i32
        %dma_start3A_205 = arith.constant 0 : i32
        %dma_start3A_206 = tpu.memref_slice %arg5[%arg1, %scan3A_52, %dma_start3A_204, %dma_start3A_205] : memref<16x5x50x40xi32, #tpu.memory_space<hbm>> -> memref<1x1x50x40xi32, #tpu.memory_space<hbm>>
        %dma_start3A_207 = tpu.memref_squeeze %dma_start3A_206 : memref<1x1x50x40xi32, #tpu.memory_space<hbm>> -> memref<50x40xi32, #tpu.memory_space<hbm>>
        tpu.enqueue_dma source(%dma_start3A_207 : memref<50x40xi32, #tpu.memory_space<hbm>>) target(%arg8 : memref<50x40xi32, #tpu.memory_space<vmem>>) target_semaphore(%run_scoped3A : memref<!tpu.dma_semaphore, #tpu.memory_space<semaphore_mem>>)
        %dma_wait3A_208 = arith.constant 0 : i32
        %dma_wait3A_209 = arith.constant 0 : i32
        %dma_wait3A_210 = tpu.memref_slice %arg5[%arg1, %scan3A_52, %dma_wait3A_208, %dma_wait3A_209] : memref<16x5x50x40xi32, #tpu.memory_space<hbm>> -> memref<1x1x50x40xi32, #tpu.memory_space<hbm>>
        %dma_wait3A_211 = tpu.memref_squeeze %dma_wait3A_210 : memref<1x1x50x40xi32, #tpu.memory_space<hbm>> -> memref<50x40xi32, #tpu.memory_space<hbm>>
        %dma_wait3A_212 = arith.constant 0 : i32
        %dma_wait3A_213 = arith.constant 0 : i32
        %dma_wait3A_214 = tpu.memref_slice %arg5[%arg1, %scan3A_52, %dma_wait3A_212, %dma_wait3A_213] : memref<16x5x50x40xi32, #tpu.memory_space<hbm>> -> memref<1x1x50x40xi32, #tpu.memory_space<hbm>>
        %dma_wait3A_215 = tpu.memref_squeeze %dma_wait3A_214 : memref<1x1x50x40xi32, #tpu.memory_space<hbm>> -> memref<50x40xi32, #tpu.memory_space<hbm>>
        tpu.wait_dma2 semaphore(%run_scoped3A : memref<!tpu.dma_semaphore, #tpu.memory_space<semaphore_mem>>) src(%dma_wait3A_215 : memref<50x40xi32, #tpu.memory_space<hbm>>) dst(%arg8 : memref<50x40xi32, #tpu.memory_space<vmem>>)
        tpu.yield
      }) : () -> ()
      %scan3A_59 = arith.constant 0 : i32
      %scan3A_60 = arith.constant 0 : i32
      %scan3A_61 = arith.constant 125 : i32
      %scan3A_62 = arith.addi %scan3A_60, %scan3A_61 : i32
      %scan3A_63 = arith.constant 1 : i32
      scf.for %scan3A_200 = %scan3A_60 to %scan3A_62 step %scan3A_63  : i32 {
        %mul3A_201 = arith.constant 16 : i32
        %mul3A_202 = arith.muli %scan3A_200, %mul3A_201 : i32
        %get3A = arith.index_cast %mul3A_202 : i32 to index
        %get3A_203 = tpu.vector_load %arg7[%get3A] {strides = array<i32>} : memref<2000xi32, #tpu.memory_space<vmem>>, vector<16xi32>,
        %get3A_204 = vector.shape_cast %get3A_203 : vector<16xi32> to vector<16xi32>
        %add3A_205 = vector.broadcast %mul3A_0 : i32 to vector<16xi32>
        %add3A_206 = arith.addi %get3A_204, %add3A_205 : vector<16xi32>
        %swap3A = arith.index_cast %mul3A_202 : i32 to index
        %swap3A_207 = tpu.vector_load %arg7[%swap3A] {strides = array<i32>} : memref<2000xi32, #tpu.memory_space<vmem>>, vector<16xi32>,
        %swap3A_208 = vector.shape_cast %swap3A_207 : vector<16xi32> to vector<16xi32>
        %swap3A_209 = vector.shape_cast %add3A_206 : vector<16xi32> to vector<16xi32>
        tpu.vector_store %arg7[%swap3A], %swap3A_209 {strides = array<i32>} : memref<2000xi32, #tpu.memory_space<vmem>>, vector<16xi32>,
      }
      %scan3A_64 = arith.constant 125 : i32
      %dma_start3A = arith.constant 0 : i32
      %dma_start3A_65 = arith.constant 0 : i32
      %dma_start3A_66 = arith.constant 0 : i32
      %dma_start3A_67 = tpu.memref_slice %arg9[%dma_start3A, %dma_start3A_65, %dma_start3A_66] : memref<2x40x128xf32, #tpu.memory_space<vmem>> -> memref<1x40x128xf32, #tpu.memory_space<vmem>>
      %dma_start3A_68 = tpu.memref_squeeze %dma_start3A_67 : memref<1x40x128xf32, #tpu.memory_space<vmem>> -> memref<40x128xf32, #tpu.memory_space<vmem>>
      %dma_start3A_69 = arith.constant 0 : i32
      %dma_start3A_70 = tpu.memref_slice %arg7[%dma_start3A_69] : memref<2000xi32, #tpu.memory_space<vmem>> -> memref<40xi32, #tpu.memory_space<vmem>>
      %dma_start3A_71 = arith.constant 0 : i32
      %dma_start3A_72 = arith.constant 0 : i32
      %dma_start3A_73 = tpu.memref_slice %arg2[%dma_start3A_71, %dma_start3A_72] : memref<20000x128xf32, #tpu.memory_space<hbm>> -> memref<20000x128xf32, #tpu.memory_space<hbm>>
      tpu.enqueue_indirect_dma source(%dma_start3A_73 : memref<20000x128xf32, #tpu.memory_space<hbm>>) target(%dma_start3A_68 : memref<40x128xf32, #tpu.memory_space<vmem>>) offsets(%dma_start3A_70 : memref<40xi32, #tpu.memory_space<vmem>>) semaphore(%arg14 : memref<!tpu.dma_semaphore, #tpu.memory_space<semaphore_mem>>)
      %mul3A_74 = arith.constant 160000 : i32
      %mul3A_75 = arith.muli %arg0, %mul3A_74 : i32
      %mul3A_76 = arith.constant 10000 : i32
      %mul3A_77 = arith.muli %arg1, %mul3A_76 : i32
      %add3A_78 = arith.addi %mul3A_75, %mul3A_77 : i32
      %mul3A_79 = arith.constant 2000 : i32
      %mul3A_80 = arith.muli %scan3A_52, %mul3A_79 : i32
      %add3A_81 = arith.addi %add3A_78, %mul3A_80 : i32
      %add3A_82 = arith.constant 0 : i32
      %add3A_83 = arith.addi %add3A_81, %add3A_82 : i32
      %dma_start3A_84 = arith.constant 0 : i32
      %dma_start3A_85 = tpu.memref_slice %arg3[%add3A_83, %dma_start3A_84] : memref<320000x128xf32, #tpu.memory_space<hbm>> -> memref<40x128xf32, #tpu.memory_space<hbm>>
      %dma_start3A_86 = arith.constant 0 : i32
      %dma_start3A_87 = tpu.memref_slice %arg3[%add3A_83, %dma_start3A_86] : memref<320000x128xf32, #tpu.memory_space<hbm>> -> memref<40x128xf32, #tpu.memory_space<hbm>>
      tpu.enqueue_dma source(%dma_start3A_87 : memref<40x128xf32, #tpu.memory_space<hbm>>) target(%arg10 : memref<40x128xf32, #tpu.memory_space<vmem>>) target_semaphore(%arg16 : memref<!tpu.dma_semaphore, #tpu.memory_space<semaphore_mem>>)
      %scan3A_88 = arith.constant 0 : i32
      %scan3A_89 = arith.constant 0 : i32
      %scan3A_90 = arith.constant 24 : i32
      %scan3A_91 = arith.addi %scan3A_89, %scan3A_90 : i32
      %scan3A_92 = arith.constant 1 : i32
      scf.for %scan3A_200 = %scan3A_89 to %scan3A_91 step %scan3A_92  : i32 {
        %mul3A_201 = arith.constant 2 : i32
        %mul3A_202 = arith.muli %mul3A_201, %scan3A_200 : i32
        %add3A_203 = arith.constant 1 : i32
        %add3A_204 = arith.addi %mul3A_202, %add3A_203 : i32
        %mul3A_205 = arith.constant 40 : i32
        %mul3A_206 = arith.muli %add3A_204, %mul3A_205 : i32
        %dma_start3A_207 = arith.constant 1 : i32
        %dma_start3A_208 = arith.constant 0 : i32
        %dma_start3A_209 = arith.constant 0 : i32
        %dma_start3A_210 = tpu.memref_slice %arg9[%dma_start3A_207, %dma_start3A_208, %dma_start3A_209] : memref<2x40x128xf32, #tpu.memory_space<vmem>> -> memref<1x40x128xf32, #tpu.memory_space<vmem>>
        %dma_start3A_211 = tpu.memref_squeeze %dma_start3A_210 : memref<1x40x128xf32, #tpu.memory_space<vmem>> -> memref<40x128xf32, #tpu.memory_space<vmem>>
        %dma_start3A_212 = tpu.memref_slice %arg7[%mul3A_206] : memref<2000xi32, #tpu.memory_space<vmem>> -> memref<40xi32, #tpu.memory_space<vmem>>
        %dma_start3A_213 = arith.constant 0 : i32
        %dma_start3A_214 = arith.constant 0 : i32
        %dma_start3A_215 = tpu.memref_slice %arg2[%dma_start3A_213, %dma_start3A_214] : memref<20000x128xf32, #tpu.memory_space<hbm>> -> memref<20000x128xf32, #tpu.memory_space<hbm>>
        tpu.enqueue_indirect_dma source(%dma_start3A_215 : memref<20000x128xf32, #tpu.memory_space<hbm>>) target(%dma_start3A_211 : memref<40x128xf32, #tpu.memory_space<vmem>>) offsets(%dma_start3A_212 : memref<40xi32, #tpu.memory_space<vmem>>) semaphore(%arg15 : memref<!tpu.dma_semaphore, #tpu.memory_space<semaphore_mem>>)
        %mul3A_216 = arith.constant 160000 : i32
        %mul3A_217 = arith.muli %arg0, %mul3A_216 : i32
        %mul3A_218 = arith.constant 10000 : i32
        %mul3A_219 = arith.muli %arg1, %mul3A_218 : i32
        %add3A_220 = arith.addi %mul3A_217, %mul3A_219 : i32
        %mul3A_221 = arith.constant 2000 : i32
        %mul3A_222 = arith.muli %scan3A_52, %mul3A_221 : i32
        %add3A_223 = arith.addi %add3A_220, %mul3A_222 : i32
        %mul3A_224 = arith.constant 40 : i32
        %mul3A_225 = arith.muli %add3A_204, %mul3A_224 : i32
        %add3A_226 = arith.addi %add3A_223, %mul3A_225 : i32
        %dma_start3A_227 = arith.constant 0 : i32
        %dma_start3A_228 = tpu.memref_slice %arg3[%add3A_226, %dma_start3A_227] : memref<320000x128xf32, #tpu.memory_space<hbm>> -> memref<40x128xf32, #tpu.memory_space<hbm>>
        %dma_start3A_229 = arith.constant 0 : i32
        %dma_start3A_230 = tpu.memref_slice %arg3[%add3A_226, %dma_start3A_229] : memref<320000x128xf32, #tpu.memory_space<hbm>> -> memref<40x128xf32, #tpu.memory_space<hbm>>
        tpu.enqueue_dma source(%dma_start3A_230 : memref<40x128xf32, #tpu.memory_space<hbm>>) target(%arg11 : memref<40x128xf32, #tpu.memory_space<vmem>>) target_semaphore(%arg17 : memref<!tpu.dma_semaphore, #tpu.memory_space<semaphore_mem>>)
        %dma_wait3A_231 = arith.constant 0 : i32
        %dma_wait3A_232 = arith.constant 0 : i32
        %dma_wait3A_233 = arith.constant 0 : i32
        %dma_wait3A_234 = tpu.memref_slice %arg9[%dma_wait3A_231, %dma_wait3A_232, %dma_wait3A_233] : memref<2x40x128xf32, #tpu.memory_space<vmem>> -> memref<1x40x128xf32, #tpu.memory_space<vmem>>
        %dma_wait3A_235 = tpu.memref_squeeze %dma_wait3A_234 : memref<1x40x128xf32, #tpu.memory_space<vmem>> -> memref<40x128xf32, #tpu.memory_space<vmem>>
        %dma_wait3A_236 = arith.constant 0 : i32
        %dma_wait3A_237 = arith.constant 0 : i32
        %dma_wait3A_238 = tpu.memref_slice %arg2[%dma_wait3A_236, %dma_wait3A_237] : memref<20000x128xf32, #tpu.memory_space<hbm>> -> memref<40x128xf32, #tpu.memory_space<hbm>>
        %dma_wait3A_239 = arith.constant 0 : i32
        %dma_wait3A_240 = arith.constant 0 : i32
        %dma_wait3A_241 = tpu.memref_slice %arg9[%dma_wait3A_231, %dma_wait3A_239, %dma_wait3A_240] : memref<2x40x128xf32, #tpu.memory_space<vmem>> -> memref<1x40x128xf32, #tpu.memory_space<vmem>>
        %dma_wait3A_242 = tpu.memref_squeeze %dma_wait3A_241 : memref<1x40x128xf32, #tpu.memory_space<vmem>> -> memref<40x128xf32, #tpu.memory_space<vmem>>
        %dma_wait3A_243 = arith.constant 0 : i32
        %dma_wait3A_244 = arith.constant 0 : i32
        %dma_wait3A_245 = tpu.memref_slice %arg2[%dma_wait3A_243, %dma_wait3A_244] : memref<20000x128xf32, #tpu.memory_space<hbm>> -> memref<40x128xf32, #tpu.memory_space<hbm>>
        tpu.wait_dma2 semaphore(%arg14 : memref<!tpu.dma_semaphore, #tpu.memory_space<semaphore_mem>>) src(%dma_wait3A_245 : memref<40x128xf32, #tpu.memory_space<hbm>>) dst(%dma_wait3A_242 : memref<40x128xf32, #tpu.memory_space<vmem>>)
        %dma_wait3A_246 = arith.constant 0 : i32
        %dma_wait3A_247 = arith.constant 0 : i32
        %dma_wait3A_248 = tpu.memref_slice %arg3[%dma_wait3A_246, %dma_wait3A_247] : memref<320000x128xf32, #tpu.memory_space<hbm>> -> memref<40x128xf32, #tpu.memory_space<hbm>>
        %dma_wait3A_249 = arith.constant 0 : i32
        %dma_wait3A_250 = arith.constant 0 : i32
        %dma_wait3A_251 = tpu.memref_slice %arg3[%dma_wait3A_249, %dma_wait3A_250] : memref<320000x128xf32, #tpu.memory_space<hbm>> -> memref<40x128xf32, #tpu.memory_space<hbm>>
        tpu.wait_dma2 semaphore(%arg16 : memref<!tpu.dma_semaphore, #tpu.memory_space<semaphore_mem>>) src(%dma_wait3A_251 : memref<40x128xf32, #tpu.memory_space<hbm>>) dst(%arg10 : memref<40x128xf32, #tpu.memory_space<vmem>>)
        %ge3A_252 = arith.constant 2 : i32
        %ge3A_253 = arith.cmpi sge, %mul3A_202, %ge3A_252 : i32
        %convert_element_type3A_254 = arith.extui %ge3A_253 : i1 to i32
        %cond3A_255 = arith.constant 0 : i32
        %cond3A_256 = arith.cmpi ne, %convert_element_type3A_254, %cond3A_255 : i32
        scf.if %cond3A_256 {
          %dma_wait3A_341 = arith.constant 0 : i32
          %dma_wait3A_342 = arith.constant 0 : i32
          %dma_wait3A_343 = arith.constant 0 : i32
          %dma_wait3A_344 = tpu.memref_slice %arg12[%dma_wait3A_341, %dma_wait3A_342, %dma_wait3A_343] : memref<2x40x128xf32, #tpu.memory_space<vmem>> -> memref<1x40x128xf32, #tpu.memory_space<vmem>>
          %dma_wait3A_345 = tpu.memref_squeeze %dma_wait3A_344 : memref<1x40x128xf32, #tpu.memory_space<vmem>> -> memref<40x128xf32, #tpu.memory_space<vmem>>
          %dma_wait3A_346 = arith.constant 0 : i32
          %dma_wait3A_347 = arith.constant 0 : i32
          %dma_wait3A_348 = tpu.memref_slice %arg13[%dma_wait3A_346, %dma_wait3A_347] : memref<10240x128xf32, #tpu.memory_space<vmem_shared>> -> memref<40x128xf32, #tpu.memory_space<vmem_shared>>
          %dma_wait3A_349 = arith.constant 0 : i32
          %dma_wait3A_350 = arith.constant 0 : i32
          %dma_wait3A_351 = tpu.memref_slice %arg13[%dma_wait3A_349, %dma_wait3A_350] : memref<10240x128xf32, #tpu.memory_space<vmem_shared>> -> memref<40x128xf32, #tpu.memory_space<vmem_shared>>
          %dma_wait3A_352 = arith.constant 0 : i32
          %dma_wait3A_353 = arith.constant 0 : i32
          %dma_wait3A_354 = tpu.memref_slice %arg12[%dma_wait3A_341, %dma_wait3A_352, %dma_wait3A_353] : memref<2x40x128xf32, #tpu.memory_space<vmem>> -> memref<1x40x128xf32, #tpu.memory_space<vmem>>
          %dma_wait3A_355 = tpu.memref_squeeze %dma_wait3A_354 : memref<1x40x128xf32, #tpu.memory_space<vmem>> -> memref<40x128xf32, #tpu.memory_space<vmem>>
          tpu.wait_dma2 semaphore(%arg18 : memref<!tpu.dma_semaphore, #tpu.memory_space<semaphore_mem>>) src(%dma_wait3A_355 : memref<40x128xf32, #tpu.memory_space<vmem>>) dst(%dma_wait3A_351 : memref<40x128xf32, #tpu.memory_space<vmem_shared>>)
        } else {
        }
        %parallel_loop3A_257 = arith.constant 0 : i32
        %parallel_loop3A_258 = arith.constant 40 : i32
        %parallel_loop3A_259 = arith.constant 1 : i32
        scf.for %parallel_loop3A_341 = %parallel_loop3A_257 to %parallel_loop3A_258 step %parallel_loop3A_259  : i32 {
          %parallel_loop3A_342 = arith.constant 0 : i32
          %parallel_loop3A_343 = arith.index_cast %parallel_loop3A_342 : i32 to index
          %parallel_loop3A_344 = arith.index_cast %parallel_loop3A_341 : i32 to index
          %parallel_loop3A_345 = arith.constant 0 : index
          %parallel_loop3A_346 = tpu.vector_load %arg9[%parallel_loop3A_343, %parallel_loop3A_344, %parallel_loop3A_345] {strides = array<i32>} : memref<2x40x128xf32, #tpu.memory_space<vmem>>, vector<1x1x16xf32>,
          %parallel_loop3A_347 = vector.shape_cast %parallel_loop3A_346 : vector<1x1x16xf32> to vector<16xf32>
          %parallel_loop3A_348 = arith.index_cast %parallel_loop3A_341 : i32 to index
          %parallel_loop3A_349 = arith.constant 0 : index
          %parallel_loop3A_350 = tpu.vector_load %arg10[%parallel_loop3A_348, %parallel_loop3A_349] {strides = array<i32>} : memref<40x128xf32, #tpu.memory_space<vmem>>, vector<1x16xf32>,
          %parallel_loop3A_351 = vector.shape_cast %parallel_loop3A_350 : vector<1x16xf32> to vector<16xf32>
          %parallel_loop3A_352 = arith.mulf %parallel_loop3A_347, %parallel_loop3A_351 : vector<16xf32>
          %parallel_loop3A_353 = arith.constant 0 : i32
          %parallel_loop3A_354 = arith.index_cast %parallel_loop3A_353 : i32 to index
          %parallel_loop3A_355 = arith.index_cast %parallel_loop3A_341 : i32 to index
          %parallel_loop3A_356 = arith.constant 0 : index
          %parallel_loop3A_357 = tpu.vector_load %arg12[%parallel_loop3A_354, %parallel_loop3A_355, %parallel_loop3A_356] {strides = array<i32>} : memref<2x40x128xf32, #tpu.memory_space<vmem>>, vector<1x1x16xf32>,
          %parallel_loop3A_358 = vector.shape_cast %parallel_loop3A_357 : vector<1x1x16xf32> to vector<16xf32>
          %parallel_loop3A_359 = vector.shape_cast %parallel_loop3A_352 : vector<16xf32> to vector<1x1x16xf32>
          tpu.vector_store %arg12[%parallel_loop3A_354, %parallel_loop3A_355, %parallel_loop3A_356], %parallel_loop3A_359 {strides = array<i32>} : memref<2x40x128xf32, #tpu.memory_space<vmem>>, vector<1x1x16xf32>,
          %parallel_loop3A_360 = arith.constant 0 : i32
          %parallel_loop3A_361 = arith.index_cast %parallel_loop3A_360 : i32 to index
          %parallel_loop3A_362 = arith.index_cast %parallel_loop3A_341 : i32 to index
          %parallel_loop3A_363 = arith.constant 16 : index
          %parallel_loop3A_364 = tpu.vector_load %arg9[%parallel_loop3A_361, %parallel_loop3A_362, %parallel_loop3A_363] {strides = array<i32>} : memref<2x40x128xf32, #tpu.memory_space<vmem>>, vector<1x1x16xf32>,
          %parallel_loop3A_365 = vector.shape_cast %parallel_loop3A_364 : vector<1x1x16xf32> to vector<16xf32>
          %parallel_loop3A_366 = arith.index_cast %parallel_loop3A_341 : i32 to index
          %parallel_loop3A_367 = arith.constant 16 : index
          %parallel_loop3A_368 = tpu.vector_load %arg10[%parallel_loop3A_366, %parallel_loop3A_367] {strides = array<i32>} : memref<40x128xf32, #tpu.memory_space<vmem>>, vector<1x16xf32>,
          %parallel_loop3A_369 = vector.shape_cast %parallel_loop3A_368 : vector<1x16xf32> to vector<16xf32>
          %parallel_loop3A_370 = arith.mulf %parallel_loop3A_365, %parallel_loop3A_369 : vector<16xf32>
          %parallel_loop3A_371 = arith.constant 0 : i32
          %parallel_loop3A_372 = arith.index_cast %parallel_loop3A_371 : i32 to index
          %parallel_loop3A_373 = arith.index_cast %parallel_loop3A_341 : i32 to index
          %parallel_loop3A_374 = arith.constant 16 : index
          %parallel_loop3A_375 = tpu.vector_load %arg12[%parallel_loop3A_372, %parallel_loop3A_373, %parallel_loop3A_374] {strides = array<i32>} : memref<2x40x128xf32, #tpu.memory_space<vmem>>, vector<1x1x16xf32>,
          %parallel_loop3A_376 = vector.shape_cast %parallel_loop3A_375 : vector<1x1x16xf32> to vector<16xf32>
          %parallel_loop3A_377 = vector.shape_cast %parallel_loop3A_370 : vector<16xf32> to vector<1x1x16xf32>
          tpu.vector_store %arg12[%parallel_loop3A_372, %parallel_loop3A_373, %parallel_loop3A_374], %parallel_loop3A_377 {strides = array<i32>} : memref<2x40x128xf32, #tpu.memory_space<vmem>>, vector<1x1x16xf32>,
          %parallel_loop3A_378 = arith.constant 0 : i32
          %parallel_loop3A_379 = arith.index_cast %parallel_loop3A_378 : i32 to index
          %parallel_loop3A_380 = arith.index_cast %parallel_loop3A_341 : i32 to index
          %parallel_loop3A_381 = arith.constant 32 : index
          %parallel_loop3A_382 = tpu.vector_load %arg9[%parallel_loop3A_379, %parallel_loop3A_380, %parallel_loop3A_381] {strides = array<i32>} : memref<2x40x128xf32, #tpu.memory_space<vmem>>, vector<1x1x16xf32>,
          %parallel_loop3A_383 = vector.shape_cast %parallel_loop3A_382 : vector<1x1x16xf32> to vector<16xf32>
          %parallel_loop3A_384 = arith.index_cast %parallel_loop3A_341 : i32 to index
          %parallel_loop3A_385 = arith.constant 32 : index
          %parallel_loop3A_386 = tpu.vector_load %arg10[%parallel_loop3A_384, %parallel_loop3A_385] {strides = array<i32>} : memref<40x128xf32, #tpu.memory_space<vmem>>, vector<1x16xf32>,
          %parallel_loop3A_387 = vector.shape_cast %parallel_loop3A_386 : vector<1x16xf32> to vector<16xf32>
          %parallel_loop3A_388 = arith.mulf %parallel_loop3A_383, %parallel_loop3A_387 : vector<16xf32>
          %parallel_loop3A_389 = arith.constant 0 : i32
          %parallel_loop3A_390 = arith.index_cast %parallel_loop3A_389 : i32 to index
          %parallel_loop3A_391 = arith.index_cast %parallel_loop3A_341 : i32 to index
          %parallel_loop3A_392 = arith.constant 32 : index
          %parallel_loop3A_393 = tpu.vector_load %arg12[%parallel_loop3A_390, %parallel_loop3A_391, %parallel_loop3A_392] {strides = array<i32>} : memref<2x40x128xf32, #tpu.memory_space<vmem>>, vector<1x1x16xf32>,
          %parallel_loop3A_394 = vector.shape_cast %parallel_loop3A_393 : vector<1x1x16xf32> to vector<16xf32>
          %parallel_loop3A_395 = vector.shape_cast %parallel_loop3A_388 : vector<16xf32> to vector<1x1x16xf32>
          tpu.vector_store %arg12[%parallel_loop3A_390, %parallel_loop3A_391, %parallel_loop3A_392], %parallel_loop3A_395 {strides = array<i32>} : memref<2x40x128xf32, #tpu.memory_space<vmem>>, vector<1x1x16xf32>,
          %parallel_loop3A_396 = arith.constant 0 : i32
          %parallel_loop3A_397 = arith.index_cast %parallel_loop3A_396 : i32 to index
          %parallel_loop3A_398 = arith.index_cast %parallel_loop3A_341 : i32 to index
          %parallel_loop3A_399 = arith.constant 48 : index
          %parallel_loop3A_400 = tpu.vector_load %arg9[%parallel_loop3A_397, %parallel_loop3A_398, %parallel_loop3A_399] {strides = array<i32>} : memref<2x40x128xf32, #tpu.memory_space<vmem>>, vector<1x1x16xf32>,
          %parallel_loop3A_401 = vector.shape_cast %parallel_loop3A_400 : vector<1x1x16xf32> to vector<16xf32>
          %parallel_loop3A_402 = arith.index_cast %parallel_loop3A_341 : i32 to index
          %parallel_loop3A_403 = arith.constant 48 : index
          %parallel_loop3A_404 = tpu.vector_load %arg10[%parallel_loop3A_402, %parallel_loop3A_403] {strides = array<i32>} : memref<40x128xf32, #tpu.memory_space<vmem>>, vector<1x16xf32>,
          %parallel_loop3A_405 = vector.shape_cast %parallel_loop3A_404 : vector<1x16xf32> to vector<16xf32>
          %parallel_loop3A_406 = arith.mulf %parallel_loop3A_401, %parallel_loop3A_405 : vector<16xf32>
          %parallel_loop3A_407 = arith.constant 0 : i32
          %parallel_loop3A_408 = arith.index_cast %parallel_loop3A_407 : i32 to index
          %parallel_loop3A_409 = arith.index_cast %parallel_loop3A_341 : i32 to index
          %parallel_loop3A_410 = arith.constant 48 : index
          %parallel_loop3A_411 = tpu.vector_load %arg12[%parallel_loop3A_408, %parallel_loop3A_409, %parallel_loop3A_410] {strides = array<i32>} : memref<2x40x128xf32, #tpu.memory_space<vmem>>, vector<1x1x16xf32>,
          %parallel_loop3A_412 = vector.shape_cast %parallel_loop3A_411 : vector<1x1x16xf32> to vector<16xf32>
          %parallel_loop3A_413 = vector.shape_cast %parallel_loop3A_406 : vector<16xf32> to vector<1x1x16xf32>
          tpu.vector_store %arg12[%parallel_loop3A_408, %parallel_loop3A_409, %parallel_loop3A_410], %parallel_loop3A_413 {strides = array<i32>} : memref<2x40x128xf32, #tpu.memory_space<vmem>>, vector<1x1x16xf32>,
          %parallel_loop3A_414 = arith.constant 0 : i32
          %parallel_loop3A_415 = arith.index_cast %parallel_loop3A_414 : i32 to index
          %parallel_loop3A_416 = arith.index_cast %parallel_loop3A_341 : i32 to index
          %parallel_loop3A_417 = arith.constant 64 : index
          %parallel_loop3A_418 = tpu.vector_load %arg9[%parallel_loop3A_415, %parallel_loop3A_416, %parallel_loop3A_417] {strides = array<i32>} : memref<2x40x128xf32, #tpu.memory_space<vmem>>, vector<1x1x16xf32>,
          %parallel_loop3A_419 = vector.shape_cast %parallel_loop3A_418 : vector<1x1x16xf32> to vector<16xf32>
          %parallel_loop3A_420 = arith.index_cast %parallel_loop3A_341 : i32 to index
          %parallel_loop3A_421 = arith.constant 64 : index
          %parallel_loop3A_422 = tpu.vector_load %arg10[%parallel_loop3A_420, %parallel_loop3A_421] {strides = array<i32>} : memref<40x128xf32, #tpu.memory_space<vmem>>, vector<1x16xf32>,
          %parallel_loop3A_423 = vector.shape_cast %parallel_loop3A_422 : vector<1x16xf32> to vector<16xf32>
          %parallel_loop3A_424 = arith.mulf %parallel_loop3A_419, %parallel_loop3A_423 : vector<16xf32>
          %parallel_loop3A_425 = arith.constant 0 : i32
          %parallel_loop3A_426 = arith.index_cast %parallel_loop3A_425 : i32 to index
          %parallel_loop3A_427 = arith.index_cast %parallel_loop3A_341 : i32 to index
          %parallel_loop3A_428 = arith.constant 64 : index
          %parallel_loop3A_429 = tpu.vector_load %arg12[%parallel_loop3A_426, %parallel_loop3A_427, %parallel_loop3A_428] {strides = array<i32>} : memref<2x40x128xf32, #tpu.memory_space<vmem>>, vector<1x1x16xf32>,
          %parallel_loop3A_430 = vector.shape_cast %parallel_loop3A_429 : vector<1x1x16xf32> to vector<16xf32>
          %parallel_loop3A_431 = vector.shape_cast %parallel_loop3A_424 : vector<16xf32> to vector<1x1x16xf32>
          tpu.vector_store %arg12[%parallel_loop3A_426, %parallel_loop3A_427, %parallel_loop3A_428], %parallel_loop3A_431 {strides = array<i32>} : memref<2x40x128xf32, #tpu.memory_space<vmem>>, vector<1x1x16xf32>,
          %parallel_loop3A_432 = arith.constant 0 : i32
          %parallel_loop3A_433 = arith.index_cast %parallel_loop3A_432 : i32 to index
          %parallel_loop3A_434 = arith.index_cast %parallel_loop3A_341 : i32 to index
          %parallel_loop3A_435 = arith.constant 80 : index
          %parallel_loop3A_436 = tpu.vector_load %arg9[%parallel_loop3A_433, %parallel_loop3A_434, %parallel_loop3A_435] {strides = array<i32>} : memref<2x40x128xf32, #tpu.memory_space<vmem>>, vector<1x1x16xf32>,
          %parallel_loop3A_437 = vector.shape_cast %parallel_loop3A_436 : vector<1x1x16xf32> to vector<16xf32>
          %parallel_loop3A_438 = arith.index_cast %parallel_loop3A_341 : i32 to index
          %parallel_loop3A_439 = arith.constant 80 : index
          %parallel_loop3A_440 = tpu.vector_load %arg10[%parallel_loop3A_438, %parallel_loop3A_439] {strides = array<i32>} : memref<40x128xf32, #tpu.memory_space<vmem>>, vector<1x16xf32>,
          %parallel_loop3A_441 = vector.shape_cast %parallel_loop3A_440 : vector<1x16xf32> to vector<16xf32>
          %parallel_loop3A_442 = arith.mulf %parallel_loop3A_437, %parallel_loop3A_441 : vector<16xf32>
          %parallel_loop3A_443 = arith.constant 0 : i32
          %parallel_loop3A_444 = arith.index_cast %parallel_loop3A_443 : i32 to index
          %parallel_loop3A_445 = arith.index_cast %parallel_loop3A_341 : i32 to index
          %parallel_loop3A_446 = arith.constant 80 : index
          %parallel_loop3A_447 = tpu.vector_load %arg12[%parallel_loop3A_444, %parallel_loop3A_445, %parallel_loop3A_446] {strides = array<i32>} : memref<2x40x128xf32, #tpu.memory_space<vmem>>, vector<1x1x16xf32>,
          %parallel_loop3A_448 = vector.shape_cast %parallel_loop3A_447 : vector<1x1x16xf32> to vector<16xf32>
          %parallel_loop3A_449 = vector.shape_cast %parallel_loop3A_442 : vector<16xf32> to vector<1x1x16xf32>
          tpu.vector_store %arg12[%parallel_loop3A_444, %parallel_loop3A_445, %parallel_loop3A_446], %parallel_loop3A_449 {strides = array<i32>} : memref<2x40x128xf32, #tpu.memory_space<vmem>>, vector<1x1x16xf32>,
          %parallel_loop3A_450 = arith.constant 0 : i32
          %parallel_loop3A_451 = arith.index_cast %parallel_loop3A_450 : i32 to index
          %parallel_loop3A_452 = arith.index_cast %parallel_loop3A_341 : i32 to index
          %parallel_loop3A_453 = arith.constant 96 : index
          %parallel_loop3A_454 = tpu.vector_load %arg9[%parallel_loop3A_451, %parallel_loop3A_452, %parallel_loop3A_453] {strides = array<i32>} : memref<2x40x128xf32, #tpu.memory_space<vmem>>, vector<1x1x16xf32>,
          %parallel_loop3A_455 = vector.shape_cast %parallel_loop3A_454 : vector<1x1x16xf32> to vector<16xf32>
          %parallel_loop3A_456 = arith.index_cast %parallel_loop3A_341 : i32 to index
          %parallel_loop3A_457 = arith.constant 96 : index
          %parallel_loop3A_458 = tpu.vector_load %arg10[%parallel_loop3A_456, %parallel_loop3A_457] {strides = array<i32>} : memref<40x128xf32, #tpu.memory_space<vmem>>, vector<1x16xf32>,
          %parallel_loop3A_459 = vector.shape_cast %parallel_loop3A_458 : vector<1x16xf32> to vector<16xf32>
          %parallel_loop3A_460 = arith.mulf %parallel_loop3A_455, %parallel_loop3A_459 : vector<16xf32>
          %parallel_loop3A_461 = arith.constant 0 : i32
          %parallel_loop3A_462 = arith.index_cast %parallel_loop3A_461 : i32 to index
          %parallel_loop3A_463 = arith.index_cast %parallel_loop3A_341 : i32 to index
          %parallel_loop3A_464 = arith.constant 96 : index
          %parallel_loop3A_465 = tpu.vector_load %arg12[%parallel_loop3A_462, %parallel_loop3A_463, %parallel_loop3A_464] {strides = array<i32>} : memref<2x40x128xf32, #tpu.memory_space<vmem>>, vector<1x1x16xf32>,
          %parallel_loop3A_466 = vector.shape_cast %parallel_loop3A_465 : vector<1x1x16xf32> to vector<16xf32>
          %parallel_loop3A_467 = vector.shape_cast %parallel_loop3A_460 : vector<16xf32> to vector<1x1x16xf32>
          tpu.vector_store %arg12[%parallel_loop3A_462, %parallel_loop3A_463, %parallel_loop3A_464], %parallel_loop3A_467 {strides = array<i32>} : memref<2x40x128xf32, #tpu.memory_space<vmem>>, vector<1x1x16xf32>,
          %parallel_loop3A_468 = arith.constant 0 : i32
          %parallel_loop3A_469 = arith.index_cast %parallel_loop3A_468 : i32 to index
          %parallel_loop3A_470 = arith.index_cast %parallel_loop3A_341 : i32 to index
          %parallel_loop3A_471 = arith.constant 112 : index
          %parallel_loop3A_472 = tpu.vector_load %arg9[%parallel_loop3A_469, %parallel_loop3A_470, %parallel_loop3A_471] {strides = array<i32>} : memref<2x40x128xf32, #tpu.memory_space<vmem>>, vector<1x1x16xf32>,
          %parallel_loop3A_473 = vector.shape_cast %parallel_loop3A_472 : vector<1x1x16xf32> to vector<16xf32>
          %parallel_loop3A_474 = arith.index_cast %parallel_loop3A_341 : i32 to index
          %parallel_loop3A_475 = arith.constant 112 : index
          %parallel_loop3A_476 = tpu.vector_load %arg10[%parallel_loop3A_474, %parallel_loop3A_475] {strides = array<i32>} : memref<40x128xf32, #tpu.memory_space<vmem>>, vector<1x16xf32>,
          %parallel_loop3A_477 = vector.shape_cast %parallel_loop3A_476 : vector<1x16xf32> to vector<16xf32>
          %parallel_loop3A_478 = arith.mulf %parallel_loop3A_473, %parallel_loop3A_477 : vector<16xf32>
          %parallel_loop3A_479 = arith.constant 0 : i32
          %parallel_loop3A_480 = arith.index_cast %parallel_loop3A_479 : i32 to index
          %parallel_loop3A_481 = arith.index_cast %parallel_loop3A_341 : i32 to index
          %parallel_loop3A_482 = arith.constant 112 : index
          %parallel_loop3A_483 = tpu.vector_load %arg12[%parallel_loop3A_480, %parallel_loop3A_481, %parallel_loop3A_482] {strides = array<i32>} : memref<2x40x128xf32, #tpu.memory_space<vmem>>, vector<1x1x16xf32>,
          %parallel_loop3A_484 = vector.shape_cast %parallel_loop3A_483 : vector<1x1x16xf32> to vector<16xf32>
          %parallel_loop3A_485 = vector.shape_cast %parallel_loop3A_478 : vector<16xf32> to vector<1x1x16xf32>
          tpu.vector_store %arg12[%parallel_loop3A_480, %parallel_loop3A_481, %parallel_loop3A_482], %parallel_loop3A_485 {strides = array<i32>} : memref<2x40x128xf32, #tpu.memory_space<vmem>>, vector<1x1x16xf32>,
        } {sc.loop_unroll_factor = 4 : i64, sc.parallel_access}
        %dma_start3A_260 = arith.constant 0 : i32
        %dma_start3A_261 = arith.constant 0 : i32
        %dma_start3A_262 = arith.constant 0 : i32
        %dma_start3A_263 = tpu.memref_slice %arg12[%dma_start3A_260, %dma_start3A_261, %dma_start3A_262] : memref<2x40x128xf32, #tpu.memory_space<vmem>> -> memref<1x40x128xf32, #tpu.memory_space<vmem>>
        %dma_start3A_264 = tpu.memref_squeeze %dma_start3A_263 : memref<1x40x128xf32, #tpu.memory_space<vmem>> -> memref<40x128xf32, #tpu.memory_space<vmem>>
        %dma_start3A_265 = arith.constant 0 : i32
        %dma_start3A_266 = tpu.memref_slice %arg8[%mul3A_202, %dma_start3A_265] : memref<50x40xi32, #tpu.memory_space<vmem>> -> memref<1x40xi32, #tpu.memory_space<vmem>>
        %dma_start3A_267 = tpu.memref_squeeze %dma_start3A_266 : memref<1x40xi32, #tpu.memory_space<vmem>> -> memref<40xi32, #tpu.memory_space<vmem>>
        %dma_start3A_268 = arith.constant 0 : i32
        %dma_start3A_269 = arith.constant 0 : i32
        %dma_start3A_270 = tpu.memref_slice %arg13[%dma_start3A_268, %dma_start3A_269] : memref<10240x128xf32, #tpu.memory_space<vmem_shared>> -> memref<10240x128xf32, #tpu.memory_space<vmem_shared>>
        tpu.enqueue_indirect_dma source(%dma_start3A_264 : memref<40x128xf32, #tpu.memory_space<vmem>>) target(%dma_start3A_270 : memref<10240x128xf32, #tpu.memory_space<vmem_shared>>) offsets(%dma_start3A_267 : memref<40xi32, #tpu.memory_space<vmem>>) semaphore(%arg18 : memref<!tpu.dma_semaphore, #tpu.memory_space<semaphore_mem>>) {add = true}
        %add3A_271 = arith.constant 2 : i32
        %add3A_272 = arith.addi %mul3A_202, %add3A_271 : i32
        %mul3A_273 = arith.constant 40 : i32
        %mul3A_274 = arith.muli %add3A_272, %mul3A_273 : i32
        %dma_start3A_275 = arith.constant 0 : i32
        %dma_start3A_276 = arith.constant 0 : i32
        %dma_start3A_277 = arith.constant 0 : i32
        %dma_start3A_278 = tpu.memref_slice %arg9[%dma_start3A_275, %dma_start3A_276, %dma_start3A_277] : memref<2x40x128xf32, #tpu.memory_space<vmem>> -> memref<1x40x128xf32, #tpu.memory_space<vmem>>
        %dma_start3A_279 = tpu.memref_squeeze %dma_start3A_278 : memref<1x40x128xf32, #tpu.memory_space<vmem>> -> memref<40x128xf32, #tpu.memory_space<vmem>>
        %dma_start3A_280 = tpu.memref_slice %arg7[%mul3A_274] : memref<2000xi32, #tpu.memory_space<vmem>> -> memref<40xi32, #tpu.memory_space<vmem>>
        %dma_start3A_281 = arith.constant 0 : i32
        %dma_start3A_282 = arith.constant 0 : i32
        %dma_start3A_283 = tpu.memref_slice %arg2[%dma_start3A_281, %dma_start3A_282] : memref<20000x128xf32, #tpu.memory_space<hbm>> -> memref<20000x128xf32, #tpu.memory_space<hbm>>
        tpu.enqueue_indirect_dma source(%dma_start3A_283 : memref<20000x128xf32, #tpu.memory_space<hbm>>) target(%dma_start3A_279 : memref<40x128xf32, #tpu.memory_space<vmem>>) offsets(%dma_start3A_280 : memref<40xi32, #tpu.memory_space<vmem>>) semaphore(%arg14 : memref<!tpu.dma_semaphore, #tpu.memory_space<semaphore_mem>>)
        %mul3A_284 = arith.constant 160000 : i32
        %mul3A_285 = arith.muli %arg0, %mul3A_284 : i32
        %mul3A_286 = arith.constant 10000 : i32
        %mul3A_287 = arith.muli %arg1, %mul3A_286 : i32
        %add3A_288 = arith.addi %mul3A_285, %mul3A_287 : i32
        %mul3A_289 = arith.constant 2000 : i32
        %mul3A_290 = arith.muli %scan3A_52, %mul3A_289 : i32
        %add3A_291 = arith.addi %add3A_288, %mul3A_290 : i32
        %mul3A_292 = arith.constant 40 : i32
        %mul3A_293 = arith.muli %add3A_272, %mul3A_292 : i32
        %add3A_294 = arith.addi %add3A_291, %mul3A_293 : i32
        %dma_start3A_295 = arith.constant 0 : i32
        %dma_start3A_296 = tpu.memref_slice %arg3[%add3A_294, %dma_start3A_295] : memref<320000x128xf32, #tpu.memory_space<hbm>> -> memref<40x128xf32, #tpu.memory_space<hbm>>
        %dma_start3A_297 = arith.constant 0 : i32
        %dma_start3A_298 = tpu.memref_slice %arg3[%add3A_294, %dma_start3A_297] : memref<320000x128xf32, #tpu.memory_space<hbm>> -> memref<40x128xf32, #tpu.memory_space<hbm>>
        tpu.enqueue_dma source(%dma_start3A_298 : memref<40x128xf32, #tpu.memory_space<hbm>>) target(%arg10 : memref<40x128xf32, #tpu.memory_space<vmem>>) target_semaphore(%arg16 : memref<!tpu.dma_semaphore, #tpu.memory_space<semaphore_mem>>)
        %add3A_299 = arith.constant 1 : i32
        %add3A_300 = arith.addi %mul3A_202, %add3A_299 : i32
        %dma_wait3A_301 = arith.constant 1 : i32
        %dma_wait3A_302 = arith.constant 0 : i32
        %dma_wait3A_303 = arith.constant 0 : i32
        %dma_wait3A_304 = tpu.memref_slice %arg9[%dma_wait3A_301, %dma_wait3A_302, %dma_wait3A_303] : memref<2x40x128xf32, #tpu.memory_space<vmem>> -> memref<1x40x128xf32, #tpu.memory_space<vmem>>
        %dma_wait3A_305 = tpu.memref_squeeze %dma_wait3A_304 : memref<1x40x128xf32, #tpu.memory_space<vmem>> -> memref<40x128xf32, #tpu.memory_space<vmem>>
        %dma_wait3A_306 = arith.constant 0 : i32
        %dma_wait3A_307 = arith.constant 0 : i32
        %dma_wait3A_308 = tpu.memref_slice %arg2[%dma_wait3A_306, %dma_wait3A_307] : memref<20000x128xf32, #tpu.memory_space<hbm>> -> memref<40x128xf32, #tpu.memory_space<hbm>>
        %dma_wait3A_309 = arith.constant 0 : i32
        %dma_wait3A_310 = arith.constant 0 : i32
        %dma_wait3A_311 = tpu.memref_slice %arg9[%dma_wait3A_301, %dma_wait3A_309, %dma_wait3A_310] : memref<2x40x128xf32, #tpu.memory_space<vmem>> -> memref<1x40x128xf32, #tpu.memory_space<vmem>>
        %dma_wait3A_312 = tpu.memref_squeeze %dma_wait3A_311 : memref<1x40x128xf32, #tpu.memory_space<vmem>> -> memref<40x128xf32, #tpu.memory_space<vmem>>
        %dma_wait3A_313 = arith.constant 0 : i32
        %dma_wait3A_314 = arith.constant 0 : i32
        %dma_wait3A_315 = tpu.memref_slice %arg2[%dma_wait3A_313, %dma_wait3A_314] : memref<20000x128xf32, #tpu.memory_space<hbm>> -> memref<40x128xf32, #tpu.memory_space<hbm>>
        tpu.wait_dma2 semaphore(%arg15 : memref<!tpu.dma_semaphore, #tpu.memory_space<semaphore_mem>>) src(%dma_wait3A_315 : memref<40x128xf32, #tpu.memory_space<hbm>>) dst(%dma_wait3A_312 : memref<40x128xf32, #tpu.memory_space<vmem>>)
        %dma_wait3A_316 = arith.constant 0 : i32
        %dma_wait3A_317 = arith.constant 0 : i32
        %dma_wait3A_318 = tpu.memref_slice %arg3[%dma_wait3A_316, %dma_wait3A_317] : memref<320000x128xf32, #tpu.memory_space<hbm>> -> memref<40x128xf32, #tpu.memory_space<hbm>>
        %dma_wait3A_319 = arith.constant 0 : i32
        %dma_wait3A_320 = arith.constant 0 : i32
        %dma_wait3A_321 = tpu.memref_slice %arg3[%dma_wait3A_319, %dma_wait3A_320] : memref<320000x128xf32, #tpu.memory_space<hbm>> -> memref<40x128xf32, #tpu.memory_space<hbm>>
        tpu.wait_dma2 semaphore(%arg17 : memref<!tpu.dma_semaphore, #tpu.memory_space<semaphore_mem>>) src(%dma_wait3A_321 : memref<40x128xf32, #tpu.memory_space<hbm>>) dst(%arg11 : memref<40x128xf32, #tpu.memory_space<vmem>>)
        %ge3A_322 = arith.constant 2 : i32
        %ge3A_323 = arith.cmpi sge, %add3A_300, %ge3A_322 : i32
        %convert_element_type3A_324 = arith.extui %ge3A_323 : i1 to i32
        %cond3A_325 = arith.constant 0 : i32
        %cond3A_326 = arith.cmpi ne, %convert_element_type3A_324, %cond3A_325 : i32
        scf.if %cond3A_326 {
          %dma_wait3A_341 = arith.constant 1 : i32
          %dma_wait3A_342 = arith.constant 0 : i32
          %dma_wait3A_343 = arith.constant 0 : i32
          %dma_wait3A_344 = tpu.memref_slice %arg12[%dma_wait3A_341, %dma_wait3A_342, %dma_wait3A_343] : memref<2x40x128xf32, #tpu.memory_space<vmem>> -> memref<1x40x128xf32, #tpu.memory_space<vmem>>
          %dma_wait3A_345 = tpu.memref_squeeze %dma_wait3A_344 : memref<1x40x128xf32, #tpu.memory_space<vmem>> -> memref<40x128xf32, #tpu.memory_space<vmem>>
          %dma_wait3A_346 = arith.constant 0 : i32
          %dma_wait3A_347 = arith.constant 0 : i32
          %dma_wait3A_348 = tpu.memref_slice %arg13[%dma_wait3A_346, %dma_wait3A_347] : memref<10240x128xf32, #tpu.memory_space<vmem_shared>> -> memref<40x128xf32, #tpu.memory_space<vmem_shared>>
          %dma_wait3A_349 = arith.constant 0 : i32
          %dma_wait3A_350 = arith.constant 0 : i32
          %dma_wait3A_351 = tpu.memref_slice %arg13[%dma_wait3A_349, %dma_wait3A_350] : memref<10240x128xf32, #tpu.memory_space<vmem_shared>> -> memref<40x128xf32, #tpu.memory_space<vmem_shared>>
          %dma_wait3A_352 = arith.constant 0 : i32
          %dma_wait3A_353 = arith.constant 0 : i32
          %dma_wait3A_354 = tpu.memref_slice %arg12[%dma_wait3A_341, %dma_wait3A_352, %dma_wait3A_353] : memref<2x40x128xf32, #tpu.memory_space<vmem>> -> memref<1x40x128xf32, #tpu.memory_space<vmem>>
          %dma_wait3A_355 = tpu.memref_squeeze %dma_wait3A_354 : memref<1x40x128xf32, #tpu.memory_space<vmem>> -> memref<40x128xf32, #tpu.memory_space<vmem>>
          tpu.wait_dma2 semaphore(%arg19 : memref<!tpu.dma_semaphore, #tpu.memory_space<semaphore_mem>>) src(%dma_wait3A_355 : memref<40x128xf32, #tpu.memory_space<vmem>>) dst(%dma_wait3A_351 : memref<40x128xf32, #tpu.memory_space<vmem_shared>>)
        } else {
        }
        %parallel_loop3A_327 = arith.constant 0 : i32
        %parallel_loop3A_328 = arith.constant 40 : i32
        %parallel_loop3A_329 = arith.constant 1 : i32
        scf.for %parallel_loop3A_341 = %parallel_loop3A_327 to %parallel_loop3A_328 step %parallel_loop3A_329  : i32 {
          %parallel_loop3A_342 = arith.constant 1 : i32
          %parallel_loop3A_343 = arith.index_cast %parallel_loop3A_342 : i32 to index
          %parallel_loop3A_344 = arith.index_cast %parallel_loop3A_341 : i32 to index
          %parallel_loop3A_345 = arith.constant 0 : index
          %parallel_loop3A_346 = tpu.vector_load %arg9[%parallel_loop3A_343, %parallel_loop3A_344, %parallel_loop3A_345] {strides = array<i32>} : memref<2x40x128xf32, #tpu.memory_space<vmem>>, vector<1x1x16xf32>,
          %parallel_loop3A_347 = vector.shape_cast %parallel_loop3A_346 : vector<1x1x16xf32> to vector<16xf32>
          %parallel_loop3A_348 = arith.index_cast %parallel_loop3A_341 : i32 to index
          %parallel_loop3A_349 = arith.constant 0 : index
          %parallel_loop3A_350 = tpu.vector_load %arg11[%parallel_loop3A_348, %parallel_loop3A_349] {strides = array<i32>} : memref<40x128xf32, #tpu.memory_space<vmem>>, vector<1x16xf32>,
          %parallel_loop3A_351 = vector.shape_cast %parallel_loop3A_350 : vector<1x16xf32> to vector<16xf32>
          %parallel_loop3A_352 = arith.mulf %parallel_loop3A_347, %parallel_loop3A_351 : vector<16xf32>
          %parallel_loop3A_353 = arith.constant 1 : i32
          %parallel_loop3A_354 = arith.index_cast %parallel_loop3A_353 : i32 to index
          %parallel_loop3A_355 = arith.index_cast %parallel_loop3A_341 : i32 to index
          %parallel_loop3A_356 = arith.constant 0 : index
          %parallel_loop3A_357 = tpu.vector_load %arg12[%parallel_loop3A_354, %parallel_loop3A_355, %parallel_loop3A_356] {strides = array<i32>} : memref<2x40x128xf32, #tpu.memory_space<vmem>>, vector<1x1x16xf32>,
          %parallel_loop3A_358 = vector.shape_cast %parallel_loop3A_357 : vector<1x1x16xf32> to vector<16xf32>
          %parallel_loop3A_359 = vector.shape_cast %parallel_loop3A_352 : vector<16xf32> to vector<1x1x16xf32>
          tpu.vector_store %arg12[%parallel_loop3A_354, %parallel_loop3A_355, %parallel_loop3A_356], %parallel_loop3A_359 {strides = array<i32>} : memref<2x40x128xf32, #tpu.memory_space<vmem>>, vector<1x1x16xf32>,
          %parallel_loop3A_360 = arith.constant 1 : i32
          %parallel_loop3A_361 = arith.index_cast %parallel_loop3A_360 : i32 to index
          %parallel_loop3A_362 = arith.index_cast %parallel_loop3A_341 : i32 to index
          %parallel_loop3A_363 = arith.constant 16 : index
          %parallel_loop3A_364 = tpu.vector_load %arg9[%parallel_loop3A_361, %parallel_loop3A_362, %parallel_loop3A_363] {strides = array<i32>} : memref<2x40x128xf32, #tpu.memory_space<vmem>>, vector<1x1x16xf32>,
          %parallel_loop3A_365 = vector.shape_cast %parallel_loop3A_364 : vector<1x1x16xf32> to vector<16xf32>
          %parallel_loop3A_366 = arith.index_cast %parallel_loop3A_341 : i32 to index
          %parallel_loop3A_367 = arith.constant 16 : index
          %parallel_loop3A_368 = tpu.vector_load %arg11[%parallel_loop3A_366, %parallel_loop3A_367] {strides = array<i32>} : memref<40x128xf32, #tpu.memory_space<vmem>>, vector<1x16xf32>,
          %parallel_loop3A_369 = vector.shape_cast %parallel_loop3A_368 : vector<1x16xf32> to vector<16xf32>
          %parallel_loop3A_370 = arith.mulf %parallel_loop3A_365, %parallel_loop3A_369 : vector<16xf32>
          %parallel_loop3A_371 = arith.constant 1 : i32
          %parallel_loop3A_372 = arith.index_cast %parallel_loop3A_371 : i32 to index
          %parallel_loop3A_373 = arith.index_cast %parallel_loop3A_341 : i32 to index
          %parallel_loop3A_374 = arith.constant 16 : index
          %parallel_loop3A_375 = tpu.vector_load %arg12[%parallel_loop3A_372, %parallel_loop3A_373, %parallel_loop3A_374] {strides = array<i32>} : memref<2x40x128xf32, #tpu.memory_space<vmem>>, vector<1x1x16xf32>,
          %parallel_loop3A_376 = vector.shape_cast %parallel_loop3A_375 : vector<1x1x16xf32> to vector<16xf32>
          %parallel_loop3A_377 = vector.shape_cast %parallel_loop3A_370 : vector<16xf32> to vector<1x1x16xf32>
          tpu.vector_store %arg12[%parallel_loop3A_372, %parallel_loop3A_373, %parallel_loop3A_374], %parallel_loop3A_377 {strides = array<i32>} : memref<2x40x128xf32, #tpu.memory_space<vmem>>, vector<1x1x16xf32>,
          %parallel_loop3A_378 = arith.constant 1 : i32
          %parallel_loop3A_379 = arith.index_cast %parallel_loop3A_378 : i32 to index
          %parallel_loop3A_380 = arith.index_cast %parallel_loop3A_341 : i32 to index
          %parallel_loop3A_381 = arith.constant 32 : index
          %parallel_loop3A_382 = tpu.vector_load %arg9[%parallel_loop3A_379, %parallel_loop3A_380, %parallel_loop3A_381] {strides = array<i32>} : memref<2x40x128xf32, #tpu.memory_space<vmem>>, vector<1x1x16xf32>,
          %parallel_loop3A_383 = vector.shape_cast %parallel_loop3A_382 : vector<1x1x16xf32> to vector<16xf32>
          %parallel_loop3A_384 = arith.index_cast %parallel_loop3A_341 : i32 to index
          %parallel_loop3A_385 = arith.constant 32 : index
          %parallel_loop3A_386 = tpu.vector_load %arg11[%parallel_loop3A_384, %parallel_loop3A_385] {strides = array<i32>} : memref<40x128xf32, #tpu.memory_space<vmem>>, vector<1x16xf32>,
          %parallel_loop3A_387 = vector.shape_cast %parallel_loop3A_386 : vector<1x16xf32> to vector<16xf32>
          %parallel_loop3A_388 = arith.mulf %parallel_loop3A_383, %parallel_loop3A_387 : vector<16xf32>
          %parallel_loop3A_389 = arith.constant 1 : i32
          %parallel_loop3A_390 = arith.index_cast %parallel_loop3A_389 : i32 to index
          %parallel_loop3A_391 = arith.index_cast %parallel_loop3A_341 : i32 to index
          %parallel_loop3A_392 = arith.constant 32 : index
          %parallel_loop3A_393 = tpu.vector_load %arg12[%parallel_loop3A_390, %parallel_loop3A_391, %parallel_loop3A_392] {strides = array<i32>} : memref<2x40x128xf32, #tpu.memory_space<vmem>>, vector<1x1x16xf32>,
          %parallel_loop3A_394 = vector.shape_cast %parallel_loop3A_393 : vector<1x1x16xf32> to vector<16xf32>
          %parallel_loop3A_395 = vector.shape_cast %parallel_loop3A_388 : vector<16xf32> to vector<1x1x16xf32>
          tpu.vector_store %arg12[%parallel_loop3A_390, %parallel_loop3A_391, %parallel_loop3A_392], %parallel_loop3A_395 {strides = array<i32>} : memref<2x40x128xf32, #tpu.memory_space<vmem>>, vector<1x1x16xf32>,
          %parallel_loop3A_396 = arith.constant 1 : i32
          %parallel_loop3A_397 = arith.index_cast %parallel_loop3A_396 : i32 to index
          %parallel_loop3A_398 = arith.index_cast %parallel_loop3A_341 : i32 to index
          %parallel_loop3A_399 = arith.constant 48 : index
          %parallel_loop3A_400 = tpu.vector_load %arg9[%parallel_loop3A_397, %parallel_loop3A_398, %parallel_loop3A_399] {strides = array<i32>} : memref<2x40x128xf32, #tpu.memory_space<vmem>>, vector<1x1x16xf32>,
          %parallel_loop3A_401 = vector.shape_cast %parallel_loop3A_400 : vector<1x1x16xf32> to vector<16xf32>
          %parallel_loop3A_402 = arith.index_cast %parallel_loop3A_341 : i32 to index
          %parallel_loop3A_403 = arith.constant 48 : index
          %parallel_loop3A_404 = tpu.vector_load %arg11[%parallel_loop3A_402, %parallel_loop3A_403] {strides = array<i32>} : memref<40x128xf32, #tpu.memory_space<vmem>>, vector<1x16xf32>,
          %parallel_loop3A_405 = vector.shape_cast %parallel_loop3A_404 : vector<1x16xf32> to vector<16xf32>
          %parallel_loop3A_406 = arith.mulf %parallel_loop3A_401, %parallel_loop3A_405 : vector<16xf32>
          %parallel_loop3A_407 = arith.constant 1 : i32
          %parallel_loop3A_408 = arith.index_cast %parallel_loop3A_407 : i32 to index
          %parallel_loop3A_409 = arith.index_cast %parallel_loop3A_341 : i32 to index
          %parallel_loop3A_410 = arith.constant 48 : index
          %parallel_loop3A_411 = tpu.vector_load %arg12[%parallel_loop3A_408, %parallel_loop3A_409, %parallel_loop3A_410] {strides = array<i32>} : memref<2x40x128xf32, #tpu.memory_space<vmem>>, vector<1x1x16xf32>,
          %parallel_loop3A_412 = vector.shape_cast %parallel_loop3A_411 : vector<1x1x16xf32> to vector<16xf32>
          %parallel_loop3A_413 = vector.shape_cast %parallel_loop3A_406 : vector<16xf32> to vector<1x1x16xf32>
          tpu.vector_store %arg12[%parallel_loop3A_408, %parallel_loop3A_409, %parallel_loop3A_410], %parallel_loop3A_413 {strides = array<i32>} : memref<2x40x128xf32, #tpu.memory_space<vmem>>, vector<1x1x16xf32>,
          %parallel_loop3A_414 = arith.constant 1 : i32
          %parallel_loop3A_415 = arith.index_cast %parallel_loop3A_414 : i32 to index
          %parallel_loop3A_416 = arith.index_cast %parallel_loop3A_341 : i32 to index
          %parallel_loop3A_417 = arith.constant 64 : index
          %parallel_loop3A_418 = tpu.vector_load %arg9[%parallel_loop3A_415, %parallel_loop3A_416, %parallel_loop3A_417] {strides = array<i32>} : memref<2x40x128xf32, #tpu.memory_space<vmem>>, vector<1x1x16xf32>,
          %parallel_loop3A_419 = vector.shape_cast %parallel_loop3A_418 : vector<1x1x16xf32> to vector<16xf32>
          %parallel_loop3A_420 = arith.index_cast %parallel_loop3A_341 : i32 to index
          %parallel_loop3A_421 = arith.constant 64 : index
          %parallel_loop3A_422 = tpu.vector_load %arg11[%parallel_loop3A_420, %parallel_loop3A_421] {strides = array<i32>} : memref<40x128xf32, #tpu.memory_space<vmem>>, vector<1x16xf32>,
          %parallel_loop3A_423 = vector.shape_cast %parallel_loop3A_422 : vector<1x16xf32> to vector<16xf32>
          %parallel_loop3A_424 = arith.mulf %parallel_loop3A_419, %parallel_loop3A_423 : vector<16xf32>
          %parallel_loop3A_425 = arith.constant 1 : i32
          %parallel_loop3A_426 = arith.index_cast %parallel_loop3A_425 : i32 to index
          %parallel_loop3A_427 = arith.index_cast %parallel_loop3A_341 : i32 to index
          %parallel_loop3A_428 = arith.constant 64 : index
          %parallel_loop3A_429 = tpu.vector_load %arg12[%parallel_loop3A_426, %parallel_loop3A_427, %parallel_loop3A_428] {strides = array<i32>} : memref<2x40x128xf32, #tpu.memory_space<vmem>>, vector<1x1x16xf32>,
          %parallel_loop3A_430 = vector.shape_cast %parallel_loop3A_429 : vector<1x1x16xf32> to vector<16xf32>
          %parallel_loop3A_431 = vector.shape_cast %parallel_loop3A_424 : vector<16xf32> to vector<1x1x16xf32>
          tpu.vector_store %arg12[%parallel_loop3A_426, %parallel_loop3A_427, %parallel_loop3A_428], %parallel_loop3A_431 {strides = array<i32>} : memref<2x40x128xf32, #tpu.memory_space<vmem>>, vector<1x1x16xf32>,
          %parallel_loop3A_432 = arith.constant 1 : i32
          %parallel_loop3A_433 = arith.index_cast %parallel_loop3A_432 : i32 to index
          %parallel_loop3A_434 = arith.index_cast %parallel_loop3A_341 : i32 to index
          %parallel_loop3A_435 = arith.constant 80 : index
          %parallel_loop3A_436 = tpu.vector_load %arg9[%parallel_loop3A_433, %parallel_loop3A_434, %parallel_loop3A_435] {strides = array<i32>} : memref<2x40x128xf32, #tpu.memory_space<vmem>>, vector<1x1x16xf32>,
          %parallel_loop3A_437 = vector.shape_cast %parallel_loop3A_436 : vector<1x1x16xf32> to vector<16xf32>
          %parallel_loop3A_438 = arith.index_cast %parallel_loop3A_341 : i32 to index
          %parallel_loop3A_439 = arith.constant 80 : index
          %parallel_loop3A_440 = tpu.vector_load %arg11[%parallel_loop3A_438, %parallel_loop3A_439] {strides = array<i32>} : memref<40x128xf32, #tpu.memory_space<vmem>>, vector<1x16xf32>,
          %parallel_loop3A_441 = vector.shape_cast %parallel_loop3A_440 : vector<1x16xf32> to vector<16xf32>
          %parallel_loop3A_442 = arith.mulf %parallel_loop3A_437, %parallel_loop3A_441 : vector<16xf32>
          %parallel_loop3A_443 = arith.constant 1 : i32
          %parallel_loop3A_444 = arith.index_cast %parallel_loop3A_443 : i32 to index
          %parallel_loop3A_445 = arith.index_cast %parallel_loop3A_341 : i32 to index
          %parallel_loop3A_446 = arith.constant 80 : index
          %parallel_loop3A_447 = tpu.vector_load %arg12[%parallel_loop3A_444, %parallel_loop3A_445, %parallel_loop3A_446] {strides = array<i32>} : memref<2x40x128xf32, #tpu.memory_space<vmem>>, vector<1x1x16xf32>,
          %parallel_loop3A_448 = vector.shape_cast %parallel_loop3A_447 : vector<1x1x16xf32> to vector<16xf32>
          %parallel_loop3A_449 = vector.shape_cast %parallel_loop3A_442 : vector<16xf32> to vector<1x1x16xf32>
          tpu.vector_store %arg12[%parallel_loop3A_444, %parallel_loop3A_445, %parallel_loop3A_446], %parallel_loop3A_449 {strides = array<i32>} : memref<2x40x128xf32, #tpu.memory_space<vmem>>, vector<1x1x16xf32>,
          %parallel_loop3A_450 = arith.constant 1 : i32
          %parallel_loop3A_451 = arith.index_cast %parallel_loop3A_450 : i32 to index
          %parallel_loop3A_452 = arith.index_cast %parallel_loop3A_341 : i32 to index
          %parallel_loop3A_453 = arith.constant 96 : index
          %parallel_loop3A_454 = tpu.vector_load %arg9[%parallel_loop3A_451, %parallel_loop3A_452, %parallel_loop3A_453] {strides = array<i32>} : memref<2x40x128xf32, #tpu.memory_space<vmem>>, vector<1x1x16xf32>,
          %parallel_loop3A_455 = vector.shape_cast %parallel_loop3A_454 : vector<1x1x16xf32> to vector<16xf32>
          %parallel_loop3A_456 = arith.index_cast %parallel_loop3A_341 : i32 to index
          %parallel_loop3A_457 = arith.constant 96 : index
          %parallel_loop3A_458 = tpu.vector_load %arg11[%parallel_loop3A_456, %parallel_loop3A_457] {strides = array<i32>} : memref<40x128xf32, #tpu.memory_space<vmem>>, vector<1x16xf32>,
          %parallel_loop3A_459 = vector.shape_cast %parallel_loop3A_458 : vector<1x16xf32> to vector<16xf32>
          %parallel_loop3A_460 = arith.mulf %parallel_loop3A_455, %parallel_loop3A_459 : vector<16xf32>
          %parallel_loop3A_461 = arith.constant 1 : i32
          %parallel_loop3A_462 = arith.index_cast %parallel_loop3A_461 : i32 to index
          %parallel_loop3A_463 = arith.index_cast %parallel_loop3A_341 : i32 to index
          %parallel_loop3A_464 = arith.constant 96 : index
          %parallel_loop3A_465 = tpu.vector_load %arg12[%parallel_loop3A_462, %parallel_loop3A_463, %parallel_loop3A_464] {strides = array<i32>} : memref<2x40x128xf32, #tpu.memory_space<vmem>>, vector<1x1x16xf32>,
          %parallel_loop3A_466 = vector.shape_cast %parallel_loop3A_465 : vector<1x1x16xf32> to vector<16xf32>
          %parallel_loop3A_467 = vector.shape_cast %parallel_loop3A_460 : vector<16xf32> to vector<1x1x16xf32>
          tpu.vector_store %arg12[%parallel_loop3A_462, %parallel_loop3A_463, %parallel_loop3A_464], %parallel_loop3A_467 {strides = array<i32>} : memref<2x40x128xf32, #tpu.memory_space<vmem>>, vector<1x1x16xf32>,
          %parallel_loop3A_468 = arith.constant 1 : i32
          %parallel_loop3A_469 = arith.index_cast %parallel_loop3A_468 : i32 to index
          %parallel_loop3A_470 = arith.index_cast %parallel_loop3A_341 : i32 to index
          %parallel_loop3A_471 = arith.constant 112 : index
          %parallel_loop3A_472 = tpu.vector_load %arg9[%parallel_loop3A_469, %parallel_loop3A_470, %parallel_loop3A_471] {strides = array<i32>} : memref<2x40x128xf32, #tpu.memory_space<vmem>>, vector<1x1x16xf32>,
          %parallel_loop3A_473 = vector.shape_cast %parallel_loop3A_472 : vector<1x1x16xf32> to vector<16xf32>
          %parallel_loop3A_474 = arith.index_cast %parallel_loop3A_341 : i32 to index
          %parallel_loop3A_475 = arith.constant 112 : index
          %parallel_loop3A_476 = tpu.vector_load %arg11[%parallel_loop3A_474, %parallel_loop3A_475] {strides = array<i32>} : memref<40x128xf32, #tpu.memory_space<vmem>>, vector<1x16xf32>,
          %parallel_loop3A_477 = vector.shape_cast %parallel_loop3A_476 : vector<1x16xf32> to vector<16xf32>
          %parallel_loop3A_478 = arith.mulf %parallel_loop3A_473, %parallel_loop3A_477 : vector<16xf32>
          %parallel_loop3A_479 = arith.constant 1 : i32
          %parallel_loop3A_480 = arith.index_cast %parallel_loop3A_479 : i32 to index
          %parallel_loop3A_481 = arith.index_cast %parallel_loop3A_341 : i32 to index
          %parallel_loop3A_482 = arith.constant 112 : index
          %parallel_loop3A_483 = tpu.vector_load %arg12[%parallel_loop3A_480, %parallel_loop3A_481, %parallel_loop3A_482] {strides = array<i32>} : memref<2x40x128xf32, #tpu.memory_space<vmem>>, vector<1x1x16xf32>,
          %parallel_loop3A_484 = vector.shape_cast %parallel_loop3A_483 : vector<1x1x16xf32> to vector<16xf32>
          %parallel_loop3A_485 = vector.shape_cast %parallel_loop3A_478 : vector<16xf32> to vector<1x1x16xf32>
          tpu.vector_store %arg12[%parallel_loop3A_480, %parallel_loop3A_481, %parallel_loop3A_482], %parallel_loop3A_485 {strides = array<i32>} : memref<2x40x128xf32, #tpu.memory_space<vmem>>, vector<1x1x16xf32>,
        } {sc.loop_unroll_factor = 4 : i64, sc.parallel_access}
        %dma_start3A_330 = arith.constant 1 : i32
        %dma_start3A_331 = arith.constant 0 : i32
        %dma_start3A_332 = arith.constant 0 : i32
        %dma_start3A_333 = tpu.memref_slice %arg12[%dma_start3A_330, %dma_start3A_331, %dma_start3A_332] : memref<2x40x128xf32, #tpu.memory_space<vmem>> -> memref<1x40x128xf32, #tpu.memory_space<vmem>>
        %dma_start3A_334 = tpu.memref_squeeze %dma_start3A_333 : memref<1x40x128xf32, #tpu.memory_space<vmem>> -> memref<40x128xf32, #tpu.memory_space<vmem>>
        %dma_start3A_335 = arith.constant 0 : i32
        %dma_start3A_336 = tpu.memref_slice %arg8[%add3A_300, %dma_start3A_335] : memref<50x40xi32, #tpu.memory_space<vmem>> -> memref<1x40xi32, #tpu.memory_space<vmem>>
        %dma_start3A_337 = tpu.memref_squeeze %dma_start3A_336 : memref<1x40xi32, #tpu.memory_space<vmem>> -> memref<40xi32, #tpu.memory_space<vmem>>
        %dma_start3A_338 = arith.constant 0 : i32
        %dma_start3A_339 = arith.constant 0 : i32
        %dma_start3A_340 = tpu.memref_slice %arg13[%dma_start3A_338, %dma_start3A_339] : memref<10240x128xf32, #tpu.memory_space<vmem_shared>> -> memref<10240x128xf32, #tpu.memory_space<vmem_shared>>
        tpu.enqueue_indirect_dma source(%dma_start3A_334 : memref<40x128xf32, #tpu.memory_space<vmem>>) target(%dma_start3A_340 : memref<10240x128xf32, #tpu.memory_space<vmem_shared>>) offsets(%dma_start3A_337 : memref<40xi32, #tpu.memory_space<vmem>>) semaphore(%arg19 : memref<!tpu.dma_semaphore, #tpu.memory_space<semaphore_mem>>) {add = true}
      }
      %scan3A_93 = arith.constant 24 : i32
      %dma_start3A_94 = arith.constant 1 : i32
      %dma_start3A_95 = arith.constant 0 : i32
      %dma_start3A_96 = arith.constant 0 : i32
      %dma_start3A_97 = tpu.memref_slice %arg9[%dma_start3A_94, %dma_start3A_95, %dma_start3A_96] : memref<2x40x128xf32, #tpu.memory_space<vmem>> -> memref<1x40x128xf32, #tpu.memory_space<vmem>>
      %dma_start3A_98 = tpu.memref_squeeze %dma_start3A_97 : memref<1x40x128xf32, #tpu.memory_space<vmem>> -> memref<40x128xf32, #tpu.memory_space<vmem>>
      %dma_start3A_99 = arith.constant 1960 : i32
      %dma_start3A_100 = tpu.memref_slice %arg7[%dma_start3A_99] : memref<2000xi32, #tpu.memory_space<vmem>> -> memref<40xi32, #tpu.memory_space<vmem>>
      %dma_start3A_101 = arith.constant 0 : i32
      %dma_start3A_102 = arith.constant 0 : i32
      %dma_start3A_103 = tpu.memref_slice %arg2[%dma_start3A_101, %dma_start3A_102] : memref<20000x128xf32, #tpu.memory_space<hbm>> -> memref<20000x128xf32, #tpu.memory_space<hbm>>
      tpu.enqueue_indirect_dma source(%dma_start3A_103 : memref<20000x128xf32, #tpu.memory_space<hbm>>) target(%dma_start3A_98 : memref<40x128xf32, #tpu.memory_space<vmem>>) offsets(%dma_start3A_100 : memref<40xi32, #tpu.memory_space<vmem>>) semaphore(%arg15 : memref<!tpu.dma_semaphore, #tpu.memory_space<semaphore_mem>>)
      %mul3A_104 = arith.constant 160000 : i32
      %mul3A_105 = arith.muli %arg0, %mul3A_104 : i32
      %mul3A_106 = arith.constant 10000 : i32
      %mul3A_107 = arith.muli %arg1, %mul3A_106 : i32
      %add3A_108 = arith.addi %mul3A_105, %mul3A_107 : i32
      %mul3A_109 = arith.constant 2000 : i32
      %mul3A_110 = arith.muli %scan3A_52, %mul3A_109 : i32
      %add3A_111 = arith.addi %add3A_108, %mul3A_110 : i32
      %add3A_112 = arith.constant 1960 : i32
      %add3A_113 = arith.addi %add3A_111, %add3A_112 : i32
      %dma_start3A_114 = arith.constant 0 : i32
      %dma_start3A_115 = tpu.memref_slice %arg3[%add3A_113, %dma_start3A_114] : memref<320000x128xf32, #tpu.memory_space<hbm>> -> memref<40x128xf32, #tpu.memory_space<hbm>>
      %dma_start3A_116 = arith.constant 0 : i32
      %dma_start3A_117 = tpu.memref_slice %arg3[%add3A_113, %dma_start3A_116] : memref<320000x128xf32, #tpu.memory_space<hbm>> -> memref<40x128xf32, #tpu.memory_space<hbm>>
      tpu.enqueue_dma source(%dma_start3A_117 : memref<40x128xf32, #tpu.memory_space<hbm>>) target(%arg11 : memref<40x128xf32, #tpu.memory_space<vmem>>) target_semaphore(%arg17 : memref<!tpu.dma_semaphore, #tpu.memory_space<semaphore_mem>>)
      %dma_wait3A_118 = arith.constant 0 : i32
      %dma_wait3A_119 = arith.constant 0 : i32
      %dma_wait3A_120 = arith.constant 0 : i32
      %dma_wait3A_121 = tpu.memref_slice %arg9[%dma_wait3A_118, %dma_wait3A_119, %dma_wait3A_120] : memref<2x40x128xf32, #tpu.memory_space<vmem>> -> memref<1x40x128xf32, #tpu.memory_space<vmem>>
      %dma_wait3A_122 = tpu.memref_squeeze %dma_wait3A_121 : memref<1x40x128xf32, #tpu.memory_space<vmem>> -> memref<40x128xf32, #tpu.memory_space<vmem>>
      %dma_wait3A_123 = arith.constant 0 : i32
      %dma_wait3A_124 = arith.constant 0 : i32
      %dma_wait3A_125 = tpu.memref_slice %arg2[%dma_wait3A_123, %dma_wait3A_124] : memref<20000x128xf32, #tpu.memory_space<hbm>> -> memref<40x128xf32, #tpu.memory_space<hbm>>
      %dma_wait3A_126 = arith.constant 0 : i32
      %dma_wait3A_127 = arith.constant 0 : i32
      %dma_wait3A_128 = tpu.memref_slice %arg9[%dma_wait3A_118, %dma_wait3A_126, %dma_wait3A_127] : memref<2x40x128xf32, #tpu.memory_space<vmem>> -> memref<1x40x128xf32, #tpu.memory_space<vmem>>
      %dma_wait3A_129 = tpu.memref_squeeze %dma_wait3A_128 : memref<1x40x128xf32, #tpu.memory_space<vmem>> -> memref<40x128xf32, #tpu.memory_space<vmem>>
      %dma_wait3A_130 = arith.constant 0 : i32
      %dma_wait3A_131 = arith.constant 0 : i32
      %dma_wait3A_132 = tpu.memref_slice %arg2[%dma_wait3A_130, %dma_wait3A_131] : memref<20000x128xf32, #tpu.memory_space<hbm>> -> memref<40x128xf32, #tpu.memory_space<hbm>>
      tpu.wait_dma2 semaphore(%arg14 : memref<!tpu.dma_semaphore, #tpu.memory_space<semaphore_mem>>) src(%dma_wait3A_132 : memref<40x128xf32, #tpu.memory_space<hbm>>) dst(%dma_wait3A_129 : memref<40x128xf32, #tpu.memory_space<vmem>>)
      %dma_wait3A_133 = arith.constant 0 : i32
      %dma_wait3A_134 = arith.constant 0 : i32
      %dma_wait3A_135 = tpu.memref_slice %arg3[%dma_wait3A_133, %dma_wait3A_134] : memref<320000x128xf32, #tpu.memory_space<hbm>> -> memref<40x128xf32, #tpu.memory_space<hbm>>
      %dma_wait3A_136 = arith.constant 0 : i32
      %dma_wait3A_137 = arith.constant 0 : i32
      %dma_wait3A_138 = tpu.memref_slice %arg3[%dma_wait3A_136, %dma_wait3A_137] : memref<320000x128xf32, #tpu.memory_space<hbm>> -> memref<40x128xf32, #tpu.memory_space<hbm>>
      tpu.wait_dma2 semaphore(%arg16 : memref<!tpu.dma_semaphore, #tpu.memory_space<semaphore_mem>>) src(%dma_wait3A_138 : memref<40x128xf32, #tpu.memory_space<hbm>>) dst(%arg10 : memref<40x128xf32, #tpu.memory_space<vmem>>)
      %ge3A = arith.constant 48 : i32
      %ge3A_139 = arith.constant 2 : i32
      %ge3A_140 = arith.cmpi sge, %ge3A, %ge3A_139 : i32
      %convert_element_type3A_141 = arith.extui %ge3A_140 : i1 to i32
      %cond3A_142 = arith.constant 0 : i32
      %cond3A_143 = arith.cmpi ne, %convert_element_type3A_141, %cond3A_142 : i32
      scf.if %cond3A_143 {
        %dma_wait3A_200 = arith.constant 0 : i32
        %dma_wait3A_201 = arith.constant 0 : i32
        %dma_wait3A_202 = arith.constant 0 : i32
        %dma_wait3A_203 = tpu.memref_slice %arg12[%dma_wait3A_200, %dma_wait3A_201, %dma_wait3A_202] : memref<2x40x128xf32, #tpu.memory_space<vmem>> -> memref<1x40x128xf32, #tpu.memory_space<vmem>>
        %dma_wait3A_204 = tpu.memref_squeeze %dma_wait3A_203 : memref<1x40x128xf32, #tpu.memory_space<vmem>> -> memref<40x128xf32, #tpu.memory_space<vmem>>
        %dma_wait3A_205 = arith.constant 0 : i32
        %dma_wait3A_206 = arith.constant 0 : i32
        %dma_wait3A_207 = tpu.memref_slice %arg13[%dma_wait3A_205, %dma_wait3A_206] : memref<10240x128xf32, #tpu.memory_space<vmem_shared>> -> memref<40x128xf32, #tpu.memory_space<vmem_shared>>
        %dma_wait3A_208 = arith.constant 0 : i32
        %dma_wait3A_209 = arith.constant 0 : i32
        %dma_wait3A_210 = tpu.memref_slice %arg13[%dma_wait3A_208, %dma_wait3A_209] : memref<10240x128xf32, #tpu.memory_space<vmem_shared>> -> memref<40x128xf32, #tpu.memory_space<vmem_shared>>
        %dma_wait3A_211 = arith.constant 0 : i32
        %dma_wait3A_212 = arith.constant 0 : i32
        %dma_wait3A_213 = tpu.memref_slice %arg12[%dma_wait3A_200, %dma_wait3A_211, %dma_wait3A_212] : memref<2x40x128xf32, #tpu.memory_space<vmem>> -> memref<1x40x128xf32, #tpu.memory_space<vmem>>
        %dma_wait3A_214 = tpu.memref_squeeze %dma_wait3A_213 : memref<1x40x128xf32, #tpu.memory_space<vmem>> -> memref<40x128xf32, #tpu.memory_space<vmem>>
        tpu.wait_dma2 semaphore(%arg18 : memref<!tpu.dma_semaphore, #tpu.memory_space<semaphore_mem>>) src(%dma_wait3A_214 : memref<40x128xf32, #tpu.memory_space<vmem>>) dst(%dma_wait3A_210 : memref<40x128xf32, #tpu.memory_space<vmem_shared>>)
      } else {
      }
      %parallel_loop3A = arith.constant 0 : i32
      %parallel_loop3A_144 = arith.constant 40 : i32
      %parallel_loop3A_145 = arith.constant 1 : i32
      scf.for %parallel_loop3A_200 = %parallel_loop3A to %parallel_loop3A_144 step %parallel_loop3A_145  : i32 {
        %parallel_loop3A_201 = arith.constant 0 : i32
        %parallel_loop3A_202 = arith.index_cast %parallel_loop3A_201 : i32 to index
        %parallel_loop3A_203 = arith.index_cast %parallel_loop3A_200 : i32 to index
        %parallel_loop3A_204 = arith.constant 0 : index
        %parallel_loop3A_205 = tpu.vector_load %arg9[%parallel_loop3A_202, %parallel_loop3A_203, %parallel_loop3A_204] {strides = array<i32>} : memref<2x40x128xf32, #tpu.memory_space<vmem>>, vector<1x1x16xf32>,
        %parallel_loop3A_206 = vector.shape_cast %parallel_loop3A_205 : vector<1x1x16xf32> to vector<16xf32>
        %parallel_loop3A_207 = arith.index_cast %parallel_loop3A_200 : i32 to index
        %parallel_loop3A_208 = arith.constant 0 : index
        %parallel_loop3A_209 = tpu.vector_load %arg10[%parallel_loop3A_207, %parallel_loop3A_208] {strides = array<i32>} : memref<40x128xf32, #tpu.memory_space<vmem>>, vector<1x16xf32>,
        %parallel_loop3A_210 = vector.shape_cast %parallel_loop3A_209 : vector<1x16xf32> to vector<16xf32>
        %parallel_loop3A_211 = arith.mulf %parallel_loop3A_206, %parallel_loop3A_210 : vector<16xf32>
        %parallel_loop3A_212 = arith.constant 0 : i32
        %parallel_loop3A_213 = arith.index_cast %parallel_loop3A_212 : i32 to index
        %parallel_loop3A_214 = arith.index_cast %parallel_loop3A_200 : i32 to index
        %parallel_loop3A_215 = arith.constant 0 : index
        %parallel_loop3A_216 = tpu.vector_load %arg12[%parallel_loop3A_213, %parallel_loop3A_214, %parallel_loop3A_215] {strides = array<i32>} : memref<2x40x128xf32, #tpu.memory_space<vmem>>, vector<1x1x16xf32>,
        %parallel_loop3A_217 = vector.shape_cast %parallel_loop3A_216 : vector<1x1x16xf32> to vector<16xf32>
        %parallel_loop3A_218 = vector.shape_cast %parallel_loop3A_211 : vector<16xf32> to vector<1x1x16xf32>
        tpu.vector_store %arg12[%parallel_loop3A_213, %parallel_loop3A_214, %parallel_loop3A_215], %parallel_loop3A_218 {strides = array<i32>} : memref<2x40x128xf32, #tpu.memory_space<vmem>>, vector<1x1x16xf32>,
        %parallel_loop3A_219 = arith.constant 0 : i32
        %parallel_loop3A_220 = arith.index_cast %parallel_loop3A_219 : i32 to index
        %parallel_loop3A_221 = arith.index_cast %parallel_loop3A_200 : i32 to index
        %parallel_loop3A_222 = arith.constant 16 : index
        %parallel_loop3A_223 = tpu.vector_load %arg9[%parallel_loop3A_220, %parallel_loop3A_221, %parallel_loop3A_222] {strides = array<i32>} : memref<2x40x128xf32, #tpu.memory_space<vmem>>, vector<1x1x16xf32>,
        %parallel_loop3A_224 = vector.shape_cast %parallel_loop3A_223 : vector<1x1x16xf32> to vector<16xf32>
        %parallel_loop3A_225 = arith.index_cast %parallel_loop3A_200 : i32 to index
        %parallel_loop3A_226 = arith.constant 16 : index
        %parallel_loop3A_227 = tpu.vector_load %arg10[%parallel_loop3A_225, %parallel_loop3A_226] {strides = array<i32>} : memref<40x128xf32, #tpu.memory_space<vmem>>, vector<1x16xf32>,
        %parallel_loop3A_228 = vector.shape_cast %parallel_loop3A_227 : vector<1x16xf32> to vector<16xf32>
        %parallel_loop3A_229 = arith.mulf %parallel_loop3A_224, %parallel_loop3A_228 : vector<16xf32>
        %parallel_loop3A_230 = arith.constant 0 : i32
        %parallel_loop3A_231 = arith.index_cast %parallel_loop3A_230 : i32 to index
        %parallel_loop3A_232 = arith.index_cast %parallel_loop3A_200 : i32 to index
        %parallel_loop3A_233 = arith.constant 16 : index
        %parallel_loop3A_234 = tpu.vector_load %arg12[%parallel_loop3A_231, %parallel_loop3A_232, %parallel_loop3A_233] {strides = array<i32>} : memref<2x40x128xf32, #tpu.memory_space<vmem>>, vector<1x1x16xf32>,
        %parallel_loop3A_235 = vector.shape_cast %parallel_loop3A_234 : vector<1x1x16xf32> to vector<16xf32>
        %parallel_loop3A_236 = vector.shape_cast %parallel_loop3A_229 : vector<16xf32> to vector<1x1x16xf32>
        tpu.vector_store %arg12[%parallel_loop3A_231, %parallel_loop3A_232, %parallel_loop3A_233], %parallel_loop3A_236 {strides = array<i32>} : memref<2x40x128xf32, #tpu.memory_space<vmem>>, vector<1x1x16xf32>,
        %parallel_loop3A_237 = arith.constant 0 : i32
        %parallel_loop3A_238 = arith.index_cast %parallel_loop3A_237 : i32 to index
        %parallel_loop3A_239 = arith.index_cast %parallel_loop3A_200 : i32 to index
        %parallel_loop3A_240 = arith.constant 32 : index
        %parallel_loop3A_241 = tpu.vector_load %arg9[%parallel_loop3A_238, %parallel_loop3A_239, %parallel_loop3A_240] {strides = array<i32>} : memref<2x40x128xf32, #tpu.memory_space<vmem>>, vector<1x1x16xf32>,
        %parallel_loop3A_242 = vector.shape_cast %parallel_loop3A_241 : vector<1x1x16xf32> to vector<16xf32>
        %parallel_loop3A_243 = arith.index_cast %parallel_loop3A_200 : i32 to index
        %parallel_loop3A_244 = arith.constant 32 : index
        %parallel_loop3A_245 = tpu.vector_load %arg10[%parallel_loop3A_243, %parallel_loop3A_244] {strides = array<i32>} : memref<40x128xf32, #tpu.memory_space<vmem>>, vector<1x16xf32>,
        %parallel_loop3A_246 = vector.shape_cast %parallel_loop3A_245 : vector<1x16xf32> to vector<16xf32>
        %parallel_loop3A_247 = arith.mulf %parallel_loop3A_242, %parallel_loop3A_246 : vector<16xf32>
        %parallel_loop3A_248 = arith.constant 0 : i32
        %parallel_loop3A_249 = arith.index_cast %parallel_loop3A_248 : i32 to index
        %parallel_loop3A_250 = arith.index_cast %parallel_loop3A_200 : i32 to index
        %parallel_loop3A_251 = arith.constant 32 : index
        %parallel_loop3A_252 = tpu.vector_load %arg12[%parallel_loop3A_249, %parallel_loop3A_250, %parallel_loop3A_251] {strides = array<i32>} : memref<2x40x128xf32, #tpu.memory_space<vmem>>, vector<1x1x16xf32>,
        %parallel_loop3A_253 = vector.shape_cast %parallel_loop3A_252 : vector<1x1x16xf32> to vector<16xf32>
        %parallel_loop3A_254 = vector.shape_cast %parallel_loop3A_247 : vector<16xf32> to vector<1x1x16xf32>
        tpu.vector_store %arg12[%parallel_loop3A_249, %parallel_loop3A_250, %parallel_loop3A_251], %parallel_loop3A_254 {strides = array<i32>} : memref<2x40x128xf32, #tpu.memory_space<vmem>>, vector<1x1x16xf32>,
        %parallel_loop3A_255 = arith.constant 0 : i32
        %parallel_loop3A_256 = arith.index_cast %parallel_loop3A_255 : i32 to index
        %parallel_loop3A_257 = arith.index_cast %parallel_loop3A_200 : i32 to index
        %parallel_loop3A_258 = arith.constant 48 : index
        %parallel_loop3A_259 = tpu.vector_load %arg9[%parallel_loop3A_256, %parallel_loop3A_257, %parallel_loop3A_258] {strides = array<i32>} : memref<2x40x128xf32, #tpu.memory_space<vmem>>, vector<1x1x16xf32>,
        %parallel_loop3A_260 = vector.shape_cast %parallel_loop3A_259 : vector<1x1x16xf32> to vector<16xf32>
        %parallel_loop3A_261 = arith.index_cast %parallel_loop3A_200 : i32 to index
        %parallel_loop3A_262 = arith.constant 48 : index
        %parallel_loop3A_263 = tpu.vector_load %arg10[%parallel_loop3A_261, %parallel_loop3A_262] {strides = array<i32>} : memref<40x128xf32, #tpu.memory_space<vmem>>, vector<1x16xf32>,
        %parallel_loop3A_264 = vector.shape_cast %parallel_loop3A_263 : vector<1x16xf32> to vector<16xf32>
        %parallel_loop3A_265 = arith.mulf %parallel_loop3A_260, %parallel_loop3A_264 : vector<16xf32>
        %parallel_loop3A_266 = arith.constant 0 : i32
        %parallel_loop3A_267 = arith.index_cast %parallel_loop3A_266 : i32 to index
        %parallel_loop3A_268 = arith.index_cast %parallel_loop3A_200 : i32 to index
        %parallel_loop3A_269 = arith.constant 48 : index
        %parallel_loop3A_270 = tpu.vector_load %arg12[%parallel_loop3A_267, %parallel_loop3A_268, %parallel_loop3A_269] {strides = array<i32>} : memref<2x40x128xf32, #tpu.memory_space<vmem>>, vector<1x1x16xf32>,
        %parallel_loop3A_271 = vector.shape_cast %parallel_loop3A_270 : vector<1x1x16xf32> to vector<16xf32>
        %parallel_loop3A_272 = vector.shape_cast %parallel_loop3A_265 : vector<16xf32> to vector<1x1x16xf32>
        tpu.vector_store %arg12[%parallel_loop3A_267, %parallel_loop3A_268, %parallel_loop3A_269], %parallel_loop3A_272 {strides = array<i32>} : memref<2x40x128xf32, #tpu.memory_space<vmem>>, vector<1x1x16xf32>,
        %parallel_loop3A_273 = arith.constant 0 : i32
        %parallel_loop3A_274 = arith.index_cast %parallel_loop3A_273 : i32 to index
        %parallel_loop3A_275 = arith.index_cast %parallel_loop3A_200 : i32 to index
        %parallel_loop3A_276 = arith.constant 64 : index
        %parallel_loop3A_277 = tpu.vector_load %arg9[%parallel_loop3A_274, %parallel_loop3A_275, %parallel_loop3A_276] {strides = array<i32>} : memref<2x40x128xf32, #tpu.memory_space<vmem>>, vector<1x1x16xf32>,
        %parallel_loop3A_278 = vector.shape_cast %parallel_loop3A_277 : vector<1x1x16xf32> to vector<16xf32>
        %parallel_loop3A_279 = arith.index_cast %parallel_loop3A_200 : i32 to index
        %parallel_loop3A_280 = arith.constant 64 : index
        %parallel_loop3A_281 = tpu.vector_load %arg10[%parallel_loop3A_279, %parallel_loop3A_280] {strides = array<i32>} : memref<40x128xf32, #tpu.memory_space<vmem>>, vector<1x16xf32>,
        %parallel_loop3A_282 = vector.shape_cast %parallel_loop3A_281 : vector<1x16xf32> to vector<16xf32>
        %parallel_loop3A_283 = arith.mulf %parallel_loop3A_278, %parallel_loop3A_282 : vector<16xf32>
        %parallel_loop3A_284 = arith.constant 0 : i32
        %parallel_loop3A_285 = arith.index_cast %parallel_loop3A_284 : i32 to index
        %parallel_loop3A_286 = arith.index_cast %parallel_loop3A_200 : i32 to index
        %parallel_loop3A_287 = arith.constant 64 : index
        %parallel_loop3A_288 = tpu.vector_load %arg12[%parallel_loop3A_285, %parallel_loop3A_286, %parallel_loop3A_287] {strides = array<i32>} : memref<2x40x128xf32, #tpu.memory_space<vmem>>, vector<1x1x16xf32>,
        %parallel_loop3A_289 = vector.shape_cast %parallel_loop3A_288 : vector<1x1x16xf32> to vector<16xf32>
        %parallel_loop3A_290 = vector.shape_cast %parallel_loop3A_283 : vector<16xf32> to vector<1x1x16xf32>
        tpu.vector_store %arg12[%parallel_loop3A_285, %parallel_loop3A_286, %parallel_loop3A_287], %parallel_loop3A_290 {strides = array<i32>} : memref<2x40x128xf32, #tpu.memory_space<vmem>>, vector<1x1x16xf32>,
        %parallel_loop3A_291 = arith.constant 0 : i32
        %parallel_loop3A_292 = arith.index_cast %parallel_loop3A_291 : i32 to index
        %parallel_loop3A_293 = arith.index_cast %parallel_loop3A_200 : i32 to index
        %parallel_loop3A_294 = arith.constant 80 : index
        %parallel_loop3A_295 = tpu.vector_load %arg9[%parallel_loop3A_292, %parallel_loop3A_293, %parallel_loop3A_294] {strides = array<i32>} : memref<2x40x128xf32, #tpu.memory_space<vmem>>, vector<1x1x16xf32>,
        %parallel_loop3A_296 = vector.shape_cast %parallel_loop3A_295 : vector<1x1x16xf32> to vector<16xf32>
        %parallel_loop3A_297 = arith.index_cast %parallel_loop3A_200 : i32 to index
        %parallel_loop3A_298 = arith.constant 80 : index
        %parallel_loop3A_299 = tpu.vector_load %arg10[%parallel_loop3A_297, %parallel_loop3A_298] {strides = array<i32>} : memref<40x128xf32, #tpu.memory_space<vmem>>, vector<1x16xf32>,
        %parallel_loop3A_300 = vector.shape_cast %parallel_loop3A_299 : vector<1x16xf32> to vector<16xf32>
        %parallel_loop3A_301 = arith.mulf %parallel_loop3A_296, %parallel_loop3A_300 : vector<16xf32>
        %parallel_loop3A_302 = arith.constant 0 : i32
        %parallel_loop3A_303 = arith.index_cast %parallel_loop3A_302 : i32 to index
        %parallel_loop3A_304 = arith.index_cast %parallel_loop3A_200 : i32 to index
        %parallel_loop3A_305 = arith.constant 80 : index
        %parallel_loop3A_306 = tpu.vector_load %arg12[%parallel_loop3A_303, %parallel_loop3A_304, %parallel_loop3A_305] {strides = array<i32>} : memref<2x40x128xf32, #tpu.memory_space<vmem>>, vector<1x1x16xf32>,
        %parallel_loop3A_307 = vector.shape_cast %parallel_loop3A_306 : vector<1x1x16xf32> to vector<16xf32>
        %parallel_loop3A_308 = vector.shape_cast %parallel_loop3A_301 : vector<16xf32> to vector<1x1x16xf32>
        tpu.vector_store %arg12[%parallel_loop3A_303, %parallel_loop3A_304, %parallel_loop3A_305], %parallel_loop3A_308 {strides = array<i32>} : memref<2x40x128xf32, #tpu.memory_space<vmem>>, vector<1x1x16xf32>,
        %parallel_loop3A_309 = arith.constant 0 : i32
        %parallel_loop3A_310 = arith.index_cast %parallel_loop3A_309 : i32 to index
        %parallel_loop3A_311 = arith.index_cast %parallel_loop3A_200 : i32 to index
        %parallel_loop3A_312 = arith.constant 96 : index
        %parallel_loop3A_313 = tpu.vector_load %arg9[%parallel_loop3A_310, %parallel_loop3A_311, %parallel_loop3A_312] {strides = array<i32>} : memref<2x40x128xf32, #tpu.memory_space<vmem>>, vector<1x1x16xf32>,
        %parallel_loop3A_314 = vector.shape_cast %parallel_loop3A_313 : vector<1x1x16xf32> to vector<16xf32>
        %parallel_loop3A_315 = arith.index_cast %parallel_loop3A_200 : i32 to index
        %parallel_loop3A_316 = arith.constant 96 : index
        %parallel_loop3A_317 = tpu.vector_load %arg10[%parallel_loop3A_315, %parallel_loop3A_316] {strides = array<i32>} : memref<40x128xf32, #tpu.memory_space<vmem>>, vector<1x16xf32>,
        %parallel_loop3A_318 = vector.shape_cast %parallel_loop3A_317 : vector<1x16xf32> to vector<16xf32>
        %parallel_loop3A_319 = arith.mulf %parallel_loop3A_314, %parallel_loop3A_318 : vector<16xf32>
        %parallel_loop3A_320 = arith.constant 0 : i32
        %parallel_loop3A_321 = arith.index_cast %parallel_loop3A_320 : i32 to index
        %parallel_loop3A_322 = arith.index_cast %parallel_loop3A_200 : i32 to index
        %parallel_loop3A_323 = arith.constant 96 : index
        %parallel_loop3A_324 = tpu.vector_load %arg12[%parallel_loop3A_321, %parallel_loop3A_322, %parallel_loop3A_323] {strides = array<i32>} : memref<2x40x128xf32, #tpu.memory_space<vmem>>, vector<1x1x16xf32>,
        %parallel_loop3A_325 = vector.shape_cast %parallel_loop3A_324 : vector<1x1x16xf32> to vector<16xf32>
        %parallel_loop3A_326 = vector.shape_cast %parallel_loop3A_319 : vector<16xf32> to vector<1x1x16xf32>
        tpu.vector_store %arg12[%parallel_loop3A_321, %parallel_loop3A_322, %parallel_loop3A_323], %parallel_loop3A_326 {strides = array<i32>} : memref<2x40x128xf32, #tpu.memory_space<vmem>>, vector<1x1x16xf32>,
        %parallel_loop3A_327 = arith.constant 0 : i32
        %parallel_loop3A_328 = arith.index_cast %parallel_loop3A_327 : i32 to index
        %parallel_loop3A_329 = arith.index_cast %parallel_loop3A_200 : i32 to index
        %parallel_loop3A_330 = arith.constant 112 : index
        %parallel_loop3A_331 = tpu.vector_load %arg9[%parallel_loop3A_328, %parallel_loop3A_329, %parallel_loop3A_330] {strides = array<i32>} : memref<2x40x128xf32, #tpu.memory_space<vmem>>, vector<1x1x16xf32>,
        %parallel_loop3A_332 = vector.shape_cast %parallel_loop3A_331 : vector<1x1x16xf32> to vector<16xf32>
        %parallel_loop3A_333 = arith.index_cast %parallel_loop3A_200 : i32 to index
        %parallel_loop3A_334 = arith.constant 112 : index
        %parallel_loop3A_335 = tpu.vector_load %arg10[%parallel_loop3A_333, %parallel_loop3A_334] {strides = array<i32>} : memref<40x128xf32, #tpu.memory_space<vmem>>, vector<1x16xf32>,
        %parallel_loop3A_336 = vector.shape_cast %parallel_loop3A_335 : vector<1x16xf32> to vector<16xf32>
        %parallel_loop3A_337 = arith.mulf %parallel_loop3A_332, %parallel_loop3A_336 : vector<16xf32>
        %parallel_loop3A_338 = arith.constant 0 : i32
        %parallel_loop3A_339 = arith.index_cast %parallel_loop3A_338 : i32 to index
        %parallel_loop3A_340 = arith.index_cast %parallel_loop3A_200 : i32 to index
        %parallel_loop3A_341 = arith.constant 112 : index
        %parallel_loop3A_342 = tpu.vector_load %arg12[%parallel_loop3A_339, %parallel_loop3A_340, %parallel_loop3A_341] {strides = array<i32>} : memref<2x40x128xf32, #tpu.memory_space<vmem>>, vector<1x1x16xf32>,
        %parallel_loop3A_343 = vector.shape_cast %parallel_loop3A_342 : vector<1x1x16xf32> to vector<16xf32>
        %parallel_loop3A_344 = vector.shape_cast %parallel_loop3A_337 : vector<16xf32> to vector<1x1x16xf32>
        tpu.vector_store %arg12[%parallel_loop3A_339, %parallel_loop3A_340, %parallel_loop3A_341], %parallel_loop3A_344 {strides = array<i32>} : memref<2x40x128xf32, #tpu.memory_space<vmem>>, vector<1x1x16xf32>,
      } {sc.loop_unroll_factor = 4 : i64, sc.parallel_access}
      %dma_start3A_146 = arith.constant 0 : i32
      %dma_start3A_147 = arith.constant 48 : i32
      %dma_start3A_148 = arith.constant 0 : i32
      %dma_start3A_149 = arith.constant 0 : i32
      %dma_start3A_150 = tpu.memref_slice %arg12[%dma_start3A_146, %dma_start3A_148, %dma_start3A_149] : memref<2x40x128xf32, #tpu.memory_space<vmem>> -> memref<1x40x128xf32, #tpu.memory_space<vmem>>
      %dma_start3A_151 = tpu.memref_squeeze %dma_start3A_150 : memref<1x40x128xf32, #tpu.memory_space<vmem>> -> memref<40x128xf32, #tpu.memory_space<vmem>>
      %dma_start3A_152 = arith.constant 0 : i32
      %dma_start3A_153 = tpu.memref_slice %arg8[%dma_start3A_147, %dma_start3A_152] : memref<50x40xi32, #tpu.memory_space<vmem>> -> memref<1x40xi32, #tpu.memory_space<vmem>>
      %dma_start3A_154 = tpu.memref_squeeze %dma_start3A_153 : memref<1x40xi32, #tpu.memory_space<vmem>> -> memref<40xi32, #tpu.memory_space<vmem>>
      %dma_start3A_155 = arith.constant 0 : i32
      %dma_start3A_156 = arith.constant 0 : i32
      %dma_start3A_157 = tpu.memref_slice %arg13[%dma_start3A_155, %dma_start3A_156] : memref<10240x128xf32, #tpu.memory_space<vmem_shared>> -> memref<10240x128xf32, #tpu.memory_space<vmem_shared>>
      tpu.enqueue_indirect_dma source(%dma_start3A_151 : memref<40x128xf32, #tpu.memory_space<vmem>>) target(%dma_start3A_157 : memref<10240x128xf32, #tpu.memory_space<vmem_shared>>) offsets(%dma_start3A_154 : memref<40xi32, #tpu.memory_space<vmem>>) semaphore(%arg18 : memref<!tpu.dma_semaphore, #tpu.memory_space<semaphore_mem>>) {add = true}
      %dma_wait3A_158 = arith.constant 1 : i32
      %dma_wait3A_159 = arith.constant 0 : i32
      %dma_wait3A_160 = arith.constant 0 : i32
      %dma_wait3A_161 = tpu.memref_slice %arg9[%dma_wait3A_158, %dma_wait3A_159, %dma_wait3A_160] : memref<2x40x128xf32, #tpu.memory_space<vmem>> -> memref<1x40x128xf32, #tpu.memory_space<vmem>>
      %dma_wait3A_162 = tpu.memref_squeeze %dma_wait3A_161 : memref<1x40x128xf32, #tpu.memory_space<vmem>> -> memref<40x128xf32, #tpu.memory_space<vmem>>
      %dma_wait3A_163 = arith.constant 0 : i32
      %dma_wait3A_164 = arith.constant 0 : i32
      %dma_wait3A_165 = tpu.memref_slice %arg2[%dma_wait3A_163, %dma_wait3A_164] : memref<20000x128xf32, #tpu.memory_space<hbm>> -> memref<40x128xf32, #tpu.memory_space<hbm>>
      %dma_wait3A_166 = arith.constant 0 : i32
      %dma_wait3A_167 = arith.constant 0 : i32
      %dma_wait3A_168 = tpu.memref_slice %arg9[%dma_wait3A_158, %dma_wait3A_166, %dma_wait3A_167] : memref<2x40x128xf32, #tpu.memory_space<vmem>> -> memref<1x40x128xf32, #tpu.memory_space<vmem>>
      %dma_wait3A_169 = tpu.memref_squeeze %dma_wait3A_168 : memref<1x40x128xf32, #tpu.memory_space<vmem>> -> memref<40x128xf32, #tpu.memory_space<vmem>>
      %dma_wait3A_170 = arith.constant 0 : i32
      %dma_wait3A_171 = arith.constant 0 : i32
      %dma_wait3A_172 = tpu.memref_slice %arg2[%dma_wait3A_170, %dma_wait3A_171] : memref<20000x128xf32, #tpu.memory_space<hbm>> -> memref<40x128xf32, #tpu.memory_space<hbm>>
      tpu.wait_dma2 semaphore(%arg15 : memref<!tpu.dma_semaphore, #tpu.memory_space<semaphore_mem>>) src(%dma_wait3A_172 : memref<40x128xf32, #tpu.memory_space<hbm>>) dst(%dma_wait3A_169 : memref<40x128xf32, #tpu.memory_space<vmem>>)
      %dma_wait3A_173 = arith.constant 0 : i32
      %dma_wait3A_174 = arith.constant 0 : i32
      %dma_wait3A_175 = tpu.memref_slice %arg3[%dma_wait3A_173, %dma_wait3A_174] : memref<320000x128xf32, #tpu.memory_space<hbm>> -> memref<40x128xf32, #tpu.memory_space<hbm>>
      %dma_wait3A_176 = arith.constant 0 : i32
      %dma_wait3A_177 = arith.constant 0 : i32
      %dma_wait3A_178 = tpu.memref_slice %arg3[%dma_wait3A_176, %dma_wait3A_177] : memref<320000x128xf32, #tpu.memory_space<hbm>> -> memref<40x128xf32, #tpu.memory_space<hbm>>
      tpu.wait_dma2 semaphore(%arg17 : memref<!tpu.dma_semaphore, #tpu.memory_space<semaphore_mem>>) src(%dma_wait3A_178 : memref<40x128xf32, #tpu.memory_space<hbm>>) dst(%arg11 : memref<40x128xf32, #tpu.memory_space<vmem>>)
      %ge3A_179 = arith.constant 49 : i32
      %ge3A_180 = arith.constant 2 : i32
      %ge3A_181 = arith.cmpi sge, %ge3A_179, %ge3A_180 : i32
      %convert_element_type3A_182 = arith.extui %ge3A_181 : i1 to i32
      %cond3A_183 = arith.constant 0 : i32
      %cond3A_184 = arith.cmpi ne, %convert_element_type3A_182, %cond3A_183 : i32
      scf.if %cond3A_184 {
        %dma_wait3A_200 = arith.constant 1 : i32
        %dma_wait3A_201 = arith.constant 0 : i32
        %dma_wait3A_202 = arith.constant 0 : i32
        %dma_wait3A_203 = tpu.memref_slice %arg12[%dma_wait3A_200, %dma_wait3A_201, %dma_wait3A_202] : memref<2x40x128xf32, #tpu.memory_space<vmem>> -> memref<1x40x128xf32, #tpu.memory_space<vmem>>
        %dma_wait3A_204 = tpu.memref_squeeze %dma_wait3A_203 : memref<1x40x128xf32, #tpu.memory_space<vmem>> -> memref<40x128xf32, #tpu.memory_space<vmem>>
        %dma_wait3A_205 = arith.constant 0 : i32
        %dma_wait3A_206 = arith.constant 0 : i32
        %dma_wait3A_207 = tpu.memref_slice %arg13[%dma_wait3A_205, %dma_wait3A_206] : memref<10240x128xf32, #tpu.memory_space<vmem_shared>> -> memref<40x128xf32, #tpu.memory_space<vmem_shared>>
        %dma_wait3A_208 = arith.constant 0 : i32
        %dma_wait3A_209 = arith.constant 0 : i32
        %dma_wait3A_210 = tpu.memref_slice %arg13[%dma_wait3A_208, %dma_wait3A_209] : memref<10240x128xf32, #tpu.memory_space<vmem_shared>> -> memref<40x128xf32, #tpu.memory_space<vmem_shared>>
        %dma_wait3A_211 = arith.constant 0 : i32
        %dma_wait3A_212 = arith.constant 0 : i32
        %dma_wait3A_213 = tpu.memref_slice %arg12[%dma_wait3A_200, %dma_wait3A_211, %dma_wait3A_212] : memref<2x40x128xf32, #tpu.memory_space<vmem>> -> memref<1x40x128xf32, #tpu.memory_space<vmem>>
        %dma_wait3A_214 = tpu.memref_squeeze %dma_wait3A_213 : memref<1x40x128xf32, #tpu.memory_space<vmem>> -> memref<40x128xf32, #tpu.memory_space<vmem>>
        tpu.wait_dma2 semaphore(%arg19 : memref<!tpu.dma_semaphore, #tpu.memory_space<semaphore_mem>>) src(%dma_wait3A_214 : memref<40x128xf32, #tpu.memory_space<vmem>>) dst(%dma_wait3A_210 : memref<40x128xf32, #tpu.memory_space<vmem_shared>>)
      } else {
      }
      %parallel_loop3A_185 = arith.constant 0 : i32
      %parallel_loop3A_186 = arith.constant 40 : i32
      %parallel_loop3A_187 = arith.constant 1 : i32
      scf.for %parallel_loop3A_200 = %parallel_loop3A_185 to %parallel_loop3A_186 step %parallel_loop3A_187  : i32 {
        %parallel_loop3A_201 = arith.constant 1 : i32
        %parallel_loop3A_202 = arith.index_cast %parallel_loop3A_201 : i32 to index
        %parallel_loop3A_203 = arith.index_cast %parallel_loop3A_200 : i32 to index
        %parallel_loop3A_204 = arith.constant 0 : index
        %parallel_loop3A_205 = tpu.vector_load %arg9[%parallel_loop3A_202, %parallel_loop3A_203, %parallel_loop3A_204] {strides = array<i32>} : memref<2x40x128xf32, #tpu.memory_space<vmem>>, vector<1x1x16xf32>,
        %parallel_loop3A_206 = vector.shape_cast %parallel_loop3A_205 : vector<1x1x16xf32> to vector<16xf32>
        %parallel_loop3A_207 = arith.index_cast %parallel_loop3A_200 : i32 to index
        %parallel_loop3A_208 = arith.constant 0 : index
        %parallel_loop3A_209 = tpu.vector_load %arg11[%parallel_loop3A_207, %parallel_loop3A_208] {strides = array<i32>} : memref<40x128xf32, #tpu.memory_space<vmem>>, vector<1x16xf32>,
        %parallel_loop3A_210 = vector.shape_cast %parallel_loop3A_209 : vector<1x16xf32> to vector<16xf32>
        %parallel_loop3A_211 = arith.mulf %parallel_loop3A_206, %parallel_loop3A_210 : vector<16xf32>
        %parallel_loop3A_212 = arith.constant 1 : i32
        %parallel_loop3A_213 = arith.index_cast %parallel_loop3A_212 : i32 to index
        %parallel_loop3A_214 = arith.index_cast %parallel_loop3A_200 : i32 to index
        %parallel_loop3A_215 = arith.constant 0 : index
        %parallel_loop3A_216 = tpu.vector_load %arg12[%parallel_loop3A_213, %parallel_loop3A_214, %parallel_loop3A_215] {strides = array<i32>} : memref<2x40x128xf32, #tpu.memory_space<vmem>>, vector<1x1x16xf32>,
        %parallel_loop3A_217 = vector.shape_cast %parallel_loop3A_216 : vector<1x1x16xf32> to vector<16xf32>
        %parallel_loop3A_218 = vector.shape_cast %parallel_loop3A_211 : vector<16xf32> to vector<1x1x16xf32>
        tpu.vector_store %arg12[%parallel_loop3A_213, %parallel_loop3A_214, %parallel_loop3A_215], %parallel_loop3A_218 {strides = array<i32>} : memref<2x40x128xf32, #tpu.memory_space<vmem>>, vector<1x1x16xf32>,
        %parallel_loop3A_219 = arith.constant 1 : i32
        %parallel_loop3A_220 = arith.index_cast %parallel_loop3A_219 : i32 to index
        %parallel_loop3A_221 = arith.index_cast %parallel_loop3A_200 : i32 to index
        %parallel_loop3A_222 = arith.constant 16 : index
        %parallel_loop3A_223 = tpu.vector_load %arg9[%parallel_loop3A_220, %parallel_loop3A_221, %parallel_loop3A_222] {strides = array<i32>} : memref<2x40x128xf32, #tpu.memory_space<vmem>>, vector<1x1x16xf32>,
        %parallel_loop3A_224 = vector.shape_cast %parallel_loop3A_223 : vector<1x1x16xf32> to vector<16xf32>
        %parallel_loop3A_225 = arith.index_cast %parallel_loop3A_200 : i32 to index
        %parallel_loop3A_226 = arith.constant 16 : index
        %parallel_loop3A_227 = tpu.vector_load %arg11[%parallel_loop3A_225, %parallel_loop3A_226] {strides = array<i32>} : memref<40x128xf32, #tpu.memory_space<vmem>>, vector<1x16xf32>,
        %parallel_loop3A_228 = vector.shape_cast %parallel_loop3A_227 : vector<1x16xf32> to vector<16xf32>
        %parallel_loop3A_229 = arith.mulf %parallel_loop3A_224, %parallel_loop3A_228 : vector<16xf32>
        %parallel_loop3A_230 = arith.constant 1 : i32
        %parallel_loop3A_231 = arith.index_cast %parallel_loop3A_230 : i32 to index
        %parallel_loop3A_232 = arith.index_cast %parallel_loop3A_200 : i32 to index
        %parallel_loop3A_233 = arith.constant 16 : index
        %parallel_loop3A_234 = tpu.vector_load %arg12[%parallel_loop3A_231, %parallel_loop3A_232, %parallel_loop3A_233] {strides = array<i32>} : memref<2x40x128xf32, #tpu.memory_space<vmem>>, vector<1x1x16xf32>,
        %parallel_loop3A_235 = vector.shape_cast %parallel_loop3A_234 : vector<1x1x16xf32> to vector<16xf32>
        %parallel_loop3A_236 = vector.shape_cast %parallel_loop3A_229 : vector<16xf32> to vector<1x1x16xf32>
        tpu.vector_store %arg12[%parallel_loop3A_231, %parallel_loop3A_232, %parallel_loop3A_233], %parallel_loop3A_236 {strides = array<i32>} : memref<2x40x128xf32, #tpu.memory_space<vmem>>, vector<1x1x16xf32>,
        %parallel_loop3A_237 = arith.constant 1 : i32
        %parallel_loop3A_238 = arith.index_cast %parallel_loop3A_237 : i32 to index
        %parallel_loop3A_239 = arith.index_cast %parallel_loop3A_200 : i32 to index
        %parallel_loop3A_240 = arith.constant 32 : index
        %parallel_loop3A_241 = tpu.vector_load %arg9[%parallel_loop3A_238, %parallel_loop3A_239, %parallel_loop3A_240] {strides = array<i32>} : memref<2x40x128xf32, #tpu.memory_space<vmem>>, vector<1x1x16xf32>,
        %parallel_loop3A_242 = vector.shape_cast %parallel_loop3A_241 : vector<1x1x16xf32> to vector<16xf32>
        %parallel_loop3A_243 = arith.index_cast %parallel_loop3A_200 : i32 to index
        %parallel_loop3A_244 = arith.constant 32 : index
        %parallel_loop3A_245 = tpu.vector_load %arg11[%parallel_loop3A_243, %parallel_loop3A_244] {strides = array<i32>} : memref<40x128xf32, #tpu.memory_space<vmem>>, vector<1x16xf32>,
        %parallel_loop3A_246 = vector.shape_cast %parallel_loop3A_245 : vector<1x16xf32> to vector<16xf32>
        %parallel_loop3A_247 = arith.mulf %parallel_loop3A_242, %parallel_loop3A_246 : vector<16xf32>
        %parallel_loop3A_248 = arith.constant 1 : i32
        %parallel_loop3A_249 = arith.index_cast %parallel_loop3A_248 : i32 to index
        %parallel_loop3A_250 = arith.index_cast %parallel_loop3A_200 : i32 to index
        %parallel_loop3A_251 = arith.constant 32 : index
        %parallel_loop3A_252 = tpu.vector_load %arg12[%parallel_loop3A_249, %parallel_loop3A_250, %parallel_loop3A_251] {strides = array<i32>} : memref<2x40x128xf32, #tpu.memory_space<vmem>>, vector<1x1x16xf32>,
        %parallel_loop3A_253 = vector.shape_cast %parallel_loop3A_252 : vector<1x1x16xf32> to vector<16xf32>
        %parallel_loop3A_254 = vector.shape_cast %parallel_loop3A_247 : vector<16xf32> to vector<1x1x16xf32>
        tpu.vector_store %arg12[%parallel_loop3A_249, %parallel_loop3A_250, %parallel_loop3A_251], %parallel_loop3A_254 {strides = array<i32>} : memref<2x40x128xf32, #tpu.memory_space<vmem>>, vector<1x1x16xf32>,
        %parallel_loop3A_255 = arith.constant 1 : i32
        %parallel_loop3A_256 = arith.index_cast %parallel_loop3A_255 : i32 to index
        %parallel_loop3A_257 = arith.index_cast %parallel_loop3A_200 : i32 to index
        %parallel_loop3A_258 = arith.constant 48 : index
        %parallel_loop3A_259 = tpu.vector_load %arg9[%parallel_loop3A_256, %parallel_loop3A_257, %parallel_loop3A_258] {strides = array<i32>} : memref<2x40x128xf32, #tpu.memory_space<vmem>>, vector<1x1x16xf32>,
        %parallel_loop3A_260 = vector.shape_cast %parallel_loop3A_259 : vector<1x1x16xf32> to vector<16xf32>
        %parallel_loop3A_261 = arith.index_cast %parallel_loop3A_200 : i32 to index
        %parallel_loop3A_262 = arith.constant 48 : index
        %parallel_loop3A_263 = tpu.vector_load %arg11[%parallel_loop3A_261, %parallel_loop3A_262] {strides = array<i32>} : memref<40x128xf32, #tpu.memory_space<vmem>>, vector<1x16xf32>,
        %parallel_loop3A_264 = vector.shape_cast %parallel_loop3A_263 : vector<1x16xf32> to vector<16xf32>
        %parallel_loop3A_265 = arith.mulf %parallel_loop3A_260, %parallel_loop3A_264 : vector<16xf32>
        %parallel_loop3A_266 = arith.constant 1 : i32
        %parallel_loop3A_267 = arith.index_cast %parallel_loop3A_266 : i32 to index
        %parallel_loop3A_268 = arith.index_cast %parallel_loop3A_200 : i32 to index
        %parallel_loop3A_269 = arith.constant 48 : index
        %parallel_loop3A_270 = tpu.vector_load %arg12[%parallel_loop3A_267, %parallel_loop3A_268, %parallel_loop3A_269] {strides = array<i32>} : memref<2x40x128xf32, #tpu.memory_space<vmem>>, vector<1x1x16xf32>,
        %parallel_loop3A_271 = vector.shape_cast %parallel_loop3A_270 : vector<1x1x16xf32> to vector<16xf32>
        %parallel_loop3A_272 = vector.shape_cast %parallel_loop3A_265 : vector<16xf32> to vector<1x1x16xf32>
        tpu.vector_store %arg12[%parallel_loop3A_267, %parallel_loop3A_268, %parallel_loop3A_269], %parallel_loop3A_272 {strides = array<i32>} : memref<2x40x128xf32, #tpu.memory_space<vmem>>, vector<1x1x16xf32>,
        %parallel_loop3A_273 = arith.constant 1 : i32
        %parallel_loop3A_274 = arith.index_cast %parallel_loop3A_273 : i32 to index
        %parallel_loop3A_275 = arith.index_cast %parallel_loop3A_200 : i32 to index
        %parallel_loop3A_276 = arith.constant 64 : index
        %parallel_loop3A_277 = tpu.vector_load %arg9[%parallel_loop3A_274, %parallel_loop3A_275, %parallel_loop3A_276] {strides = array<i32>} : memref<2x40x128xf32, #tpu.memory_space<vmem>>, vector<1x1x16xf32>,
        %parallel_loop3A_278 = vector.shape_cast %parallel_loop3A_277 : vector<1x1x16xf32> to vector<16xf32>
        %parallel_loop3A_279 = arith.index_cast %parallel_loop3A_200 : i32 to index
        %parallel_loop3A_280 = arith.constant 64 : index
        %parallel_loop3A_281 = tpu.vector_load %arg11[%parallel_loop3A_279, %parallel_loop3A_280] {strides = array<i32>} : memref<40x128xf32, #tpu.memory_space<vmem>>, vector<1x16xf32>,
        %parallel_loop3A_282 = vector.shape_cast %parallel_loop3A_281 : vector<1x16xf32> to vector<16xf32>
        %parallel_loop3A_283 = arith.mulf %parallel_loop3A_278, %parallel_loop3A_282 : vector<16xf32>
        %parallel_loop3A_284 = arith.constant 1 : i32
        %parallel_loop3A_285 = arith.index_cast %parallel_loop3A_284 : i32 to index
        %parallel_loop3A_286 = arith.index_cast %parallel_loop3A_200 : i32 to index
        %parallel_loop3A_287 = arith.constant 64 : index
        %parallel_loop3A_288 = tpu.vector_load %arg12[%parallel_loop3A_285, %parallel_loop3A_286, %parallel_loop3A_287] {strides = array<i32>} : memref<2x40x128xf32, #tpu.memory_space<vmem>>, vector<1x1x16xf32>,
        %parallel_loop3A_289 = vector.shape_cast %parallel_loop3A_288 : vector<1x1x16xf32> to vector<16xf32>
        %parallel_loop3A_290 = vector.shape_cast %parallel_loop3A_283 : vector<16xf32> to vector<1x1x16xf32>
        tpu.vector_store %arg12[%parallel_loop3A_285, %parallel_loop3A_286, %parallel_loop3A_287], %parallel_loop3A_290 {strides = array<i32>} : memref<2x40x128xf32, #tpu.memory_space<vmem>>, vector<1x1x16xf32>,
        %parallel_loop3A_291 = arith.constant 1 : i32
        %parallel_loop3A_292 = arith.index_cast %parallel_loop3A_291 : i32 to index
        %parallel_loop3A_293 = arith.index_cast %parallel_loop3A_200 : i32 to index
        %parallel_loop3A_294 = arith.constant 80 : index
        %parallel_loop3A_295 = tpu.vector_load %arg9[%parallel_loop3A_292, %parallel_loop3A_293, %parallel_loop3A_294] {strides = array<i32>} : memref<2x40x128xf32, #tpu.memory_space<vmem>>, vector<1x1x16xf32>,
        %parallel_loop3A_296 = vector.shape_cast %parallel_loop3A_295 : vector<1x1x16xf32> to vector<16xf32>
        %parallel_loop3A_297 = arith.index_cast %parallel_loop3A_200 : i32 to index
        %parallel_loop3A_298 = arith.constant 80 : index
        %parallel_loop3A_299 = tpu.vector_load %arg11[%parallel_loop3A_297, %parallel_loop3A_298] {strides = array<i32>} : memref<40x128xf32, #tpu.memory_space<vmem>>, vector<1x16xf32>,
        %parallel_loop3A_300 = vector.shape_cast %parallel_loop3A_299 : vector<1x16xf32> to vector<16xf32>
        %parallel_loop3A_301 = arith.mulf %parallel_loop3A_296, %parallel_loop3A_300 : vector<16xf32>
        %parallel_loop3A_302 = arith.constant 1 : i32
        %parallel_loop3A_303 = arith.index_cast %parallel_loop3A_302 : i32 to index
        %parallel_loop3A_304 = arith.index_cast %parallel_loop3A_200 : i32 to index
        %parallel_loop3A_305 = arith.constant 80 : index
        %parallel_loop3A_306 = tpu.vector_load %arg12[%parallel_loop3A_303, %parallel_loop3A_304, %parallel_loop3A_305] {strides = array<i32>} : memref<2x40x128xf32, #tpu.memory_space<vmem>>, vector<1x1x16xf32>,
        %parallel_loop3A_307 = vector.shape_cast %parallel_loop3A_306 : vector<1x1x16xf32> to vector<16xf32>
        %parallel_loop3A_308 = vector.shape_cast %parallel_loop3A_301 : vector<16xf32> to vector<1x1x16xf32>
        tpu.vector_store %arg12[%parallel_loop3A_303, %parallel_loop3A_304, %parallel_loop3A_305], %parallel_loop3A_308 {strides = array<i32>} : memref<2x40x128xf32, #tpu.memory_space<vmem>>, vector<1x1x16xf32>,
        %parallel_loop3A_309 = arith.constant 1 : i32
        %parallel_loop3A_310 = arith.index_cast %parallel_loop3A_309 : i32 to index
        %parallel_loop3A_311 = arith.index_cast %parallel_loop3A_200 : i32 to index
        %parallel_loop3A_312 = arith.constant 96 : index
        %parallel_loop3A_313 = tpu.vector_load %arg9[%parallel_loop3A_310, %parallel_loop3A_311, %parallel_loop3A_312] {strides = array<i32>} : memref<2x40x128xf32, #tpu.memory_space<vmem>>, vector<1x1x16xf32>,
        %parallel_loop3A_314 = vector.shape_cast %parallel_loop3A_313 : vector<1x1x16xf32> to vector<16xf32>
        %parallel_loop3A_315 = arith.index_cast %parallel_loop3A_200 : i32 to index
        %parallel_loop3A_316 = arith.constant 96 : index
        %parallel_loop3A_317 = tpu.vector_load %arg11[%parallel_loop3A_315, %parallel_loop3A_316] {strides = array<i32>} : memref<40x128xf32, #tpu.memory_space<vmem>>, vector<1x16xf32>,
        %parallel_loop3A_318 = vector.shape_cast %parallel_loop3A_317 : vector<1x16xf32> to vector<16xf32>
        %parallel_loop3A_319 = arith.mulf %parallel_loop3A_314, %parallel_loop3A_318 : vector<16xf32>
        %parallel_loop3A_320 = arith.constant 1 : i32
        %parallel_loop3A_321 = arith.index_cast %parallel_loop3A_320 : i32 to index
        %parallel_loop3A_322 = arith.index_cast %parallel_loop3A_200 : i32 to index
        %parallel_loop3A_323 = arith.constant 96 : index
        %parallel_loop3A_324 = tpu.vector_load %arg12[%parallel_loop3A_321, %parallel_loop3A_322, %parallel_loop3A_323] {strides = array<i32>} : memref<2x40x128xf32, #tpu.memory_space<vmem>>, vector<1x1x16xf32>,
        %parallel_loop3A_325 = vector.shape_cast %parallel_loop3A_324 : vector<1x1x16xf32> to vector<16xf32>
        %parallel_loop3A_326 = vector.shape_cast %parallel_loop3A_319 : vector<16xf32> to vector<1x1x16xf32>
        tpu.vector_store %arg12[%parallel_loop3A_321, %parallel_loop3A_322, %parallel_loop3A_323], %parallel_loop3A_326 {strides = array<i32>} : memref<2x40x128xf32, #tpu.memory_space<vmem>>, vector<1x1x16xf32>,
        %parallel_loop3A_327 = arith.constant 1 : i32
        %parallel_loop3A_328 = arith.index_cast %parallel_loop3A_327 : i32 to index
        %parallel_loop3A_329 = arith.index_cast %parallel_loop3A_200 : i32 to index
        %parallel_loop3A_330 = arith.constant 112 : index
        %parallel_loop3A_331 = tpu.vector_load %arg9[%parallel_loop3A_328, %parallel_loop3A_329, %parallel_loop3A_330] {strides = array<i32>} : memref<2x40x128xf32, #tpu.memory_space<vmem>>, vector<1x1x16xf32>,
        %parallel_loop3A_332 = vector.shape_cast %parallel_loop3A_331 : vector<1x1x16xf32> to vector<16xf32>
        %parallel_loop3A_333 = arith.index_cast %parallel_loop3A_200 : i32 to index
        %parallel_loop3A_334 = arith.constant 112 : index
        %parallel_loop3A_335 = tpu.vector_load %arg11[%parallel_loop3A_333, %parallel_loop3A_334] {strides = array<i32>} : memref<40x128xf32, #tpu.memory_space<vmem>>, vector<1x16xf32>,
        %parallel_loop3A_336 = vector.shape_cast %parallel_loop3A_335 : vector<1x16xf32> to vector<16xf32>
        %parallel_loop3A_337 = arith.mulf %parallel_loop3A_332, %parallel_loop3A_336 : vector<16xf32>
        %parallel_loop3A_338 = arith.constant 1 : i32
        %parallel_loop3A_339 = arith.index_cast %parallel_loop3A_338 : i32 to index
        %parallel_loop3A_340 = arith.index_cast %parallel_loop3A_200 : i32 to index
        %parallel_loop3A_341 = arith.constant 112 : index
        %parallel_loop3A_342 = tpu.vector_load %arg12[%parallel_loop3A_339, %parallel_loop3A_340, %parallel_loop3A_341] {strides = array<i32>} : memref<2x40x128xf32, #tpu.memory_space<vmem>>, vector<1x1x16xf32>,
        %parallel_loop3A_343 = vector.shape_cast %parallel_loop3A_342 : vector<1x1x16xf32> to vector<16xf32>
        %parallel_loop3A_344 = vector.shape_cast %parallel_loop3A_337 : vector<16xf32> to vector<1x1x16xf32>
        tpu.vector_store %arg12[%parallel_loop3A_339, %parallel_loop3A_340, %parallel_loop3A_341], %parallel_loop3A_344 {strides = array<i32>} : memref<2x40x128xf32, #tpu.memory_space<vmem>>, vector<1x1x16xf32>,
      } {sc.loop_unroll_factor = 4 : i64, sc.parallel_access}
      %dma_start3A_188 = arith.constant 1 : i32
      %dma_start3A_189 = arith.constant 49 : i32
      %dma_start3A_190 = arith.constant 0 : i32
      %dma_start3A_191 = arith.constant 0 : i32
      %dma_start3A_192 = tpu.memref_slice %arg12[%dma_start3A_188, %dma_start3A_190, %dma_start3A_191] : memref<2x40x128xf32, #tpu.memory_space<vmem>> -> memref<1x40x128xf32, #tpu.memory_space<vmem>>
      %dma_start3A_193 = tpu.memref_squeeze %dma_start3A_192 : memref<1x40x128xf32, #tpu.memory_space<vmem>> -> memref<40x128xf32, #tpu.memory_space<vmem>>
      %dma_start3A_194 = arith.constant 0 : i32
      %dma_start3A_195 = tpu.memref_slice %arg8[%dma_start3A_189, %dma_start3A_194] : memref<50x40xi32, #tpu.memory_space<vmem>> -> memref<1x40xi32, #tpu.memory_space<vmem>>
      %dma_start3A_196 = tpu.memref_squeeze %dma_start3A_195 : memref<1x40xi32, #tpu.memory_space<vmem>> -> memref<40xi32, #tpu.memory_space<vmem>>
      %dma_start3A_197 = arith.constant 0 : i32
      %dma_start3A_198 = arith.constant 0 : i32
      %dma_start3A_199 = tpu.memref_slice %arg13[%dma_start3A_197, %dma_start3A_198] : memref<10240x128xf32, #tpu.memory_space<vmem_shared>> -> memref<10240x128xf32, #tpu.memory_space<vmem_shared>>
      tpu.enqueue_indirect_dma source(%dma_start3A_193 : memref<40x128xf32, #tpu.memory_space<vmem>>) target(%dma_start3A_199 : memref<10240x128xf32, #tpu.memory_space<vmem_shared>>) offsets(%dma_start3A_196 : memref<40xi32, #tpu.memory_space<vmem>>) semaphore(%arg19 : memref<!tpu.dma_semaphore, #tpu.memory_space<semaphore_mem>>) {add = true}
    }
    %scan3A_17 = arith.constant 5 : i32
    %dma_wait3A = arith.constant 0 : i32
    %dma_wait3A_18 = arith.constant 0 : i32
    %dma_wait3A_19 = arith.constant 0 : i32
    %dma_wait3A_20 = tpu.memref_slice %arg12[%dma_wait3A, %dma_wait3A_18, %dma_wait3A_19] : memref<2x40x128xf32, #tpu.memory_space<vmem>> -> memref<1x40x128xf32, #tpu.memory_space<vmem>>
    %dma_wait3A_21 = tpu.memref_squeeze %dma_wait3A_20 : memref<1x40x128xf32, #tpu.memory_space<vmem>> -> memref<40x128xf32, #tpu.memory_space<vmem>>
    %dma_wait3A_22 = arith.constant 0 : i32
    %dma_wait3A_23 = arith.constant 0 : i32
    %dma_wait3A_24 = tpu.memref_slice %arg13[%dma_wait3A_22, %dma_wait3A_23] : memref<10240x128xf32, #tpu.memory_space<vmem_shared>> -> memref<40x128xf32, #tpu.memory_space<vmem_shared>>
    %dma_wait3A_25 = arith.constant 0 : i32
    %dma_wait3A_26 = arith.constant 0 : i32
    %dma_wait3A_27 = tpu.memref_slice %arg13[%dma_wait3A_25, %dma_wait3A_26] : memref<10240x128xf32, #tpu.memory_space<vmem_shared>> -> memref<40x128xf32, #tpu.memory_space<vmem_shared>>
    %dma_wait3A_28 = arith.constant 0 : i32
    %dma_wait3A_29 = arith.constant 0 : i32
    %dma_wait3A_30 = tpu.memref_slice %arg12[%dma_wait3A, %dma_wait3A_28, %dma_wait3A_29] : memref<2x40x128xf32, #tpu.memory_space<vmem>> -> memref<1x40x128xf32, #tpu.memory_space<vmem>>
    %dma_wait3A_31 = tpu.memref_squeeze %dma_wait3A_30 : memref<1x40x128xf32, #tpu.memory_space<vmem>> -> memref<40x128xf32, #tpu.memory_space<vmem>>
    tpu.wait_dma2 semaphore(%arg18 : memref<!tpu.dma_semaphore, #tpu.memory_space<semaphore_mem>>) src(%dma_wait3A_31 : memref<40x128xf32, #tpu.memory_space<vmem>>) dst(%dma_wait3A_27 : memref<40x128xf32, #tpu.memory_space<vmem_shared>>)
    %dma_wait3A_32 = arith.constant 1 : i32
    %dma_wait3A_33 = arith.constant 0 : i32
    %dma_wait3A_34 = arith.constant 0 : i32
    %dma_wait3A_35 = tpu.memref_slice %arg12[%dma_wait3A_32, %dma_wait3A_33, %dma_wait3A_34] : memref<2x40x128xf32, #tpu.memory_space<vmem>> -> memref<1x40x128xf32, #tpu.memory_space<vmem>>
    %dma_wait3A_36 = tpu.memref_squeeze %dma_wait3A_35 : memref<1x40x128xf32, #tpu.memory_space<vmem>> -> memref<40x128xf32, #tpu.memory_space<vmem>>
    %dma_wait3A_37 = arith.constant 0 : i32
    %dma_wait3A_38 = arith.constant 0 : i32
    %dma_wait3A_39 = tpu.memref_slice %arg13[%dma_wait3A_37, %dma_wait3A_38] : memref<10240x128xf32, #tpu.memory_space<vmem_shared>> -> memref<40x128xf32, #tpu.memory_space<vmem_shared>>
    %dma_wait3A_40 = arith.constant 0 : i32
    %dma_wait3A_41 = arith.constant 0 : i32
    %dma_wait3A_42 = tpu.memref_slice %arg13[%dma_wait3A_40, %dma_wait3A_41] : memref<10240x128xf32, #tpu.memory_space<vmem_shared>> -> memref<40x128xf32, #tpu.memory_space<vmem_shared>>
    %dma_wait3A_43 = arith.constant 0 : i32
    %dma_wait3A_44 = arith.constant 0 : i32
    %dma_wait3A_45 = tpu.memref_slice %arg12[%dma_wait3A_32, %dma_wait3A_43, %dma_wait3A_44] : memref<2x40x128xf32, #tpu.memory_space<vmem>> -> memref<1x40x128xf32, #tpu.memory_space<vmem>>
    %dma_wait3A_46 = tpu.memref_squeeze %dma_wait3A_45 : memref<1x40x128xf32, #tpu.memory_space<vmem>> -> memref<40x128xf32, #tpu.memory_space<vmem>>
    tpu.wait_dma2 semaphore(%arg19 : memref<!tpu.dma_semaphore, #tpu.memory_space<semaphore_mem>>) src(%dma_wait3A_46 : memref<40x128xf32, #tpu.memory_space<vmem>>) dst(%dma_wait3A_42 : memref<40x128xf32, #tpu.memory_space<vmem_shared>>)
    %barrier3A_47 = arith.constant 0 : index
    tpu.barrier barrier_id(%barrier3A_47)
    %mul3A_48 = arith.constant 640 : i32
    %mul3A_49 = arith.muli %arg1, %mul3A_48 : i32
    %mul3A_50 = arith.constant 640 : i32
    %mul3A_51 = arith.muli %arg1, %mul3A_50 : i32
    "tpu.region"() ({
      %run_scoped3A = tpu.sem_alloc : memref<!tpu.dma_semaphore, #tpu.memory_space<semaphore_mem>>
      %dma_start3A = arith.constant 0 : i32
      %dma_start3A_52 = tpu.memref_slice %arg6[%arg0, %mul3A_51, %dma_start3A] : memref<2x10240x128xf32, #tpu.memory_space<hbm>> -> memref<1x640x128xf32, #tpu.memory_space<hbm>>
      %dma_start3A_53 = tpu.memref_squeeze %dma_start3A_52 : memref<1x640x128xf32, #tpu.memory_space<hbm>> -> memref<640x128xf32, #tpu.memory_space<hbm>>
      %dma_start3A_54 = arith.constant 0 : i32
      %dma_start3A_55 = tpu.memref_slice %arg13[%mul3A_49, %dma_start3A_54] : memref<10240x128xf32, #tpu.memory_space<vmem_shared>> -> memref<640x128xf32, #tpu.memory_space<vmem_shared>>
      tpu.enqueue_dma source(%dma_start3A_55 : memref<640x128xf32, #tpu.memory_space<vmem_shared>>) target(%dma_start3A_53 : memref<640x128xf32, #tpu.memory_space<hbm>>) target_semaphore(%run_scoped3A : memref<!tpu.dma_semaphore, #tpu.memory_space<semaphore_mem>>)
      %dma_wait3A_56 = arith.constant 0 : i32
      %dma_wait3A_57 = tpu.memref_slice %arg6[%arg0, %mul3A_51, %dma_wait3A_56] : memref<2x10240x128xf32, #tpu.memory_space<hbm>> -> memref<1x640x128xf32, #tpu.memory_space<hbm>>
      %dma_wait3A_58 = tpu.memref_squeeze %dma_wait3A_57 : memref<1x640x128xf32, #tpu.memory_space<hbm>> -> memref<640x128xf32, #tpu.memory_space<hbm>>
      %dma_wait3A_59 = arith.constant 0 : i32
      %dma_wait3A_60 = tpu.memref_slice %arg13[%mul3A_49, %dma_wait3A_59] : memref<10240x128xf32, #tpu.memory_space<vmem_shared>> -> memref<640x128xf32, #tpu.memory_space<vmem_shared>>
      tpu.wait_dma2 semaphore(%run_scoped3A : memref<!tpu.dma_semaphore, #tpu.memory_space<semaphore_mem>>) src(%dma_wait3A_60 : memref<640x128xf32, #tpu.memory_space<vmem_shared>>) dst(%dma_wait3A_58 : memref<640x128xf32, #tpu.memory_space<hbm>>)
      tpu.yield
    }) : () -> ()
    return
  }
}

#map = affine_map<(d0, d1) -> (0, 0)>
#map1 = affine_map<(d0, d1) -> (0)>
#map2 = affine_map<(d0, d1) -> (0, 0, 0, 0)>
#map3 = affine_map<(d0, d1) -> (0, 0, 0)>
module attributes {stable_mosaic.version = 14 : i64} {
  func.func @_sc_body(%arg0: i32, %arg1: i32, %arg2: memref<20000x128xf32, #tpu.memory_space<hbm>>, %arg3: memref<320000x128xf32, #tpu.memory_space<hbm>>, %arg4: memref<160000xi32, #tpu.memory_space<hbm>>, %arg5: memref<16x5x50x40xi32, #tpu.memory_space<hbm>>, %arg6: memref<2x10240x128xf32, #tpu.memory_space<hbm>>, %arg7: memref<2000xi32, #tpu.memory_space<vmem>>, %arg8: memref<50x40xi32, #tpu.memory_space<vmem>>, %arg9: memref<2x40x128xf32, #tpu.memory_space<vmem>>, %arg10: memref<40x128xf32, #tpu.memory_space<vmem>>, %arg11: memref<40x128xf32, #tpu.memory_space<vmem>>, %arg12: memref<2x40x128xf32, #tpu.memory_space<vmem>>, %arg13: memref<10240x128xf32, #tpu.memory_space<vmem_shared>>, %arg14: memref<!tpu.dma_semaphore, #tpu.memory_space<semaphore_mem>>, %arg15: memref<!tpu.dma_semaphore, #tpu.memory_space<semaphore_mem>>, %arg16: memref<!tpu.dma_semaphore, #tpu.memory_space<semaphore_mem>>, %arg17: memref<!tpu.dma_semaphore, #tpu.memory_space<semaphore_mem>>, %arg18: memref<!tpu.dma_semaphore, #tpu.memory_space<semaphore_mem>>, %arg19: memref<!tpu.dma_semaphore, #tpu.memory_space<semaphore_mem>>) attributes {dimension_semantics = [#tpu.dimension_semantics<core_parallel>, #tpu.dimension_semantics<subcore_parallel>], iteration_bounds = array<i64: 2, 16>, scalar_prefetch = 0 : i64, scratch_operands = 13 : i64, tpu.core_type = #tpu.core_type<sc_vector_subcore>, window_params = [{transform_indices = #map}, {transform_indices = #map}, {transform_indices = #map1}, {transform_indices = #map2}, {transform_indices = #map3}]} {
    %mul3A = arith.constant 10000 : i32
    %mul3A_0 = arith.muli %arg0, %mul3A : i32
    %scan3A = arith.constant 0 : i32
    %scan3A_1 = arith.constant 0 : i32
    %scan3A_2 = arith.constant 40 : i32
    %scan3A_3 = arith.addi %scan3A_1, %scan3A_2 : i32
    %scan3A_4 = arith.constant 1 : i32
    scf.for %scan3A_52 = %scan3A_1 to %scan3A_3 step %scan3A_4  : i32 {
      %broadcast_in_dim3A = arith.constant 0.000000e+00 : f32
      %broadcast_in_dim3A_53 = vector.broadcast %broadcast_in_dim3A : f32 to vector<16xf32>
      %swap3A = arith.constant 0 : i32
      %swap3A_54 = arith.index_cast %swap3A : i32 to index
      %swap3A_55 = arith.index_cast %scan3A_52 : i32 to index
      %swap3A_56 = arith.constant 0 : index
      %swap3A_57 = tpu.vector_load %arg12[%swap3A_54, %swap3A_55, %swap3A_56] {strides = array<i32>} : memref<2x40x128xf32, #tpu.memory_space<vmem>>, vector<1x1x16xf32>,
      %swap3A_58 = vector.shape_cast %swap3A_57 : vector<1x1x16xf32> to vector<16xf32>
      %swap3A_59 = vector.shape_cast %broadcast_in_dim3A_53 : vector<16xf32> to vector<1x1x16xf32>
      tpu.vector_store %arg12[%swap3A_54, %swap3A_55, %swap3A_56], %swap3A_59 {strides = array<i32>} : memref<2x40x128xf32, #tpu.memory_space<vmem>>, vector<1x1x16xf32>,
      %broadcast_in_dim3A_60 = arith.constant 0.000000e+00 : f32
      %broadcast_in_dim3A_61 = vector.broadcast %broadcast_in_dim3A_60 : f32 to vector<16xf32>
      %swap3A_62 = arith.constant 0 : i32
      %swap3A_63 = arith.index_cast %swap3A_62 : i32 to index
      %swap3A_64 = arith.index_cast %scan3A_52 : i32 to index
      %swap3A_65 = arith.constant 16 : index
      %swap3A_66 = tpu.vector_load %arg12[%swap3A_63, %swap3A_64, %swap3A_65] {strides = array<i32>} : memref<2x40x128xf32, #tpu.memory_space<vmem>>, vector<1x1x16xf32>,
      %swap3A_67 = vector.shape_cast %swap3A_66 : vector<1x1x16xf32> to vector<16xf32>
      %swap3A_68 = vector.shape_cast %broadcast_in_dim3A_61 : vector<16xf32> to vector<1x1x16xf32>
      tpu.vector_store %arg12[%swap3A_63, %swap3A_64, %swap3A_65], %swap3A_68 {strides = array<i32>} : memref<2x40x128xf32, #tpu.memory_space<vmem>>, vector<1x1x16xf32>,
      %broadcast_in_dim3A_69 = arith.constant 0.000000e+00 : f32
      %broadcast_in_dim3A_70 = vector.broadcast %broadcast_in_dim3A_69 : f32 to vector<16xf32>
      %swap3A_71 = arith.constant 0 : i32
      %swap3A_72 = arith.index_cast %swap3A_71 : i32 to index
      %swap3A_73 = arith.index_cast %scan3A_52 : i32 to index
      %swap3A_74 = arith.constant 32 : index
      %swap3A_75 = tpu.vector_load %arg12[%swap3A_72, %swap3A_73, %swap3A_74] {strides = array<i32>} : memref<2x40x128xf32, #tpu.memory_space<vmem>>, vector<1x1x16xf32>,
      %swap3A_76 = vector.shape_cast %swap3A_75 : vector<1x1x16xf32> to vector<16xf32>
      %swap3A_77 = vector.shape_cast %broadcast_in_dim3A_70 : vector<16xf32> to vector<1x1x16xf32>
      tpu.vector_store %arg12[%swap3A_72, %swap3A_73, %swap3A_74], %swap3A_77 {strides = array<i32>} : memref<2x40x128xf32, #tpu.memory_space<vmem>>, vector<1x1x16xf32>,
      %broadcast_in_dim3A_78 = arith.constant 0.000000e+00 : f32
      %broadcast_in_dim3A_79 = vector.broadcast %broadcast_in_dim3A_78 : f32 to vector<16xf32>
      %swap3A_80 = arith.constant 0 : i32
      %swap3A_81 = arith.index_cast %swap3A_80 : i32 to index
      %swap3A_82 = arith.index_cast %scan3A_52 : i32 to index
      %swap3A_83 = arith.constant 48 : index
      %swap3A_84 = tpu.vector_load %arg12[%swap3A_81, %swap3A_82, %swap3A_83] {strides = array<i32>} : memref<2x40x128xf32, #tpu.memory_space<vmem>>, vector<1x1x16xf32>,
      %swap3A_85 = vector.shape_cast %swap3A_84 : vector<1x1x16xf32> to vector<16xf32>
      %swap3A_86 = vector.shape_cast %broadcast_in_dim3A_79 : vector<16xf32> to vector<1x1x16xf32>
      tpu.vector_store %arg12[%swap3A_81, %swap3A_82, %swap3A_83], %swap3A_86 {strides = array<i32>} : memref<2x40x128xf32, #tpu.memory_space<vmem>>, vector<1x1x16xf32>,
      %broadcast_in_dim3A_87 = arith.constant 0.000000e+00 : f32
      %broadcast_in_dim3A_88 = vector.broadcast %broadcast_in_dim3A_87 : f32 to vector<16xf32>
      %swap3A_89 = arith.constant 0 : i32
      %swap3A_90 = arith.index_cast %swap3A_89 : i32 to index
      %swap3A_91 = arith.index_cast %scan3A_52 : i32 to index
      %swap3A_92 = arith.constant 64 : index
      %swap3A_93 = tpu.vector_load %arg12[%swap3A_90, %swap3A_91, %swap3A_92] {strides = array<i32>} : memref<2x40x128xf32, #tpu.memory_space<vmem>>, vector<1x1x16xf32>,
      %swap3A_94 = vector.shape_cast %swap3A_93 : vector<1x1x16xf32> to vector<16xf32>
      %swap3A_95 = vector.shape_cast %broadcast_in_dim3A_88 : vector<16xf32> to vector<1x1x16xf32>
      tpu.vector_store %arg12[%swap3A_90, %swap3A_91, %swap3A_92], %swap3A_95 {strides = array<i32>} : memref<2x40x128xf32, #tpu.memory_space<vmem>>, vector<1x1x16xf32>,
      %broadcast_in_dim3A_96 = arith.constant 0.000000e+00 : f32
      %broadcast_in_dim3A_97 = vector.broadcast %broadcast_in_dim3A_96 : f32 to vector<16xf32>
      %swap3A_98 = arith.constant 0 : i32
      %swap3A_99 = arith.index_cast %swap3A_98 : i32 to index
      %swap3A_100 = arith.index_cast %scan3A_52 : i32 to index
      %swap3A_101 = arith.constant 80 : index
      %swap3A_102 = tpu.vector_load %arg12[%swap3A_99, %swap3A_100, %swap3A_101] {strides = array<i32>} : memref<2x40x128xf32, #tpu.memory_space<vmem>>, vector<1x1x16xf32>,
      %swap3A_103 = vector.shape_cast %swap3A_102 : vector<1x1x16xf32> to vector<16xf32>
      %swap3A_104 = vector.shape_cast %broadcast_in_dim3A_97 : vector<16xf32> to vector<1x1x16xf32>
      tpu.vector_store %arg12[%swap3A_99, %swap3A_100, %swap3A_101], %swap3A_104 {strides = array<i32>} : memref<2x40x128xf32, #tpu.memory_space<vmem>>, vector<1x1x16xf32>,
      %broadcast_in_dim3A_105 = arith.constant 0.000000e+00 : f32
      %broadcast_in_dim3A_106 = vector.broadcast %broadcast_in_dim3A_105 : f32 to vector<16xf32>
      %swap3A_107 = arith.constant 0 : i32
      %swap3A_108 = arith.index_cast %swap3A_107 : i32 to index
      %swap3A_109 = arith.index_cast %scan3A_52 : i32 to index
      %swap3A_110 = arith.constant 96 : index
      %swap3A_111 = tpu.vector_load %arg12[%swap3A_108, %swap3A_109, %swap3A_110] {strides = array<i32>} : memref<2x40x128xf32, #tpu.memory_space<vmem>>, vector<1x1x16xf32>,
      %swap3A_112 = vector.shape_cast %swap3A_111 : vector<1x1x16xf32> to vector<16xf32>
      %swap3A_113 = vector.shape_cast %broadcast_in_dim3A_106 : vector<16xf32> to vector<1x1x16xf32>
      tpu.vector_store %arg12[%swap3A_108, %swap3A_109, %swap3A_110], %swap3A_113 {strides = array<i32>} : memref<2x40x128xf32, #tpu.memory_space<vmem>>, vector<1x1x16xf32>,
      %broadcast_in_dim3A_114 = arith.constant 0.000000e+00 : f32
      %broadcast_in_dim3A_115 = vector.broadcast %broadcast_in_dim3A_114 : f32 to vector<16xf32>
      %swap3A_116 = arith.constant 0 : i32
      %swap3A_117 = arith.index_cast %swap3A_116 : i32 to index
      %swap3A_118 = arith.index_cast %scan3A_52 : i32 to index
      %swap3A_119 = arith.constant 112 : index
      %swap3A_120 = tpu.vector_load %arg12[%swap3A_117, %swap3A_118, %swap3A_119] {strides = array<i32>} : memref<2x40x128xf32, #tpu.memory_space<vmem>>, vector<1x1x16xf32>,
      %swap3A_121 = vector.shape_cast %swap3A_120 : vector<1x1x16xf32> to vector<16xf32>
      %swap3A_122 = vector.shape_cast %broadcast_in_dim3A_115 : vector<16xf32> to vector<1x1x16xf32>
      tpu.vector_store %arg12[%swap3A_117, %swap3A_118, %swap3A_119], %swap3A_122 {strides = array<i32>} : memref<2x40x128xf32, #tpu.memory_space<vmem>>, vector<1x1x16xf32>,
    }
    %scan3A_5 = arith.constant 40 : i32
    %scan3A_6 = arith.constant 0 : i32
    %scan3A_7 = arith.constant 0 : i32
    %scan3A_8 = arith.constant 16 : i32
    %scan3A_9 = arith.addi %scan3A_7, %scan3A_8 : i32
    %scan3A_10 = arith.constant 1 : i32
    scf.for %scan3A_52 = %scan3A_7 to %scan3A_9 step %scan3A_10  : i32 {
      %mul3A_53 = arith.constant 640 : i32
      %mul3A_54 = arith.muli %arg1, %mul3A_53 : i32
      %mul3A_55 = arith.constant 40 : i32
      %mul3A_56 = arith.muli %scan3A_52, %mul3A_55 : i32
      %add3A = arith.addi %mul3A_54, %mul3A_56 : i32
      %run_scoped3A = arith.constant 0 : i32
      "tpu.region"() ({
        %run_scoped3A_57 = tpu.sem_alloc : memref<!tpu.dma_semaphore, #tpu.memory_space<semaphore_mem>>
        %dma_start3A = arith.constant 0 : i32
        %dma_start3A_58 = arith.constant 0 : i32
        %dma_start3A_59 = tpu.memref_slice %arg12[%run_scoped3A, %dma_start3A, %dma_start3A_58] : memref<2x40x128xf32, #tpu.memory_space<vmem>> -> memref<1x40x128xf32, #tpu.memory_space<vmem>>
        %dma_start3A_60 = tpu.memref_squeeze %dma_start3A_59 : memref<1x40x128xf32, #tpu.memory_space<vmem>> -> memref<40x128xf32, #tpu.memory_space<vmem>>
        %dma_start3A_61 = arith.constant 0 : i32
        %dma_start3A_62 = tpu.memref_slice %arg13[%add3A, %dma_start3A_61] : memref<10240x128xf32, #tpu.memory_space<vmem_shared>> -> memref<40x128xf32, #tpu.memory_space<vmem_shared>>
        %dma_start3A_63 = arith.constant 0 : i32
        %dma_start3A_64 = tpu.memref_slice %arg13[%add3A, %dma_start3A_63] : memref<10240x128xf32, #tpu.memory_space<vmem_shared>> -> memref<40x128xf32, #tpu.memory_space<vmem_shared>>
        %dma_start3A_65 = arith.constant 0 : i32
        %dma_start3A_66 = arith.constant 0 : i32
        %dma_start3A_67 = tpu.memref_slice %arg12[%run_scoped3A, %dma_start3A_65, %dma_start3A_66] : memref<2x40x128xf32, #tpu.memory_space<vmem>> -> memref<1x40x128xf32, #tpu.memory_space<vmem>>
        %dma_start3A_68 = tpu.memref_squeeze %dma_start3A_67 : memref<1x40x128xf32, #tpu.memory_space<vmem>> -> memref<40x128xf32, #tpu.memory_space<vmem>>
        tpu.enqueue_dma source(%dma_start3A_68 : memref<40x128xf32, #tpu.memory_space<vmem>>) target(%dma_start3A_64 : memref<40x128xf32, #tpu.memory_space<vmem_shared>>) target_semaphore(%run_scoped3A_57 : memref<!tpu.dma_semaphore, #tpu.memory_space<semaphore_mem>>)
        %dma_wait3A_69 = arith.constant 0 : i32
        %dma_wait3A_70 = arith.constant 0 : i32
        %dma_wait3A_71 = tpu.memref_slice %arg12[%run_scoped3A, %dma_wait3A_69, %dma_wait3A_70] : memref<2x40x128xf32, #tpu.memory_space<vmem>> -> memref<1x40x128xf32, #tpu.memory_space<vmem>>
        %dma_wait3A_72 = tpu.memref_squeeze %dma_wait3A_71 : memref<1x40x128xf32, #tpu.memory_space<vmem>> -> memref<40x128xf32, #tpu.memory_space<vmem>>
        %dma_wait3A_73 = arith.constant 0 : i32
        %dma_wait3A_74 = tpu.memref_slice %arg13[%add3A, %dma_wait3A_73] : memref<10240x128xf32, #tpu.memory_space<vmem_shared>> -> memref<40x128xf32, #tpu.memory_space<vmem_shared>>
        %dma_wait3A_75 = arith.constant 0 : i32
        %dma_wait3A_76 = tpu.memref_slice %arg13[%add3A, %dma_wait3A_75] : memref<10240x128xf32, #tpu.memory_space<vmem_shared>> -> memref<40x128xf32, #tpu.memory_space<vmem_shared>>
        %dma_wait3A_77 = arith.constant 0 : i32
        %dma_wait3A_78 = arith.constant 0 : i32
        %dma_wait3A_79 = tpu.memref_slice %arg12[%run_scoped3A, %dma_wait3A_77, %dma_wait3A_78] : memref<2x40x128xf32, #tpu.memory_space<vmem>> -> memref<1x40x128xf32, #tpu.memory_space<vmem>>
        %dma_wait3A_80 = tpu.memref_squeeze %dma_wait3A_79 : memref<1x40x128xf32, #tpu.memory_space<vmem>> -> memref<40x128xf32, #tpu.memory_space<vmem>>
        tpu.wait_dma2 semaphore(%run_scoped3A_57 : memref<!tpu.dma_semaphore, #tpu.memory_space<semaphore_mem>>) src(%dma_wait3A_80 : memref<40x128xf32, #tpu.memory_space<vmem>>) dst(%dma_wait3A_76 : memref<40x128xf32, #tpu.memory_space<vmem_shared>>)
        tpu.yield
      }) : () -> ()
    }
    %scan3A_11 = arith.constant 16 : i32
    %barrier3A = arith.constant 0 : index
    tpu.barrier barrier_id(%barrier3A)
    %scan3A_12 = arith.constant 0 : i32
    %scan3A_13 = arith.constant 0 : i32
    %scan3A_14 = arith.constant 5 : i32
    %scan3A_15 = arith.addi %scan3A_13, %scan3A_14 : i32
    %scan3A_16 = arith.constant 1 : i32
    scf.for %scan3A_52 = %scan3A_13 to %scan3A_15 step %scan3A_16  : i32 {
      %gt3A = arith.constant 0 : i32
      %gt3A_53 = arith.cmpi sgt, %scan3A_52, %gt3A : i32
      %convert_element_type3A = arith.extui %gt3A_53 : i1 to i32
      %cond3A = arith.constant 0 : i32
      %cond3A_54 = arith.cmpi ne, %convert_element_type3A, %cond3A : i32
      scf.if %cond3A_54 {
        %dma_wait3A_200 = arith.constant 0 : i32
        %dma_wait3A_201 = arith.constant 0 : i32
        %dma_wait3A_202 = arith.constant 0 : i32
        %dma_wait3A_203 = tpu.memref_slice %arg12[%dma_wait3A_200, %dma_wait3A_201, %dma_wait3A_202] : memref<2x40x128xf32, #tpu.memory_space<vmem>> -> memref<1x40x128xf32, #tpu.memory_space<vmem>>
        %dma_wait3A_204 = tpu.memref_squeeze %dma_wait3A_203 : memref<1x40x128xf32, #tpu.memory_space<vmem>> -> memref<40x128xf32, #tpu.memory_space<vmem>>
        %dma_wait3A_205 = arith.constant 0 : i32
        %dma_wait3A_206 = arith.constant 0 : i32
        %dma_wait3A_207 = tpu.memref_slice %arg13[%dma_wait3A_205, %dma_wait3A_206] : memref<10240x128xf32, #tpu.memory_space<vmem_shared>> -> memref<40x128xf32, #tpu.memory_space<vmem_shared>>
        %dma_wait3A_208 = arith.constant 0 : i32
        %dma_wait3A_209 = arith.constant 0 : i32
        %dma_wait3A_210 = tpu.memref_slice %arg13[%dma_wait3A_208, %dma_wait3A_209] : memref<10240x128xf32, #tpu.memory_space<vmem_shared>> -> memref<40x128xf32, #tpu.memory_space<vmem_shared>>
        %dma_wait3A_211 = arith.constant 0 : i32
        %dma_wait3A_212 = arith.constant 0 : i32
        %dma_wait3A_213 = tpu.memref_slice %arg12[%dma_wait3A_200, %dma_wait3A_211, %dma_wait3A_212] : memref<2x40x128xf32, #tpu.memory_space<vmem>> -> memref<1x40x128xf32, #tpu.memory_space<vmem>>
        %dma_wait3A_214 = tpu.memref_squeeze %dma_wait3A_213 : memref<1x40x128xf32, #tpu.memory_space<vmem>> -> memref<40x128xf32, #tpu.memory_space<vmem>>
        tpu.wait_dma2 semaphore(%arg18 : memref<!tpu.dma_semaphore, #tpu.memory_space<semaphore_mem>>) src(%dma_wait3A_214 : memref<40x128xf32, #tpu.memory_space<vmem>>) dst(%dma_wait3A_210 : memref<40x128xf32, #tpu.memory_space<vmem_shared>>)
        %dma_wait3A_215 = arith.constant 1 : i32
        %dma_wait3A_216 = arith.constant 0 : i32
        %dma_wait3A_217 = arith.constant 0 : i32
        %dma_wait3A_218 = tpu.memref_slice %arg12[%dma_wait3A_215, %dma_wait3A_216, %dma_wait3A_217] : memref<2x40x128xf32, #tpu.memory_space<vmem>> -> memref<1x40x128xf32, #tpu.memory_space<vmem>>
        %dma_wait3A_219 = tpu.memref_squeeze %dma_wait3A_218 : memref<1x40x128xf32, #tpu.memory_space<vmem>> -> memref<40x128xf32, #tpu.memory_space<vmem>>
        %dma_wait3A_220 = arith.constant 0 : i32
        %dma_wait3A_221 = arith.constant 0 : i32
        %dma_wait3A_222 = tpu.memref_slice %arg13[%dma_wait3A_220, %dma_wait3A_221] : memref<10240x128xf32, #tpu.memory_space<vmem_shared>> -> memref<40x128xf32, #tpu.memory_space<vmem_shared>>
        %dma_wait3A_223 = arith.constant 0 : i32
        %dma_wait3A_224 = arith.constant 0 : i32
        %dma_wait3A_225 = tpu.memref_slice %arg13[%dma_wait3A_223, %dma_wait3A_224] : memref<10240x128xf32, #tpu.memory_space<vmem_shared>> -> memref<40x128xf32, #tpu.memory_space<vmem_shared>>
        %dma_wait3A_226 = arith.constant 0 : i32
        %dma_wait3A_227 = arith.constant 0 : i32
        %dma_wait3A_228 = tpu.memref_slice %arg12[%dma_wait3A_215, %dma_wait3A_226, %dma_wait3A_227] : memref<2x40x128xf32, #tpu.memory_space<vmem>> -> memref<1x40x128xf32, #tpu.memory_space<vmem>>
        %dma_wait3A_229 = tpu.memref_squeeze %dma_wait3A_228 : memref<1x40x128xf32, #tpu.memory_space<vmem>> -> memref<40x128xf32, #tpu.memory_space<vmem>>
        tpu.wait_dma2 semaphore(%arg19 : memref<!tpu.dma_semaphore, #tpu.memory_space<semaphore_mem>>) src(%dma_wait3A_229 : memref<40x128xf32, #tpu.memory_space<vmem>>) dst(%dma_wait3A_225 : memref<40x128xf32, #tpu.memory_space<vmem_shared>>)
      } else {
      }
      %mul3A_55 = arith.constant 10000 : i32
      %mul3A_56 = arith.muli %arg1, %mul3A_55 : i32
      %mul3A_57 = arith.constant 2000 : i32
      %mul3A_58 = arith.muli %scan3A_52, %mul3A_57 : i32
      %add3A = arith.addi %mul3A_56, %mul3A_58 : i32
      "tpu.region"() ({
        %run_scoped3A = tpu.sem_alloc : memref<!tpu.dma_semaphore, #tpu.memory_space<semaphore_mem>>
        %dma_start3A_200 = tpu.memref_slice %arg4[%add3A] : memref<160000xi32, #tpu.memory_space<hbm>> -> memref<2000xi32, #tpu.memory_space<hbm>>
        %dma_start3A_201 = tpu.memref_slice %arg4[%add3A] : memref<160000xi32, #tpu.memory_space<hbm>> -> memref<2000xi32, #tpu.memory_space<hbm>>
        tpu.enqueue_dma source(%dma_start3A_201 : memref<2000xi32, #tpu.memory_space<hbm>>) target(%arg7 : memref<2000xi32, #tpu.memory_space<vmem>>) target_semaphore(%run_scoped3A : memref<!tpu.dma_semaphore, #tpu.memory_space<semaphore_mem>>)
        %dma_wait3A_202 = tpu.memref_slice %arg4[%add3A] : memref<160000xi32, #tpu.memory_space<hbm>> -> memref<2000xi32, #tpu.memory_space<hbm>>
        %dma_wait3A_203 = tpu.memref_slice %arg4[%add3A] : memref<160000xi32, #tpu.memory_space<hbm>> -> memref<2000xi32, #tpu.memory_space<hbm>>
        tpu.wait_dma2 semaphore(%run_scoped3A : memref<!tpu.dma_semaphore, #tpu.memory_space<semaphore_mem>>) src(%dma_wait3A_203 : memref<2000xi32, #tpu.memory_space<hbm>>) dst(%arg7 : memref<2000xi32, #tpu.memory_space<vmem>>)
        tpu.yield
      }) : () -> ()
      "tpu.region"() ({
        %run_scoped3A = tpu.sem_alloc : memref<!tpu.dma_semaphore, #tpu.memory_space<semaphore_mem>>
        %dma_start3A_200 = arith.constant 0 : i32
        %dma_start3A_201 = arith.constant 0 : i32
        %dma_start3A_202 = tpu.memref_slice %arg5[%arg1, %scan3A_52, %dma_start3A_200, %dma_start3A_201] : memref<16x5x50x40xi32, #tpu.memory_space<hbm>> -> memref<1x1x50x40xi32, #tpu.memory_space<hbm>>
        %dma_start3A_203 = tpu.memref_squeeze %dma_start3A_202 : memref<1x1x50x40xi32, #tpu.memory_space<hbm>> -> memref<50x40xi32, #tpu.memory_space<hbm>>
        %dma_start3A_204 = arith.constant 0 : i32
        %dma_start3A_205 = arith.constant 0 : i32
        %dma_start3A_206 = tpu.memref_slice %arg5[%arg1, %scan3A_52, %dma_start3A_204, %dma_start3A_205] : memref<16x5x50x40xi32, #tpu.memory_space<hbm>> -> memref<1x1x50x40xi32, #tpu.memory_space<hbm>>
        %dma_start3A_207 = tpu.memref_squeeze %dma_start3A_206 : memref<1x1x50x40xi32, #tpu.memory_space<hbm>> -> memref<50x40xi32, #tpu.memory_space<hbm>>
        tpu.enqueue_dma source(%dma_start3A_207 : memref<50x40xi32, #tpu.memory_space<hbm>>) target(%arg8 : memref<50x40xi32, #tpu.memory_space<vmem>>) target_semaphore(%run_scoped3A : memref<!tpu.dma_semaphore, #tpu.memory_space<semaphore_mem>>)
        %dma_wait3A_208 = arith.constant 0 : i32
        %dma_wait3A_209 = arith.constant 0 : i32
        %dma_wait3A_210 = tpu.memref_slice %arg5[%arg1, %scan3A_52, %dma_wait3A_208, %dma_wait3A_209] : memref<16x5x50x40xi32, #tpu.memory_space<hbm>> -> memref<1x1x50x40xi32, #tpu.memory_space<hbm>>
        %dma_wait3A_211 = tpu.memref_squeeze %dma_wait3A_210 : memref<1x1x50x40xi32, #tpu.memory_space<hbm>> -> memref<50x40xi32, #tpu.memory_space<hbm>>
        %dma_wait3A_212 = arith.constant 0 : i32
        %dma_wait3A_213 = arith.constant 0 : i32
        %dma_wait3A_214 = tpu.memref_slice %arg5[%arg1, %scan3A_52, %dma_wait3A_212, %dma_wait3A_213] : memref<16x5x50x40xi32, #tpu.memory_space<hbm>> -> memref<1x1x50x40xi32, #tpu.memory_space<hbm>>
        %dma_wait3A_215 = tpu.memref_squeeze %dma_wait3A_214 : memref<1x1x50x40xi32, #tpu.memory_space<hbm>> -> memref<50x40xi32, #tpu.memory_space<hbm>>
        tpu.wait_dma2 semaphore(%run_scoped3A : memref<!tpu.dma_semaphore, #tpu.memory_space<semaphore_mem>>) src(%dma_wait3A_215 : memref<50x40xi32, #tpu.memory_space<hbm>>) dst(%arg8 : memref<50x40xi32, #tpu.memory_space<vmem>>)
        tpu.yield
      }) : () -> ()
      %scan3A_59 = arith.constant 0 : i32
      %scan3A_60 = arith.constant 0 : i32
      %scan3A_61 = arith.constant 125 : i32
      %scan3A_62 = arith.addi %scan3A_60, %scan3A_61 : i32
      %scan3A_63 = arith.constant 1 : i32
      scf.for %scan3A_200 = %scan3A_60 to %scan3A_62 step %scan3A_63  : i32 {
        %mul3A_201 = arith.constant 16 : i32
        %mul3A_202 = arith.muli %scan3A_200, %mul3A_201 : i32
        %get3A = arith.index_cast %mul3A_202 : i32 to index
        %get3A_203 = tpu.vector_load %arg7[%get3A] {strides = array<i32>} : memref<2000xi32, #tpu.memory_space<vmem>>, vector<16xi32>,
        %get3A_204 = vector.shape_cast %get3A_203 : vector<16xi32> to vector<16xi32>
        %add3A_205 = vector.broadcast %mul3A_0 : i32 to vector<16xi32>
        %add3A_206 = arith.addi %get3A_204, %add3A_205 : vector<16xi32>
        %swap3A = arith.index_cast %mul3A_202 : i32 to index
        %swap3A_207 = tpu.vector_load %arg7[%swap3A] {strides = array<i32>} : memref<2000xi32, #tpu.memory_space<vmem>>, vector<16xi32>,
        %swap3A_208 = vector.shape_cast %swap3A_207 : vector<16xi32> to vector<16xi32>
        %swap3A_209 = vector.shape_cast %add3A_206 : vector<16xi32> to vector<16xi32>
        tpu.vector_store %arg7[%swap3A], %swap3A_209 {strides = array<i32>} : memref<2000xi32, #tpu.memory_space<vmem>>, vector<16xi32>,
      }
      %scan3A_64 = arith.constant 125 : i32
      %dma_start3A = arith.constant 0 : i32
      %dma_start3A_65 = arith.constant 0 : i32
      %dma_start3A_66 = arith.constant 0 : i32
      %dma_start3A_67 = tpu.memref_slice %arg9[%dma_start3A, %dma_start3A_65, %dma_start3A_66] : memref<2x40x128xf32, #tpu.memory_space<vmem>> -> memref<1x40x128xf32, #tpu.memory_space<vmem>>
      %dma_start3A_68 = tpu.memref_squeeze %dma_start3A_67 : memref<1x40x128xf32, #tpu.memory_space<vmem>> -> memref<40x128xf32, #tpu.memory_space<vmem>>
      %dma_start3A_69 = arith.constant 0 : i32
      %dma_start3A_70 = tpu.memref_slice %arg7[%dma_start3A_69] : memref<2000xi32, #tpu.memory_space<vmem>> -> memref<40xi32, #tpu.memory_space<vmem>>
      %dma_start3A_71 = arith.constant 0 : i32
      %dma_start3A_72 = arith.constant 0 : i32
      %dma_start3A_73 = tpu.memref_slice %arg2[%dma_start3A_71, %dma_start3A_72] : memref<20000x128xf32, #tpu.memory_space<hbm>> -> memref<20000x128xf32, #tpu.memory_space<hbm>>
      tpu.enqueue_indirect_dma source(%dma_start3A_73 : memref<20000x128xf32, #tpu.memory_space<hbm>>) target(%dma_start3A_68 : memref<40x128xf32, #tpu.memory_space<vmem>>) offsets(%dma_start3A_70 : memref<40xi32, #tpu.memory_space<vmem>>) semaphore(%arg14 : memref<!tpu.dma_semaphore, #tpu.memory_space<semaphore_mem>>)
      %mul3A_74 = arith.constant 160000 : i32
      %mul3A_75 = arith.muli %arg0, %mul3A_74 : i32
      %mul3A_76 = arith.constant 10000 : i32
      %mul3A_77 = arith.muli %arg1, %mul3A_76 : i32
      %add3A_78 = arith.addi %mul3A_75, %mul3A_77 : i32
      %mul3A_79 = arith.constant 2000 : i32
      %mul3A_80 = arith.muli %scan3A_52, %mul3A_79 : i32
      %add3A_81 = arith.addi %add3A_78, %mul3A_80 : i32
      %add3A_82 = arith.constant 0 : i32
      %add3A_83 = arith.addi %add3A_81, %add3A_82 : i32
      %dma_start3A_84 = arith.constant 0 : i32
      %dma_start3A_85 = tpu.memref_slice %arg3[%add3A_83, %dma_start3A_84] : memref<320000x128xf32, #tpu.memory_space<hbm>> -> memref<40x128xf32, #tpu.memory_space<hbm>>
      %dma_start3A_86 = arith.constant 0 : i32
      %dma_start3A_87 = tpu.memref_slice %arg3[%add3A_83, %dma_start3A_86] : memref<320000x128xf32, #tpu.memory_space<hbm>> -> memref<40x128xf32, #tpu.memory_space<hbm>>
      tpu.enqueue_dma source(%dma_start3A_87 : memref<40x128xf32, #tpu.memory_space<hbm>>) target(%arg10 : memref<40x128xf32, #tpu.memory_space<vmem>>) target_semaphore(%arg16 : memref<!tpu.dma_semaphore, #tpu.memory_space<semaphore_mem>>)
      %scan3A_88 = arith.constant 0 : i32
      %scan3A_89 = arith.constant 0 : i32
      %scan3A_90 = arith.constant 24 : i32
      %scan3A_91 = arith.addi %scan3A_89, %scan3A_90 : i32
      %scan3A_92 = arith.constant 1 : i32
      scf.for %scan3A_200 = %scan3A_89 to %scan3A_91 step %scan3A_92  : i32 {
        %mul3A_201 = arith.constant 2 : i32
        %mul3A_202 = arith.muli %mul3A_201, %scan3A_200 : i32
        %add3A_203 = arith.constant 1 : i32
        %add3A_204 = arith.addi %mul3A_202, %add3A_203 : i32
        %mul3A_205 = arith.constant 40 : i32
        %mul3A_206 = arith.muli %add3A_204, %mul3A_205 : i32
        %dma_start3A_207 = arith.constant 1 : i32
        %dma_start3A_208 = arith.constant 0 : i32
        %dma_start3A_209 = arith.constant 0 : i32
        %dma_start3A_210 = tpu.memref_slice %arg9[%dma_start3A_207, %dma_start3A_208, %dma_start3A_209] : memref<2x40x128xf32, #tpu.memory_space<vmem>> -> memref<1x40x128xf32, #tpu.memory_space<vmem>>
        %dma_start3A_211 = tpu.memref_squeeze %dma_start3A_210 : memref<1x40x128xf32, #tpu.memory_space<vmem>> -> memref<40x128xf32, #tpu.memory_space<vmem>>
        %dma_start3A_212 = tpu.memref_slice %arg7[%mul3A_206] : memref<2000xi32, #tpu.memory_space<vmem>> -> memref<40xi32, #tpu.memory_space<vmem>>
        %dma_start3A_213 = arith.constant 0 : i32
        %dma_start3A_214 = arith.constant 0 : i32
        %dma_start3A_215 = tpu.memref_slice %arg2[%dma_start3A_213, %dma_start3A_214] : memref<20000x128xf32, #tpu.memory_space<hbm>> -> memref<20000x128xf32, #tpu.memory_space<hbm>>
        tpu.enqueue_indirect_dma source(%dma_start3A_215 : memref<20000x128xf32, #tpu.memory_space<hbm>>) target(%dma_start3A_211 : memref<40x128xf32, #tpu.memory_space<vmem>>) offsets(%dma_start3A_212 : memref<40xi32, #tpu.memory_space<vmem>>) semaphore(%arg15 : memref<!tpu.dma_semaphore, #tpu.memory_space<semaphore_mem>>)
        %mul3A_216 = arith.constant 160000 : i32
        %mul3A_217 = arith.muli %arg0, %mul3A_216 : i32
        %mul3A_218 = arith.constant 10000 : i32
        %mul3A_219 = arith.muli %arg1, %mul3A_218 : i32
        %add3A_220 = arith.addi %mul3A_217, %mul3A_219 : i32
        %mul3A_221 = arith.constant 2000 : i32
        %mul3A_222 = arith.muli %scan3A_52, %mul3A_221 : i32
        %add3A_223 = arith.addi %add3A_220, %mul3A_222 : i32
        %mul3A_224 = arith.constant 40 : i32
        %mul3A_225 = arith.muli %add3A_204, %mul3A_224 : i32
        %add3A_226 = arith.addi %add3A_223, %mul3A_225 : i32
        %dma_start3A_227 = arith.constant 0 : i32
        %dma_start3A_228 = tpu.memref_slice %arg3[%add3A_226, %dma_start3A_227] : memref<320000x128xf32, #tpu.memory_space<hbm>> -> memref<40x128xf32, #tpu.memory_space<hbm>>
        %dma_start3A_229 = arith.constant 0 : i32
        %dma_start3A_230 = tpu.memref_slice %arg3[%add3A_226, %dma_start3A_229] : memref<320000x128xf32, #tpu.memory_space<hbm>> -> memref<40x128xf32, #tpu.memory_space<hbm>>
        tpu.enqueue_dma source(%dma_start3A_230 : memref<40x128xf32, #tpu.memory_space<hbm>>) target(%arg11 : memref<40x128xf32, #tpu.memory_space<vmem>>) target_semaphore(%arg17 : memref<!tpu.dma_semaphore, #tpu.memory_space<semaphore_mem>>)
        %dma_wait3A_231 = arith.constant 0 : i32
        %dma_wait3A_232 = arith.constant 0 : i32
        %dma_wait3A_233 = arith.constant 0 : i32
        %dma_wait3A_234 = tpu.memref_slice %arg9[%dma_wait3A_231, %dma_wait3A_232, %dma_wait3A_233] : memref<2x40x128xf32, #tpu.memory_space<vmem>> -> memref<1x40x128xf32, #tpu.memory_space<vmem>>
        %dma_wait3A_235 = tpu.memref_squeeze %dma_wait3A_234 : memref<1x40x128xf32, #tpu.memory_space<vmem>> -> memref<40x128xf32, #tpu.memory_space<vmem>>
        %dma_wait3A_236 = arith.constant 0 : i32
        %dma_wait3A_237 = arith.constant 0 : i32
        %dma_wait3A_238 = tpu.memref_slice %arg2[%dma_wait3A_236, %dma_wait3A_237] : memref<20000x128xf32, #tpu.memory_space<hbm>> -> memref<40x128xf32, #tpu.memory_space<hbm>>
        %dma_wait3A_239 = arith.constant 0 : i32
        %dma_wait3A_240 = arith.constant 0 : i32
        %dma_wait3A_241 = tpu.memref_slice %arg9[%dma_wait3A_231, %dma_wait3A_239, %dma_wait3A_240] : memref<2x40x128xf32, #tpu.memory_space<vmem>> -> memref<1x40x128xf32, #tpu.memory_space<vmem>>
        %dma_wait3A_242 = tpu.memref_squeeze %dma_wait3A_241 : memref<1x40x128xf32, #tpu.memory_space<vmem>> -> memref<40x128xf32, #tpu.memory_space<vmem>>
        %dma_wait3A_243 = arith.constant 0 : i32
        %dma_wait3A_244 = arith.constant 0 : i32
        %dma_wait3A_245 = tpu.memref_slice %arg2[%dma_wait3A_243, %dma_wait3A_244] : memref<20000x128xf32, #tpu.memory_space<hbm>> -> memref<40x128xf32, #tpu.memory_space<hbm>>
        tpu.wait_dma2 semaphore(%arg14 : memref<!tpu.dma_semaphore, #tpu.memory_space<semaphore_mem>>) src(%dma_wait3A_245 : memref<40x128xf32, #tpu.memory_space<hbm>>) dst(%dma_wait3A_242 : memref<40x128xf32, #tpu.memory_space<vmem>>)
        %dma_wait3A_246 = arith.constant 0 : i32
        %dma_wait3A_247 = arith.constant 0 : i32
        %dma_wait3A_248 = tpu.memref_slice %arg3[%dma_wait3A_246, %dma_wait3A_247] : memref<320000x128xf32, #tpu.memory_space<hbm>> -> memref<40x128xf32, #tpu.memory_space<hbm>>
        %dma_wait3A_249 = arith.constant 0 : i32
        %dma_wait3A_250 = arith.constant 0 : i32
        %dma_wait3A_251 = tpu.memref_slice %arg3[%dma_wait3A_249, %dma_wait3A_250] : memref<320000x128xf32, #tpu.memory_space<hbm>> -> memref<40x128xf32, #tpu.memory_space<hbm>>
        tpu.wait_dma2 semaphore(%arg16 : memref<!tpu.dma_semaphore, #tpu.memory_space<semaphore_mem>>) src(%dma_wait3A_251 : memref<40x128xf32, #tpu.memory_space<hbm>>) dst(%arg10 : memref<40x128xf32, #tpu.memory_space<vmem>>)
        %ge3A_252 = arith.constant 2 : i32
        %ge3A_253 = arith.cmpi sge, %mul3A_202, %ge3A_252 : i32
        %convert_element_type3A_254 = arith.extui %ge3A_253 : i1 to i32
        %cond3A_255 = arith.constant 0 : i32
        %cond3A_256 = arith.cmpi ne, %convert_element_type3A_254, %cond3A_255 : i32
        scf.if %cond3A_256 {
          %dma_wait3A_341 = arith.constant 0 : i32
          %dma_wait3A_342 = arith.constant 0 : i32
          %dma_wait3A_343 = arith.constant 0 : i32
          %dma_wait3A_344 = tpu.memref_slice %arg12[%dma_wait3A_341, %dma_wait3A_342, %dma_wait3A_343] : memref<2x40x128xf32, #tpu.memory_space<vmem>> -> memref<1x40x128xf32, #tpu.memory_space<vmem>>
          %dma_wait3A_345 = tpu.memref_squeeze %dma_wait3A_344 : memref<1x40x128xf32, #tpu.memory_space<vmem>> -> memref<40x128xf32, #tpu.memory_space<vmem>>
          %dma_wait3A_346 = arith.constant 0 : i32
          %dma_wait3A_347 = arith.constant 0 : i32
          %dma_wait3A_348 = tpu.memref_slice %arg13[%dma_wait3A_346, %dma_wait3A_347] : memref<10240x128xf32, #tpu.memory_space<vmem_shared>> -> memref<40x128xf32, #tpu.memory_space<vmem_shared>>
          %dma_wait3A_349 = arith.constant 0 : i32
          %dma_wait3A_350 = arith.constant 0 : i32
          %dma_wait3A_351 = tpu.memref_slice %arg13[%dma_wait3A_349, %dma_wait3A_350] : memref<10240x128xf32, #tpu.memory_space<vmem_shared>> -> memref<40x128xf32, #tpu.memory_space<vmem_shared>>
          %dma_wait3A_352 = arith.constant 0 : i32
          %dma_wait3A_353 = arith.constant 0 : i32
          %dma_wait3A_354 = tpu.memref_slice %arg12[%dma_wait3A_341, %dma_wait3A_352, %dma_wait3A_353] : memref<2x40x128xf32, #tpu.memory_space<vmem>> -> memref<1x40x128xf32, #tpu.memory_space<vmem>>
          %dma_wait3A_355 = tpu.memref_squeeze %dma_wait3A_354 : memref<1x40x128xf32, #tpu.memory_space<vmem>> -> memref<40x128xf32, #tpu.memory_space<vmem>>
          tpu.wait_dma2 semaphore(%arg18 : memref<!tpu.dma_semaphore, #tpu.memory_space<semaphore_mem>>) src(%dma_wait3A_355 : memref<40x128xf32, #tpu.memory_space<vmem>>) dst(%dma_wait3A_351 : memref<40x128xf32, #tpu.memory_space<vmem_shared>>)
        } else {
        }
        %parallel_loop3A_257 = arith.constant 0 : i32
        %parallel_loop3A_258 = arith.constant 40 : i32
        %parallel_loop3A_259 = arith.constant 1 : i32
        scf.for %parallel_loop3A_341 = %parallel_loop3A_257 to %parallel_loop3A_258 step %parallel_loop3A_259  : i32 {
          %parallel_loop3A_342 = arith.constant 0 : i32
          %parallel_loop3A_343 = arith.index_cast %parallel_loop3A_342 : i32 to index
          %parallel_loop3A_344 = arith.index_cast %parallel_loop3A_341 : i32 to index
          %parallel_loop3A_345 = arith.constant 0 : index
          %parallel_loop3A_346 = tpu.vector_load %arg9[%parallel_loop3A_343, %parallel_loop3A_344, %parallel_loop3A_345] {strides = array<i32>} : memref<2x40x128xf32, #tpu.memory_space<vmem>>, vector<1x1x16xf32>,
          %parallel_loop3A_347 = vector.shape_cast %parallel_loop3A_346 : vector<1x1x16xf32> to vector<16xf32>
          %parallel_loop3A_348 = arith.index_cast %parallel_loop3A_341 : i32 to index
          %parallel_loop3A_349 = arith.constant 0 : index
          %parallel_loop3A_350 = tpu.vector_load %arg10[%parallel_loop3A_348, %parallel_loop3A_349] {strides = array<i32>} : memref<40x128xf32, #tpu.memory_space<vmem>>, vector<1x16xf32>,
          %parallel_loop3A_351 = vector.shape_cast %parallel_loop3A_350 : vector<1x16xf32> to vector<16xf32>
          %parallel_loop3A_352 = arith.mulf %parallel_loop3A_347, %parallel_loop3A_351 : vector<16xf32>
          %parallel_loop3A_353 = arith.constant 0 : i32
          %parallel_loop3A_354 = arith.index_cast %parallel_loop3A_353 : i32 to index
          %parallel_loop3A_355 = arith.index_cast %parallel_loop3A_341 : i32 to index
          %parallel_loop3A_356 = arith.constant 0 : index
          %parallel_loop3A_357 = tpu.vector_load %arg12[%parallel_loop3A_354, %parallel_loop3A_355, %parallel_loop3A_356] {strides = array<i32>} : memref<2x40x128xf32, #tpu.memory_space<vmem>>, vector<1x1x16xf32>,
          %parallel_loop3A_358 = vector.shape_cast %parallel_loop3A_357 : vector<1x1x16xf32> to vector<16xf32>
          %parallel_loop3A_359 = vector.shape_cast %parallel_loop3A_352 : vector<16xf32> to vector<1x1x16xf32>
          tpu.vector_store %arg12[%parallel_loop3A_354, %parallel_loop3A_355, %parallel_loop3A_356], %parallel_loop3A_359 {strides = array<i32>} : memref<2x40x128xf32, #tpu.memory_space<vmem>>, vector<1x1x16xf32>,
          %parallel_loop3A_360 = arith.constant 0 : i32
          %parallel_loop3A_361 = arith.index_cast %parallel_loop3A_360 : i32 to index
          %parallel_loop3A_362 = arith.index_cast %parallel_loop3A_341 : i32 to index
          %parallel_loop3A_363 = arith.constant 16 : index
          %parallel_loop3A_364 = tpu.vector_load %arg9[%parallel_loop3A_361, %parallel_loop3A_362, %parallel_loop3A_363] {strides = array<i32>} : memref<2x40x128xf32, #tpu.memory_space<vmem>>, vector<1x1x16xf32>,
          %parallel_loop3A_365 = vector.shape_cast %parallel_loop3A_364 : vector<1x1x16xf32> to vector<16xf32>
          %parallel_loop3A_366 = arith.index_cast %parallel_loop3A_341 : i32 to index
          %parallel_loop3A_367 = arith.constant 16 : index
          %parallel_loop3A_368 = tpu.vector_load %arg10[%parallel_loop3A_366, %parallel_loop3A_367] {strides = array<i32>} : memref<40x128xf32, #tpu.memory_space<vmem>>, vector<1x16xf32>,
          %parallel_loop3A_369 = vector.shape_cast %parallel_loop3A_368 : vector<1x16xf32> to vector<16xf32>
          %parallel_loop3A_370 = arith.mulf %parallel_loop3A_365, %parallel_loop3A_369 : vector<16xf32>
          %parallel_loop3A_371 = arith.constant 0 : i32
          %parallel_loop3A_372 = arith.index_cast %parallel_loop3A_371 : i32 to index
          %parallel_loop3A_373 = arith.index_cast %parallel_loop3A_341 : i32 to index
          %parallel_loop3A_374 = arith.constant 16 : index
          %parallel_loop3A_375 = tpu.vector_load %arg12[%parallel_loop3A_372, %parallel_loop3A_373, %parallel_loop3A_374] {strides = array<i32>} : memref<2x40x128xf32, #tpu.memory_space<vmem>>, vector<1x1x16xf32>,
          %parallel_loop3A_376 = vector.shape_cast %parallel_loop3A_375 : vector<1x1x16xf32> to vector<16xf32>
          %parallel_loop3A_377 = vector.shape_cast %parallel_loop3A_370 : vector<16xf32> to vector<1x1x16xf32>
          tpu.vector_store %arg12[%parallel_loop3A_372, %parallel_loop3A_373, %parallel_loop3A_374], %parallel_loop3A_377 {strides = array<i32>} : memref<2x40x128xf32, #tpu.memory_space<vmem>>, vector<1x1x16xf32>,
          %parallel_loop3A_378 = arith.constant 0 : i32
          %parallel_loop3A_379 = arith.index_cast %parallel_loop3A_378 : i32 to index
          %parallel_loop3A_380 = arith.index_cast %parallel_loop3A_341 : i32 to index
          %parallel_loop3A_381 = arith.constant 32 : index
          %parallel_loop3A_382 = tpu.vector_load %arg9[%parallel_loop3A_379, %parallel_loop3A_380, %parallel_loop3A_381] {strides = array<i32>} : memref<2x40x128xf32, #tpu.memory_space<vmem>>, vector<1x1x16xf32>,
          %parallel_loop3A_383 = vector.shape_cast %parallel_loop3A_382 : vector<1x1x16xf32> to vector<16xf32>
          %parallel_loop3A_384 = arith.index_cast %parallel_loop3A_341 : i32 to index
          %parallel_loop3A_385 = arith.constant 32 : index
          %parallel_loop3A_386 = tpu.vector_load %arg10[%parallel_loop3A_384, %parallel_loop3A_385] {strides = array<i32>} : memref<40x128xf32, #tpu.memory_space<vmem>>, vector<1x16xf32>,
          %parallel_loop3A_387 = vector.shape_cast %parallel_loop3A_386 : vector<1x16xf32> to vector<16xf32>
          %parallel_loop3A_388 = arith.mulf %parallel_loop3A_383, %parallel_loop3A_387 : vector<16xf32>
          %parallel_loop3A_389 = arith.constant 0 : i32
          %parallel_loop3A_390 = arith.index_cast %parallel_loop3A_389 : i32 to index
          %parallel_loop3A_391 = arith.index_cast %parallel_loop3A_341 : i32 to index
          %parallel_loop3A_392 = arith.constant 32 : index
          %parallel_loop3A_393 = tpu.vector_load %arg12[%parallel_loop3A_390, %parallel_loop3A_391, %parallel_loop3A_392] {strides = array<i32>} : memref<2x40x128xf32, #tpu.memory_space<vmem>>, vector<1x1x16xf32>,
          %parallel_loop3A_394 = vector.shape_cast %parallel_loop3A_393 : vector<1x1x16xf32> to vector<16xf32>
          %parallel_loop3A_395 = vector.shape_cast %parallel_loop3A_388 : vector<16xf32> to vector<1x1x16xf32>
          tpu.vector_store %arg12[%parallel_loop3A_390, %parallel_loop3A_391, %parallel_loop3A_392], %parallel_loop3A_395 {strides = array<i32>} : memref<2x40x128xf32, #tpu.memory_space<vmem>>, vector<1x1x16xf32>,
          %parallel_loop3A_396 = arith.constant 0 : i32
          %parallel_loop3A_397 = arith.index_cast %parallel_loop3A_396 : i32 to index
          %parallel_loop3A_398 = arith.index_cast %parallel_loop3A_341 : i32 to index
          %parallel_loop3A_399 = arith.constant 48 : index
          %parallel_loop3A_400 = tpu.vector_load %arg9[%parallel_loop3A_397, %parallel_loop3A_398, %parallel_loop3A_399] {strides = array<i32>} : memref<2x40x128xf32, #tpu.memory_space<vmem>>, vector<1x1x16xf32>,
          %parallel_loop3A_401 = vector.shape_cast %parallel_loop3A_400 : vector<1x1x16xf32> to vector<16xf32>
          %parallel_loop3A_402 = arith.index_cast %parallel_loop3A_341 : i32 to index
          %parallel_loop3A_403 = arith.constant 48 : index
          %parallel_loop3A_404 = tpu.vector_load %arg10[%parallel_loop3A_402, %parallel_loop3A_403] {strides = array<i32>} : memref<40x128xf32, #tpu.memory_space<vmem>>, vector<1x16xf32>,
          %parallel_loop3A_405 = vector.shape_cast %parallel_loop3A_404 : vector<1x16xf32> to vector<16xf32>
          %parallel_loop3A_406 = arith.mulf %parallel_loop3A_401, %parallel_loop3A_405 : vector<16xf32>
          %parallel_loop3A_407 = arith.constant 0 : i32
          %parallel_loop3A_408 = arith.index_cast %parallel_loop3A_407 : i32 to index
          %parallel_loop3A_409 = arith.index_cast %parallel_loop3A_341 : i32 to index
          %parallel_loop3A_410 = arith.constant 48 : index
          %parallel_loop3A_411 = tpu.vector_load %arg12[%parallel_loop3A_408, %parallel_loop3A_409, %parallel_loop3A_410] {strides = array<i32>} : memref<2x40x128xf32, #tpu.memory_space<vmem>>, vector<1x1x16xf32>,
          %parallel_loop3A_412 = vector.shape_cast %parallel_loop3A_411 : vector<1x1x16xf32> to vector<16xf32>
          %parallel_loop3A_413 = vector.shape_cast %parallel_loop3A_406 : vector<16xf32> to vector<1x1x16xf32>
          tpu.vector_store %arg12[%parallel_loop3A_408, %parallel_loop3A_409, %parallel_loop3A_410], %parallel_loop3A_413 {strides = array<i32>} : memref<2x40x128xf32, #tpu.memory_space<vmem>>, vector<1x1x16xf32>,
          %parallel_loop3A_414 = arith.constant 0 : i32
          %parallel_loop3A_415 = arith.index_cast %parallel_loop3A_414 : i32 to index
          %parallel_loop3A_416 = arith.index_cast %parallel_loop3A_341 : i32 to index
          %parallel_loop3A_417 = arith.constant 64 : index
          %parallel_loop3A_418 = tpu.vector_load %arg9[%parallel_loop3A_415, %parallel_loop3A_416, %parallel_loop3A_417] {strides = array<i32>} : memref<2x40x128xf32, #tpu.memory_space<vmem>>, vector<1x1x16xf32>,
          %parallel_loop3A_419 = vector.shape_cast %parallel_loop3A_418 : vector<1x1x16xf32> to vector<16xf32>
          %parallel_loop3A_420 = arith.index_cast %parallel_loop3A_341 : i32 to index
          %parallel_loop3A_421 = arith.constant 64 : index
          %parallel_loop3A_422 = tpu.vector_load %arg10[%parallel_loop3A_420, %parallel_loop3A_421] {strides = array<i32>} : memref<40x128xf32, #tpu.memory_space<vmem>>, vector<1x16xf32>,
          %parallel_loop3A_423 = vector.shape_cast %parallel_loop3A_422 : vector<1x16xf32> to vector<16xf32>
          %parallel_loop3A_424 = arith.mulf %parallel_loop3A_419, %parallel_loop3A_423 : vector<16xf32>
          %parallel_loop3A_425 = arith.constant 0 : i32
          %parallel_loop3A_426 = arith.index_cast %parallel_loop3A_425 : i32 to index
          %parallel_loop3A_427 = arith.index_cast %parallel_loop3A_341 : i32 to index
          %parallel_loop3A_428 = arith.constant 64 : index
          %parallel_loop3A_429 = tpu.vector_load %arg12[%parallel_loop3A_426, %parallel_loop3A_427, %parallel_loop3A_428] {strides = array<i32>} : memref<2x40x128xf32, #tpu.memory_space<vmem>>, vector<1x1x16xf32>,
          %parallel_loop3A_430 = vector.shape_cast %parallel_loop3A_429 : vector<1x1x16xf32> to vector<16xf32>
          %parallel_loop3A_431 = vector.shape_cast %parallel_loop3A_424 : vector<16xf32> to vector<1x1x16xf32>
          tpu.vector_store %arg12[%parallel_loop3A_426, %parallel_loop3A_427, %parallel_loop3A_428], %parallel_loop3A_431 {strides = array<i32>} : memref<2x40x128xf32, #tpu.memory_space<vmem>>, vector<1x1x16xf32>,
          %parallel_loop3A_432 = arith.constant 0 : i32
          %parallel_loop3A_433 = arith.index_cast %parallel_loop3A_432 : i32 to index
          %parallel_loop3A_434 = arith.index_cast %parallel_loop3A_341 : i32 to index
          %parallel_loop3A_435 = arith.constant 80 : index
          %parallel_loop3A_436 = tpu.vector_load %arg9[%parallel_loop3A_433, %parallel_loop3A_434, %parallel_loop3A_435] {strides = array<i32>} : memref<2x40x128xf32, #tpu.memory_space<vmem>>, vector<1x1x16xf32>,
          %parallel_loop3A_437 = vector.shape_cast %parallel_loop3A_436 : vector<1x1x16xf32> to vector<16xf32>
          %parallel_loop3A_438 = arith.index_cast %parallel_loop3A_341 : i32 to index
          %parallel_loop3A_439 = arith.constant 80 : index
          %parallel_loop3A_440 = tpu.vector_load %arg10[%parallel_loop3A_438, %parallel_loop3A_439] {strides = array<i32>} : memref<40x128xf32, #tpu.memory_space<vmem>>, vector<1x16xf32>,
          %parallel_loop3A_441 = vector.shape_cast %parallel_loop3A_440 : vector<1x16xf32> to vector<16xf32>
          %parallel_loop3A_442 = arith.mulf %parallel_loop3A_437, %parallel_loop3A_441 : vector<16xf32>
          %parallel_loop3A_443 = arith.constant 0 : i32
          %parallel_loop3A_444 = arith.index_cast %parallel_loop3A_443 : i32 to index
          %parallel_loop3A_445 = arith.index_cast %parallel_loop3A_341 : i32 to index
          %parallel_loop3A_446 = arith.constant 80 : index
          %parallel_loop3A_447 = tpu.vector_load %arg12[%parallel_loop3A_444, %parallel_loop3A_445, %parallel_loop3A_446] {strides = array<i32>} : memref<2x40x128xf32, #tpu.memory_space<vmem>>, vector<1x1x16xf32>,
          %parallel_loop3A_448 = vector.shape_cast %parallel_loop3A_447 : vector<1x1x16xf32> to vector<16xf32>
          %parallel_loop3A_449 = vector.shape_cast %parallel_loop3A_442 : vector<16xf32> to vector<1x1x16xf32>
          tpu.vector_store %arg12[%parallel_loop3A_444, %parallel_loop3A_445, %parallel_loop3A_446], %parallel_loop3A_449 {strides = array<i32>} : memref<2x40x128xf32, #tpu.memory_space<vmem>>, vector<1x1x16xf32>,
          %parallel_loop3A_450 = arith.constant 0 : i32
          %parallel_loop3A_451 = arith.index_cast %parallel_loop3A_450 : i32 to index
          %parallel_loop3A_452 = arith.index_cast %parallel_loop3A_341 : i32 to index
          %parallel_loop3A_453 = arith.constant 96 : index
          %parallel_loop3A_454 = tpu.vector_load %arg9[%parallel_loop3A_451, %parallel_loop3A_452, %parallel_loop3A_453] {strides = array<i32>} : memref<2x40x128xf32, #tpu.memory_space<vmem>>, vector<1x1x16xf32>,
          %parallel_loop3A_455 = vector.shape_cast %parallel_loop3A_454 : vector<1x1x16xf32> to vector<16xf32>
          %parallel_loop3A_456 = arith.index_cast %parallel_loop3A_341 : i32 to index
          %parallel_loop3A_457 = arith.constant 96 : index
          %parallel_loop3A_458 = tpu.vector_load %arg10[%parallel_loop3A_456, %parallel_loop3A_457] {strides = array<i32>} : memref<40x128xf32, #tpu.memory_space<vmem>>, vector<1x16xf32>,
          %parallel_loop3A_459 = vector.shape_cast %parallel_loop3A_458 : vector<1x16xf32> to vector<16xf32>
          %parallel_loop3A_460 = arith.mulf %parallel_loop3A_455, %parallel_loop3A_459 : vector<16xf32>
          %parallel_loop3A_461 = arith.constant 0 : i32
          %parallel_loop3A_462 = arith.index_cast %parallel_loop3A_461 : i32 to index
          %parallel_loop3A_463 = arith.index_cast %parallel_loop3A_341 : i32 to index
          %parallel_loop3A_464 = arith.constant 96 : index
          %parallel_loop3A_465 = tpu.vector_load %arg12[%parallel_loop3A_462, %parallel_loop3A_463, %parallel_loop3A_464] {strides = array<i32>} : memref<2x40x128xf32, #tpu.memory_space<vmem>>, vector<1x1x16xf32>,
          %parallel_loop3A_466 = vector.shape_cast %parallel_loop3A_465 : vector<1x1x16xf32> to vector<16xf32>
          %parallel_loop3A_467 = vector.shape_cast %parallel_loop3A_460 : vector<16xf32> to vector<1x1x16xf32>
          tpu.vector_store %arg12[%parallel_loop3A_462, %parallel_loop3A_463, %parallel_loop3A_464], %parallel_loop3A_467 {strides = array<i32>} : memref<2x40x128xf32, #tpu.memory_space<vmem>>, vector<1x1x16xf32>,
          %parallel_loop3A_468 = arith.constant 0 : i32
          %parallel_loop3A_469 = arith.index_cast %parallel_loop3A_468 : i32 to index
          %parallel_loop3A_470 = arith.index_cast %parallel_loop3A_341 : i32 to index
          %parallel_loop3A_471 = arith.constant 112 : index
          %parallel_loop3A_472 = tpu.vector_load %arg9[%parallel_loop3A_469, %parallel_loop3A_470, %parallel_loop3A_471] {strides = array<i32>} : memref<2x40x128xf32, #tpu.memory_space<vmem>>, vector<1x1x16xf32>,
          %parallel_loop3A_473 = vector.shape_cast %parallel_loop3A_472 : vector<1x1x16xf32> to vector<16xf32>
          %parallel_loop3A_474 = arith.index_cast %parallel_loop3A_341 : i32 to index
          %parallel_loop3A_475 = arith.constant 112 : index
          %parallel_loop3A_476 = tpu.vector_load %arg10[%parallel_loop3A_474, %parallel_loop3A_475] {strides = array<i32>} : memref<40x128xf32, #tpu.memory_space<vmem>>, vector<1x16xf32>,
          %parallel_loop3A_477 = vector.shape_cast %parallel_loop3A_476 : vector<1x16xf32> to vector<16xf32>
          %parallel_loop3A_478 = arith.mulf %parallel_loop3A_473, %parallel_loop3A_477 : vector<16xf32>
          %parallel_loop3A_479 = arith.constant 0 : i32
          %parallel_loop3A_480 = arith.index_cast %parallel_loop3A_479 : i32 to index
          %parallel_loop3A_481 = arith.index_cast %parallel_loop3A_341 : i32 to index
          %parallel_loop3A_482 = arith.constant 112 : index
          %parallel_loop3A_483 = tpu.vector_load %arg12[%parallel_loop3A_480, %parallel_loop3A_481, %parallel_loop3A_482] {strides = array<i32>} : memref<2x40x128xf32, #tpu.memory_space<vmem>>, vector<1x1x16xf32>,
          %parallel_loop3A_484 = vector.shape_cast %parallel_loop3A_483 : vector<1x1x16xf32> to vector<16xf32>
          %parallel_loop3A_485 = vector.shape_cast %parallel_loop3A_478 : vector<16xf32> to vector<1x1x16xf32>
          tpu.vector_store %arg12[%parallel_loop3A_480, %parallel_loop3A_481, %parallel_loop3A_482], %parallel_loop3A_485 {strides = array<i32>} : memref<2x40x128xf32, #tpu.memory_space<vmem>>, vector<1x1x16xf32>,
        } {sc.loop_unroll_factor = 4 : i64, sc.parallel_access}
        %dma_start3A_260 = arith.constant 0 : i32
        %dma_start3A_261 = arith.constant 0 : i32
        %dma_start3A_262 = arith.constant 0 : i32
        %dma_start3A_263 = tpu.memref_slice %arg12[%dma_start3A_260, %dma_start3A_261, %dma_start3A_262] : memref<2x40x128xf32, #tpu.memory_space<vmem>> -> memref<1x40x128xf32, #tpu.memory_space<vmem>>
        %dma_start3A_264 = tpu.memref_squeeze %dma_start3A_263 : memref<1x40x128xf32, #tpu.memory_space<vmem>> -> memref<40x128xf32, #tpu.memory_space<vmem>>
        %dma_start3A_265 = arith.constant 0 : i32
        %dma_start3A_266 = tpu.memref_slice %arg8[%mul3A_202, %dma_start3A_265] : memref<50x40xi32, #tpu.memory_space<vmem>> -> memref<1x40xi32, #tpu.memory_space<vmem>>
        %dma_start3A_267 = tpu.memref_squeeze %dma_start3A_266 : memref<1x40xi32, #tpu.memory_space<vmem>> -> memref<40xi32, #tpu.memory_space<vmem>>
        %dma_start3A_268 = arith.constant 0 : i32
        %dma_start3A_269 = arith.constant 0 : i32
        %dma_start3A_270 = tpu.memref_slice %arg13[%dma_start3A_268, %dma_start3A_269] : memref<10240x128xf32, #tpu.memory_space<vmem_shared>> -> memref<10240x128xf32, #tpu.memory_space<vmem_shared>>
        tpu.enqueue_indirect_dma source(%dma_start3A_264 : memref<40x128xf32, #tpu.memory_space<vmem>>) target(%dma_start3A_270 : memref<10240x128xf32, #tpu.memory_space<vmem_shared>>) offsets(%dma_start3A_267 : memref<40xi32, #tpu.memory_space<vmem>>) semaphore(%arg18 : memref<!tpu.dma_semaphore, #tpu.memory_space<semaphore_mem>>) {add = true}
        %add3A_271 = arith.constant 2 : i32
        %add3A_272 = arith.addi %mul3A_202, %add3A_271 : i32
        %mul3A_273 = arith.constant 40 : i32
        %mul3A_274 = arith.muli %add3A_272, %mul3A_273 : i32
        %dma_start3A_275 = arith.constant 0 : i32
        %dma_start3A_276 = arith.constant 0 : i32
        %dma_start3A_277 = arith.constant 0 : i32
        %dma_start3A_278 = tpu.memref_slice %arg9[%dma_start3A_275, %dma_start3A_276, %dma_start3A_277] : memref<2x40x128xf32, #tpu.memory_space<vmem>> -> memref<1x40x128xf32, #tpu.memory_space<vmem>>
        %dma_start3A_279 = tpu.memref_squeeze %dma_start3A_278 : memref<1x40x128xf32, #tpu.memory_space<vmem>> -> memref<40x128xf32, #tpu.memory_space<vmem>>
        %dma_start3A_280 = tpu.memref_slice %arg7[%mul3A_274] : memref<2000xi32, #tpu.memory_space<vmem>> -> memref<40xi32, #tpu.memory_space<vmem>>
        %dma_start3A_281 = arith.constant 0 : i32
        %dma_start3A_282 = arith.constant 0 : i32
        %dma_start3A_283 = tpu.memref_slice %arg2[%dma_start3A_281, %dma_start3A_282] : memref<20000x128xf32, #tpu.memory_space<hbm>> -> memref<20000x128xf32, #tpu.memory_space<hbm>>
        tpu.enqueue_indirect_dma source(%dma_start3A_283 : memref<20000x128xf32, #tpu.memory_space<hbm>>) target(%dma_start3A_279 : memref<40x128xf32, #tpu.memory_space<vmem>>) offsets(%dma_start3A_280 : memref<40xi32, #tpu.memory_space<vmem>>) semaphore(%arg14 : memref<!tpu.dma_semaphore, #tpu.memory_space<semaphore_mem>>)
        %mul3A_284 = arith.constant 160000 : i32
        %mul3A_285 = arith.muli %arg0, %mul3A_284 : i32
        %mul3A_286 = arith.constant 10000 : i32
        %mul3A_287 = arith.muli %arg1, %mul3A_286 : i32
        %add3A_288 = arith.addi %mul3A_285, %mul3A_287 : i32
        %mul3A_289 = arith.constant 2000 : i32
        %mul3A_290 = arith.muli %scan3A_52, %mul3A_289 : i32
        %add3A_291 = arith.addi %add3A_288, %mul3A_290 : i32
        %mul3A_292 = arith.constant 40 : i32
        %mul3A_293 = arith.muli %add3A_272, %mul3A_292 : i32
        %add3A_294 = arith.addi %add3A_291, %mul3A_293 : i32
        %dma_start3A_295 = arith.constant 0 : i32
        %dma_start3A_296 = tpu.memref_slice %arg3[%add3A_294, %dma_start3A_295] : memref<320000x128xf32, #tpu.memory_space<hbm>> -> memref<40x128xf32, #tpu.memory_space<hbm>>
        %dma_start3A_297 = arith.constant 0 : i32
        %dma_start3A_298 = tpu.memref_slice %arg3[%add3A_294, %dma_start3A_297] : memref<320000x128xf32, #tpu.memory_space<hbm>> -> memref<40x128xf32, #tpu.memory_space<hbm>>
        tpu.enqueue_dma source(%dma_start3A_298 : memref<40x128xf32, #tpu.memory_space<hbm>>) target(%arg10 : memref<40x128xf32, #tpu.memory_space<vmem>>) target_semaphore(%arg16 : memref<!tpu.dma_semaphore, #tpu.memory_space<semaphore_mem>>)
        %add3A_299 = arith.constant 1 : i32
        %add3A_300 = arith.addi %mul3A_202, %add3A_299 : i32
        %dma_wait3A_301 = arith.constant 1 : i32
        %dma_wait3A_302 = arith.constant 0 : i32
        %dma_wait3A_303 = arith.constant 0 : i32
        %dma_wait3A_304 = tpu.memref_slice %arg9[%dma_wait3A_301, %dma_wait3A_302, %dma_wait3A_303] : memref<2x40x128xf32, #tpu.memory_space<vmem>> -> memref<1x40x128xf32, #tpu.memory_space<vmem>>
        %dma_wait3A_305 = tpu.memref_squeeze %dma_wait3A_304 : memref<1x40x128xf32, #tpu.memory_space<vmem>> -> memref<40x128xf32, #tpu.memory_space<vmem>>
        %dma_wait3A_306 = arith.constant 0 : i32
        %dma_wait3A_307 = arith.constant 0 : i32
        %dma_wait3A_308 = tpu.memref_slice %arg2[%dma_wait3A_306, %dma_wait3A_307] : memref<20000x128xf32, #tpu.memory_space<hbm>> -> memref<40x128xf32, #tpu.memory_space<hbm>>
        %dma_wait3A_309 = arith.constant 0 : i32
        %dma_wait3A_310 = arith.constant 0 : i32
        %dma_wait3A_311 = tpu.memref_slice %arg9[%dma_wait3A_301, %dma_wait3A_309, %dma_wait3A_310] : memref<2x40x128xf32, #tpu.memory_space<vmem>> -> memref<1x40x128xf32, #tpu.memory_space<vmem>>
        %dma_wait3A_312 = tpu.memref_squeeze %dma_wait3A_311 : memref<1x40x128xf32, #tpu.memory_space<vmem>> -> memref<40x128xf32, #tpu.memory_space<vmem>>
        %dma_wait3A_313 = arith.constant 0 : i32
        %dma_wait3A_314 = arith.constant 0 : i32
        %dma_wait3A_315 = tpu.memref_slice %arg2[%dma_wait3A_313, %dma_wait3A_314] : memref<20000x128xf32, #tpu.memory_space<hbm>> -> memref<40x128xf32, #tpu.memory_space<hbm>>
        tpu.wait_dma2 semaphore(%arg15 : memref<!tpu.dma_semaphore, #tpu.memory_space<semaphore_mem>>) src(%dma_wait3A_315 : memref<40x128xf32, #tpu.memory_space<hbm>>) dst(%dma_wait3A_312 : memref<40x128xf32, #tpu.memory_space<vmem>>)
        %dma_wait3A_316 = arith.constant 0 : i32
        %dma_wait3A_317 = arith.constant 0 : i32
        %dma_wait3A_318 = tpu.memref_slice %arg3[%dma_wait3A_316, %dma_wait3A_317] : memref<320000x128xf32, #tpu.memory_space<hbm>> -> memref<40x128xf32, #tpu.memory_space<hbm>>
        %dma_wait3A_319 = arith.constant 0 : i32
        %dma_wait3A_320 = arith.constant 0 : i32
        %dma_wait3A_321 = tpu.memref_slice %arg3[%dma_wait3A_319, %dma_wait3A_320] : memref<320000x128xf32, #tpu.memory_space<hbm>> -> memref<40x128xf32, #tpu.memory_space<hbm>>
        tpu.wait_dma2 semaphore(%arg17 : memref<!tpu.dma_semaphore, #tpu.memory_space<semaphore_mem>>) src(%dma_wait3A_321 : memref<40x128xf32, #tpu.memory_space<hbm>>) dst(%arg11 : memref<40x128xf32, #tpu.memory_space<vmem>>)
        %ge3A_322 = arith.constant 2 : i32
        %ge3A_323 = arith.cmpi sge, %add3A_300, %ge3A_322 : i32
        %convert_element_type3A_324 = arith.extui %ge3A_323 : i1 to i32
        %cond3A_325 = arith.constant 0 : i32
        %cond3A_326 = arith.cmpi ne, %convert_element_type3A_324, %cond3A_325 : i32
        scf.if %cond3A_326 {
          %dma_wait3A_341 = arith.constant 1 : i32
          %dma_wait3A_342 = arith.constant 0 : i32
          %dma_wait3A_343 = arith.constant 0 : i32
          %dma_wait3A_344 = tpu.memref_slice %arg12[%dma_wait3A_341, %dma_wait3A_342, %dma_wait3A_343] : memref<2x40x128xf32, #tpu.memory_space<vmem>> -> memref<1x40x128xf32, #tpu.memory_space<vmem>>
          %dma_wait3A_345 = tpu.memref_squeeze %dma_wait3A_344 : memref<1x40x128xf32, #tpu.memory_space<vmem>> -> memref<40x128xf32, #tpu.memory_space<vmem>>
          %dma_wait3A_346 = arith.constant 0 : i32
          %dma_wait3A_347 = arith.constant 0 : i32
          %dma_wait3A_348 = tpu.memref_slice %arg13[%dma_wait3A_346, %dma_wait3A_347] : memref<10240x128xf32, #tpu.memory_space<vmem_shared>> -> memref<40x128xf32, #tpu.memory_space<vmem_shared>>
          %dma_wait3A_349 = arith.constant 0 : i32
          %dma_wait3A_350 = arith.constant 0 : i32
          %dma_wait3A_351 = tpu.memref_slice %arg13[%dma_wait3A_349, %dma_wait3A_350] : memref<10240x128xf32, #tpu.memory_space<vmem_shared>> -> memref<40x128xf32, #tpu.memory_space<vmem_shared>>
          %dma_wait3A_352 = arith.constant 0 : i32
          %dma_wait3A_353 = arith.constant 0 : i32
          %dma_wait3A_354 = tpu.memref_slice %arg12[%dma_wait3A_341, %dma_wait3A_352, %dma_wait3A_353] : memref<2x40x128xf32, #tpu.memory_space<vmem>> -> memref<1x40x128xf32, #tpu.memory_space<vmem>>
          %dma_wait3A_355 = tpu.memref_squeeze %dma_wait3A_354 : memref<1x40x128xf32, #tpu.memory_space<vmem>> -> memref<40x128xf32, #tpu.memory_space<vmem>>
          tpu.wait_dma2 semaphore(%arg19 : memref<!tpu.dma_semaphore, #tpu.memory_space<semaphore_mem>>) src(%dma_wait3A_355 : memref<40x128xf32, #tpu.memory_space<vmem>>) dst(%dma_wait3A_351 : memref<40x128xf32, #tpu.memory_space<vmem_shared>>)
        } else {
        }
        %parallel_loop3A_327 = arith.constant 0 : i32
        %parallel_loop3A_328 = arith.constant 40 : i32
        %parallel_loop3A_329 = arith.constant 1 : i32
        scf.for %parallel_loop3A_341 = %parallel_loop3A_327 to %parallel_loop3A_328 step %parallel_loop3A_329  : i32 {
          %parallel_loop3A_342 = arith.constant 1 : i32
          %parallel_loop3A_343 = arith.index_cast %parallel_loop3A_342 : i32 to index
          %parallel_loop3A_344 = arith.index_cast %parallel_loop3A_341 : i32 to index
          %parallel_loop3A_345 = arith.constant 0 : index
          %parallel_loop3A_346 = tpu.vector_load %arg9[%parallel_loop3A_343, %parallel_loop3A_344, %parallel_loop3A_345] {strides = array<i32>} : memref<2x40x128xf32, #tpu.memory_space<vmem>>, vector<1x1x16xf32>,
          %parallel_loop3A_347 = vector.shape_cast %parallel_loop3A_346 : vector<1x1x16xf32> to vector<16xf32>
          %parallel_loop3A_348 = arith.index_cast %parallel_loop3A_341 : i32 to index
          %parallel_loop3A_349 = arith.constant 0 : index
          %parallel_loop3A_350 = tpu.vector_load %arg11[%parallel_loop3A_348, %parallel_loop3A_349] {strides = array<i32>} : memref<40x128xf32, #tpu.memory_space<vmem>>, vector<1x16xf32>,
          %parallel_loop3A_351 = vector.shape_cast %parallel_loop3A_350 : vector<1x16xf32> to vector<16xf32>
          %parallel_loop3A_352 = arith.mulf %parallel_loop3A_347, %parallel_loop3A_351 : vector<16xf32>
          %parallel_loop3A_353 = arith.constant 1 : i32
          %parallel_loop3A_354 = arith.index_cast %parallel_loop3A_353 : i32 to index
          %parallel_loop3A_355 = arith.index_cast %parallel_loop3A_341 : i32 to index
          %parallel_loop3A_356 = arith.constant 0 : index
          %parallel_loop3A_357 = tpu.vector_load %arg12[%parallel_loop3A_354, %parallel_loop3A_355, %parallel_loop3A_356] {strides = array<i32>} : memref<2x40x128xf32, #tpu.memory_space<vmem>>, vector<1x1x16xf32>,
          %parallel_loop3A_358 = vector.shape_cast %parallel_loop3A_357 : vector<1x1x16xf32> to vector<16xf32>
          %parallel_loop3A_359 = vector.shape_cast %parallel_loop3A_352 : vector<16xf32> to vector<1x1x16xf32>
          tpu.vector_store %arg12[%parallel_loop3A_354, %parallel_loop3A_355, %parallel_loop3A_356], %parallel_loop3A_359 {strides = array<i32>} : memref<2x40x128xf32, #tpu.memory_space<vmem>>, vector<1x1x16xf32>,
          %parallel_loop3A_360 = arith.constant 1 : i32
          %parallel_loop3A_361 = arith.index_cast %parallel_loop3A_360 : i32 to index
          %parallel_loop3A_362 = arith.index_cast %parallel_loop3A_341 : i32 to index
          %parallel_loop3A_363 = arith.constant 16 : index
          %parallel_loop3A_364 = tpu.vector_load %arg9[%parallel_loop3A_361, %parallel_loop3A_362, %parallel_loop3A_363] {strides = array<i32>} : memref<2x40x128xf32, #tpu.memory_space<vmem>>, vector<1x1x16xf32>,
          %parallel_loop3A_365 = vector.shape_cast %parallel_loop3A_364 : vector<1x1x16xf32> to vector<16xf32>
          %parallel_loop3A_366 = arith.index_cast %parallel_loop3A_341 : i32 to index
          %parallel_loop3A_367 = arith.constant 16 : index
          %parallel_loop3A_368 = tpu.vector_load %arg11[%parallel_loop3A_366, %parallel_loop3A_367] {strides = array<i32>} : memref<40x128xf32, #tpu.memory_space<vmem>>, vector<1x16xf32>,
          %parallel_loop3A_369 = vector.shape_cast %parallel_loop3A_368 : vector<1x16xf32> to vector<16xf32>
          %parallel_loop3A_370 = arith.mulf %parallel_loop3A_365, %parallel_loop3A_369 : vector<16xf32>
          %parallel_loop3A_371 = arith.constant 1 : i32
          %parallel_loop3A_372 = arith.index_cast %parallel_loop3A_371 : i32 to index
          %parallel_loop3A_373 = arith.index_cast %parallel_loop3A_341 : i32 to index
          %parallel_loop3A_374 = arith.constant 16 : index
          %parallel_loop3A_375 = tpu.vector_load %arg12[%parallel_loop3A_372, %parallel_loop3A_373, %parallel_loop3A_374] {strides = array<i32>} : memref<2x40x128xf32, #tpu.memory_space<vmem>>, vector<1x1x16xf32>,
          %parallel_loop3A_376 = vector.shape_cast %parallel_loop3A_375 : vector<1x1x16xf32> to vector<16xf32>
          %parallel_loop3A_377 = vector.shape_cast %parallel_loop3A_370 : vector<16xf32> to vector<1x1x16xf32>
          tpu.vector_store %arg12[%parallel_loop3A_372, %parallel_loop3A_373, %parallel_loop3A_374], %parallel_loop3A_377 {strides = array<i32>} : memref<2x40x128xf32, #tpu.memory_space<vmem>>, vector<1x1x16xf32>,
          %parallel_loop3A_378 = arith.constant 1 : i32
          %parallel_loop3A_379 = arith.index_cast %parallel_loop3A_378 : i32 to index
          %parallel_loop3A_380 = arith.index_cast %parallel_loop3A_341 : i32 to index
          %parallel_loop3A_381 = arith.constant 32 : index
          %parallel_loop3A_382 = tpu.vector_load %arg9[%parallel_loop3A_379, %parallel_loop3A_380, %parallel_loop3A_381] {strides = array<i32>} : memref<2x40x128xf32, #tpu.memory_space<vmem>>, vector<1x1x16xf32>,
          %parallel_loop3A_383 = vector.shape_cast %parallel_loop3A_382 : vector<1x1x16xf32> to vector<16xf32>
          %parallel_loop3A_384 = arith.index_cast %parallel_loop3A_341 : i32 to index
          %parallel_loop3A_385 = arith.constant 32 : index
          %parallel_loop3A_386 = tpu.vector_load %arg11[%parallel_loop3A_384, %parallel_loop3A_385] {strides = array<i32>} : memref<40x128xf32, #tpu.memory_space<vmem>>, vector<1x16xf32>,
          %parallel_loop3A_387 = vector.shape_cast %parallel_loop3A_386 : vector<1x16xf32> to vector<16xf32>
          %parallel_loop3A_388 = arith.mulf %parallel_loop3A_383, %parallel_loop3A_387 : vector<16xf32>
          %parallel_loop3A_389 = arith.constant 1 : i32
          %parallel_loop3A_390 = arith.index_cast %parallel_loop3A_389 : i32 to index
          %parallel_loop3A_391 = arith.index_cast %parallel_loop3A_341 : i32 to index
          %parallel_loop3A_392 = arith.constant 32 : index
          %parallel_loop3A_393 = tpu.vector_load %arg12[%parallel_loop3A_390, %parallel_loop3A_391, %parallel_loop3A_392] {strides = array<i32>} : memref<2x40x128xf32, #tpu.memory_space<vmem>>, vector<1x1x16xf32>,
          %parallel_loop3A_394 = vector.shape_cast %parallel_loop3A_393 : vector<1x1x16xf32> to vector<16xf32>
          %parallel_loop3A_395 = vector.shape_cast %parallel_loop3A_388 : vector<16xf32> to vector<1x1x16xf32>
          tpu.vector_store %arg12[%parallel_loop3A_390, %parallel_loop3A_391, %parallel_loop3A_392], %parallel_loop3A_395 {strides = array<i32>} : memref<2x40x128xf32, #tpu.memory_space<vmem>>, vector<1x1x16xf32>,
          %parallel_loop3A_396 = arith.constant 1 : i32
          %parallel_loop3A_397 = arith.index_cast %parallel_loop3A_396 : i32 to index
          %parallel_loop3A_398 = arith.index_cast %parallel_loop3A_341 : i32 to index
          %parallel_loop3A_399 = arith.constant 48 : index
          %parallel_loop3A_400 = tpu.vector_load %arg9[%parallel_loop3A_397, %parallel_loop3A_398, %parallel_loop3A_399] {strides = array<i32>} : memref<2x40x128xf32, #tpu.memory_space<vmem>>, vector<1x1x16xf32>,
          %parallel_loop3A_401 = vector.shape_cast %parallel_loop3A_400 : vector<1x1x16xf32> to vector<16xf32>
          %parallel_loop3A_402 = arith.index_cast %parallel_loop3A_341 : i32 to index
          %parallel_loop3A_403 = arith.constant 48 : index
          %parallel_loop3A_404 = tpu.vector_load %arg11[%parallel_loop3A_402, %parallel_loop3A_403] {strides = array<i32>} : memref<40x128xf32, #tpu.memory_space<vmem>>, vector<1x16xf32>,
          %parallel_loop3A_405 = vector.shape_cast %parallel_loop3A_404 : vector<1x16xf32> to vector<16xf32>
          %parallel_loop3A_406 = arith.mulf %parallel_loop3A_401, %parallel_loop3A_405 : vector<16xf32>
          %parallel_loop3A_407 = arith.constant 1 : i32
          %parallel_loop3A_408 = arith.index_cast %parallel_loop3A_407 : i32 to index
          %parallel_loop3A_409 = arith.index_cast %parallel_loop3A_341 : i32 to index
          %parallel_loop3A_410 = arith.constant 48 : index
          %parallel_loop3A_411 = tpu.vector_load %arg12[%parallel_loop3A_408, %parallel_loop3A_409, %parallel_loop3A_410] {strides = array<i32>} : memref<2x40x128xf32, #tpu.memory_space<vmem>>, vector<1x1x16xf32>,
          %parallel_loop3A_412 = vector.shape_cast %parallel_loop3A_411 : vector<1x1x16xf32> to vector<16xf32>
          %parallel_loop3A_413 = vector.shape_cast %parallel_loop3A_406 : vector<16xf32> to vector<1x1x16xf32>
          tpu.vector_store %arg12[%parallel_loop3A_408, %parallel_loop3A_409, %parallel_loop3A_410], %parallel_loop3A_413 {strides = array<i32>} : memref<2x40x128xf32, #tpu.memory_space<vmem>>, vector<1x1x16xf32>,
          %parallel_loop3A_414 = arith.constant 1 : i32
          %parallel_loop3A_415 = arith.index_cast %parallel_loop3A_414 : i32 to index
          %parallel_loop3A_416 = arith.index_cast %parallel_loop3A_341 : i32 to index
          %parallel_loop3A_417 = arith.constant 64 : index
          %parallel_loop3A_418 = tpu.vector_load %arg9[%parallel_loop3A_415, %parallel_loop3A_416, %parallel_loop3A_417] {strides = array<i32>} : memref<2x40x128xf32, #tpu.memory_space<vmem>>, vector<1x1x16xf32>,
          %parallel_loop3A_419 = vector.shape_cast %parallel_loop3A_418 : vector<1x1x16xf32> to vector<16xf32>
          %parallel_loop3A_420 = arith.index_cast %parallel_loop3A_341 : i32 to index
          %parallel_loop3A_421 = arith.constant 64 : index
          %parallel_loop3A_422 = tpu.vector_load %arg11[%parallel_loop3A_420, %parallel_loop3A_421] {strides = array<i32>} : memref<40x128xf32, #tpu.memory_space<vmem>>, vector<1x16xf32>,
          %parallel_loop3A_423 = vector.shape_cast %parallel_loop3A_422 : vector<1x16xf32> to vector<16xf32>
          %parallel_loop3A_424 = arith.mulf %parallel_loop3A_419, %parallel_loop3A_423 : vector<16xf32>
          %parallel_loop3A_425 = arith.constant 1 : i32
          %parallel_loop3A_426 = arith.index_cast %parallel_loop3A_425 : i32 to index
          %parallel_loop3A_427 = arith.index_cast %parallel_loop3A_341 : i32 to index
          %parallel_loop3A_428 = arith.constant 64 : index
          %parallel_loop3A_429 = tpu.vector_load %arg12[%parallel_loop3A_426, %parallel_loop3A_427, %parallel_loop3A_428] {strides = array<i32>} : memref<2x40x128xf32, #tpu.memory_space<vmem>>, vector<1x1x16xf32>,
          %parallel_loop3A_430 = vector.shape_cast %parallel_loop3A_429 : vector<1x1x16xf32> to vector<16xf32>
          %parallel_loop3A_431 = vector.shape_cast %parallel_loop3A_424 : vector<16xf32> to vector<1x1x16xf32>
          tpu.vector_store %arg12[%parallel_loop3A_426, %parallel_loop3A_427, %parallel_loop3A_428], %parallel_loop3A_431 {strides = array<i32>} : memref<2x40x128xf32, #tpu.memory_space<vmem>>, vector<1x1x16xf32>,
          %parallel_loop3A_432 = arith.constant 1 : i32
          %parallel_loop3A_433 = arith.index_cast %parallel_loop3A_432 : i32 to index
          %parallel_loop3A_434 = arith.index_cast %parallel_loop3A_341 : i32 to index
          %parallel_loop3A_435 = arith.constant 80 : index
          %parallel_loop3A_436 = tpu.vector_load %arg9[%parallel_loop3A_433, %parallel_loop3A_434, %parallel_loop3A_435] {strides = array<i32>} : memref<2x40x128xf32, #tpu.memory_space<vmem>>, vector<1x1x16xf32>,
          %parallel_loop3A_437 = vector.shape_cast %parallel_loop3A_436 : vector<1x1x16xf32> to vector<16xf32>
          %parallel_loop3A_438 = arith.index_cast %parallel_loop3A_341 : i32 to index
          %parallel_loop3A_439 = arith.constant 80 : index
          %parallel_loop3A_440 = tpu.vector_load %arg11[%parallel_loop3A_438, %parallel_loop3A_439] {strides = array<i32>} : memref<40x128xf32, #tpu.memory_space<vmem>>, vector<1x16xf32>,
          %parallel_loop3A_441 = vector.shape_cast %parallel_loop3A_440 : vector<1x16xf32> to vector<16xf32>
          %parallel_loop3A_442 = arith.mulf %parallel_loop3A_437, %parallel_loop3A_441 : vector<16xf32>
          %parallel_loop3A_443 = arith.constant 1 : i32
          %parallel_loop3A_444 = arith.index_cast %parallel_loop3A_443 : i32 to index
          %parallel_loop3A_445 = arith.index_cast %parallel_loop3A_341 : i32 to index
          %parallel_loop3A_446 = arith.constant 80 : index
          %parallel_loop3A_447 = tpu.vector_load %arg12[%parallel_loop3A_444, %parallel_loop3A_445, %parallel_loop3A_446] {strides = array<i32>} : memref<2x40x128xf32, #tpu.memory_space<vmem>>, vector<1x1x16xf32>,
          %parallel_loop3A_448 = vector.shape_cast %parallel_loop3A_447 : vector<1x1x16xf32> to vector<16xf32>
          %parallel_loop3A_449 = vector.shape_cast %parallel_loop3A_442 : vector<16xf32> to vector<1x1x16xf32>
          tpu.vector_store %arg12[%parallel_loop3A_444, %parallel_loop3A_445, %parallel_loop3A_446], %parallel_loop3A_449 {strides = array<i32>} : memref<2x40x128xf32, #tpu.memory_space<vmem>>, vector<1x1x16xf32>,
          %parallel_loop3A_450 = arith.constant 1 : i32
          %parallel_loop3A_451 = arith.index_cast %parallel_loop3A_450 : i32 to index
          %parallel_loop3A_452 = arith.index_cast %parallel_loop3A_341 : i32 to index
          %parallel_loop3A_453 = arith.constant 96 : index
          %parallel_loop3A_454 = tpu.vector_load %arg9[%parallel_loop3A_451, %parallel_loop3A_452, %parallel_loop3A_453] {strides = array<i32>} : memref<2x40x128xf32, #tpu.memory_space<vmem>>, vector<1x1x16xf32>,
          %parallel_loop3A_455 = vector.shape_cast %parallel_loop3A_454 : vector<1x1x16xf32> to vector<16xf32>
          %parallel_loop3A_456 = arith.index_cast %parallel_loop3A_341 : i32 to index
          %parallel_loop3A_457 = arith.constant 96 : index
          %parallel_loop3A_458 = tpu.vector_load %arg11[%parallel_loop3A_456, %parallel_loop3A_457] {strides = array<i32>} : memref<40x128xf32, #tpu.memory_space<vmem>>, vector<1x16xf32>,
          %parallel_loop3A_459 = vector.shape_cast %parallel_loop3A_458 : vector<1x16xf32> to vector<16xf32>
          %parallel_loop3A_460 = arith.mulf %parallel_loop3A_455, %parallel_loop3A_459 : vector<16xf32>
          %parallel_loop3A_461 = arith.constant 1 : i32
          %parallel_loop3A_462 = arith.index_cast %parallel_loop3A_461 : i32 to index
          %parallel_loop3A_463 = arith.index_cast %parallel_loop3A_341 : i32 to index
          %parallel_loop3A_464 = arith.constant 96 : index
          %parallel_loop3A_465 = tpu.vector_load %arg12[%parallel_loop3A_462, %parallel_loop3A_463, %parallel_loop3A_464] {strides = array<i32>} : memref<2x40x128xf32, #tpu.memory_space<vmem>>, vector<1x1x16xf32>,
          %parallel_loop3A_466 = vector.shape_cast %parallel_loop3A_465 : vector<1x1x16xf32> to vector<16xf32>
          %parallel_loop3A_467 = vector.shape_cast %parallel_loop3A_460 : vector<16xf32> to vector<1x1x16xf32>
          tpu.vector_store %arg12[%parallel_loop3A_462, %parallel_loop3A_463, %parallel_loop3A_464], %parallel_loop3A_467 {strides = array<i32>} : memref<2x40x128xf32, #tpu.memory_space<vmem>>, vector<1x1x16xf32>,
          %parallel_loop3A_468 = arith.constant 1 : i32
          %parallel_loop3A_469 = arith.index_cast %parallel_loop3A_468 : i32 to index
          %parallel_loop3A_470 = arith.index_cast %parallel_loop3A_341 : i32 to index
          %parallel_loop3A_471 = arith.constant 112 : index
          %parallel_loop3A_472 = tpu.vector_load %arg9[%parallel_loop3A_469, %parallel_loop3A_470, %parallel_loop3A_471] {strides = array<i32>} : memref<2x40x128xf32, #tpu.memory_space<vmem>>, vector<1x1x16xf32>,
          %parallel_loop3A_473 = vector.shape_cast %parallel_loop3A_472 : vector<1x1x16xf32> to vector<16xf32>
          %parallel_loop3A_474 = arith.index_cast %parallel_loop3A_341 : i32 to index
          %parallel_loop3A_475 = arith.constant 112 : index
          %parallel_loop3A_476 = tpu.vector_load %arg11[%parallel_loop3A_474, %parallel_loop3A_475] {strides = array<i32>} : memref<40x128xf32, #tpu.memory_space<vmem>>, vector<1x16xf32>,
          %parallel_loop3A_477 = vector.shape_cast %parallel_loop3A_476 : vector<1x16xf32> to vector<16xf32>
          %parallel_loop3A_478 = arith.mulf %parallel_loop3A_473, %parallel_loop3A_477 : vector<16xf32>
          %parallel_loop3A_479 = arith.constant 1 : i32
          %parallel_loop3A_480 = arith.index_cast %parallel_loop3A_479 : i32 to index
          %parallel_loop3A_481 = arith.index_cast %parallel_loop3A_341 : i32 to index
          %parallel_loop3A_482 = arith.constant 112 : index
          %parallel_loop3A_483 = tpu.vector_load %arg12[%parallel_loop3A_480, %parallel_loop3A_481, %parallel_loop3A_482] {strides = array<i32>} : memref<2x40x128xf32, #tpu.memory_space<vmem>>, vector<1x1x16xf32>,
          %parallel_loop3A_484 = vector.shape_cast %parallel_loop3A_483 : vector<1x1x16xf32> to vector<16xf32>
          %parallel_loop3A_485 = vector.shape_cast %parallel_loop3A_478 : vector<16xf32> to vector<1x1x16xf32>
          tpu.vector_store %arg12[%parallel_loop3A_480, %parallel_loop3A_481, %parallel_loop3A_482], %parallel_loop3A_485 {strides = array<i32>} : memref<2x40x128xf32, #tpu.memory_space<vmem>>, vector<1x1x16xf32>,
        } {sc.loop_unroll_factor = 4 : i64, sc.parallel_access}
        %dma_start3A_330 = arith.constant 1 : i32
        %dma_start3A_331 = arith.constant 0 : i32
        %dma_start3A_332 = arith.constant 0 : i32
        %dma_start3A_333 = tpu.memref_slice %arg12[%dma_start3A_330, %dma_start3A_331, %dma_start3A_332] : memref<2x40x128xf32, #tpu.memory_space<vmem>> -> memref<1x40x128xf32, #tpu.memory_space<vmem>>
        %dma_start3A_334 = tpu.memref_squeeze %dma_start3A_333 : memref<1x40x128xf32, #tpu.memory_space<vmem>> -> memref<40x128xf32, #tpu.memory_space<vmem>>
        %dma_start3A_335 = arith.constant 0 : i32
        %dma_start3A_336 = tpu.memref_slice %arg8[%add3A_300, %dma_start3A_335] : memref<50x40xi32, #tpu.memory_space<vmem>> -> memref<1x40xi32, #tpu.memory_space<vmem>>
        %dma_start3A_337 = tpu.memref_squeeze %dma_start3A_336 : memref<1x40xi32, #tpu.memory_space<vmem>> -> memref<40xi32, #tpu.memory_space<vmem>>
        %dma_start3A_338 = arith.constant 0 : i32
        %dma_start3A_339 = arith.constant 0 : i32
        %dma_start3A_340 = tpu.memref_slice %arg13[%dma_start3A_338, %dma_start3A_339] : memref<10240x128xf32, #tpu.memory_space<vmem_shared>> -> memref<10240x128xf32, #tpu.memory_space<vmem_shared>>
        tpu.enqueue_indirect_dma source(%dma_start3A_334 : memref<40x128xf32, #tpu.memory_space<vmem>>) target(%dma_start3A_340 : memref<10240x128xf32, #tpu.memory_space<vmem_shared>>) offsets(%dma_start3A_337 : memref<40xi32, #tpu.memory_space<vmem>>) semaphore(%arg19 : memref<!tpu.dma_semaphore, #tpu.memory_space<semaphore_mem>>) {add = true}
      }
      %scan3A_93 = arith.constant 24 : i32
      %dma_start3A_94 = arith.constant 1 : i32
      %dma_start3A_95 = arith.constant 0 : i32
      %dma_start3A_96 = arith.constant 0 : i32
      %dma_start3A_97 = tpu.memref_slice %arg9[%dma_start3A_94, %dma_start3A_95, %dma_start3A_96] : memref<2x40x128xf32, #tpu.memory_space<vmem>> -> memref<1x40x128xf32, #tpu.memory_space<vmem>>
      %dma_start3A_98 = tpu.memref_squeeze %dma_start3A_97 : memref<1x40x128xf32, #tpu.memory_space<vmem>> -> memref<40x128xf32, #tpu.memory_space<vmem>>
      %dma_start3A_99 = arith.constant 1960 : i32
      %dma_start3A_100 = tpu.memref_slice %arg7[%dma_start3A_99] : memref<2000xi32, #tpu.memory_space<vmem>> -> memref<40xi32, #tpu.memory_space<vmem>>
      %dma_start3A_101 = arith.constant 0 : i32
      %dma_start3A_102 = arith.constant 0 : i32
      %dma_start3A_103 = tpu.memref_slice %arg2[%dma_start3A_101, %dma_start3A_102] : memref<20000x128xf32, #tpu.memory_space<hbm>> -> memref<20000x128xf32, #tpu.memory_space<hbm>>
      tpu.enqueue_indirect_dma source(%dma_start3A_103 : memref<20000x128xf32, #tpu.memory_space<hbm>>) target(%dma_start3A_98 : memref<40x128xf32, #tpu.memory_space<vmem>>) offsets(%dma_start3A_100 : memref<40xi32, #tpu.memory_space<vmem>>) semaphore(%arg15 : memref<!tpu.dma_semaphore, #tpu.memory_space<semaphore_mem>>)
      %mul3A_104 = arith.constant 160000 : i32
      %mul3A_105 = arith.muli %arg0, %mul3A_104 : i32
      %mul3A_106 = arith.constant 10000 : i32
      %mul3A_107 = arith.muli %arg1, %mul3A_106 : i32
      %add3A_108 = arith.addi %mul3A_105, %mul3A_107 : i32
      %mul3A_109 = arith.constant 2000 : i32
      %mul3A_110 = arith.muli %scan3A_52, %mul3A_109 : i32
      %add3A_111 = arith.addi %add3A_108, %mul3A_110 : i32
      %add3A_112 = arith.constant 1960 : i32
      %add3A_113 = arith.addi %add3A_111, %add3A_112 : i32
      %dma_start3A_114 = arith.constant 0 : i32
      %dma_start3A_115 = tpu.memref_slice %arg3[%add3A_113, %dma_start3A_114] : memref<320000x128xf32, #tpu.memory_space<hbm>> -> memref<40x128xf32, #tpu.memory_space<hbm>>
      %dma_start3A_116 = arith.constant 0 : i32
      %dma_start3A_117 = tpu.memref_slice %arg3[%add3A_113, %dma_start3A_116] : memref<320000x128xf32, #tpu.memory_space<hbm>> -> memref<40x128xf32, #tpu.memory_space<hbm>>
      tpu.enqueue_dma source(%dma_start3A_117 : memref<40x128xf32, #tpu.memory_space<hbm>>) target(%arg11 : memref<40x128xf32, #tpu.memory_space<vmem>>) target_semaphore(%arg17 : memref<!tpu.dma_semaphore, #tpu.memory_space<semaphore_mem>>)
      %dma_wait3A_118 = arith.constant 0 : i32
      %dma_wait3A_119 = arith.constant 0 : i32
      %dma_wait3A_120 = arith.constant 0 : i32
      %dma_wait3A_121 = tpu.memref_slice %arg9[%dma_wait3A_118, %dma_wait3A_119, %dma_wait3A_120] : memref<2x40x128xf32, #tpu.memory_space<vmem>> -> memref<1x40x128xf32, #tpu.memory_space<vmem>>
      %dma_wait3A_122 = tpu.memref_squeeze %dma_wait3A_121 : memref<1x40x128xf32, #tpu.memory_space<vmem>> -> memref<40x128xf32, #tpu.memory_space<vmem>>
      %dma_wait3A_123 = arith.constant 0 : i32
      %dma_wait3A_124 = arith.constant 0 : i32
      %dma_wait3A_125 = tpu.memref_slice %arg2[%dma_wait3A_123, %dma_wait3A_124] : memref<20000x128xf32, #tpu.memory_space<hbm>> -> memref<40x128xf32, #tpu.memory_space<hbm>>
      %dma_wait3A_126 = arith.constant 0 : i32
      %dma_wait3A_127 = arith.constant 0 : i32
      %dma_wait3A_128 = tpu.memref_slice %arg9[%dma_wait3A_118, %dma_wait3A_126, %dma_wait3A_127] : memref<2x40x128xf32, #tpu.memory_space<vmem>> -> memref<1x40x128xf32, #tpu.memory_space<vmem>>
      %dma_wait3A_129 = tpu.memref_squeeze %dma_wait3A_128 : memref<1x40x128xf32, #tpu.memory_space<vmem>> -> memref<40x128xf32, #tpu.memory_space<vmem>>
      %dma_wait3A_130 = arith.constant 0 : i32
      %dma_wait3A_131 = arith.constant 0 : i32
      %dma_wait3A_132 = tpu.memref_slice %arg2[%dma_wait3A_130, %dma_wait3A_131] : memref<20000x128xf32, #tpu.memory_space<hbm>> -> memref<40x128xf32, #tpu.memory_space<hbm>>
      tpu.wait_dma2 semaphore(%arg14 : memref<!tpu.dma_semaphore, #tpu.memory_space<semaphore_mem>>) src(%dma_wait3A_132 : memref<40x128xf32, #tpu.memory_space<hbm>>) dst(%dma_wait3A_129 : memref<40x128xf32, #tpu.memory_space<vmem>>)
      %dma_wait3A_133 = arith.constant 0 : i32
      %dma_wait3A_134 = arith.constant 0 : i32
      %dma_wait3A_135 = tpu.memref_slice %arg3[%dma_wait3A_133, %dma_wait3A_134] : memref<320000x128xf32, #tpu.memory_space<hbm>> -> memref<40x128xf32, #tpu.memory_space<hbm>>
      %dma_wait3A_136 = arith.constant 0 : i32
      %dma_wait3A_137 = arith.constant 0 : i32
      %dma_wait3A_138 = tpu.memref_slice %arg3[%dma_wait3A_136, %dma_wait3A_137] : memref<320000x128xf32, #tpu.memory_space<hbm>> -> memref<40x128xf32, #tpu.memory_space<hbm>>
      tpu.wait_dma2 semaphore(%arg16 : memref<!tpu.dma_semaphore, #tpu.memory_space<semaphore_mem>>) src(%dma_wait3A_138 : memref<40x128xf32, #tpu.memory_space<hbm>>) dst(%arg10 : memref<40x128xf32, #tpu.memory_space<vmem>>)
      %ge3A = arith.constant 48 : i32
      %ge3A_139 = arith.constant 2 : i32
      %ge3A_140 = arith.cmpi sge, %ge3A, %ge3A_139 : i32
      %convert_element_type3A_141 = arith.extui %ge3A_140 : i1 to i32
      %cond3A_142 = arith.constant 0 : i32
      %cond3A_143 = arith.cmpi ne, %convert_element_type3A_141, %cond3A_142 : i32
      scf.if %cond3A_143 {
        %dma_wait3A_200 = arith.constant 0 : i32
        %dma_wait3A_201 = arith.constant 0 : i32
        %dma_wait3A_202 = arith.constant 0 : i32
        %dma_wait3A_203 = tpu.memref_slice %arg12[%dma_wait3A_200, %dma_wait3A_201, %dma_wait3A_202] : memref<2x40x128xf32, #tpu.memory_space<vmem>> -> memref<1x40x128xf32, #tpu.memory_space<vmem>>
        %dma_wait3A_204 = tpu.memref_squeeze %dma_wait3A_203 : memref<1x40x128xf32, #tpu.memory_space<vmem>> -> memref<40x128xf32, #tpu.memory_space<vmem>>
        %dma_wait3A_205 = arith.constant 0 : i32
        %dma_wait3A_206 = arith.constant 0 : i32
        %dma_wait3A_207 = tpu.memref_slice %arg13[%dma_wait3A_205, %dma_wait3A_206] : memref<10240x128xf32, #tpu.memory_space<vmem_shared>> -> memref<40x128xf32, #tpu.memory_space<vmem_shared>>
        %dma_wait3A_208 = arith.constant 0 : i32
        %dma_wait3A_209 = arith.constant 0 : i32
        %dma_wait3A_210 = tpu.memref_slice %arg13[%dma_wait3A_208, %dma_wait3A_209] : memref<10240x128xf32, #tpu.memory_space<vmem_shared>> -> memref<40x128xf32, #tpu.memory_space<vmem_shared>>
        %dma_wait3A_211 = arith.constant 0 : i32
        %dma_wait3A_212 = arith.constant 0 : i32
        %dma_wait3A_213 = tpu.memref_slice %arg12[%dma_wait3A_200, %dma_wait3A_211, %dma_wait3A_212] : memref<2x40x128xf32, #tpu.memory_space<vmem>> -> memref<1x40x128xf32, #tpu.memory_space<vmem>>
        %dma_wait3A_214 = tpu.memref_squeeze %dma_wait3A_213 : memref<1x40x128xf32, #tpu.memory_space<vmem>> -> memref<40x128xf32, #tpu.memory_space<vmem>>
        tpu.wait_dma2 semaphore(%arg18 : memref<!tpu.dma_semaphore, #tpu.memory_space<semaphore_mem>>) src(%dma_wait3A_214 : memref<40x128xf32, #tpu.memory_space<vmem>>) dst(%dma_wait3A_210 : memref<40x128xf32, #tpu.memory_space<vmem_shared>>)
      } else {
      }
      %parallel_loop3A = arith.constant 0 : i32
      %parallel_loop3A_144 = arith.constant 40 : i32
      %parallel_loop3A_145 = arith.constant 1 : i32
      scf.for %parallel_loop3A_200 = %parallel_loop3A to %parallel_loop3A_144 step %parallel_loop3A_145  : i32 {
        %parallel_loop3A_201 = arith.constant 0 : i32
        %parallel_loop3A_202 = arith.index_cast %parallel_loop3A_201 : i32 to index
        %parallel_loop3A_203 = arith.index_cast %parallel_loop3A_200 : i32 to index
        %parallel_loop3A_204 = arith.constant 0 : index
        %parallel_loop3A_205 = tpu.vector_load %arg9[%parallel_loop3A_202, %parallel_loop3A_203, %parallel_loop3A_204] {strides = array<i32>} : memref<2x40x128xf32, #tpu.memory_space<vmem>>, vector<1x1x16xf32>,
        %parallel_loop3A_206 = vector.shape_cast %parallel_loop3A_205 : vector<1x1x16xf32> to vector<16xf32>
        %parallel_loop3A_207 = arith.index_cast %parallel_loop3A_200 : i32 to index
        %parallel_loop3A_208 = arith.constant 0 : index
        %parallel_loop3A_209 = tpu.vector_load %arg10[%parallel_loop3A_207, %parallel_loop3A_208] {strides = array<i32>} : memref<40x128xf32, #tpu.memory_space<vmem>>, vector<1x16xf32>,
        %parallel_loop3A_210 = vector.shape_cast %parallel_loop3A_209 : vector<1x16xf32> to vector<16xf32>
        %parallel_loop3A_211 = arith.mulf %parallel_loop3A_206, %parallel_loop3A_210 : vector<16xf32>
        %parallel_loop3A_212 = arith.constant 0 : i32
        %parallel_loop3A_213 = arith.index_cast %parallel_loop3A_212 : i32 to index
        %parallel_loop3A_214 = arith.index_cast %parallel_loop3A_200 : i32 to index
        %parallel_loop3A_215 = arith.constant 0 : index
        %parallel_loop3A_216 = tpu.vector_load %arg12[%parallel_loop3A_213, %parallel_loop3A_214, %parallel_loop3A_215] {strides = array<i32>} : memref<2x40x128xf32, #tpu.memory_space<vmem>>, vector<1x1x16xf32>,
        %parallel_loop3A_217 = vector.shape_cast %parallel_loop3A_216 : vector<1x1x16xf32> to vector<16xf32>
        %parallel_loop3A_218 = vector.shape_cast %parallel_loop3A_211 : vector<16xf32> to vector<1x1x16xf32>
        tpu.vector_store %arg12[%parallel_loop3A_213, %parallel_loop3A_214, %parallel_loop3A_215], %parallel_loop3A_218 {strides = array<i32>} : memref<2x40x128xf32, #tpu.memory_space<vmem>>, vector<1x1x16xf32>,
        %parallel_loop3A_219 = arith.constant 0 : i32
        %parallel_loop3A_220 = arith.index_cast %parallel_loop3A_219 : i32 to index
        %parallel_loop3A_221 = arith.index_cast %parallel_loop3A_200 : i32 to index
        %parallel_loop3A_222 = arith.constant 16 : index
        %parallel_loop3A_223 = tpu.vector_load %arg9[%parallel_loop3A_220, %parallel_loop3A_221, %parallel_loop3A_222] {strides = array<i32>} : memref<2x40x128xf32, #tpu.memory_space<vmem>>, vector<1x1x16xf32>,
        %parallel_loop3A_224 = vector.shape_cast %parallel_loop3A_223 : vector<1x1x16xf32> to vector<16xf32>
        %parallel_loop3A_225 = arith.index_cast %parallel_loop3A_200 : i32 to index
        %parallel_loop3A_226 = arith.constant 16 : index
        %parallel_loop3A_227 = tpu.vector_load %arg10[%parallel_loop3A_225, %parallel_loop3A_226] {strides = array<i32>} : memref<40x128xf32, #tpu.memory_space<vmem>>, vector<1x16xf32>,
        %parallel_loop3A_228 = vector.shape_cast %parallel_loop3A_227 : vector<1x16xf32> to vector<16xf32>
        %parallel_loop3A_229 = arith.mulf %parallel_loop3A_224, %parallel_loop3A_228 : vector<16xf32>
        %parallel_loop3A_230 = arith.constant 0 : i32
        %parallel_loop3A_231 = arith.index_cast %parallel_loop3A_230 : i32 to index
        %parallel_loop3A_232 = arith.index_cast %parallel_loop3A_200 : i32 to index
        %parallel_loop3A_233 = arith.constant 16 : index
        %parallel_loop3A_234 = tpu.vector_load %arg12[%parallel_loop3A_231, %parallel_loop3A_232, %parallel_loop3A_233] {strides = array<i32>} : memref<2x40x128xf32, #tpu.memory_space<vmem>>, vector<1x1x16xf32>,
        %parallel_loop3A_235 = vector.shape_cast %parallel_loop3A_234 : vector<1x1x16xf32> to vector<16xf32>
        %parallel_loop3A_236 = vector.shape_cast %parallel_loop3A_229 : vector<16xf32> to vector<1x1x16xf32>
        tpu.vector_store %arg12[%parallel_loop3A_231, %parallel_loop3A_232, %parallel_loop3A_233], %parallel_loop3A_236 {strides = array<i32>} : memref<2x40x128xf32, #tpu.memory_space<vmem>>, vector<1x1x16xf32>,
        %parallel_loop3A_237 = arith.constant 0 : i32
        %parallel_loop3A_238 = arith.index_cast %parallel_loop3A_237 : i32 to index
        %parallel_loop3A_239 = arith.index_cast %parallel_loop3A_200 : i32 to index
        %parallel_loop3A_240 = arith.constant 32 : index
        %parallel_loop3A_241 = tpu.vector_load %arg9[%parallel_loop3A_238, %parallel_loop3A_239, %parallel_loop3A_240] {strides = array<i32>} : memref<2x40x128xf32, #tpu.memory_space<vmem>>, vector<1x1x16xf32>,
        %parallel_loop3A_242 = vector.shape_cast %parallel_loop3A_241 : vector<1x1x16xf32> to vector<16xf32>
        %parallel_loop3A_243 = arith.index_cast %parallel_loop3A_200 : i32 to index
        %parallel_loop3A_244 = arith.constant 32 : index
        %parallel_loop3A_245 = tpu.vector_load %arg10[%parallel_loop3A_243, %parallel_loop3A_244] {strides = array<i32>} : memref<40x128xf32, #tpu.memory_space<vmem>>, vector<1x16xf32>,
        %parallel_loop3A_246 = vector.shape_cast %parallel_loop3A_245 : vector<1x16xf32> to vector<16xf32>
        %parallel_loop3A_247 = arith.mulf %parallel_loop3A_242, %parallel_loop3A_246 : vector<16xf32>
        %parallel_loop3A_248 = arith.constant 0 : i32
        %parallel_loop3A_249 = arith.index_cast %parallel_loop3A_248 : i32 to index
        %parallel_loop3A_250 = arith.index_cast %parallel_loop3A_200 : i32 to index
        %parallel_loop3A_251 = arith.constant 32 : index
        %parallel_loop3A_252 = tpu.vector_load %arg12[%parallel_loop3A_249, %parallel_loop3A_250, %parallel_loop3A_251] {strides = array<i32>} : memref<2x40x128xf32, #tpu.memory_space<vmem>>, vector<1x1x16xf32>,
        %parallel_loop3A_253 = vector.shape_cast %parallel_loop3A_252 : vector<1x1x16xf32> to vector<16xf32>
        %parallel_loop3A_254 = vector.shape_cast %parallel_loop3A_247 : vector<16xf32> to vector<1x1x16xf32>
        tpu.vector_store %arg12[%parallel_loop3A_249, %parallel_loop3A_250, %parallel_loop3A_251], %parallel_loop3A_254 {strides = array<i32>} : memref<2x40x128xf32, #tpu.memory_space<vmem>>, vector<1x1x16xf32>,
        %parallel_loop3A_255 = arith.constant 0 : i32
        %parallel_loop3A_256 = arith.index_cast %parallel_loop3A_255 : i32 to index
        %parallel_loop3A_257 = arith.index_cast %parallel_loop3A_200 : i32 to index
        %parallel_loop3A_258 = arith.constant 48 : index
        %parallel_loop3A_259 = tpu.vector_load %arg9[%parallel_loop3A_256, %parallel_loop3A_257, %parallel_loop3A_258] {strides = array<i32>} : memref<2x40x128xf32, #tpu.memory_space<vmem>>, vector<1x1x16xf32>,
        %parallel_loop3A_260 = vector.shape_cast %parallel_loop3A_259 : vector<1x1x16xf32> to vector<16xf32>
        %parallel_loop3A_261 = arith.index_cast %parallel_loop3A_200 : i32 to index
        %parallel_loop3A_262 = arith.constant 48 : index
        %parallel_loop3A_263 = tpu.vector_load %arg10[%parallel_loop3A_261, %parallel_loop3A_262] {strides = array<i32>} : memref<40x128xf32, #tpu.memory_space<vmem>>, vector<1x16xf32>,
        %parallel_loop3A_264 = vector.shape_cast %parallel_loop3A_263 : vector<1x16xf32> to vector<16xf32>
        %parallel_loop3A_265 = arith.mulf %parallel_loop3A_260, %parallel_loop3A_264 : vector<16xf32>
        %parallel_loop3A_266 = arith.constant 0 : i32
        %parallel_loop3A_267 = arith.index_cast %parallel_loop3A_266 : i32 to index
        %parallel_loop3A_268 = arith.index_cast %parallel_loop3A_200 : i32 to index
        %parallel_loop3A_269 = arith.constant 48 : index
        %parallel_loop3A_270 = tpu.vector_load %arg12[%parallel_loop3A_267, %parallel_loop3A_268, %parallel_loop3A_269] {strides = array<i32>} : memref<2x40x128xf32, #tpu.memory_space<vmem>>, vector<1x1x16xf32>,
        %parallel_loop3A_271 = vector.shape_cast %parallel_loop3A_270 : vector<1x1x16xf32> to vector<16xf32>
        %parallel_loop3A_272 = vector.shape_cast %parallel_loop3A_265 : vector<16xf32> to vector<1x1x16xf32>
        tpu.vector_store %arg12[%parallel_loop3A_267, %parallel_loop3A_268, %parallel_loop3A_269], %parallel_loop3A_272 {strides = array<i32>} : memref<2x40x128xf32, #tpu.memory_space<vmem>>, vector<1x1x16xf32>,
        %parallel_loop3A_273 = arith.constant 0 : i32
        %parallel_loop3A_274 = arith.index_cast %parallel_loop3A_273 : i32 to index
        %parallel_loop3A_275 = arith.index_cast %parallel_loop3A_200 : i32 to index
        %parallel_loop3A_276 = arith.constant 64 : index
        %parallel_loop3A_277 = tpu.vector_load %arg9[%parallel_loop3A_274, %parallel_loop3A_275, %parallel_loop3A_276] {strides = array<i32>} : memref<2x40x128xf32, #tpu.memory_space<vmem>>, vector<1x1x16xf32>,
        %parallel_loop3A_278 = vector.shape_cast %parallel_loop3A_277 : vector<1x1x16xf32> to vector<16xf32>
        %parallel_loop3A_279 = arith.index_cast %parallel_loop3A_200 : i32 to index
        %parallel_loop3A_280 = arith.constant 64 : index
        %parallel_loop3A_281 = tpu.vector_load %arg10[%parallel_loop3A_279, %parallel_loop3A_280] {strides = array<i32>} : memref<40x128xf32, #tpu.memory_space<vmem>>, vector<1x16xf32>,
        %parallel_loop3A_282 = vector.shape_cast %parallel_loop3A_281 : vector<1x16xf32> to vector<16xf32>
        %parallel_loop3A_283 = arith.mulf %parallel_loop3A_278, %parallel_loop3A_282 : vector<16xf32>
        %parallel_loop3A_284 = arith.constant 0 : i32
        %parallel_loop3A_285 = arith.index_cast %parallel_loop3A_284 : i32 to index
        %parallel_loop3A_286 = arith.index_cast %parallel_loop3A_200 : i32 to index
        %parallel_loop3A_287 = arith.constant 64 : index
        %parallel_loop3A_288 = tpu.vector_load %arg12[%parallel_loop3A_285, %parallel_loop3A_286, %parallel_loop3A_287] {strides = array<i32>} : memref<2x40x128xf32, #tpu.memory_space<vmem>>, vector<1x1x16xf32>,
        %parallel_loop3A_289 = vector.shape_cast %parallel_loop3A_288 : vector<1x1x16xf32> to vector<16xf32>
        %parallel_loop3A_290 = vector.shape_cast %parallel_loop3A_283 : vector<16xf32> to vector<1x1x16xf32>
        tpu.vector_store %arg12[%parallel_loop3A_285, %parallel_loop3A_286, %parallel_loop3A_287], %parallel_loop3A_290 {strides = array<i32>} : memref<2x40x128xf32, #tpu.memory_space<vmem>>, vector<1x1x16xf32>,
        %parallel_loop3A_291 = arith.constant 0 : i32
        %parallel_loop3A_292 = arith.index_cast %parallel_loop3A_291 : i32 to index
        %parallel_loop3A_293 = arith.index_cast %parallel_loop3A_200 : i32 to index
        %parallel_loop3A_294 = arith.constant 80 : index
        %parallel_loop3A_295 = tpu.vector_load %arg9[%parallel_loop3A_292, %parallel_loop3A_293, %parallel_loop3A_294] {strides = array<i32>} : memref<2x40x128xf32, #tpu.memory_space<vmem>>, vector<1x1x16xf32>,
        %parallel_loop3A_296 = vector.shape_cast %parallel_loop3A_295 : vector<1x1x16xf32> to vector<16xf32>
        %parallel_loop3A_297 = arith.index_cast %parallel_loop3A_200 : i32 to index
        %parallel_loop3A_298 = arith.constant 80 : index
        %parallel_loop3A_299 = tpu.vector_load %arg10[%parallel_loop3A_297, %parallel_loop3A_298] {strides = array<i32>} : memref<40x128xf32, #tpu.memory_space<vmem>>, vector<1x16xf32>,
        %parallel_loop3A_300 = vector.shape_cast %parallel_loop3A_299 : vector<1x16xf32> to vector<16xf32>
        %parallel_loop3A_301 = arith.mulf %parallel_loop3A_296, %parallel_loop3A_300 : vector<16xf32>
        %parallel_loop3A_302 = arith.constant 0 : i32
        %parallel_loop3A_303 = arith.index_cast %parallel_loop3A_302 : i32 to index
        %parallel_loop3A_304 = arith.index_cast %parallel_loop3A_200 : i32 to index
        %parallel_loop3A_305 = arith.constant 80 : index
        %parallel_loop3A_306 = tpu.vector_load %arg12[%parallel_loop3A_303, %parallel_loop3A_304, %parallel_loop3A_305] {strides = array<i32>} : memref<2x40x128xf32, #tpu.memory_space<vmem>>, vector<1x1x16xf32>,
        %parallel_loop3A_307 = vector.shape_cast %parallel_loop3A_306 : vector<1x1x16xf32> to vector<16xf32>
        %parallel_loop3A_308 = vector.shape_cast %parallel_loop3A_301 : vector<16xf32> to vector<1x1x16xf32>
        tpu.vector_store %arg12[%parallel_loop3A_303, %parallel_loop3A_304, %parallel_loop3A_305], %parallel_loop3A_308 {strides = array<i32>} : memref<2x40x128xf32, #tpu.memory_space<vmem>>, vector<1x1x16xf32>,
        %parallel_loop3A_309 = arith.constant 0 : i32
        %parallel_loop3A_310 = arith.index_cast %parallel_loop3A_309 : i32 to index
        %parallel_loop3A_311 = arith.index_cast %parallel_loop3A_200 : i32 to index
        %parallel_loop3A_312 = arith.constant 96 : index
        %parallel_loop3A_313 = tpu.vector_load %arg9[%parallel_loop3A_310, %parallel_loop3A_311, %parallel_loop3A_312] {strides = array<i32>} : memref<2x40x128xf32, #tpu.memory_space<vmem>>, vector<1x1x16xf32>,
        %parallel_loop3A_314 = vector.shape_cast %parallel_loop3A_313 : vector<1x1x16xf32> to vector<16xf32>
        %parallel_loop3A_315 = arith.index_cast %parallel_loop3A_200 : i32 to index
        %parallel_loop3A_316 = arith.constant 96 : index
        %parallel_loop3A_317 = tpu.vector_load %arg10[%parallel_loop3A_315, %parallel_loop3A_316] {strides = array<i32>} : memref<40x128xf32, #tpu.memory_space<vmem>>, vector<1x16xf32>,
        %parallel_loop3A_318 = vector.shape_cast %parallel_loop3A_317 : vector<1x16xf32> to vector<16xf32>
        %parallel_loop3A_319 = arith.mulf %parallel_loop3A_314, %parallel_loop3A_318 : vector<16xf32>
        %parallel_loop3A_320 = arith.constant 0 : i32
        %parallel_loop3A_321 = arith.index_cast %parallel_loop3A_320 : i32 to index
        %parallel_loop3A_322 = arith.index_cast %parallel_loop3A_200 : i32 to index
        %parallel_loop3A_323 = arith.constant 96 : index
        %parallel_loop3A_324 = tpu.vector_load %arg12[%parallel_loop3A_321, %parallel_loop3A_322, %parallel_loop3A_323] {strides = array<i32>} : memref<2x40x128xf32, #tpu.memory_space<vmem>>, vector<1x1x16xf32>,
        %parallel_loop3A_325 = vector.shape_cast %parallel_loop3A_324 : vector<1x1x16xf32> to vector<16xf32>
        %parallel_loop3A_326 = vector.shape_cast %parallel_loop3A_319 : vector<16xf32> to vector<1x1x16xf32>
        tpu.vector_store %arg12[%parallel_loop3A_321, %parallel_loop3A_322, %parallel_loop3A_323], %parallel_loop3A_326 {strides = array<i32>} : memref<2x40x128xf32, #tpu.memory_space<vmem>>, vector<1x1x16xf32>,
        %parallel_loop3A_327 = arith.constant 0 : i32
        %parallel_loop3A_328 = arith.index_cast %parallel_loop3A_327 : i32 to index
        %parallel_loop3A_329 = arith.index_cast %parallel_loop3A_200 : i32 to index
        %parallel_loop3A_330 = arith.constant 112 : index
        %parallel_loop3A_331 = tpu.vector_load %arg9[%parallel_loop3A_328, %parallel_loop3A_329, %parallel_loop3A_330] {strides = array<i32>} : memref<2x40x128xf32, #tpu.memory_space<vmem>>, vector<1x1x16xf32>,
        %parallel_loop3A_332 = vector.shape_cast %parallel_loop3A_331 : vector<1x1x16xf32> to vector<16xf32>
        %parallel_loop3A_333 = arith.index_cast %parallel_loop3A_200 : i32 to index
        %parallel_loop3A_334 = arith.constant 112 : index
        %parallel_loop3A_335 = tpu.vector_load %arg10[%parallel_loop3A_333, %parallel_loop3A_334] {strides = array<i32>} : memref<40x128xf32, #tpu.memory_space<vmem>>, vector<1x16xf32>,
        %parallel_loop3A_336 = vector.shape_cast %parallel_loop3A_335 : vector<1x16xf32> to vector<16xf32>
        %parallel_loop3A_337 = arith.mulf %parallel_loop3A_332, %parallel_loop3A_336 : vector<16xf32>
        %parallel_loop3A_338 = arith.constant 0 : i32
        %parallel_loop3A_339 = arith.index_cast %parallel_loop3A_338 : i32 to index
        %parallel_loop3A_340 = arith.index_cast %parallel_loop3A_200 : i32 to index
        %parallel_loop3A_341 = arith.constant 112 : index
        %parallel_loop3A_342 = tpu.vector_load %arg12[%parallel_loop3A_339, %parallel_loop3A_340, %parallel_loop3A_341] {strides = array<i32>} : memref<2x40x128xf32, #tpu.memory_space<vmem>>, vector<1x1x16xf32>,
        %parallel_loop3A_343 = vector.shape_cast %parallel_loop3A_342 : vector<1x1x16xf32> to vector<16xf32>
        %parallel_loop3A_344 = vector.shape_cast %parallel_loop3A_337 : vector<16xf32> to vector<1x1x16xf32>
        tpu.vector_store %arg12[%parallel_loop3A_339, %parallel_loop3A_340, %parallel_loop3A_341], %parallel_loop3A_344 {strides = array<i32>} : memref<2x40x128xf32, #tpu.memory_space<vmem>>, vector<1x1x16xf32>,
      } {sc.loop_unroll_factor = 4 : i64, sc.parallel_access}
      %dma_start3A_146 = arith.constant 0 : i32
      %dma_start3A_147 = arith.constant 48 : i32
      %dma_start3A_148 = arith.constant 0 : i32
      %dma_start3A_149 = arith.constant 0 : i32
      %dma_start3A_150 = tpu.memref_slice %arg12[%dma_start3A_146, %dma_start3A_148, %dma_start3A_149] : memref<2x40x128xf32, #tpu.memory_space<vmem>> -> memref<1x40x128xf32, #tpu.memory_space<vmem>>
      %dma_start3A_151 = tpu.memref_squeeze %dma_start3A_150 : memref<1x40x128xf32, #tpu.memory_space<vmem>> -> memref<40x128xf32, #tpu.memory_space<vmem>>
      %dma_start3A_152 = arith.constant 0 : i32
      %dma_start3A_153 = tpu.memref_slice %arg8[%dma_start3A_147, %dma_start3A_152] : memref<50x40xi32, #tpu.memory_space<vmem>> -> memref<1x40xi32, #tpu.memory_space<vmem>>
      %dma_start3A_154 = tpu.memref_squeeze %dma_start3A_153 : memref<1x40xi32, #tpu.memory_space<vmem>> -> memref<40xi32, #tpu.memory_space<vmem>>
      %dma_start3A_155 = arith.constant 0 : i32
      %dma_start3A_156 = arith.constant 0 : i32
      %dma_start3A_157 = tpu.memref_slice %arg13[%dma_start3A_155, %dma_start3A_156] : memref<10240x128xf32, #tpu.memory_space<vmem_shared>> -> memref<10240x128xf32, #tpu.memory_space<vmem_shared>>
      tpu.enqueue_indirect_dma source(%dma_start3A_151 : memref<40x128xf32, #tpu.memory_space<vmem>>) target(%dma_start3A_157 : memref<10240x128xf32, #tpu.memory_space<vmem_shared>>) offsets(%dma_start3A_154 : memref<40xi32, #tpu.memory_space<vmem>>) semaphore(%arg18 : memref<!tpu.dma_semaphore, #tpu.memory_space<semaphore_mem>>) {add = true}
      %dma_wait3A_158 = arith.constant 1 : i32
      %dma_wait3A_159 = arith.constant 0 : i32
      %dma_wait3A_160 = arith.constant 0 : i32
      %dma_wait3A_161 = tpu.memref_slice %arg9[%dma_wait3A_158, %dma_wait3A_159, %dma_wait3A_160] : memref<2x40x128xf32, #tpu.memory_space<vmem>> -> memref<1x40x128xf32, #tpu.memory_space<vmem>>
      %dma_wait3A_162 = tpu.memref_squeeze %dma_wait3A_161 : memref<1x40x128xf32, #tpu.memory_space<vmem>> -> memref<40x128xf32, #tpu.memory_space<vmem>>
      %dma_wait3A_163 = arith.constant 0 : i32
      %dma_wait3A_164 = arith.constant 0 : i32
      %dma_wait3A_165 = tpu.memref_slice %arg2[%dma_wait3A_163, %dma_wait3A_164] : memref<20000x128xf32, #tpu.memory_space<hbm>> -> memref<40x128xf32, #tpu.memory_space<hbm>>
      %dma_wait3A_166 = arith.constant 0 : i32
      %dma_wait3A_167 = arith.constant 0 : i32
      %dma_wait3A_168 = tpu.memref_slice %arg9[%dma_wait3A_158, %dma_wait3A_166, %dma_wait3A_167] : memref<2x40x128xf32, #tpu.memory_space<vmem>> -> memref<1x40x128xf32, #tpu.memory_space<vmem>>
      %dma_wait3A_169 = tpu.memref_squeeze %dma_wait3A_168 : memref<1x40x128xf32, #tpu.memory_space<vmem>> -> memref<40x128xf32, #tpu.memory_space<vmem>>
      %dma_wait3A_170 = arith.constant 0 : i32
      %dma_wait3A_171 = arith.constant 0 : i32
      %dma_wait3A_172 = tpu.memref_slice %arg2[%dma_wait3A_170, %dma_wait3A_171] : memref<20000x128xf32, #tpu.memory_space<hbm>> -> memref<40x128xf32, #tpu.memory_space<hbm>>
      tpu.wait_dma2 semaphore(%arg15 : memref<!tpu.dma_semaphore, #tpu.memory_space<semaphore_mem>>) src(%dma_wait3A_172 : memref<40x128xf32, #tpu.memory_space<hbm>>) dst(%dma_wait3A_169 : memref<40x128xf32, #tpu.memory_space<vmem>>)
      %dma_wait3A_173 = arith.constant 0 : i32
      %dma_wait3A_174 = arith.constant 0 : i32
      %dma_wait3A_175 = tpu.memref_slice %arg3[%dma_wait3A_173, %dma_wait3A_174] : memref<320000x128xf32, #tpu.memory_space<hbm>> -> memref<40x128xf32, #tpu.memory_space<hbm>>
      %dma_wait3A_176 = arith.constant 0 : i32
      %dma_wait3A_177 = arith.constant 0 : i32
      %dma_wait3A_178 = tpu.memref_slice %arg3[%dma_wait3A_176, %dma_wait3A_177] : memref<320000x128xf32, #tpu.memory_space<hbm>> -> memref<40x128xf32, #tpu.memory_space<hbm>>
      tpu.wait_dma2 semaphore(%arg17 : memref<!tpu.dma_semaphore, #tpu.memory_space<semaphore_mem>>) src(%dma_wait3A_178 : memref<40x128xf32, #tpu.memory_space<hbm>>) dst(%arg11 : memref<40x128xf32, #tpu.memory_space<vmem>>)
      %ge3A_179 = arith.constant 49 : i32
      %ge3A_180 = arith.constant 2 : i32
      %ge3A_181 = arith.cmpi sge, %ge3A_179, %ge3A_180 : i32
      %convert_element_type3A_182 = arith.extui %ge3A_181 : i1 to i32
      %cond3A_183 = arith.constant 0 : i32
      %cond3A_184 = arith.cmpi ne, %convert_element_type3A_182, %cond3A_183 : i32
      scf.if %cond3A_184 {
        %dma_wait3A_200 = arith.constant 1 : i32
        %dma_wait3A_201 = arith.constant 0 : i32
        %dma_wait3A_202 = arith.constant 0 : i32
        %dma_wait3A_203 = tpu.memref_slice %arg12[%dma_wait3A_200, %dma_wait3A_201, %dma_wait3A_202] : memref<2x40x128xf32, #tpu.memory_space<vmem>> -> memref<1x40x128xf32, #tpu.memory_space<vmem>>
        %dma_wait3A_204 = tpu.memref_squeeze %dma_wait3A_203 : memref<1x40x128xf32, #tpu.memory_space<vmem>> -> memref<40x128xf32, #tpu.memory_space<vmem>>
        %dma_wait3A_205 = arith.constant 0 : i32
        %dma_wait3A_206 = arith.constant 0 : i32
        %dma_wait3A_207 = tpu.memref_slice %arg13[%dma_wait3A_205, %dma_wait3A_206] : memref<10240x128xf32, #tpu.memory_space<vmem_shared>> -> memref<40x128xf32, #tpu.memory_space<vmem_shared>>
        %dma_wait3A_208 = arith.constant 0 : i32
        %dma_wait3A_209 = arith.constant 0 : i32
        %dma_wait3A_210 = tpu.memref_slice %arg13[%dma_wait3A_208, %dma_wait3A_209] : memref<10240x128xf32, #tpu.memory_space<vmem_shared>> -> memref<40x128xf32, #tpu.memory_space<vmem_shared>>
        %dma_wait3A_211 = arith.constant 0 : i32
        %dma_wait3A_212 = arith.constant 0 : i32
        %dma_wait3A_213 = tpu.memref_slice %arg12[%dma_wait3A_200, %dma_wait3A_211, %dma_wait3A_212] : memref<2x40x128xf32, #tpu.memory_space<vmem>> -> memref<1x40x128xf32, #tpu.memory_space<vmem>>
        %dma_wait3A_214 = tpu.memref_squeeze %dma_wait3A_213 : memref<1x40x128xf32, #tpu.memory_space<vmem>> -> memref<40x128xf32, #tpu.memory_space<vmem>>
        tpu.wait_dma2 semaphore(%arg19 : memref<!tpu.dma_semaphore, #tpu.memory_space<semaphore_mem>>) src(%dma_wait3A_214 : memref<40x128xf32, #tpu.memory_space<vmem>>) dst(%dma_wait3A_210 : memref<40x128xf32, #tpu.memory_space<vmem_shared>>)
      } else {
      }
      %parallel_loop3A_185 = arith.constant 0 : i32
      %parallel_loop3A_186 = arith.constant 40 : i32
      %parallel_loop3A_187 = arith.constant 1 : i32
      scf.for %parallel_loop3A_200 = %parallel_loop3A_185 to %parallel_loop3A_186 step %parallel_loop3A_187  : i32 {
        %parallel_loop3A_201 = arith.constant 1 : i32
        %parallel_loop3A_202 = arith.index_cast %parallel_loop3A_201 : i32 to index
        %parallel_loop3A_203 = arith.index_cast %parallel_loop3A_200 : i32 to index
        %parallel_loop3A_204 = arith.constant 0 : index
        %parallel_loop3A_205 = tpu.vector_load %arg9[%parallel_loop3A_202, %parallel_loop3A_203, %parallel_loop3A_204] {strides = array<i32>} : memref<2x40x128xf32, #tpu.memory_space<vmem>>, vector<1x1x16xf32>,
        %parallel_loop3A_206 = vector.shape_cast %parallel_loop3A_205 : vector<1x1x16xf32> to vector<16xf32>
        %parallel_loop3A_207 = arith.index_cast %parallel_loop3A_200 : i32 to index
        %parallel_loop3A_208 = arith.constant 0 : index
        %parallel_loop3A_209 = tpu.vector_load %arg11[%parallel_loop3A_207, %parallel_loop3A_208] {strides = array<i32>} : memref<40x128xf32, #tpu.memory_space<vmem>>, vector<1x16xf32>,
        %parallel_loop3A_210 = vector.shape_cast %parallel_loop3A_209 : vector<1x16xf32> to vector<16xf32>
        %parallel_loop3A_211 = arith.mulf %parallel_loop3A_206, %parallel_loop3A_210 : vector<16xf32>
        %parallel_loop3A_212 = arith.constant 1 : i32
        %parallel_loop3A_213 = arith.index_cast %parallel_loop3A_212 : i32 to index
        %parallel_loop3A_214 = arith.index_cast %parallel_loop3A_200 : i32 to index
        %parallel_loop3A_215 = arith.constant 0 : index
        %parallel_loop3A_216 = tpu.vector_load %arg12[%parallel_loop3A_213, %parallel_loop3A_214, %parallel_loop3A_215] {strides = array<i32>} : memref<2x40x128xf32, #tpu.memory_space<vmem>>, vector<1x1x16xf32>,
        %parallel_loop3A_217 = vector.shape_cast %parallel_loop3A_216 : vector<1x1x16xf32> to vector<16xf32>
        %parallel_loop3A_218 = vector.shape_cast %parallel_loop3A_211 : vector<16xf32> to vector<1x1x16xf32>
        tpu.vector_store %arg12[%parallel_loop3A_213, %parallel_loop3A_214, %parallel_loop3A_215], %parallel_loop3A_218 {strides = array<i32>} : memref<2x40x128xf32, #tpu.memory_space<vmem>>, vector<1x1x16xf32>,
        %parallel_loop3A_219 = arith.constant 1 : i32
        %parallel_loop3A_220 = arith.index_cast %parallel_loop3A_219 : i32 to index
        %parallel_loop3A_221 = arith.index_cast %parallel_loop3A_200 : i32 to index
        %parallel_loop3A_222 = arith.constant 16 : index
        %parallel_loop3A_223 = tpu.vector_load %arg9[%parallel_loop3A_220, %parallel_loop3A_221, %parallel_loop3A_222] {strides = array<i32>} : memref<2x40x128xf32, #tpu.memory_space<vmem>>, vector<1x1x16xf32>,
        %parallel_loop3A_224 = vector.shape_cast %parallel_loop3A_223 : vector<1x1x16xf32> to vector<16xf32>
        %parallel_loop3A_225 = arith.index_cast %parallel_loop3A_200 : i32 to index
        %parallel_loop3A_226 = arith.constant 16 : index
        %parallel_loop3A_227 = tpu.vector_load %arg11[%parallel_loop3A_225, %parallel_loop3A_226] {strides = array<i32>} : memref<40x128xf32, #tpu.memory_space<vmem>>, vector<1x16xf32>,
        %parallel_loop3A_228 = vector.shape_cast %parallel_loop3A_227 : vector<1x16xf32> to vector<16xf32>
        %parallel_loop3A_229 = arith.mulf %parallel_loop3A_224, %parallel_loop3A_228 : vector<16xf32>
        %parallel_loop3A_230 = arith.constant 1 : i32
        %parallel_loop3A_231 = arith.index_cast %parallel_loop3A_230 : i32 to index
        %parallel_loop3A_232 = arith.index_cast %parallel_loop3A_200 : i32 to index
        %parallel_loop3A_233 = arith.constant 16 : index
        %parallel_loop3A_234 = tpu.vector_load %arg12[%parallel_loop3A_231, %parallel_loop3A_232, %parallel_loop3A_233] {strides = array<i32>} : memref<2x40x128xf32, #tpu.memory_space<vmem>>, vector<1x1x16xf32>,
        %parallel_loop3A_235 = vector.shape_cast %parallel_loop3A_234 : vector<1x1x16xf32> to vector<16xf32>
        %parallel_loop3A_236 = vector.shape_cast %parallel_loop3A_229 : vector<16xf32> to vector<1x1x16xf32>
        tpu.vector_store %arg12[%parallel_loop3A_231, %parallel_loop3A_232, %parallel_loop3A_233], %parallel_loop3A_236 {strides = array<i32>} : memref<2x40x128xf32, #tpu.memory_space<vmem>>, vector<1x1x16xf32>,
        %parallel_loop3A_237 = arith.constant 1 : i32
        %parallel_loop3A_238 = arith.index_cast %parallel_loop3A_237 : i32 to index
        %parallel_loop3A_239 = arith.index_cast %parallel_loop3A_200 : i32 to index
        %parallel_loop3A_240 = arith.constant 32 : index
        %parallel_loop3A_241 = tpu.vector_load %arg9[%parallel_loop3A_238, %parallel_loop3A_239, %parallel_loop3A_240] {strides = array<i32>} : memref<2x40x128xf32, #tpu.memory_space<vmem>>, vector<1x1x16xf32>,
        %parallel_loop3A_242 = vector.shape_cast %parallel_loop3A_241 : vector<1x1x16xf32> to vector<16xf32>
        %parallel_loop3A_243 = arith.index_cast %parallel_loop3A_200 : i32 to index
        %parallel_loop3A_244 = arith.constant 32 : index
        %parallel_loop3A_245 = tpu.vector_load %arg11[%parallel_loop3A_243, %parallel_loop3A_244] {strides = array<i32>} : memref<40x128xf32, #tpu.memory_space<vmem>>, vector<1x16xf32>,
        %parallel_loop3A_246 = vector.shape_cast %parallel_loop3A_245 : vector<1x16xf32> to vector<16xf32>
        %parallel_loop3A_247 = arith.mulf %parallel_loop3A_242, %parallel_loop3A_246 : vector<16xf32>
        %parallel_loop3A_248 = arith.constant 1 : i32
        %parallel_loop3A_249 = arith.index_cast %parallel_loop3A_248 : i32 to index
        %parallel_loop3A_250 = arith.index_cast %parallel_loop3A_200 : i32 to index
        %parallel_loop3A_251 = arith.constant 32 : index
        %parallel_loop3A_252 = tpu.vector_load %arg12[%parallel_loop3A_249, %parallel_loop3A_250, %parallel_loop3A_251] {strides = array<i32>} : memref<2x40x128xf32, #tpu.memory_space<vmem>>, vector<1x1x16xf32>,
        %parallel_loop3A_253 = vector.shape_cast %parallel_loop3A_252 : vector<1x1x16xf32> to vector<16xf32>
        %parallel_loop3A_254 = vector.shape_cast %parallel_loop3A_247 : vector<16xf32> to vector<1x1x16xf32>
        tpu.vector_store %arg12[%parallel_loop3A_249, %parallel_loop3A_250, %parallel_loop3A_251], %parallel_loop3A_254 {strides = array<i32>} : memref<2x40x128xf32, #tpu.memory_space<vmem>>, vector<1x1x16xf32>,
        %parallel_loop3A_255 = arith.constant 1 : i32
        %parallel_loop3A_256 = arith.index_cast %parallel_loop3A_255 : i32 to index
        %parallel_loop3A_257 = arith.index_cast %parallel_loop3A_200 : i32 to index
        %parallel_loop3A_258 = arith.constant 48 : index
        %parallel_loop3A_259 = tpu.vector_load %arg9[%parallel_loop3A_256, %parallel_loop3A_257, %parallel_loop3A_258] {strides = array<i32>} : memref<2x40x128xf32, #tpu.memory_space<vmem>>, vector<1x1x16xf32>,
        %parallel_loop3A_260 = vector.shape_cast %parallel_loop3A_259 : vector<1x1x16xf32> to vector<16xf32>
        %parallel_loop3A_261 = arith.index_cast %parallel_loop3A_200 : i32 to index
        %parallel_loop3A_262 = arith.constant 48 : index
        %parallel_loop3A_263 = tpu.vector_load %arg11[%parallel_loop3A_261, %parallel_loop3A_262] {strides = array<i32>} : memref<40x128xf32, #tpu.memory_space<vmem>>, vector<1x16xf32>,
        %parallel_loop3A_264 = vector.shape_cast %parallel_loop3A_263 : vector<1x16xf32> to vector<16xf32>
        %parallel_loop3A_265 = arith.mulf %parallel_loop3A_260, %parallel_loop3A_264 : vector<16xf32>
        %parallel_loop3A_266 = arith.constant 1 : i32
        %parallel_loop3A_267 = arith.index_cast %parallel_loop3A_266 : i32 to index
        %parallel_loop3A_268 = arith.index_cast %parallel_loop3A_200 : i32 to index
        %parallel_loop3A_269 = arith.constant 48 : index
        %parallel_loop3A_270 = tpu.vector_load %arg12[%parallel_loop3A_267, %parallel_loop3A_268, %parallel_loop3A_269] {strides = array<i32>} : memref<2x40x128xf32, #tpu.memory_space<vmem>>, vector<1x1x16xf32>,
        %parallel_loop3A_271 = vector.shape_cast %parallel_loop3A_270 : vector<1x1x16xf32> to vector<16xf32>
        %parallel_loop3A_272 = vector.shape_cast %parallel_loop3A_265 : vector<16xf32> to vector<1x1x16xf32>
        tpu.vector_store %arg12[%parallel_loop3A_267, %parallel_loop3A_268, %parallel_loop3A_269], %parallel_loop3A_272 {strides = array<i32>} : memref<2x40x128xf32, #tpu.memory_space<vmem>>, vector<1x1x16xf32>,
        %parallel_loop3A_273 = arith.constant 1 : i32
        %parallel_loop3A_274 = arith.index_cast %parallel_loop3A_273 : i32 to index
        %parallel_loop3A_275 = arith.index_cast %parallel_loop3A_200 : i32 to index
        %parallel_loop3A_276 = arith.constant 64 : index
        %parallel_loop3A_277 = tpu.vector_load %arg9[%parallel_loop3A_274, %parallel_loop3A_275, %parallel_loop3A_276] {strides = array<i32>} : memref<2x40x128xf32, #tpu.memory_space<vmem>>, vector<1x1x16xf32>,
        %parallel_loop3A_278 = vector.shape_cast %parallel_loop3A_277 : vector<1x1x16xf32> to vector<16xf32>
        %parallel_loop3A_279 = arith.index_cast %parallel_loop3A_200 : i32 to index
        %parallel_loop3A_280 = arith.constant 64 : index
        %parallel_loop3A_281 = tpu.vector_load %arg11[%parallel_loop3A_279, %parallel_loop3A_280] {strides = array<i32>} : memref<40x128xf32, #tpu.memory_space<vmem>>, vector<1x16xf32>,
        %parallel_loop3A_282 = vector.shape_cast %parallel_loop3A_281 : vector<1x16xf32> to vector<16xf32>
        %parallel_loop3A_283 = arith.mulf %parallel_loop3A_278, %parallel_loop3A_282 : vector<16xf32>
        %parallel_loop3A_284 = arith.constant 1 : i32
        %parallel_loop3A_285 = arith.index_cast %parallel_loop3A_284 : i32 to index
        %parallel_loop3A_286 = arith.index_cast %parallel_loop3A_200 : i32 to index
        %parallel_loop3A_287 = arith.constant 64 : index
        %parallel_loop3A_288 = tpu.vector_load %arg12[%parallel_loop3A_285, %parallel_loop3A_286, %parallel_loop3A_287] {strides = array<i32>} : memref<2x40x128xf32, #tpu.memory_space<vmem>>, vector<1x1x16xf32>,
        %parallel_loop3A_289 = vector.shape_cast %parallel_loop3A_288 : vector<1x1x16xf32> to vector<16xf32>
        %parallel_loop3A_290 = vector.shape_cast %parallel_loop3A_283 : vector<16xf32> to vector<1x1x16xf32>
        tpu.vector_store %arg12[%parallel_loop3A_285, %parallel_loop3A_286, %parallel_loop3A_287], %parallel_loop3A_290 {strides = array<i32>} : memref<2x40x128xf32, #tpu.memory_space<vmem>>, vector<1x1x16xf32>,
        %parallel_loop3A_291 = arith.constant 1 : i32
        %parallel_loop3A_292 = arith.index_cast %parallel_loop3A_291 : i32 to index
        %parallel_loop3A_293 = arith.index_cast %parallel_loop3A_200 : i32 to index
        %parallel_loop3A_294 = arith.constant 80 : index
        %parallel_loop3A_295 = tpu.vector_load %arg9[%parallel_loop3A_292, %parallel_loop3A_293, %parallel_loop3A_294] {strides = array<i32>} : memref<2x40x128xf32, #tpu.memory_space<vmem>>, vector<1x1x16xf32>,
        %parallel_loop3A_296 = vector.shape_cast %parallel_loop3A_295 : vector<1x1x16xf32> to vector<16xf32>
        %parallel_loop3A_297 = arith.index_cast %parallel_loop3A_200 : i32 to index
        %parallel_loop3A_298 = arith.constant 80 : index
        %parallel_loop3A_299 = tpu.vector_load %arg11[%parallel_loop3A_297, %parallel_loop3A_298] {strides = array<i32>} : memref<40x128xf32, #tpu.memory_space<vmem>>, vector<1x16xf32>,
        %parallel_loop3A_300 = vector.shape_cast %parallel_loop3A_299 : vector<1x16xf32> to vector<16xf32>
        %parallel_loop3A_301 = arith.mulf %parallel_loop3A_296, %parallel_loop3A_300 : vector<16xf32>
        %parallel_loop3A_302 = arith.constant 1 : i32
        %parallel_loop3A_303 = arith.index_cast %parallel_loop3A_302 : i32 to index
        %parallel_loop3A_304 = arith.index_cast %parallel_loop3A_200 : i32 to index
        %parallel_loop3A_305 = arith.constant 80 : index
        %parallel_loop3A_306 = tpu.vector_load %arg12[%parallel_loop3A_303, %parallel_loop3A_304, %parallel_loop3A_305] {strides = array<i32>} : memref<2x40x128xf32, #tpu.memory_space<vmem>>, vector<1x1x16xf32>,
        %parallel_loop3A_307 = vector.shape_cast %parallel_loop3A_306 : vector<1x1x16xf32> to vector<16xf32>
        %parallel_loop3A_308 = vector.shape_cast %parallel_loop3A_301 : vector<16xf32> to vector<1x1x16xf32>
        tpu.vector_store %arg12[%parallel_loop3A_303, %parallel_loop3A_304, %parallel_loop3A_305], %parallel_loop3A_308 {strides = array<i32>} : memref<2x40x128xf32, #tpu.memory_space<vmem>>, vector<1x1x16xf32>,
        %parallel_loop3A_309 = arith.constant 1 : i32
        %parallel_loop3A_310 = arith.index_cast %parallel_loop3A_309 : i32 to index
        %parallel_loop3A_311 = arith.index_cast %parallel_loop3A_200 : i32 to index
        %parallel_loop3A_312 = arith.constant 96 : index
        %parallel_loop3A_313 = tpu.vector_load %arg9[%parallel_loop3A_310, %parallel_loop3A_311, %parallel_loop3A_312] {strides = array<i32>} : memref<2x40x128xf32, #tpu.memory_space<vmem>>, vector<1x1x16xf32>,
        %parallel_loop3A_314 = vector.shape_cast %parallel_loop3A_313 : vector<1x1x16xf32> to vector<16xf32>
        %parallel_loop3A_315 = arith.index_cast %parallel_loop3A_200 : i32 to index
        %parallel_loop3A_316 = arith.constant 96 : index
        %parallel_loop3A_317 = tpu.vector_load %arg11[%parallel_loop3A_315, %parallel_loop3A_316] {strides = array<i32>} : memref<40x128xf32, #tpu.memory_space<vmem>>, vector<1x16xf32>,
        %parallel_loop3A_318 = vector.shape_cast %parallel_loop3A_317 : vector<1x16xf32> to vector<16xf32>
        %parallel_loop3A_319 = arith.mulf %parallel_loop3A_314, %parallel_loop3A_318 : vector<16xf32>
        %parallel_loop3A_320 = arith.constant 1 : i32
        %parallel_loop3A_321 = arith.index_cast %parallel_loop3A_320 : i32 to index
        %parallel_loop3A_322 = arith.index_cast %parallel_loop3A_200 : i32 to index
        %parallel_loop3A_323 = arith.constant 96 : index
        %parallel_loop3A_324 = tpu.vector_load %arg12[%parallel_loop3A_321, %parallel_loop3A_322, %parallel_loop3A_323] {strides = array<i32>} : memref<2x40x128xf32, #tpu.memory_space<vmem>>, vector<1x1x16xf32>,
        %parallel_loop3A_325 = vector.shape_cast %parallel_loop3A_324 : vector<1x1x16xf32> to vector<16xf32>
        %parallel_loop3A_326 = vector.shape_cast %parallel_loop3A_319 : vector<16xf32> to vector<1x1x16xf32>
        tpu.vector_store %arg12[%parallel_loop3A_321, %parallel_loop3A_322, %parallel_loop3A_323], %parallel_loop3A_326 {strides = array<i32>} : memref<2x40x128xf32, #tpu.memory_space<vmem>>, vector<1x1x16xf32>,
        %parallel_loop3A_327 = arith.constant 1 : i32
        %parallel_loop3A_328 = arith.index_cast %parallel_loop3A_327 : i32 to index
        %parallel_loop3A_329 = arith.index_cast %parallel_loop3A_200 : i32 to index
        %parallel_loop3A_330 = arith.constant 112 : index
        %parallel_loop3A_331 = tpu.vector_load %arg9[%parallel_loop3A_328, %parallel_loop3A_329, %parallel_loop3A_330] {strides = array<i32>} : memref<2x40x128xf32, #tpu.memory_space<vmem>>, vector<1x1x16xf32>,
        %parallel_loop3A_332 = vector.shape_cast %parallel_loop3A_331 : vector<1x1x16xf32> to vector<16xf32>
        %parallel_loop3A_333 = arith.index_cast %parallel_loop3A_200 : i32 to index
        %parallel_loop3A_334 = arith.constant 112 : index
        %parallel_loop3A_335 = tpu.vector_load %arg11[%parallel_loop3A_333, %parallel_loop3A_334] {strides = array<i32>} : memref<40x128xf32, #tpu.memory_space<vmem>>, vector<1x16xf32>,
        %parallel_loop3A_336 = vector.shape_cast %parallel_loop3A_335 : vector<1x16xf32> to vector<16xf32>
        %parallel_loop3A_337 = arith.mulf %parallel_loop3A_332, %parallel_loop3A_336 : vector<16xf32>
        %parallel_loop3A_338 = arith.constant 1 : i32
        %parallel_loop3A_339 = arith.index_cast %parallel_loop3A_338 : i32 to index
        %parallel_loop3A_340 = arith.index_cast %parallel_loop3A_200 : i32 to index
        %parallel_loop3A_341 = arith.constant 112 : index
        %parallel_loop3A_342 = tpu.vector_load %arg12[%parallel_loop3A_339, %parallel_loop3A_340, %parallel_loop3A_341] {strides = array<i32>} : memref<2x40x128xf32, #tpu.memory_space<vmem>>, vector<1x1x16xf32>,
        %parallel_loop3A_343 = vector.shape_cast %parallel_loop3A_342 : vector<1x1x16xf32> to vector<16xf32>
        %parallel_loop3A_344 = vector.shape_cast %parallel_loop3A_337 : vector<16xf32> to vector<1x1x16xf32>
        tpu.vector_store %arg12[%parallel_loop3A_339, %parallel_loop3A_340, %parallel_loop3A_341], %parallel_loop3A_344 {strides = array<i32>} : memref<2x40x128xf32, #tpu.memory_space<vmem>>, vector<1x1x16xf32>,
      } {sc.loop_unroll_factor = 4 : i64, sc.parallel_access}
      %dma_start3A_188 = arith.constant 1 : i32
      %dma_start3A_189 = arith.constant 49 : i32
      %dma_start3A_190 = arith.constant 0 : i32
      %dma_start3A_191 = arith.constant 0 : i32
      %dma_start3A_192 = tpu.memref_slice %arg12[%dma_start3A_188, %dma_start3A_190, %dma_start3A_191] : memref<2x40x128xf32, #tpu.memory_space<vmem>> -> memref<1x40x128xf32, #tpu.memory_space<vmem>>
      %dma_start3A_193 = tpu.memref_squeeze %dma_start3A_192 : memref<1x40x128xf32, #tpu.memory_space<vmem>> -> memref<40x128xf32, #tpu.memory_space<vmem>>
      %dma_start3A_194 = arith.constant 0 : i32
      %dma_start3A_195 = tpu.memref_slice %arg8[%dma_start3A_189, %dma_start3A_194] : memref<50x40xi32, #tpu.memory_space<vmem>> -> memref<1x40xi32, #tpu.memory_space<vmem>>
      %dma_start3A_196 = tpu.memref_squeeze %dma_start3A_195 : memref<1x40xi32, #tpu.memory_space<vmem>> -> memref<40xi32, #tpu.memory_space<vmem>>
      %dma_start3A_197 = arith.constant 0 : i32
      %dma_start3A_198 = arith.constant 0 : i32
      %dma_start3A_199 = tpu.memref_slice %arg13[%dma_start3A_197, %dma_start3A_198] : memref<10240x128xf32, #tpu.memory_space<vmem_shared>> -> memref<10240x128xf32, #tpu.memory_space<vmem_shared>>
      tpu.enqueue_indirect_dma source(%dma_start3A_193 : memref<40x128xf32, #tpu.memory_space<vmem>>) target(%dma_start3A_199 : memref<10240x128xf32, #tpu.memory_space<vmem_shared>>) offsets(%dma_start3A_196 : memref<40xi32, #tpu.memory_space<vmem>>) semaphore(%arg19 : memref<!tpu.dma_semaphore, #tpu.memory_space<semaphore_mem>>) {add = true}
    }
    %scan3A_17 = arith.constant 5 : i32
    %dma_wait3A = arith.constant 0 : i32
    %dma_wait3A_18 = arith.constant 0 : i32
    %dma_wait3A_19 = arith.constant 0 : i32
    %dma_wait3A_20 = tpu.memref_slice %arg12[%dma_wait3A, %dma_wait3A_18, %dma_wait3A_19] : memref<2x40x128xf32, #tpu.memory_space<vmem>> -> memref<1x40x128xf32, #tpu.memory_space<vmem>>
    %dma_wait3A_21 = tpu.memref_squeeze %dma_wait3A_20 : memref<1x40x128xf32, #tpu.memory_space<vmem>> -> memref<40x128xf32, #tpu.memory_space<vmem>>
    %dma_wait3A_22 = arith.constant 0 : i32
    %dma_wait3A_23 = arith.constant 0 : i32
    %dma_wait3A_24 = tpu.memref_slice %arg13[%dma_wait3A_22, %dma_wait3A_23] : memref<10240x128xf32, #tpu.memory_space<vmem_shared>> -> memref<40x128xf32, #tpu.memory_space<vmem_shared>>
    %dma_wait3A_25 = arith.constant 0 : i32
    %dma_wait3A_26 = arith.constant 0 : i32
    %dma_wait3A_27 = tpu.memref_slice %arg13[%dma_wait3A_25, %dma_wait3A_26] : memref<10240x128xf32, #tpu.memory_space<vmem_shared>> -> memref<40x128xf32, #tpu.memory_space<vmem_shared>>
    %dma_wait3A_28 = arith.constant 0 : i32
    %dma_wait3A_29 = arith.constant 0 : i32
    %dma_wait3A_30 = tpu.memref_slice %arg12[%dma_wait3A, %dma_wait3A_28, %dma_wait3A_29] : memref<2x40x128xf32, #tpu.memory_space<vmem>> -> memref<1x40x128xf32, #tpu.memory_space<vmem>>
    %dma_wait3A_31 = tpu.memref_squeeze %dma_wait3A_30 : memref<1x40x128xf32, #tpu.memory_space<vmem>> -> memref<40x128xf32, #tpu.memory_space<vmem>>
    tpu.wait_dma2 semaphore(%arg18 : memref<!tpu.dma_semaphore, #tpu.memory_space<semaphore_mem>>) src(%dma_wait3A_31 : memref<40x128xf32, #tpu.memory_space<vmem>>) dst(%dma_wait3A_27 : memref<40x128xf32, #tpu.memory_space<vmem_shared>>)
    %dma_wait3A_32 = arith.constant 1 : i32
    %dma_wait3A_33 = arith.constant 0 : i32
    %dma_wait3A_34 = arith.constant 0 : i32
    %dma_wait3A_35 = tpu.memref_slice %arg12[%dma_wait3A_32, %dma_wait3A_33, %dma_wait3A_34] : memref<2x40x128xf32, #tpu.memory_space<vmem>> -> memref<1x40x128xf32, #tpu.memory_space<vmem>>
    %dma_wait3A_36 = tpu.memref_squeeze %dma_wait3A_35 : memref<1x40x128xf32, #tpu.memory_space<vmem>> -> memref<40x128xf32, #tpu.memory_space<vmem>>
    %dma_wait3A_37 = arith.constant 0 : i32
    %dma_wait3A_38 = arith.constant 0 : i32
    %dma_wait3A_39 = tpu.memref_slice %arg13[%dma_wait3A_37, %dma_wait3A_38] : memref<10240x128xf32, #tpu.memory_space<vmem_shared>> -> memref<40x128xf32, #tpu.memory_space<vmem_shared>>
    %dma_wait3A_40 = arith.constant 0 : i32
    %dma_wait3A_41 = arith.constant 0 : i32
    %dma_wait3A_42 = tpu.memref_slice %arg13[%dma_wait3A_40, %dma_wait3A_41] : memref<10240x128xf32, #tpu.memory_space<vmem_shared>> -> memref<40x128xf32, #tpu.memory_space<vmem_shared>>
    %dma_wait3A_43 = arith.constant 0 : i32
    %dma_wait3A_44 = arith.constant 0 : i32
    %dma_wait3A_45 = tpu.memref_slice %arg12[%dma_wait3A_32, %dma_wait3A_43, %dma_wait3A_44] : memref<2x40x128xf32, #tpu.memory_space<vmem>> -> memref<1x40x128xf32, #tpu.memory_space<vmem>>
    %dma_wait3A_46 = tpu.memref_squeeze %dma_wait3A_45 : memref<1x40x128xf32, #tpu.memory_space<vmem>> -> memref<40x128xf32, #tpu.memory_space<vmem>>
    tpu.wait_dma2 semaphore(%arg19 : memref<!tpu.dma_semaphore, #tpu.memory_space<semaphore_mem>>) src(%dma_wait3A_46 : memref<40x128xf32, #tpu.memory_space<vmem>>) dst(%dma_wait3A_42 : memref<40x128xf32, #tpu.memory_space<vmem_shared>>)
    %barrier3A_47 = arith.constant 0 : index
    tpu.barrier barrier_id(%barrier3A_47)
    %mul3A_48 = arith.constant 640 : i32
    %mul3A_49 = arith.muli %arg1, %mul3A_48 : i32
    %mul3A_50 = arith.constant 640 : i32
    %mul3A_51 = arith.muli %arg1, %mul3A_50 : i32
    "tpu.region"() ({
      %run_scoped3A = tpu.sem_alloc : memref<!tpu.dma_semaphore, #tpu.memory_space<semaphore_mem>>
      %dma_start3A = arith.constant 0 : i32
      %dma_start3A_52 = tpu.memref_slice %arg6[%arg0, %mul3A_51, %dma_start3A] : memref<2x10240x128xf32, #tpu.memory_space<hbm>> -> memref<1x640x128xf32, #tpu.memory_space<hbm>>
      %dma_start3A_53 = tpu.memref_squeeze %dma_start3A_52 : memref<1x640x128xf32, #tpu.memory_space<hbm>> -> memref<640x128xf32, #tpu.memory_space<hbm>>
      %dma_start3A_54 = arith.constant 0 : i32
      %dma_start3A_55 = tpu.memref_slice %arg13[%mul3A_49, %dma_start3A_54] : memref<10240x128xf32, #tpu.memory_space<vmem_shared>> -> memref<640x128xf32, #tpu.memory_space<vmem_shared>>
      tpu.enqueue_dma source(%dma_start3A_55 : memref<640x128xf32, #tpu.memory_space<vmem_shared>>) target(%dma_start3A_53 : memref<640x128xf32, #tpu.memory_space<hbm>>) target_semaphore(%run_scoped3A : memref<!tpu.dma_semaphore, #tpu.memory_space<semaphore_mem>>)
      %dma_wait3A_56 = arith.constant 0 : i32
      %dma_wait3A_57 = tpu.memref_slice %arg6[%arg0, %mul3A_51, %dma_wait3A_56] : memref<2x10240x128xf32, #tpu.memory_space<hbm>> -> memref<1x640x128xf32, #tpu.memory_space<hbm>>
      %dma_wait3A_58 = tpu.memref_squeeze %dma_wait3A_57 : memref<1x640x128xf32, #tpu.memory_space<hbm>> -> memref<640x128xf32, #tpu.memory_space<hbm>>
      %dma_wait3A_59 = arith.constant 0 : i32
      %dma_wait3A_60 = tpu.memref_slice %arg13[%mul3A_49, %dma_wait3A_59] : memref<10240x128xf32, #tpu.memory_space<vmem_shared>> -> memref<640x128xf32, #tpu.memory_space<vmem_shared>>
      tpu.wait_dma2 semaphore(%run_scoped3A : memref<!tpu.dma_semaphore, #tpu.memory_space<semaphore_mem>>) src(%dma_wait3A_60 : memref<640x128xf32, #tpu.memory_space<vmem_shared>>) dst(%dma_wait3A_58 : memref<640x128xf32, #tpu.memory_space<hbm>>)
      tpu.yield
    }) : () -> ()
    return
  }
}

module attributes {stable_mosaic.version = 14 : i64} {
  func.func @_b0_body(%arg0: i32, %arg1: memref<2000x54xf32, #tpu.memory_space<vmem>>, %arg2: memref<8x54xf32, #tpu.memory_space<vmem>>, %arg3: memref<54x54xf32, #tpu.memory_space<vmem>>) attributes {dimension_semantics = [#tpu.dimension_semantics<arbitrary>], iteration_bounds = array<i64: 80>, scalar_prefetch = 0 : i64, scratch_operands = 0 : i64, tpu.core_type = #tpu.core_type<tc>, window_params = [{transform_indices = @transform_0, window_bounds = array<i64: 2000, 54>}, {pipeline_mode = #tpu.pipeline_mode<synchronous>, transform_indices = @transform_1, window_bounds = array<i64: 8, 54>}, {pipeline_mode = #tpu.pipeline_mode<synchronous>, transform_indices = @transform_2, window_bounds = array<i64: 54, 54>}]} {
    %get3A = arith.constant 0 : index
    %get3A_0 = arith.constant 0 : index
    %get3A_1 = vector.load %arg1[%get3A, %get3A_0] : memref<2000x54xf32, #tpu.memory_space<vmem>>, vector<2000x54xf32>
    %eq3A = arith.constant 0 : i32
    %eq3A_2 = arith.cmpi eq, %arg0, %eq3A : i32
    %convert_element_type3A = arith.extui %eq3A_2 : i1 to i32
    %cond3A = arith.constant 0 : i32
    %cond3A_3 = arith.cmpi ne, %convert_element_type3A, %cond3A : i32
    scf.if %cond3A_3 {
      %broadcast_in_dim3A_18 = arith.constant 0.000000e+00 : f32
      %broadcast_in_dim3A_19 = vector.broadcast %broadcast_in_dim3A_18 : f32 to vector<8x54xf32>
      %swap3A_20 = arith.constant 0 : index
      %swap3A_21 = arith.constant 0 : index
      %swap3A_22 = vector.load %arg2[%swap3A_20, %swap3A_21] : memref<8x54xf32, #tpu.memory_space<vmem>>, vector<8x54xf32>
      tpu.vector_store %arg2[%swap3A_20, %swap3A_21], %broadcast_in_dim3A_19 {strides = array<i32>} : memref<8x54xf32, #tpu.memory_space<vmem>>, vector<8x54xf32>,
      %broadcast_in_dim3A_23 = arith.constant 0.000000e+00 : f32
      %broadcast_in_dim3A_24 = vector.broadcast %broadcast_in_dim3A_23 : f32 to vector<54x54xf32>
      %swap3A_25 = arith.constant 0 : index
      %swap3A_26 = arith.constant 0 : index
      %swap3A_27 = vector.load %arg3[%swap3A_25, %swap3A_26] : memref<54x54xf32, #tpu.memory_space<vmem>>, vector<54x54xf32>
      tpu.vector_store %arg3[%swap3A_25, %swap3A_26], %broadcast_in_dim3A_24 {strides = array<i32>} : memref<54x54xf32, #tpu.memory_space<vmem>>, vector<54x54xf32>,
    } else {
    }
    %get3A_4 = arith.constant 0 : index
    %get3A_5 = arith.constant 0 : index
    %get3A_6 = vector.load %arg2[%get3A_4, %get3A_5] : memref<8x54xf32, #tpu.memory_space<vmem>>, vector<1x54xf32>
    %reduce_sum3A = arith.constant dense<0.000000e+00> : vector<54xf32>
    %reduce_sum3A_7 = vector.multi_reduction <add>, %get3A_1, %reduce_sum3A [0] : vector<2000x54xf32> to vector<54xf32>
    %broadcast_in_dim3A = vector.shape_cast %reduce_sum3A_7 : vector<54xf32> to vector<1x54xf32>
    %add3A = arith.addf %get3A_6, %broadcast_in_dim3A : vector<1x54xf32>
    %swap3A = arith.constant 0 : index
    %swap3A_8 = arith.constant 0 : index
    %swap3A_9 = vector.load %arg2[%swap3A, %swap3A_8] : memref<8x54xf32, #tpu.memory_space<vmem>>, vector<1x54xf32>
    tpu.vector_store %arg2[%swap3A, %swap3A_8], %add3A {strides = array<i32>} : memref<8x54xf32, #tpu.memory_space<vmem>>, vector<1x54xf32>,
    %get3A_10 = arith.constant 0 : index
    %get3A_11 = arith.constant 0 : index
    %get3A_12 = vector.load %arg3[%get3A_10, %get3A_11] : memref<54x54xf32, #tpu.memory_space<vmem>>, vector<54x54xf32>
    %dot_general3A = arith.constant dense<0.000000e+00> : vector<54x54xf32>
    %dot_general3A_13 = tpu.matmul %get3A_1, %get3A_1, %dot_general3A {dimension_numbers = #tpu.dot_dimension_numbers<[0], [0], [1], [1], [0, 1, 1, 1], [], []>, transpose_lhs_hint = false} : vector<2000x54xf32>, vector<2000x54xf32>, vector<54x54xf32> -> vector<54x54xf32>
    %add3A_14 = arith.addf %get3A_12, %dot_general3A_13 : vector<54x54xf32>
    %swap3A_15 = arith.constant 0 : index
    %swap3A_16 = arith.constant 0 : index
    %swap3A_17 = vector.load %arg3[%swap3A_15, %swap3A_16] : memref<54x54xf32, #tpu.memory_space<vmem>>, vector<54x54xf32>
    tpu.vector_store %arg3[%swap3A_15, %swap3A_16], %add3A_14 {strides = array<i32>} : memref<54x54xf32, #tpu.memory_space<vmem>>, vector<54x54xf32>,
    return
  }
  func.func @transform_0(%arg0: i32) -> (i32, i32) {
    %c0_i32 = arith.constant 0 : i32
    %c0_i32_0 = arith.constant 0 : i32
    return %arg0, %c0_i32 : i32, i32
  }
  func.func @transform_1(%arg0: i32) -> (i32, i32) {
    %c0_i32 = arith.constant 0 : i32
    %c0_i32_0 = arith.constant 0 : i32
    %c0_i32_1 = arith.constant 0 : i32
    return %c0_i32, %c0_i32_0 : i32, i32
  }
  func.func @transform_2(%arg0: i32) -> (i32, i32) {
    %c0_i32 = arith.constant 0 : i32
    %c0_i32_0 = arith.constant 0 : i32
    %c0_i32_1 = arith.constant 0 : i32
    return %c0_i32, %c0_i32_0 : i32, i32
  }
}

module attributes {stable_mosaic.version = 14 : i64} {
  func.func @_a1_body(%arg0: i32, %arg1: memref<1000x256xf32, #tpu.memory_space<vmem>>, %arg2: memref<256x256xf32, #tpu.memory_space<vmem>>, %arg3: memref<1000x256xf32, #tpu.memory_space<vmem>>, %arg4: memref<8x256xf32, #tpu.memory_space<vmem>>) attributes {dimension_semantics = [#tpu.dimension_semantics<arbitrary>], iteration_bounds = array<i64: 10>, scalar_prefetch = 0 : i64, scratch_operands = 0 : i64, tpu.core_type = #tpu.core_type<tc>, window_params = [{transform_indices = @transform_0, window_bounds = array<i64: 1000, 256>}, {pipeline_mode = #tpu.pipeline_mode<synchronous>, transform_indices = @transform_1, window_bounds = array<i64: 256, 256>}, {transform_indices = @transform_2, window_bounds = array<i64: 1000, 256>}, {pipeline_mode = #tpu.pipeline_mode<synchronous>, transform_indices = @transform_3, window_bounds = array<i64: 8, 256>}]} {
    %get3A = arith.constant 0 : index
    %get3A_0 = arith.constant 0 : index
    %get3A_1 = vector.load %arg1[%get3A, %get3A_0] : memref<1000x256xf32, #tpu.memory_space<vmem>>, vector<1000x256xf32>
    %get3A_2 = arith.constant 0 : index
    %get3A_3 = arith.constant 0 : index
    %get3A_4 = vector.load %arg2[%get3A_2, %get3A_3] : memref<256x256xf32, #tpu.memory_space<vmem>>, vector<256x256xf32>
    %dot_general3A = arith.constant dense<0.000000e+00> : vector<1000x256xf32>
    %dot_general3A_5 = tpu.matmul %get3A_1, %get3A_4, %dot_general3A {dimension_numbers = #tpu.dot_dimension_numbers<[1], [0], [0], [1], [0, 0, 1, 1], [], []>, transpose_lhs_hint = false} : vector<1000x256xf32>, vector<256x256xf32>, vector<1000x256xf32> -> vector<1000x256xf32>
    %swap3A = arith.constant 0 : index
    %swap3A_6 = arith.constant 0 : index
    %swap3A_7 = vector.load %arg3[%swap3A, %swap3A_6] : memref<1000x256xf32, #tpu.memory_space<vmem>>, vector<1000x256xf32>
    tpu.vector_store %arg3[%swap3A, %swap3A_6], %dot_general3A_5 {strides = array<i32>} : memref<1000x256xf32, #tpu.memory_space<vmem>>, vector<1000x256xf32>,
    %eq3A = arith.constant 0 : i32
    %eq3A_8 = arith.cmpi eq, %arg0, %eq3A : i32
    %convert_element_type3A = arith.extui %eq3A_8 : i1 to i32
    %cond3A = arith.constant 0 : i32
    %cond3A_9 = arith.cmpi ne, %convert_element_type3A, %cond3A : i32
    scf.if %cond3A_9 {
      %broadcast_in_dim3A_27 = arith.constant 0.000000e+00 : f32
      %broadcast_in_dim3A_28 = vector.broadcast %broadcast_in_dim3A_27 : f32 to vector<8x256xf32>
      %swap3A_29 = arith.constant 0 : index
      %swap3A_30 = arith.constant 0 : index
      %swap3A_31 = vector.load %arg4[%swap3A_29, %swap3A_30] : memref<8x256xf32, #tpu.memory_space<vmem>>, vector<8x256xf32>
      tpu.vector_store %arg4[%swap3A_29, %swap3A_30], %broadcast_in_dim3A_28 {strides = array<i32>} : memref<8x256xf32, #tpu.memory_space<vmem>>, vector<8x256xf32>,
    } else {
    }
    %get3A_10 = arith.constant 0 : index
    %get3A_11 = arith.constant 0 : index
    %get3A_12 = vector.load %arg4[%get3A_10, %get3A_11] : memref<8x256xf32, #tpu.memory_space<vmem>>, vector<1x256xf32>
    %reduce_sum3A = arith.constant dense<0.000000e+00> : vector<256xf32>
    %reduce_sum3A_13 = vector.multi_reduction <add>, %dot_general3A_5, %reduce_sum3A [0] : vector<1000x256xf32> to vector<256xf32>
    %broadcast_in_dim3A = vector.shape_cast %reduce_sum3A_13 : vector<256xf32> to vector<1x256xf32>
    %add3A = arith.addf %get3A_12, %broadcast_in_dim3A : vector<1x256xf32>
    %swap3A_14 = arith.constant 0 : index
    %swap3A_15 = arith.constant 0 : index
    %swap3A_16 = vector.load %arg4[%swap3A_14, %swap3A_15] : memref<8x256xf32, #tpu.memory_space<vmem>>, vector<1x256xf32>
    tpu.vector_store %arg4[%swap3A_14, %swap3A_15], %add3A {strides = array<i32>} : memref<8x256xf32, #tpu.memory_space<vmem>>, vector<1x256xf32>,
    %get3A_17 = arith.constant 1 : index
    %get3A_18 = arith.constant 0 : index
    %get3A_19 = vector.load %arg4[%get3A_17, %get3A_18] : memref<8x256xf32, #tpu.memory_space<vmem>>, vector<1x256xf32>
    %mul3A = arith.mulf %dot_general3A_5, %dot_general3A_5 : vector<1000x256xf32>
    %reduce_sum3A_20 = arith.constant dense<0.000000e+00> : vector<256xf32>
    %reduce_sum3A_21 = vector.multi_reduction <add>, %mul3A, %reduce_sum3A_20 [0] : vector<1000x256xf32> to vector<256xf32>
    %broadcast_in_dim3A_22 = vector.shape_cast %reduce_sum3A_21 : vector<256xf32> to vector<1x256xf32>
    %add3A_23 = arith.addf %get3A_19, %broadcast_in_dim3A_22 : vector<1x256xf32>
    %swap3A_24 = arith.constant 1 : index
    %swap3A_25 = arith.constant 0 : index
    %swap3A_26 = vector.load %arg4[%swap3A_24, %swap3A_25] : memref<8x256xf32, #tpu.memory_space<vmem>>, vector<1x256xf32>
    tpu.vector_store %arg4[%swap3A_24, %swap3A_25], %add3A_23 {strides = array<i32>} : memref<8x256xf32, #tpu.memory_space<vmem>>, vector<1x256xf32>,
    return
  }
  func.func @transform_0(%arg0: i32) -> (i32, i32) {
    %c0_i32 = arith.constant 0 : i32
    %c0_i32_0 = arith.constant 0 : i32
    return %arg0, %c0_i32 : i32, i32
  }
  func.func @transform_1(%arg0: i32) -> (i32, i32) {
    %c0_i32 = arith.constant 0 : i32
    %c0_i32_0 = arith.constant 0 : i32
    %c0_i32_1 = arith.constant 0 : i32
    return %c0_i32, %c0_i32_0 : i32, i32
  }
  func.func @transform_2(%arg0: i32) -> (i32, i32) {
    %c0_i32 = arith.constant 0 : i32
    %c0_i32_0 = arith.constant 0 : i32
    return %arg0, %c0_i32 : i32, i32
  }
  func.func @transform_3(%arg0: i32) -> (i32, i32) {
    %c0_i32 = arith.constant 0 : i32
    %c0_i32_0 = arith.constant 0 : i32
    %c0_i32_1 = arith.constant 0 : i32
    return %c0_i32, %c0_i32_0 : i32, i32
  }
}

module attributes {stable_mosaic.version = 14 : i64} {
  func.func @_a2_body(%arg0: i32, %arg1: memref<1000x256xf32, #tpu.memory_space<vmem>>, %arg2: memref<8x256xf32, #tpu.memory_space<vmem>>, %arg3: memref<1x256xf32, #tpu.memory_space<vmem>>, %arg4: memref<1x256xf32, #tpu.memory_space<vmem>>, %arg5: memref<1000x256xf32, #tpu.memory_space<vmem>>, %arg6: memref<2x1000x128xf32, #tpu.memory_space<vmem>>) attributes {dimension_semantics = [#tpu.dimension_semantics<arbitrary>], iteration_bounds = array<i64: 10>, scalar_prefetch = 0 : i64, scratch_operands = 0 : i64, tpu.core_type = #tpu.core_type<tc>, window_params = [{transform_indices = @transform_0, window_bounds = array<i64: 1000, 256>}, {pipeline_mode = #tpu.pipeline_mode<synchronous>, transform_indices = @transform_1, window_bounds = array<i64: 8, 256>}, {pipeline_mode = #tpu.pipeline_mode<synchronous>, transform_indices = @transform_2, window_bounds = array<i64: 1, 256>}, {pipeline_mode = #tpu.pipeline_mode<synchronous>, transform_indices = @transform_3, window_bounds = array<i64: 1, 256>}, {transform_indices = @transform_4, window_bounds = array<i64: 1000, 256>}, {transform_indices = @transform_5, window_bounds = array<i64: 2, 1000, 128>}]} {
    %get3A = arith.constant 0 : index
    %get3A_0 = arith.constant 0 : index
    %get3A_1 = vector.load %arg2[%get3A, %get3A_0] : memref<8x256xf32, #tpu.memory_space<vmem>>, vector<1x256xf32>
    %div3A = arith.constant 1.000000e+04 : f32
    %div3A_2 = vector.broadcast %div3A : f32 to vector<1x256xf32>
    %div3A_3 = arith.divf %get3A_1, %div3A_2 : vector<1x256xf32>
    %get3A_4 = arith.constant 1 : index
    %get3A_5 = arith.constant 0 : index
    %get3A_6 = vector.load %arg2[%get3A_4, %get3A_5] : memref<8x256xf32, #tpu.memory_space<vmem>>, vector<1x256xf32>
    %div3A_7 = arith.constant 1.000000e+04 : f32
    %div3A_8 = vector.broadcast %div3A_7 : f32 to vector<1x256xf32>
    %div3A_9 = arith.divf %get3A_6, %div3A_8 : vector<1x256xf32>
    %mul3A = arith.mulf %div3A_3, %div3A_3 : vector<1x256xf32>
    %sub3A = arith.subf %div3A_9, %mul3A : vector<1x256xf32>
    %get3A_10 = arith.constant 0 : index
    %get3A_11 = arith.constant 0 : index
    %get3A_12 = vector.load %arg3[%get3A_10, %get3A_11] : memref<1x256xf32, #tpu.memory_space<vmem>>, vector<1x256xf32>
    %get3A_13 = arith.constant 0 : index
    %get3A_14 = arith.constant 0 : index
    %get3A_15 = vector.load %arg1[%get3A_13, %get3A_14] : memref<1000x256xf32, #tpu.memory_space<vmem>>, vector<1000x256xf32>
    %sub3A_16 = vector.broadcast %div3A_3 : vector<1x256xf32> to vector<1000x256xf32>
    %sub3A_17 = arith.subf %get3A_15, %sub3A_16 : vector<1000x256xf32>
    %mul3A_18 = vector.broadcast %get3A_12 : vector<1x256xf32> to vector<1000x256xf32>
    %mul3A_19 = arith.mulf %mul3A_18, %sub3A_17 : vector<1000x256xf32>
    %add3A = arith.constant 9.99999974E-6 : f32
    %add3A_20 = vector.broadcast %add3A : f32 to vector<1x256xf32>
    %add3A_21 = arith.addf %sub3A, %add3A_20 : vector<1x256xf32>
    %rsqrt3A = math.rsqrt %add3A_21 : vector<1x256xf32>
    %mul3A_22 = vector.broadcast %rsqrt3A : vector<1x256xf32> to vector<1000x256xf32>
    %mul3A_23 = arith.mulf %mul3A_19, %mul3A_22 : vector<1000x256xf32>
    %get3A_24 = arith.constant 0 : index
    %get3A_25 = arith.constant 0 : index
    %get3A_26 = vector.load %arg4[%get3A_24, %get3A_25] : memref<1x256xf32, #tpu.memory_space<vmem>>, vector<1x256xf32>
    %add3A_27 = vector.broadcast %get3A_26 : vector<1x256xf32> to vector<1000x256xf32>
    %add3A_28 = arith.addf %mul3A_23, %add3A_27 : vector<1000x256xf32>
    %max3A = arith.constant 0.000000e+00 : f32
    %max3A_29 = vector.broadcast %max3A : f32 to vector<1000x256xf32>
    %max3A_30 = arith.maximumf %add3A_28, %max3A_29 : vector<1000x256xf32>
    %swap3A = arith.constant 0 : index
    %swap3A_31 = arith.constant 0 : index
    %swap3A_32 = vector.load %arg5[%swap3A, %swap3A_31] : memref<1000x256xf32, #tpu.memory_space<vmem>>, vector<1000x256xf32>
    tpu.vector_store %arg5[%swap3A, %swap3A_31], %max3A_30 {strides = array<i32>} : memref<1000x256xf32, #tpu.memory_space<vmem>>, vector<1000x256xf32>,
    %slice3A = vector.extract_strided_slice %max3A_30 {offsets = [0, 0], sizes = [1000, 128], strides = [1, 1]} : vector<1000x256xf32> to vector<1000x128xf32>
    %swap3A_33 = arith.constant 0 : index
    %swap3A_34 = arith.constant 0 : index
    %swap3A_35 = arith.constant 0 : index
    %swap3A_36 = vector.load %arg6[%swap3A_33, %swap3A_34, %swap3A_35] : memref<2x1000x128xf32, #tpu.memory_space<vmem>>, vector<1x1000x128xf32>
    %swap3A_37 = vector.shape_cast %swap3A_36 : vector<1x1000x128xf32> to vector<1000x128xf32>
    %swap3A_38 = vector.shape_cast %slice3A : vector<1000x128xf32> to vector<1x1000x128xf32>
    tpu.vector_store %arg6[%swap3A_33, %swap3A_34, %swap3A_35], %swap3A_38 {strides = array<i32>} : memref<2x1000x128xf32, #tpu.memory_space<vmem>>, vector<1x1000x128xf32>,
    %slice3A_39 = vector.extract_strided_slice %max3A_30 {offsets = [0, 128], sizes = [1000, 128], strides = [1, 1]} : vector<1000x256xf32> to vector<1000x128xf32>
    %swap3A_40 = arith.constant 1 : index
    %swap3A_41 = arith.constant 0 : index
    %swap3A_42 = arith.constant 0 : index
    %swap3A_43 = vector.load %arg6[%swap3A_40, %swap3A_41, %swap3A_42] : memref<2x1000x128xf32, #tpu.memory_space<vmem>>, vector<1x1000x128xf32>
    %swap3A_44 = vector.shape_cast %swap3A_43 : vector<1x1000x128xf32> to vector<1000x128xf32>
    %swap3A_45 = vector.shape_cast %slice3A_39 : vector<1000x128xf32> to vector<1x1000x128xf32>
    tpu.vector_store %arg6[%swap3A_40, %swap3A_41, %swap3A_42], %swap3A_45 {strides = array<i32>} : memref<2x1000x128xf32, #tpu.memory_space<vmem>>, vector<1x1000x128xf32>,
    return
  }
  func.func @transform_0(%arg0: i32) -> (i32, i32) {
    %c0_i32 = arith.constant 0 : i32
    %c0_i32_0 = arith.constant 0 : i32
    return %arg0, %c0_i32 : i32, i32
  }
  func.func @transform_1(%arg0: i32) -> (i32, i32) {
    %c0_i32 = arith.constant 0 : i32
    %c0_i32_0 = arith.constant 0 : i32
    %c0_i32_1 = arith.constant 0 : i32
    return %c0_i32, %c0_i32_0 : i32, i32
  }
  func.func @transform_2(%arg0: i32) -> (i32, i32) {
    %c0_i32 = arith.constant 0 : i32
    %c0_i32_0 = arith.constant 0 : i32
    %c0_i32_1 = arith.constant 0 : i32
    return %c0_i32, %c0_i32_0 : i32, i32
  }
  func.func @transform_3(%arg0: i32) -> (i32, i32) {
    %c0_i32 = arith.constant 0 : i32
    %c0_i32_0 = arith.constant 0 : i32
    %c0_i32_1 = arith.constant 0 : i32
    return %c0_i32, %c0_i32_0 : i32, i32
  }
  func.func @transform_4(%arg0: i32) -> (i32, i32) {
    %c0_i32 = arith.constant 0 : i32
    %c0_i32_0 = arith.constant 0 : i32
    return %arg0, %c0_i32 : i32, i32
  }
  func.func @transform_5(%arg0: i32) -> (i32, i32, i32) {
    %c0_i32 = arith.constant 0 : i32
    %c0_i32_0 = arith.constant 0 : i32
    %c0_i32_1 = arith.constant 0 : i32
    return %c0_i32, %arg0, %c0_i32_0 : i32, i32, i32
  }
}

module attributes {stable_mosaic.version = 14 : i64} {
  func.func @_b1_body(%arg0: memref<8x54xf32, #tpu.memory_space<vmem>>, %arg1: memref<54x54xf32, #tpu.memory_space<vmem>>, %arg2: memref<54x256xf32, #tpu.memory_space<vmem>>, %arg3: memref<1x256xf32, #tpu.memory_space<vmem>>, %arg4: memref<1x256xf32, #tpu.memory_space<vmem>>, %arg5: memref<54x256xf32, #tpu.memory_space<vmem>>, %arg6: memref<1x256xf32, #tpu.memory_space<vmem>>) attributes {dimension_semantics = [], scalar_prefetch = 0 : i64, scratch_operands = 0 : i64, tpu.core_type = #tpu.core_type<tc>} {
    %get3A = arith.constant 0 : index
    %get3A_0 = arith.constant 0 : index
    %get3A_1 = vector.load %arg0[%get3A, %get3A_0] : memref<8x54xf32, #tpu.memory_space<vmem>>, vector<1x54xf32>
    %div3A = arith.constant 1.600000e+05 : f32
    %div3A_2 = vector.broadcast %div3A : f32 to vector<1x54xf32>
    %div3A_3 = arith.divf %get3A_1, %div3A_2 : vector<1x54xf32>
    %get3A_4 = arith.constant 0 : index
    %get3A_5 = arith.constant 0 : index
    %get3A_6 = vector.load %arg2[%get3A_4, %get3A_5] : memref<54x256xf32, #tpu.memory_space<vmem>>, vector<54x256xf32>
    %dot_general3A = arith.constant dense<0.000000e+00> : vector<1x256xf32>
    %dot_general3A_7 = tpu.matmul %div3A_3, %get3A_6, %dot_general3A {dimension_numbers = #tpu.dot_dimension_numbers<[1], [0], [0], [1], [0, 0, 1, 1], [], []>, transpose_lhs_hint = false} : vector<1x54xf32>, vector<54x256xf32>, vector<1x256xf32> -> vector<1x256xf32>
    %get3A_8 = arith.constant 0 : index
    %get3A_9 = arith.constant 0 : index
    %get3A_10 = vector.load %arg1[%get3A_8, %get3A_9] : memref<54x54xf32, #tpu.memory_space<vmem>>, vector<54x54xf32>
    %div3A_11 = arith.constant 1.600000e+05 : f32
    %div3A_12 = vector.broadcast %div3A_11 : f32 to vector<54x54xf32>
    %div3A_13 = arith.divf %get3A_10, %div3A_12 : vector<54x54xf32>
    %dot_general3A_14 = arith.constant dense<0.000000e+00> : vector<54x54xf32>
    %dot_general3A_15 = tpu.matmul %div3A_3, %div3A_3, %dot_general3A_14 {dimension_numbers = #tpu.dot_dimension_numbers<[0], [0], [1], [1], [0, 1, 1, 1], [], []>, transpose_lhs_hint = false} : vector<1x54xf32>, vector<1x54xf32>, vector<54x54xf32> -> vector<54x54xf32>
    %sub3A = arith.subf %div3A_13, %dot_general3A_15 : vector<54x54xf32>
    %get3A_16 = arith.constant 0 : index
    %get3A_17 = arith.constant 0 : index
    %get3A_18 = vector.load %arg2[%get3A_16, %get3A_17] : memref<54x256xf32, #tpu.memory_space<vmem>>, vector<54x256xf32>
    %dot_general3A_19 = arith.constant dense<0.000000e+00> : vector<54x256xf32>
    %dot_general3A_20 = tpu.matmul %sub3A, %get3A_18, %dot_general3A_19 {dimension_numbers = #tpu.dot_dimension_numbers<[1], [0], [0], [1], [0, 0, 1, 1], [], []>, transpose_lhs_hint = false} : vector<54x54xf32>, vector<54x256xf32>, vector<54x256xf32> -> vector<54x256xf32>
    %get3A_21 = arith.constant 0 : index
    %get3A_22 = arith.constant 0 : index
    %get3A_23 = vector.load %arg2[%get3A_21, %get3A_22] : memref<54x256xf32, #tpu.memory_space<vmem>>, vector<54x256xf32>
    %mul3A = arith.mulf %dot_general3A_20, %get3A_23 : vector<54x256xf32>
    %reduce_sum3A = arith.constant dense<0.000000e+00> : vector<256xf32>
    %reduce_sum3A_24 = vector.multi_reduction <add>, %mul3A, %reduce_sum3A [0] : vector<54x256xf32> to vector<256xf32>
    %broadcast_in_dim3A = vector.shape_cast %reduce_sum3A_24 : vector<256xf32> to vector<1x256xf32>
    %get3A_25 = arith.constant 0 : index
    %get3A_26 = arith.constant 0 : index
    %get3A_27 = vector.load %arg3[%get3A_25, %get3A_26] : memref<1x256xf32, #tpu.memory_space<vmem>>, vector<1x256xf32>
    %add3A = arith.constant 9.99999974E-6 : f32
    %add3A_28 = vector.broadcast %add3A : f32 to vector<1x256xf32>
    %add3A_29 = arith.addf %broadcast_in_dim3A, %add3A_28 : vector<1x256xf32>
    %rsqrt3A = math.rsqrt %add3A_29 : vector<1x256xf32>
    %mul3A_30 = arith.mulf %get3A_27, %rsqrt3A : vector<1x256xf32>
    %get3A_31 = arith.constant 0 : index
    %get3A_32 = arith.constant 0 : index
    %get3A_33 = vector.load %arg2[%get3A_31, %get3A_32] : memref<54x256xf32, #tpu.memory_space<vmem>>, vector<54x256xf32>
    %mul3A_34 = vector.broadcast %mul3A_30 : vector<1x256xf32> to vector<54x256xf32>
    %mul3A_35 = arith.mulf %get3A_33, %mul3A_34 : vector<54x256xf32>
    %swap3A = arith.constant 0 : index
    %swap3A_36 = arith.constant 0 : index
    %swap3A_37 = vector.load %arg5[%swap3A, %swap3A_36] : memref<54x256xf32, #tpu.memory_space<vmem>>, vector<54x256xf32>
    tpu.vector_store %arg5[%swap3A, %swap3A_36], %mul3A_35 {strides = array<i32>} : memref<54x256xf32, #tpu.memory_space<vmem>>, vector<54x256xf32>,
    %get3A_38 = arith.constant 0 : index
    %get3A_39 = arith.constant 0 : index
    %get3A_40 = vector.load %arg4[%get3A_38, %get3A_39] : memref<1x256xf32, #tpu.memory_space<vmem>>, vector<1x256xf32>
    %mul3A_41 = arith.mulf %dot_general3A_7, %mul3A_30 : vector<1x256xf32>
    %sub3A_42 = arith.subf %get3A_40, %mul3A_41 : vector<1x256xf32>
    %swap3A_43 = arith.constant 0 : index
    %swap3A_44 = arith.constant 0 : index
    %swap3A_45 = vector.load %arg6[%swap3A_43, %swap3A_44] : memref<1x256xf32, #tpu.memory_space<vmem>>, vector<1x256xf32>
    tpu.vector_store %arg6[%swap3A_43, %swap3A_44], %sub3A_42 {strides = array<i32>} : memref<1x256xf32, #tpu.memory_space<vmem>>, vector<1x256xf32>,
    return
  }
}

module attributes {stable_mosaic.version = 14 : i64} {
  func.func @_b2_body(%arg0: i32, %arg1: memref<1600x54xf32, #tpu.memory_space<vmem>>, %arg2: memref<54x256xf32, #tpu.memory_space<vmem>>, %arg3: memref<1x256xf32, #tpu.memory_space<vmem>>, %arg4: memref<256x256xbf16, #tpu.memory_space<vmem>>, %arg5: memref<1x256xf32, #tpu.memory_space<vmem>>, %arg6: memref<2x1600x128xf32, #tpu.memory_space<vmem>>) attributes {dimension_semantics = [#tpu.dimension_semantics<arbitrary>], iteration_bounds = array<i64: 100>, scalar_prefetch = 0 : i64, scratch_operands = 0 : i64, tpu.core_type = #tpu.core_type<tc>, window_params = [{transform_indices = @transform_0, window_bounds = array<i64: 1600, 54>}, {pipeline_mode = #tpu.pipeline_mode<synchronous>, transform_indices = @transform_1, window_bounds = array<i64: 54, 256>}, {pipeline_mode = #tpu.pipeline_mode<synchronous>, transform_indices = @transform_2, window_bounds = array<i64: 1, 256>}, {pipeline_mode = #tpu.pipeline_mode<synchronous>, transform_indices = @transform_3, window_bounds = array<i64: 256, 256>}, {pipeline_mode = #tpu.pipeline_mode<synchronous>, transform_indices = @transform_4, window_bounds = array<i64: 1, 256>}, {transform_indices = @transform_5, window_bounds = array<i64: 2, 1600, 128>}]} {
    %get3A = arith.constant 0 : index
    %get3A_0 = arith.constant 0 : index
    %get3A_1 = vector.load %arg1[%get3A, %get3A_0] : memref<1600x54xf32, #tpu.memory_space<vmem>>, vector<1600x54xf32>
    %get3A_2 = arith.constant 0 : index
    %get3A_3 = arith.constant 0 : index
    %get3A_4 = vector.load %arg2[%get3A_2, %get3A_3] : memref<54x256xf32, #tpu.memory_space<vmem>>, vector<54x256xf32>
    %dot_general3A = arith.constant dense<0.000000e+00> : vector<1600x256xf32>
    %dot_general3A_5 = tpu.matmul %get3A_1, %get3A_4, %dot_general3A {dimension_numbers = #tpu.dot_dimension_numbers<[1], [0], [0], [1], [0, 0, 1, 1], [], []>, transpose_lhs_hint = false} : vector<1600x54xf32>, vector<54x256xf32>, vector<1600x256xf32> -> vector<1600x256xf32>
    %get3A_6 = arith.constant 0 : index
    %get3A_7 = arith.constant 0 : index
    %get3A_8 = vector.load %arg3[%get3A_6, %get3A_7] : memref<1x256xf32, #tpu.memory_space<vmem>>, vector<1x256xf32>
    %add3A = vector.broadcast %get3A_8 : vector<1x256xf32> to vector<1600x256xf32>
    %add3A_9 = arith.addf %dot_general3A_5, %add3A : vector<1600x256xf32>
    %max3A = arith.constant 0.000000e+00 : f32
    %max3A_10 = vector.broadcast %max3A : f32 to vector<1600x256xf32>
    %max3A_11 = arith.maximumf %add3A_9, %max3A_10 : vector<1600x256xf32>
    %convert_element_type3A = arith.truncf %max3A_11 : vector<1600x256xf32> to vector<1600x256xbf16>
    %get3A_12 = arith.constant 0 : index
    %get3A_13 = arith.constant 0 : index
    %get3A_14 = vector.load %arg4[%get3A_12, %get3A_13] : memref<256x256xbf16, #tpu.memory_space<vmem>>, vector<256x256xbf16>
    %dot_general3A_15 = arith.constant dense<0.000000e+00> : vector<1600x256xf32>
    %dot_general3A_16 = tpu.matmul %convert_element_type3A, %get3A_14, %dot_general3A_15 {dimension_numbers = #tpu.dot_dimension_numbers<[1], [0], [0], [1], [0, 0, 1, 1], [], []>, transpose_lhs_hint = false} : vector<1600x256xbf16>, vector<256x256xbf16>, vector<1600x256xf32> -> vector<1600x256xf32>
    %get3A_17 = arith.constant 0 : index
    %get3A_18 = arith.constant 0 : index
    %get3A_19 = vector.load %arg5[%get3A_17, %get3A_18] : memref<1x256xf32, #tpu.memory_space<vmem>>, vector<1x256xf32>
    %add3A_20 = vector.broadcast %get3A_19 : vector<1x256xf32> to vector<1600x256xf32>
    %add3A_21 = arith.addf %dot_general3A_16, %add3A_20 : vector<1600x256xf32>
    %max3A_22 = arith.constant 0.000000e+00 : f32
    %max3A_23 = vector.broadcast %max3A_22 : f32 to vector<1600x256xf32>
    %max3A_24 = arith.maximumf %add3A_21, %max3A_23 : vector<1600x256xf32>
    %slice3A = vector.extract_strided_slice %max3A_24 {offsets = [0, 0], sizes = [1600, 128], strides = [1, 1]} : vector<1600x256xf32> to vector<1600x128xf32>
    %swap3A = arith.constant 0 : index
    %swap3A_25 = arith.constant 0 : index
    %swap3A_26 = arith.constant 0 : index
    %swap3A_27 = vector.load %arg6[%swap3A, %swap3A_25, %swap3A_26] : memref<2x1600x128xf32, #tpu.memory_space<vmem>>, vector<1x1600x128xf32>
    %swap3A_28 = vector.shape_cast %swap3A_27 : vector<1x1600x128xf32> to vector<1600x128xf32>
    %swap3A_29 = vector.shape_cast %slice3A : vector<1600x128xf32> to vector<1x1600x128xf32>
    tpu.vector_store %arg6[%swap3A, %swap3A_25, %swap3A_26], %swap3A_29 {strides = array<i32>} : memref<2x1600x128xf32, #tpu.memory_space<vmem>>, vector<1x1600x128xf32>,
    %slice3A_30 = vector.extract_strided_slice %max3A_24 {offsets = [0, 128], sizes = [1600, 128], strides = [1, 1]} : vector<1600x256xf32> to vector<1600x128xf32>
    %swap3A_31 = arith.constant 1 : index
    %swap3A_32 = arith.constant 0 : index
    %swap3A_33 = arith.constant 0 : index
    %swap3A_34 = vector.load %arg6[%swap3A_31, %swap3A_32, %swap3A_33] : memref<2x1600x128xf32, #tpu.memory_space<vmem>>, vector<1x1600x128xf32>
    %swap3A_35 = vector.shape_cast %swap3A_34 : vector<1x1600x128xf32> to vector<1600x128xf32>
    %swap3A_36 = vector.shape_cast %slice3A_30 : vector<1600x128xf32> to vector<1x1600x128xf32>
    tpu.vector_store %arg6[%swap3A_31, %swap3A_32, %swap3A_33], %swap3A_36 {strides = array<i32>} : memref<2x1600x128xf32, #tpu.memory_space<vmem>>, vector<1x1600x128xf32>,
    return
  }
  func.func @transform_0(%arg0: i32) -> (i32, i32) {
    %c0_i32 = arith.constant 0 : i32
    %c0_i32_0 = arith.constant 0 : i32
    return %arg0, %c0_i32 : i32, i32
  }
  func.func @transform_1(%arg0: i32) -> (i32, i32) {
    %c0_i32 = arith.constant 0 : i32
    %c0_i32_0 = arith.constant 0 : i32
    %c0_i32_1 = arith.constant 0 : i32
    return %c0_i32, %c0_i32_0 : i32, i32
  }
  func.func @transform_2(%arg0: i32) -> (i32, i32) {
    %c0_i32 = arith.constant 0 : i32
    %c0_i32_0 = arith.constant 0 : i32
    %c0_i32_1 = arith.constant 0 : i32
    return %c0_i32, %c0_i32_0 : i32, i32
  }
  func.func @transform_3(%arg0: i32) -> (i32, i32) {
    %c0_i32 = arith.constant 0 : i32
    %c0_i32_0 = arith.constant 0 : i32
    %c0_i32_1 = arith.constant 0 : i32
    return %c0_i32, %c0_i32_0 : i32, i32
  }
  func.func @transform_4(%arg0: i32) -> (i32, i32) {
    %c0_i32 = arith.constant 0 : i32
    %c0_i32_0 = arith.constant 0 : i32
    %c0_i32_1 = arith.constant 0 : i32
    return %c0_i32, %c0_i32_0 : i32, i32
  }
  func.func @transform_5(%arg0: i32) -> (i32, i32, i32) {
    %c0_i32 = arith.constant 0 : i32
    %c0_i32_0 = arith.constant 0 : i32
    %c0_i32_1 = arith.constant 0 : i32
    return %c0_i32, %arg0, %c0_i32_0 : i32, i32, i32
  }
}

module attributes {stable_mosaic.version = 14 : i64} {
  func.func @_b0_body(%arg0: i32, %arg1: memref<2000x18xf32, #tpu.memory_space<vmem>>, %arg2: memref<8x18xf32, #tpu.memory_space<vmem>>, %arg3: memref<18x18xf32, #tpu.memory_space<vmem>>) attributes {dimension_semantics = [#tpu.dimension_semantics<arbitrary>], iteration_bounds = array<i64: 80>, scalar_prefetch = 0 : i64, scratch_operands = 0 : i64, tpu.core_type = #tpu.core_type<tc>, window_params = [{transform_indices = @transform_0, window_bounds = array<i64: 2000, 18>}, {pipeline_mode = #tpu.pipeline_mode<synchronous>, transform_indices = @transform_1, window_bounds = array<i64: 8, 18>}, {pipeline_mode = #tpu.pipeline_mode<synchronous>, transform_indices = @transform_2, window_bounds = array<i64: 18, 18>}]} {
    %get3A = arith.constant 0 : index
    %get3A_0 = arith.constant 0 : index
    %get3A_1 = vector.load %arg1[%get3A, %get3A_0] : memref<2000x18xf32, #tpu.memory_space<vmem>>, vector<2000x18xf32>
    %eq3A = arith.constant 0 : i32
    %eq3A_2 = arith.cmpi eq, %arg0, %eq3A : i32
    %convert_element_type3A = arith.extui %eq3A_2 : i1 to i32
    %cond3A = arith.constant 0 : i32
    %cond3A_3 = arith.cmpi ne, %convert_element_type3A, %cond3A : i32
    scf.if %cond3A_3 {
      %broadcast_in_dim3A_18 = arith.constant 0.000000e+00 : f32
      %broadcast_in_dim3A_19 = vector.broadcast %broadcast_in_dim3A_18 : f32 to vector<8x18xf32>
      %swap3A_20 = arith.constant 0 : index
      %swap3A_21 = arith.constant 0 : index
      %swap3A_22 = vector.load %arg2[%swap3A_20, %swap3A_21] : memref<8x18xf32, #tpu.memory_space<vmem>>, vector<8x18xf32>
      tpu.vector_store %arg2[%swap3A_20, %swap3A_21], %broadcast_in_dim3A_19 {strides = array<i32>} : memref<8x18xf32, #tpu.memory_space<vmem>>, vector<8x18xf32>,
      %broadcast_in_dim3A_23 = arith.constant 0.000000e+00 : f32
      %broadcast_in_dim3A_24 = vector.broadcast %broadcast_in_dim3A_23 : f32 to vector<18x18xf32>
      %swap3A_25 = arith.constant 0 : index
      %swap3A_26 = arith.constant 0 : index
      %swap3A_27 = vector.load %arg3[%swap3A_25, %swap3A_26] : memref<18x18xf32, #tpu.memory_space<vmem>>, vector<18x18xf32>
      tpu.vector_store %arg3[%swap3A_25, %swap3A_26], %broadcast_in_dim3A_24 {strides = array<i32>} : memref<18x18xf32, #tpu.memory_space<vmem>>, vector<18x18xf32>,
    } else {
    }
    %get3A_4 = arith.constant 0 : index
    %get3A_5 = arith.constant 0 : index
    %get3A_6 = vector.load %arg2[%get3A_4, %get3A_5] : memref<8x18xf32, #tpu.memory_space<vmem>>, vector<1x18xf32>
    %reduce_sum3A = arith.constant dense<0.000000e+00> : vector<18xf32>
    %reduce_sum3A_7 = vector.multi_reduction <add>, %get3A_1, %reduce_sum3A [0] : vector<2000x18xf32> to vector<18xf32>
    %broadcast_in_dim3A = vector.shape_cast %reduce_sum3A_7 : vector<18xf32> to vector<1x18xf32>
    %add3A = arith.addf %get3A_6, %broadcast_in_dim3A : vector<1x18xf32>
    %swap3A = arith.constant 0 : index
    %swap3A_8 = arith.constant 0 : index
    %swap3A_9 = vector.load %arg2[%swap3A, %swap3A_8] : memref<8x18xf32, #tpu.memory_space<vmem>>, vector<1x18xf32>
    tpu.vector_store %arg2[%swap3A, %swap3A_8], %add3A {strides = array<i32>} : memref<8x18xf32, #tpu.memory_space<vmem>>, vector<1x18xf32>,
    %get3A_10 = arith.constant 0 : index
    %get3A_11 = arith.constant 0 : index
    %get3A_12 = vector.load %arg3[%get3A_10, %get3A_11] : memref<18x18xf32, #tpu.memory_space<vmem>>, vector<18x18xf32>
    %dot_general3A = arith.constant dense<0.000000e+00> : vector<18x18xf32>
    %dot_general3A_13 = tpu.matmul %get3A_1, %get3A_1, %dot_general3A {dimension_numbers = #tpu.dot_dimension_numbers<[0], [0], [1], [1], [0, 1, 1, 1], [], []>, transpose_lhs_hint = false} : vector<2000x18xf32>, vector<2000x18xf32>, vector<18x18xf32> -> vector<18x18xf32>
    %add3A_14 = arith.addf %get3A_12, %dot_general3A_13 : vector<18x18xf32>
    %swap3A_15 = arith.constant 0 : index
    %swap3A_16 = arith.constant 0 : index
    %swap3A_17 = vector.load %arg3[%swap3A_15, %swap3A_16] : memref<18x18xf32, #tpu.memory_space<vmem>>, vector<18x18xf32>
    tpu.vector_store %arg3[%swap3A_15, %swap3A_16], %add3A_14 {strides = array<i32>} : memref<18x18xf32, #tpu.memory_space<vmem>>, vector<18x18xf32>,
    return
  }
  func.func @transform_0(%arg0: i32) -> (i32, i32) {
    %c0_i32 = arith.constant 0 : i32
    %c0_i32_0 = arith.constant 0 : i32
    return %arg0, %c0_i32 : i32, i32
  }
  func.func @transform_1(%arg0: i32) -> (i32, i32) {
    %c0_i32 = arith.constant 0 : i32
    %c0_i32_0 = arith.constant 0 : i32
    %c0_i32_1 = arith.constant 0 : i32
    return %c0_i32, %c0_i32_0 : i32, i32
  }
  func.func @transform_2(%arg0: i32) -> (i32, i32) {
    %c0_i32 = arith.constant 0 : i32
    %c0_i32_0 = arith.constant 0 : i32
    %c0_i32_1 = arith.constant 0 : i32
    return %c0_i32, %c0_i32_0 : i32, i32
  }
}

module attributes {stable_mosaic.version = 14 : i64} {
  func.func @_b1_body(%arg0: memref<8x18xf32, #tpu.memory_space<vmem>>, %arg1: memref<18x18xf32, #tpu.memory_space<vmem>>, %arg2: memref<18x256xf32, #tpu.memory_space<vmem>>, %arg3: memref<1x256xf32, #tpu.memory_space<vmem>>, %arg4: memref<1x256xf32, #tpu.memory_space<vmem>>, %arg5: memref<18x256xf32, #tpu.memory_space<vmem>>, %arg6: memref<1x256xf32, #tpu.memory_space<vmem>>) attributes {dimension_semantics = [], scalar_prefetch = 0 : i64, scratch_operands = 0 : i64, tpu.core_type = #tpu.core_type<tc>} {
    %get3A = arith.constant 0 : index
    %get3A_0 = arith.constant 0 : index
    %get3A_1 = vector.load %arg0[%get3A, %get3A_0] : memref<8x18xf32, #tpu.memory_space<vmem>>, vector<1x18xf32>
    %div3A = arith.constant 1.600000e+05 : f32
    %div3A_2 = vector.broadcast %div3A : f32 to vector<1x18xf32>
    %div3A_3 = arith.divf %get3A_1, %div3A_2 : vector<1x18xf32>
    %get3A_4 = arith.constant 0 : index
    %get3A_5 = arith.constant 0 : index
    %get3A_6 = vector.load %arg2[%get3A_4, %get3A_5] : memref<18x256xf32, #tpu.memory_space<vmem>>, vector<18x256xf32>
    %dot_general3A = arith.constant dense<0.000000e+00> : vector<1x256xf32>
    %dot_general3A_7 = tpu.matmul %div3A_3, %get3A_6, %dot_general3A {dimension_numbers = #tpu.dot_dimension_numbers<[1], [0], [0], [1], [0, 0, 1, 1], [], []>, transpose_lhs_hint = false} : vector<1x18xf32>, vector<18x256xf32>, vector<1x256xf32> -> vector<1x256xf32>
    %get3A_8 = arith.constant 0 : index
    %get3A_9 = arith.constant 0 : index
    %get3A_10 = vector.load %arg1[%get3A_8, %get3A_9] : memref<18x18xf32, #tpu.memory_space<vmem>>, vector<18x18xf32>
    %div3A_11 = arith.constant 1.600000e+05 : f32
    %div3A_12 = vector.broadcast %div3A_11 : f32 to vector<18x18xf32>
    %div3A_13 = arith.divf %get3A_10, %div3A_12 : vector<18x18xf32>
    %dot_general3A_14 = arith.constant dense<0.000000e+00> : vector<18x18xf32>
    %dot_general3A_15 = tpu.matmul %div3A_3, %div3A_3, %dot_general3A_14 {dimension_numbers = #tpu.dot_dimension_numbers<[0], [0], [1], [1], [0, 1, 1, 1], [], []>, transpose_lhs_hint = false} : vector<1x18xf32>, vector<1x18xf32>, vector<18x18xf32> -> vector<18x18xf32>
    %sub3A = arith.subf %div3A_13, %dot_general3A_15 : vector<18x18xf32>
    %get3A_16 = arith.constant 0 : index
    %get3A_17 = arith.constant 0 : index
    %get3A_18 = vector.load %arg2[%get3A_16, %get3A_17] : memref<18x256xf32, #tpu.memory_space<vmem>>, vector<18x256xf32>
    %dot_general3A_19 = arith.constant dense<0.000000e+00> : vector<18x256xf32>
    %dot_general3A_20 = tpu.matmul %sub3A, %get3A_18, %dot_general3A_19 {dimension_numbers = #tpu.dot_dimension_numbers<[1], [0], [0], [1], [0, 0, 1, 1], [], []>, transpose_lhs_hint = false} : vector<18x18xf32>, vector<18x256xf32>, vector<18x256xf32> -> vector<18x256xf32>
    %get3A_21 = arith.constant 0 : index
    %get3A_22 = arith.constant 0 : index
    %get3A_23 = vector.load %arg2[%get3A_21, %get3A_22] : memref<18x256xf32, #tpu.memory_space<vmem>>, vector<18x256xf32>
    %mul3A = arith.mulf %dot_general3A_20, %get3A_23 : vector<18x256xf32>
    %reduce_sum3A = arith.constant dense<0.000000e+00> : vector<256xf32>
    %reduce_sum3A_24 = vector.multi_reduction <add>, %mul3A, %reduce_sum3A [0] : vector<18x256xf32> to vector<256xf32>
    %broadcast_in_dim3A = vector.shape_cast %reduce_sum3A_24 : vector<256xf32> to vector<1x256xf32>
    %get3A_25 = arith.constant 0 : index
    %get3A_26 = arith.constant 0 : index
    %get3A_27 = vector.load %arg3[%get3A_25, %get3A_26] : memref<1x256xf32, #tpu.memory_space<vmem>>, vector<1x256xf32>
    %add3A = arith.constant 9.99999974E-6 : f32
    %add3A_28 = vector.broadcast %add3A : f32 to vector<1x256xf32>
    %add3A_29 = arith.addf %broadcast_in_dim3A, %add3A_28 : vector<1x256xf32>
    %rsqrt3A = math.rsqrt %add3A_29 : vector<1x256xf32>
    %mul3A_30 = arith.mulf %get3A_27, %rsqrt3A : vector<1x256xf32>
    %get3A_31 = arith.constant 0 : index
    %get3A_32 = arith.constant 0 : index
    %get3A_33 = vector.load %arg2[%get3A_31, %get3A_32] : memref<18x256xf32, #tpu.memory_space<vmem>>, vector<18x256xf32>
    %mul3A_34 = vector.broadcast %mul3A_30 : vector<1x256xf32> to vector<18x256xf32>
    %mul3A_35 = arith.mulf %get3A_33, %mul3A_34 : vector<18x256xf32>
    %swap3A = arith.constant 0 : index
    %swap3A_36 = arith.constant 0 : index
    %swap3A_37 = vector.load %arg5[%swap3A, %swap3A_36] : memref<18x256xf32, #tpu.memory_space<vmem>>, vector<18x256xf32>
    tpu.vector_store %arg5[%swap3A, %swap3A_36], %mul3A_35 {strides = array<i32>} : memref<18x256xf32, #tpu.memory_space<vmem>>, vector<18x256xf32>,
    %get3A_38 = arith.constant 0 : index
    %get3A_39 = arith.constant 0 : index
    %get3A_40 = vector.load %arg4[%get3A_38, %get3A_39] : memref<1x256xf32, #tpu.memory_space<vmem>>, vector<1x256xf32>
    %mul3A_41 = arith.mulf %dot_general3A_7, %mul3A_30 : vector<1x256xf32>
    %sub3A_42 = arith.subf %get3A_40, %mul3A_41 : vector<1x256xf32>
    %swap3A_43 = arith.constant 0 : index
    %swap3A_44 = arith.constant 0 : index
    %swap3A_45 = vector.load %arg6[%swap3A_43, %swap3A_44] : memref<1x256xf32, #tpu.memory_space<vmem>>, vector<1x256xf32>
    tpu.vector_store %arg6[%swap3A_43, %swap3A_44], %sub3A_42 {strides = array<i32>} : memref<1x256xf32, #tpu.memory_space<vmem>>, vector<1x256xf32>,
    return
  }
}

module attributes {stable_mosaic.version = 14 : i64} {
  func.func @_b2_body(%arg0: i32, %arg1: memref<1600x18xf32, #tpu.memory_space<vmem>>, %arg2: memref<18x256xf32, #tpu.memory_space<vmem>>, %arg3: memref<1x256xf32, #tpu.memory_space<vmem>>, %arg4: memref<256x256xbf16, #tpu.memory_space<vmem>>, %arg5: memref<1x256xf32, #tpu.memory_space<vmem>>, %arg6: memref<2x1600x128xf32, #tpu.memory_space<vmem>>) attributes {dimension_semantics = [#tpu.dimension_semantics<arbitrary>], iteration_bounds = array<i64: 100>, scalar_prefetch = 0 : i64, scratch_operands = 0 : i64, tpu.core_type = #tpu.core_type<tc>, window_params = [{transform_indices = @transform_0, window_bounds = array<i64: 1600, 18>}, {pipeline_mode = #tpu.pipeline_mode<synchronous>, transform_indices = @transform_1, window_bounds = array<i64: 18, 256>}, {pipeline_mode = #tpu.pipeline_mode<synchronous>, transform_indices = @transform_2, window_bounds = array<i64: 1, 256>}, {pipeline_mode = #tpu.pipeline_mode<synchronous>, transform_indices = @transform_3, window_bounds = array<i64: 256, 256>}, {pipeline_mode = #tpu.pipeline_mode<synchronous>, transform_indices = @transform_4, window_bounds = array<i64: 1, 256>}, {transform_indices = @transform_5, window_bounds = array<i64: 2, 1600, 128>}]} {
    %get3A = arith.constant 0 : index
    %get3A_0 = arith.constant 0 : index
    %get3A_1 = vector.load %arg1[%get3A, %get3A_0] : memref<1600x18xf32, #tpu.memory_space<vmem>>, vector<1600x18xf32>
    %get3A_2 = arith.constant 0 : index
    %get3A_3 = arith.constant 0 : index
    %get3A_4 = vector.load %arg2[%get3A_2, %get3A_3] : memref<18x256xf32, #tpu.memory_space<vmem>>, vector<18x256xf32>
    %dot_general3A = arith.constant dense<0.000000e+00> : vector<1600x256xf32>
    %dot_general3A_5 = tpu.matmul %get3A_1, %get3A_4, %dot_general3A {dimension_numbers = #tpu.dot_dimension_numbers<[1], [0], [0], [1], [0, 0, 1, 1], [], []>, transpose_lhs_hint = false} : vector<1600x18xf32>, vector<18x256xf32>, vector<1600x256xf32> -> vector<1600x256xf32>
    %get3A_6 = arith.constant 0 : index
    %get3A_7 = arith.constant 0 : index
    %get3A_8 = vector.load %arg3[%get3A_6, %get3A_7] : memref<1x256xf32, #tpu.memory_space<vmem>>, vector<1x256xf32>
    %add3A = vector.broadcast %get3A_8 : vector<1x256xf32> to vector<1600x256xf32>
    %add3A_9 = arith.addf %dot_general3A_5, %add3A : vector<1600x256xf32>
    %max3A = arith.constant 0.000000e+00 : f32
    %max3A_10 = vector.broadcast %max3A : f32 to vector<1600x256xf32>
    %max3A_11 = arith.maximumf %add3A_9, %max3A_10 : vector<1600x256xf32>
    %convert_element_type3A = arith.truncf %max3A_11 : vector<1600x256xf32> to vector<1600x256xbf16>
    %get3A_12 = arith.constant 0 : index
    %get3A_13 = arith.constant 0 : index
    %get3A_14 = vector.load %arg4[%get3A_12, %get3A_13] : memref<256x256xbf16, #tpu.memory_space<vmem>>, vector<256x256xbf16>
    %dot_general3A_15 = arith.constant dense<0.000000e+00> : vector<1600x256xf32>
    %dot_general3A_16 = tpu.matmul %convert_element_type3A, %get3A_14, %dot_general3A_15 {dimension_numbers = #tpu.dot_dimension_numbers<[1], [0], [0], [1], [0, 0, 1, 1], [], []>, transpose_lhs_hint = false} : vector<1600x256xbf16>, vector<256x256xbf16>, vector<1600x256xf32> -> vector<1600x256xf32>
    %get3A_17 = arith.constant 0 : index
    %get3A_18 = arith.constant 0 : index
    %get3A_19 = vector.load %arg5[%get3A_17, %get3A_18] : memref<1x256xf32, #tpu.memory_space<vmem>>, vector<1x256xf32>
    %add3A_20 = vector.broadcast %get3A_19 : vector<1x256xf32> to vector<1600x256xf32>
    %add3A_21 = arith.addf %dot_general3A_16, %add3A_20 : vector<1600x256xf32>
    %max3A_22 = arith.constant 0.000000e+00 : f32
    %max3A_23 = vector.broadcast %max3A_22 : f32 to vector<1600x256xf32>
    %max3A_24 = arith.maximumf %add3A_21, %max3A_23 : vector<1600x256xf32>
    %slice3A = vector.extract_strided_slice %max3A_24 {offsets = [0, 0], sizes = [1600, 128], strides = [1, 1]} : vector<1600x256xf32> to vector<1600x128xf32>
    %swap3A = arith.constant 0 : index
    %swap3A_25 = arith.constant 0 : index
    %swap3A_26 = arith.constant 0 : index
    %swap3A_27 = vector.load %arg6[%swap3A, %swap3A_25, %swap3A_26] : memref<2x1600x128xf32, #tpu.memory_space<vmem>>, vector<1x1600x128xf32>
    %swap3A_28 = vector.shape_cast %swap3A_27 : vector<1x1600x128xf32> to vector<1600x128xf32>
    %swap3A_29 = vector.shape_cast %slice3A : vector<1600x128xf32> to vector<1x1600x128xf32>
    tpu.vector_store %arg6[%swap3A, %swap3A_25, %swap3A_26], %swap3A_29 {strides = array<i32>} : memref<2x1600x128xf32, #tpu.memory_space<vmem>>, vector<1x1600x128xf32>,
    %slice3A_30 = vector.extract_strided_slice %max3A_24 {offsets = [0, 128], sizes = [1600, 128], strides = [1, 1]} : vector<1600x256xf32> to vector<1600x128xf32>
    %swap3A_31 = arith.constant 1 : index
    %swap3A_32 = arith.constant 0 : index
    %swap3A_33 = arith.constant 0 : index
    %swap3A_34 = vector.load %arg6[%swap3A_31, %swap3A_32, %swap3A_33] : memref<2x1600x128xf32, #tpu.memory_space<vmem>>, vector<1x1600x128xf32>
    %swap3A_35 = vector.shape_cast %swap3A_34 : vector<1x1600x128xf32> to vector<1600x128xf32>
    %swap3A_36 = vector.shape_cast %slice3A_30 : vector<1600x128xf32> to vector<1x1600x128xf32>
    tpu.vector_store %arg6[%swap3A_31, %swap3A_32, %swap3A_33], %swap3A_36 {strides = array<i32>} : memref<2x1600x128xf32, #tpu.memory_space<vmem>>, vector<1x1600x128xf32>,
    return
  }
  func.func @transform_0(%arg0: i32) -> (i32, i32) {
    %c0_i32 = arith.constant 0 : i32
    %c0_i32_0 = arith.constant 0 : i32
    return %arg0, %c0_i32 : i32, i32
  }
  func.func @transform_1(%arg0: i32) -> (i32, i32) {
    %c0_i32 = arith.constant 0 : i32
    %c0_i32_0 = arith.constant 0 : i32
    %c0_i32_1 = arith.constant 0 : i32
    return %c0_i32, %c0_i32_0 : i32, i32
  }
  func.func @transform_2(%arg0: i32) -> (i32, i32) {
    %c0_i32 = arith.constant 0 : i32
    %c0_i32_0 = arith.constant 0 : i32
    %c0_i32_1 = arith.constant 0 : i32
    return %c0_i32, %c0_i32_0 : i32, i32
  }
  func.func @transform_3(%arg0: i32) -> (i32, i32) {
    %c0_i32 = arith.constant 0 : i32
    %c0_i32_0 = arith.constant 0 : i32
    %c0_i32_1 = arith.constant 0 : i32
    return %c0_i32, %c0_i32_0 : i32, i32
  }
  func.func @transform_4(%arg0: i32) -> (i32, i32) {
    %c0_i32 = arith.constant 0 : i32
    %c0_i32_0 = arith.constant 0 : i32
    %c0_i32_1 = arith.constant 0 : i32
    return %c0_i32, %c0_i32_0 : i32, i32
  }
  func.func @transform_5(%arg0: i32) -> (i32, i32, i32) {
    %c0_i32 = arith.constant 0 : i32
    %c0_i32_0 = arith.constant 0 : i32
    %c0_i32_1 = arith.constant 0 : i32
    return %c0_i32, %arg0, %c0_i32_0 : i32, i32, i32
  }
}

module attributes {stable_mosaic.version = 14 : i64} {
  func.func @_c1_body(%arg0: i32, %arg1: memref<2x1000x128xf32, #tpu.memory_space<vmem>>, %arg2: memref<2x1000x128xf32, #tpu.memory_space<vmem>>, %arg3: memref<1000x256xf32, #tpu.memory_space<vmem>>, %arg4: memref<1000x1xf32, #tpu.memory_space<vmem>>, %arg5: memref<256x256xf32, #tpu.memory_space<vmem>>, %arg6: memref<1x256xf32, #tpu.memory_space<vmem>>, %arg7: memref<256x256xf32, #tpu.memory_space<vmem>>, %arg8: memref<512x256xf32, #tpu.memory_space<vmem>>, %arg9: memref<1x256xf32, #tpu.memory_space<vmem>>, %arg10: memref<256x256xf32, #tpu.memory_space<vmem>>, %arg11: memref<1x256xf32, #tpu.memory_space<vmem>>, %arg12: memref<256x256xf32, #tpu.memory_space<vmem>>, %arg13: memref<1x256xf32, #tpu.memory_space<vmem>>, %arg14: memref<256x256xf32, #tpu.memory_space<vmem>>, %arg15: memref<1x256xf32, #tpu.memory_space<vmem>>, %arg16: memref<1000x256xf32, #tpu.memory_space<vmem>>, %arg17: memref<64x256xf32, #tpu.memory_space<vmem>>, %arg18: memref<8x64xf32, #tpu.memory_space<vmem>>) attributes {dimension_semantics = [#tpu.dimension_semantics<arbitrary>], iteration_bounds = array<i64: 10>, scalar_prefetch = 0 : i64, scratch_operands = 0 : i64, tpu.core_type = #tpu.core_type<tc>, window_params = [{transform_indices = @transform_0, window_bounds = array<i64: 2, 1000, 128>}, {transform_indices = @transform_1, window_bounds = array<i64: 2, 1000, 128>}, {transform_indices = @transform_2, window_bounds = array<i64: 1000, 256>}, {transform_indices = @transform_3, window_bounds = array<i64: 1000, 1>}, {pipeline_mode = #tpu.pipeline_mode<synchronous>, transform_indices = @transform_4, window_bounds = array<i64: 256, 256>}, {pipeline_mode = #tpu.pipeline_mode<synchronous>, transform_indices = @transform_5, window_bounds = array<i64: 1, 256>}, {pipeline_mode = #tpu.pipeline_mode<synchronous>, transform_indices = @transform_6, window_bounds = array<i64: 256, 256>}, {pipeline_mode = #tpu.pipeline_mode<synchronous>, transform_indices = @transform_7, window_bounds = array<i64: 512, 256>}, {pipeline_mode = #tpu.pipeline_mode<synchronous>, transform_indices = @transform_8, window_bounds = array<i64: 1, 256>}, {pipeline_mode = #tpu.pipeline_mode<synchronous>, transform_indices = @transform_9, window_bounds = array<i64: 256, 256>}, {pipeline_mode = #tpu.pipeline_mode<synchronous>, transform_indices = @transform_10, window_bounds = array<i64: 1, 256>}, {pipeline_mode = #tpu.pipeline_mode<synchronous>, transform_indices = @transform_11, window_bounds = array<i64: 256, 256>}, {pipeline_mode = #tpu.pipeline_mode<synchronous>, transform_indices = @transform_12, window_bounds = array<i64: 1, 256>}, {pipeline_mode = #tpu.pipeline_mode<synchronous>, transform_indices = @transform_13, window_bounds = array<i64: 256, 256>}, {pipeline_mode = #tpu.pipeline_mode<synchronous>, transform_indices = @transform_14, window_bounds = array<i64: 1, 256>}, {transform_indices = @transform_15, window_bounds = array<i64: 1000, 256>}, {pipeline_mode = #tpu.pipeline_mode<synchronous>, transform_indices = @transform_16, window_bounds = array<i64: 64, 256>}, {pipeline_mode = #tpu.pipeline_mode<synchronous>, transform_indices = @transform_17, window_bounds = array<i64: 8, 64>}]} {
    %get3A = arith.constant 0 : index
    %get3A_0 = arith.constant 0 : index
    %get3A_1 = vector.load %arg3[%get3A, %get3A_0] : memref<1000x256xf32, #tpu.memory_space<vmem>>, vector<1000x256xf32>
    %get3A_2 = arith.constant 0 : index
    %get3A_3 = arith.constant 0 : index
    %get3A_4 = vector.load %arg7[%get3A_2, %get3A_3] : memref<256x256xf32, #tpu.memory_space<vmem>>, vector<256x256xf32>
    %dot_general3A = arith.constant dense<0.000000e+00> : vector<1000x256xf32>
    %dot_general3A_5 = tpu.matmul %get3A_1, %get3A_4, %dot_general3A {dimension_numbers = #tpu.dot_dimension_numbers<[1], [0], [0], [1], [0, 0, 1, 1], [], []>, transpose_lhs_hint = false} : vector<1000x256xf32>, vector<256x256xf32>, vector<1000x256xf32> -> vector<1000x256xf32>
    %get3A_6 = arith.constant 0 : index
    %get3A_7 = arith.constant 0 : index
    %get3A_8 = arith.constant 0 : index
    %get3A_9 = vector.load %arg1[%get3A_6, %get3A_7, %get3A_8] : memref<2x1000x128xf32, #tpu.memory_space<vmem>>, vector<1x1000x128xf32>
    %get3A_10 = vector.shape_cast %get3A_9 : vector<1x1000x128xf32> to vector<1000x128xf32>
    %get3A_11 = arith.constant 0 : index
    %get3A_12 = arith.constant 0 : index
    %get3A_13 = vector.load %arg5[%get3A_11, %get3A_12] : memref<256x256xf32, #tpu.memory_space<vmem>>, vector<128x256xf32>
    %dot_general3A_14 = arith.constant dense<0.000000e+00> : vector<1000x256xf32>
    %dot_general3A_15 = tpu.matmul %get3A_10, %get3A_13, %dot_general3A_14 {dimension_numbers = #tpu.dot_dimension_numbers<[1], [0], [0], [1], [0, 0, 1, 1], [], []>, transpose_lhs_hint = false} : vector<1000x128xf32>, vector<128x256xf32>, vector<1000x256xf32> -> vector<1000x256xf32>
    %get3A_16 = arith.constant 1 : index
    %get3A_17 = arith.constant 0 : index
    %get3A_18 = arith.constant 0 : index
    %get3A_19 = vector.load %arg1[%get3A_16, %get3A_17, %get3A_18] : memref<2x1000x128xf32, #tpu.memory_space<vmem>>, vector<1x1000x128xf32>
    %get3A_20 = vector.shape_cast %get3A_19 : vector<1x1000x128xf32> to vector<1000x128xf32>
    %get3A_21 = arith.constant 128 : index
    %get3A_22 = arith.constant 0 : index
    %get3A_23 = vector.load %arg5[%get3A_21, %get3A_22] : memref<256x256xf32, #tpu.memory_space<vmem>>, vector<128x256xf32>
    %dot_general3A_24 = arith.constant dense<0.000000e+00> : vector<1000x256xf32>
    %dot_general3A_25 = tpu.matmul %get3A_20, %get3A_23, %dot_general3A_24 {dimension_numbers = #tpu.dot_dimension_numbers<[1], [0], [0], [1], [0, 0, 1, 1], [], []>, transpose_lhs_hint = false} : vector<1000x128xf32>, vector<128x256xf32>, vector<1000x256xf32> -> vector<1000x256xf32>
    %add3A = arith.addf %dot_general3A_15, %dot_general3A_25 : vector<1000x256xf32>
    %get3A_26 = arith.constant 0 : index
    %get3A_27 = arith.constant 0 : index
    %get3A_28 = vector.load %arg6[%get3A_26, %get3A_27] : memref<1x256xf32, #tpu.memory_space<vmem>>, vector<1x256xf32>
    %add3A_29 = vector.broadcast %get3A_28 : vector<1x256xf32> to vector<1000x256xf32>
    %add3A_30 = arith.addf %add3A, %add3A_29 : vector<1000x256xf32>
    %add3A_31 = arith.addf %add3A_30, %dot_general3A_5 : vector<1000x256xf32>
    %max3A = arith.constant 0.000000e+00 : f32
    %max3A_32 = vector.broadcast %max3A : f32 to vector<1000x256xf32>
    %max3A_33 = arith.maximumf %add3A_31, %max3A_32 : vector<1000x256xf32>
    %get3A_34 = arith.constant 0 : index
    %get3A_35 = arith.constant 0 : index
    %get3A_36 = arith.constant 0 : index
    %get3A_37 = vector.load %arg2[%get3A_34, %get3A_35, %get3A_36] : memref<2x1000x128xf32, #tpu.memory_space<vmem>>, vector<1x1000x128xf32>
    %get3A_38 = vector.shape_cast %get3A_37 : vector<1x1000x128xf32> to vector<1000x128xf32>
    %get3A_39 = arith.constant 0 : index
    %get3A_40 = arith.constant 0 : index
    %get3A_41 = vector.load %arg5[%get3A_39, %get3A_40] : memref<256x256xf32, #tpu.memory_space<vmem>>, vector<128x256xf32>
    %dot_general3A_42 = arith.constant dense<0.000000e+00> : vector<1000x256xf32>
    %dot_general3A_43 = tpu.matmul %get3A_38, %get3A_41, %dot_general3A_42 {dimension_numbers = #tpu.dot_dimension_numbers<[1], [0], [0], [1], [0, 0, 1, 1], [], []>, transpose_lhs_hint = false} : vector<1000x128xf32>, vector<128x256xf32>, vector<1000x256xf32> -> vector<1000x256xf32>
    %get3A_44 = arith.constant 1 : index
    %get3A_45 = arith.constant 0 : index
    %get3A_46 = arith.constant 0 : index
    %get3A_47 = vector.load %arg2[%get3A_44, %get3A_45, %get3A_46] : memref<2x1000x128xf32, #tpu.memory_space<vmem>>, vector<1x1000x128xf32>
    %get3A_48 = vector.shape_cast %get3A_47 : vector<1x1000x128xf32> to vector<1000x128xf32>
    %get3A_49 = arith.constant 128 : index
    %get3A_50 = arith.constant 0 : index
    %get3A_51 = vector.load %arg5[%get3A_49, %get3A_50] : memref<256x256xf32, #tpu.memory_space<vmem>>, vector<128x256xf32>
    %dot_general3A_52 = arith.constant dense<0.000000e+00> : vector<1000x256xf32>
    %dot_general3A_53 = tpu.matmul %get3A_48, %get3A_51, %dot_general3A_52 {dimension_numbers = #tpu.dot_dimension_numbers<[1], [0], [0], [1], [0, 0, 1, 1], [], []>, transpose_lhs_hint = false} : vector<1000x128xf32>, vector<128x256xf32>, vector<1000x256xf32> -> vector<1000x256xf32>
    %add3A_54 = arith.addf %dot_general3A_43, %dot_general3A_53 : vector<1000x256xf32>
    %get3A_55 = arith.constant 0 : index
    %get3A_56 = arith.constant 0 : index
    %get3A_57 = vector.load %arg6[%get3A_55, %get3A_56] : memref<1x256xf32, #tpu.memory_space<vmem>>, vector<1x256xf32>
    %add3A_58 = vector.broadcast %get3A_57 : vector<1x256xf32> to vector<1000x256xf32>
    %add3A_59 = arith.addf %add3A_54, %add3A_58 : vector<1000x256xf32>
    %add3A_60 = arith.addf %add3A_59, %dot_general3A_5 : vector<1000x256xf32>
    %max3A_61 = arith.constant 0.000000e+00 : f32
    %max3A_62 = vector.broadcast %max3A_61 : f32 to vector<1000x256xf32>
    %max3A_63 = arith.maximumf %add3A_60, %max3A_62 : vector<1000x256xf32>
    %get3A_64 = arith.constant 0 : index
    %get3A_65 = arith.constant 0 : index
    %get3A_66 = vector.load %arg8[%get3A_64, %get3A_65] : memref<512x256xf32, #tpu.memory_space<vmem>>, vector<256x256xf32>
    %dot_general3A_67 = arith.constant dense<0.000000e+00> : vector<1000x256xf32>
    %dot_general3A_68 = tpu.matmul %max3A_33, %get3A_66, %dot_general3A_67 {dimension_numbers = #tpu.dot_dimension_numbers<[1], [0], [0], [1], [0, 0, 1, 1], [], []>, transpose_lhs_hint = false} : vector<1000x256xf32>, vector<256x256xf32>, vector<1000x256xf32> -> vector<1000x256xf32>
    %get3A_69 = arith.constant 256 : index
    %get3A_70 = arith.constant 0 : index
    %get3A_71 = vector.load %arg8[%get3A_69, %get3A_70] : memref<512x256xf32, #tpu.memory_space<vmem>>, vector<256x256xf32>
    %dot_general3A_72 = arith.constant dense<0.000000e+00> : vector<1000x256xf32>
    %dot_general3A_73 = tpu.matmul %max3A_63, %get3A_71, %dot_general3A_72 {dimension_numbers = #tpu.dot_dimension_numbers<[1], [0], [0], [1], [0, 0, 1, 1], [], []>, transpose_lhs_hint = false} : vector<1000x256xf32>, vector<256x256xf32>, vector<1000x256xf32> -> vector<1000x256xf32>
    %add3A_74 = arith.addf %dot_general3A_68, %dot_general3A_73 : vector<1000x256xf32>
    %get3A_75 = arith.constant 0 : index
    %get3A_76 = arith.constant 0 : index
    %get3A_77 = vector.load %arg9[%get3A_75, %get3A_76] : memref<1x256xf32, #tpu.memory_space<vmem>>, vector<1x256xf32>
    %add3A_78 = vector.broadcast %get3A_77 : vector<1x256xf32> to vector<1000x256xf32>
    %add3A_79 = arith.addf %add3A_74, %add3A_78 : vector<1000x256xf32>
    %max3A_80 = arith.constant 0.000000e+00 : f32
    %max3A_81 = vector.broadcast %max3A_80 : f32 to vector<1000x256xf32>
    %max3A_82 = arith.maximumf %add3A_79, %max3A_81 : vector<1000x256xf32>
    %add3A_83 = arith.addf %max3A_82, %get3A_1 : vector<1000x256xf32>
    %get3A_84 = arith.constant 0 : index
    %get3A_85 = arith.constant 0 : index
    %get3A_86 = vector.load %arg10[%get3A_84, %get3A_85] : memref<256x256xf32, #tpu.memory_space<vmem>>, vector<256x256xf32>
    %dot_general3A_87 = arith.constant dense<0.000000e+00> : vector<1000x256xf32>
    %dot_general3A_88 = tpu.matmul %add3A_83, %get3A_86, %dot_general3A_87 {dimension_numbers = #tpu.dot_dimension_numbers<[1], [0], [0], [1], [0, 0, 1, 1], [], []>, transpose_lhs_hint = false} : vector<1000x256xf32>, vector<256x256xf32>, vector<1000x256xf32> -> vector<1000x256xf32>
    %get3A_89 = arith.constant 0 : index
    %get3A_90 = arith.constant 0 : index
    %get3A_91 = vector.load %arg11[%get3A_89, %get3A_90] : memref<1x256xf32, #tpu.memory_space<vmem>>, vector<1x256xf32>
    %add3A_92 = vector.broadcast %get3A_91 : vector<1x256xf32> to vector<1000x256xf32>
    %add3A_93 = arith.addf %dot_general3A_88, %add3A_92 : vector<1000x256xf32>
    %max3A_94 = arith.constant 0.000000e+00 : f32
    %max3A_95 = vector.broadcast %max3A_94 : f32 to vector<1000x256xf32>
    %max3A_96 = arith.maximumf %add3A_93, %max3A_95 : vector<1000x256xf32>
    %add3A_97 = arith.addf %max3A_96, %add3A_83 : vector<1000x256xf32>
    %get3A_98 = arith.constant 0 : index
    %get3A_99 = arith.constant 0 : index
    %get3A_100 = vector.load %arg12[%get3A_98, %get3A_99] : memref<256x256xf32, #tpu.memory_space<vmem>>, vector<256x256xf32>
    %dot_general3A_101 = arith.constant dense<0.000000e+00> : vector<1000x256xf32>
    %dot_general3A_102 = tpu.matmul %add3A_97, %get3A_100, %dot_general3A_101 {dimension_numbers = #tpu.dot_dimension_numbers<[1], [0], [0], [1], [0, 0, 1, 1], [], []>, transpose_lhs_hint = false} : vector<1000x256xf32>, vector<256x256xf32>, vector<1000x256xf32> -> vector<1000x256xf32>
    %get3A_103 = arith.constant 0 : index
    %get3A_104 = arith.constant 0 : index
    %get3A_105 = vector.load %arg13[%get3A_103, %get3A_104] : memref<1x256xf32, #tpu.memory_space<vmem>>, vector<1x256xf32>
    %add3A_106 = vector.broadcast %get3A_105 : vector<1x256xf32> to vector<1000x256xf32>
    %add3A_107 = arith.addf %dot_general3A_102, %add3A_106 : vector<1000x256xf32>
    %max3A_108 = arith.constant 0.000000e+00 : f32
    %max3A_109 = vector.broadcast %max3A_108 : f32 to vector<1000x256xf32>
    %max3A_110 = arith.maximumf %add3A_107, %max3A_109 : vector<1000x256xf32>
    %add3A_111 = arith.addf %max3A_110, %add3A_97 : vector<1000x256xf32>
    %get3A_112 = arith.constant 0 : index
    %get3A_113 = arith.constant 0 : index
    %get3A_114 = vector.load %arg14[%get3A_112, %get3A_113] : memref<256x256xf32, #tpu.memory_space<vmem>>, vector<256x256xf32>
    %dot_general3A_115 = arith.constant dense<0.000000e+00> : vector<1000x256xf32>
    %dot_general3A_116 = tpu.matmul %add3A_111, %get3A_114, %dot_general3A_115 {dimension_numbers = #tpu.dot_dimension_numbers<[1], [0], [0], [1], [0, 0, 1, 1], [], []>, transpose_lhs_hint = false} : vector<1000x256xf32>, vector<256x256xf32>, vector<1000x256xf32> -> vector<1000x256xf32>
    %get3A_117 = arith.constant 0 : index
    %get3A_118 = arith.constant 0 : index
    %get3A_119 = vector.load %arg15[%get3A_117, %get3A_118] : memref<1x256xf32, #tpu.memory_space<vmem>>, vector<1x256xf32>
    %add3A_120 = vector.broadcast %get3A_119 : vector<1x256xf32> to vector<1000x256xf32>
    %add3A_121 = arith.addf %dot_general3A_116, %add3A_120 : vector<1000x256xf32>
    %max3A_122 = arith.constant 0.000000e+00 : f32
    %max3A_123 = vector.broadcast %max3A_122 : f32 to vector<1000x256xf32>
    %max3A_124 = arith.maximumf %add3A_121, %max3A_123 : vector<1000x256xf32>
    %add3A_125 = arith.addf %max3A_124, %add3A_111 : vector<1000x256xf32>
    %swap3A = arith.constant 0 : index
    %swap3A_126 = arith.constant 0 : index
    %swap3A_127 = vector.load %arg16[%swap3A, %swap3A_126] : memref<1000x256xf32, #tpu.memory_space<vmem>>, vector<1000x256xf32>
    tpu.vector_store %arg16[%swap3A, %swap3A_126], %add3A_125 {strides = array<i32>} : memref<1000x256xf32, #tpu.memory_space<vmem>>, vector<1000x256xf32>,
    %get3A_128 = arith.constant 0 : index
    %get3A_129 = arith.constant 0 : index
    %get3A_130 = vector.load %arg4[%get3A_128, %get3A_129] : memref<1000x1xf32, #tpu.memory_space<vmem>>, vector<1000x1xf32>
    %iota3A = tpu.iota {dimensions = array<i32: 1>} : vector<1000x64xi32>
    %convert_element_type3A = arith.sitofp %iota3A : vector<1000x64xi32> to vector<1000x64xf32>
    %eq3A = vector.broadcast %get3A_130 : vector<1000x1xf32> to vector<1000x64xf32>
    %eq3A_131 = arith.cmpf oeq, %eq3A, %convert_element_type3A : vector<1000x64xf32>
    %convert_element_type3A_132 = arith.extui %eq3A_131 : vector<1000x64xi1> to vector<1000x64xi32>
    %convert_element_type3A_133 = arith.sitofp %convert_element_type3A_132 : vector<1000x64xi32> to vector<1000x64xf32>
    %eq3A_134 = arith.constant 0 : i32
    %eq3A_135 = arith.cmpi eq, %arg0, %eq3A_134 : i32
    %convert_element_type3A_136 = arith.extui %eq3A_135 : i1 to i32
    %cond3A = arith.constant 0 : i32
    %cond3A_137 = arith.cmpi ne, %convert_element_type3A_136, %cond3A : i32
    scf.if %cond3A_137 {
      %broadcast_in_dim3A_155 = arith.constant 0.000000e+00 : f32
      %broadcast_in_dim3A_156 = vector.broadcast %broadcast_in_dim3A_155 : f32 to vector<64x256xf32>
      %swap3A_157 = arith.constant 0 : index
      %swap3A_158 = arith.constant 0 : index
      %swap3A_159 = vector.load %arg17[%swap3A_157, %swap3A_158] : memref<64x256xf32, #tpu.memory_space<vmem>>, vector<64x256xf32>
      tpu.vector_store %arg17[%swap3A_157, %swap3A_158], %broadcast_in_dim3A_156 {strides = array<i32>} : memref<64x256xf32, #tpu.memory_space<vmem>>, vector<64x256xf32>,
      %broadcast_in_dim3A_160 = arith.constant 0.000000e+00 : f32
      %broadcast_in_dim3A_161 = vector.broadcast %broadcast_in_dim3A_160 : f32 to vector<8x64xf32>
      %swap3A_162 = arith.constant 0 : index
      %swap3A_163 = arith.constant 0 : index
      %swap3A_164 = vector.load %arg18[%swap3A_162, %swap3A_163] : memref<8x64xf32, #tpu.memory_space<vmem>>, vector<8x64xf32>
      tpu.vector_store %arg18[%swap3A_162, %swap3A_163], %broadcast_in_dim3A_161 {strides = array<i32>} : memref<8x64xf32, #tpu.memory_space<vmem>>, vector<8x64xf32>,
    } else {
    }
    %get3A_138 = arith.constant 0 : index
    %get3A_139 = arith.constant 0 : index
    %get3A_140 = vector.load %arg17[%get3A_138, %get3A_139] : memref<64x256xf32, #tpu.memory_space<vmem>>, vector<64x256xf32>
    %dot_general3A_141 = arith.constant dense<0.000000e+00> : vector<64x256xf32>
    %dot_general3A_142 = tpu.matmul %convert_element_type3A_133, %add3A_125, %dot_general3A_141 {dimension_numbers = #tpu.dot_dimension_numbers<[0], [0], [1], [1], [0, 1, 1, 1], [], []>, transpose_lhs_hint = false} : vector<1000x64xf32>, vector<1000x256xf32>, vector<64x256xf32> -> vector<64x256xf32>
    %add3A_143 = arith.addf %get3A_140, %dot_general3A_142 : vector<64x256xf32>
    %swap3A_144 = arith.constant 0 : index
    %swap3A_145 = arith.constant 0 : index
    %swap3A_146 = vector.load %arg17[%swap3A_144, %swap3A_145] : memref<64x256xf32, #tpu.memory_space<vmem>>, vector<64x256xf32>
    tpu.vector_store %arg17[%swap3A_144, %swap3A_145], %add3A_143 {strides = array<i32>} : memref<64x256xf32, #tpu.memory_space<vmem>>, vector<64x256xf32>,
    %get3A_147 = arith.constant 0 : index
    %get3A_148 = arith.constant 0 : index
    %get3A_149 = vector.load %arg18[%get3A_147, %get3A_148] : memref<8x64xf32, #tpu.memory_space<vmem>>, vector<1x64xf32>
    %reduce_sum3A = arith.constant dense<0.000000e+00> : vector<64xf32>
    %reduce_sum3A_150 = vector.multi_reduction <add>, %convert_element_type3A_133, %reduce_sum3A [0] : vector<1000x64xf32> to vector<64xf32>
    %broadcast_in_dim3A = vector.shape_cast %reduce_sum3A_150 : vector<64xf32> to vector<1x64xf32>
    %add3A_151 = arith.addf %get3A_149, %broadcast_in_dim3A : vector<1x64xf32>
    %swap3A_152 = arith.constant 0 : index
    %swap3A_153 = arith.constant 0 : index
    %swap3A_154 = vector.load %arg18[%swap3A_152, %swap3A_153] : memref<8x64xf32, #tpu.memory_space<vmem>>, vector<1x64xf32>
    tpu.vector_store %arg18[%swap3A_152, %swap3A_153], %add3A_151 {strides = array<i32>} : memref<8x64xf32, #tpu.memory_space<vmem>>, vector<1x64xf32>,
    return
  }
  func.func @transform_0(%arg0: i32) -> (i32, i32, i32) {
    %c0_i32 = arith.constant 0 : i32
    %c0_i32_0 = arith.constant 0 : i32
    %c0_i32_1 = arith.constant 0 : i32
    return %c0_i32, %arg0, %c0_i32_0 : i32, i32, i32
  }
  func.func @transform_1(%arg0: i32) -> (i32, i32, i32) {
    %c0_i32 = arith.constant 0 : i32
    %c0_i32_0 = arith.constant 0 : i32
    %c0_i32_1 = arith.constant 0 : i32
    return %c0_i32, %arg0, %c0_i32_0 : i32, i32, i32
  }
  func.func @transform_2(%arg0: i32) -> (i32, i32) {
    %c0_i32 = arith.constant 0 : i32
    %c0_i32_0 = arith.constant 0 : i32
    return %arg0, %c0_i32 : i32, i32
  }
  func.func @transform_3(%arg0: i32) -> (i32, i32) {
    %c0_i32 = arith.constant 0 : i32
    %c0_i32_0 = arith.constant 0 : i32
    return %arg0, %c0_i32 : i32, i32
  }
  func.func @transform_4(%arg0: i32) -> (i32, i32) {
    %c0_i32 = arith.constant 0 : i32
    %c0_i32_0 = arith.constant 0 : i32
    %c0_i32_1 = arith.constant 0 : i32
    return %c0_i32, %c0_i32_0 : i32, i32
  }
  func.func @transform_5(%arg0: i32) -> (i32, i32) {
    %c0_i32 = arith.constant 0 : i32
    %c0_i32_0 = arith.constant 0 : i32
    %c0_i32_1 = arith.constant 0 : i32
    return %c0_i32, %c0_i32_0 : i32, i32
  }
  func.func @transform_6(%arg0: i32) -> (i32, i32) {
    %c0_i32 = arith.constant 0 : i32
    %c0_i32_0 = arith.constant 0 : i32
    %c0_i32_1 = arith.constant 0 : i32
    return %c0_i32, %c0_i32_0 : i32, i32
  }
  func.func @transform_7(%arg0: i32) -> (i32, i32) {
    %c0_i32 = arith.constant 0 : i32
    %c0_i32_0 = arith.constant 0 : i32
    %c0_i32_1 = arith.constant 0 : i32
    return %c0_i32, %c0_i32_0 : i32, i32
  }
  func.func @transform_8(%arg0: i32) -> (i32, i32) {
    %c0_i32 = arith.constant 0 : i32
    %c0_i32_0 = arith.constant 0 : i32
    %c0_i32_1 = arith.constant 0 : i32
    return %c0_i32, %c0_i32_0 : i32, i32
  }
  func.func @transform_9(%arg0: i32) -> (i32, i32) {
    %c0_i32 = arith.constant 0 : i32
    %c0_i32_0 = arith.constant 0 : i32
    %c0_i32_1 = arith.constant 0 : i32
    return %c0_i32, %c0_i32_0 : i32, i32
  }
  func.func @transform_10(%arg0: i32) -> (i32, i32) {
    %c0_i32 = arith.constant 0 : i32
    %c0_i32_0 = arith.constant 0 : i32
    %c0_i32_1 = arith.constant 0 : i32
    return %c0_i32, %c0_i32_0 : i32, i32
  }
  func.func @transform_11(%arg0: i32) -> (i32, i32) {
    %c0_i32 = arith.constant 0 : i32
    %c0_i32_0 = arith.constant 0 : i32
    %c0_i32_1 = arith.constant 0 : i32
    return %c0_i32, %c0_i32_0 : i32, i32
  }
  func.func @transform_12(%arg0: i32) -> (i32, i32) {
    %c0_i32 = arith.constant 0 : i32
    %c0_i32_0 = arith.constant 0 : i32
    %c0_i32_1 = arith.constant 0 : i32
    return %c0_i32, %c0_i32_0 : i32, i32
  }
  func.func @transform_13(%arg0: i32) -> (i32, i32) {
    %c0_i32 = arith.constant 0 : i32
    %c0_i32_0 = arith.constant 0 : i32
    %c0_i32_1 = arith.constant 0 : i32
    return %c0_i32, %c0_i32_0 : i32, i32
  }
  func.func @transform_14(%arg0: i32) -> (i32, i32) {
    %c0_i32 = arith.constant 0 : i32
    %c0_i32_0 = arith.constant 0 : i32
    %c0_i32_1 = arith.constant 0 : i32
    return %c0_i32, %c0_i32_0 : i32, i32
  }
  func.func @transform_15(%arg0: i32) -> (i32, i32) {
    %c0_i32 = arith.constant 0 : i32
    %c0_i32_0 = arith.constant 0 : i32
    return %arg0, %c0_i32 : i32, i32
  }
  func.func @transform_16(%arg0: i32) -> (i32, i32) {
    %c0_i32 = arith.constant 0 : i32
    %c0_i32_0 = arith.constant 0 : i32
    %c0_i32_1 = arith.constant 0 : i32
    return %c0_i32, %c0_i32_0 : i32, i32
  }
  func.func @transform_17(%arg0: i32) -> (i32, i32) {
    %c0_i32 = arith.constant 0 : i32
    %c0_i32_0 = arith.constant 0 : i32
    %c0_i32_1 = arith.constant 0 : i32
    return %c0_i32, %c0_i32_0 : i32, i32
  }
}

module attributes {stable_mosaic.version = 14 : i64} {
  func.func @_c2_body(%arg0: i32, %arg1: memref<1000x256xf32, #tpu.memory_space<vmem>>, %arg2: memref<1000x1xf32, #tpu.memory_space<vmem>>, %arg3: memref<64x256xf32, #tpu.memory_space<vmem>>, %arg4: memref<8x64xf32, #tpu.memory_space<vmem>>, %arg5: memref<1x256xf32, #tpu.memory_space<vmem>>, %arg6: memref<1000x256xf32, #tpu.memory_space<vmem>>, %arg7: memref<64x256xf32, #tpu.memory_space<vmem>>) attributes {dimension_semantics = [#tpu.dimension_semantics<arbitrary>], iteration_bounds = array<i64: 10>, scalar_prefetch = 0 : i64, scratch_operands = 0 : i64, tpu.core_type = #tpu.core_type<tc>, window_params = [{transform_indices = @transform_0, window_bounds = array<i64: 1000, 256>}, {transform_indices = @transform_1, window_bounds = array<i64: 1000, 1>}, {pipeline_mode = #tpu.pipeline_mode<synchronous>, transform_indices = @transform_2, window_bounds = array<i64: 64, 256>}, {pipeline_mode = #tpu.pipeline_mode<synchronous>, transform_indices = @transform_3, window_bounds = array<i64: 8, 64>}, {pipeline_mode = #tpu.pipeline_mode<synchronous>, transform_indices = @transform_4, window_bounds = array<i64: 1, 256>}, {transform_indices = @transform_5, window_bounds = array<i64: 1000, 256>}, {pipeline_mode = #tpu.pipeline_mode<synchronous>, transform_indices = @transform_6, window_bounds = array<i64: 64, 256>}]} {
    %get3A = arith.constant 0 : index
    %get3A_0 = arith.constant 0 : index
    %get3A_1 = vector.load %arg2[%get3A, %get3A_0] : memref<1000x1xf32, #tpu.memory_space<vmem>>, vector<1000x1xf32>
    %iota3A = tpu.iota {dimensions = array<i32: 1>} : vector<1000x64xi32>
    %convert_element_type3A = arith.sitofp %iota3A : vector<1000x64xi32> to vector<1000x64xf32>
    %eq3A = vector.broadcast %get3A_1 : vector<1000x1xf32> to vector<1000x64xf32>
    %eq3A_2 = arith.cmpf oeq, %eq3A, %convert_element_type3A : vector<1000x64xf32>
    %convert_element_type3A_3 = arith.extui %eq3A_2 : vector<1000x64xi1> to vector<1000x64xi32>
    %convert_element_type3A_4 = arith.sitofp %convert_element_type3A_3 : vector<1000x64xi32> to vector<1000x64xf32>
    %get3A_5 = arith.constant 0 : index
    %get3A_6 = arith.constant 0 : index
    %get3A_7 = vector.load %arg4[%get3A_5, %get3A_6] : memref<8x64xf32, #tpu.memory_space<vmem>>, vector<1x64xf32>
    %max3A = arith.constant 1.000000e+00 : f32
    %max3A_8 = vector.broadcast %max3A : f32 to vector<1x64xf32>
    %max3A_9 = arith.maximumf %get3A_7, %max3A_8 : vector<1x64xf32>
    %div3A = arith.constant 1.000000e+00 : f32
    %div3A_10 = vector.broadcast %div3A : f32 to vector<1x64xf32>
    %div3A_11 = arith.divf %div3A_10, %max3A_9 : vector<1x64xf32>
    %mul3A = vector.broadcast %div3A_11 : vector<1x64xf32> to vector<1000x64xf32>
    %mul3A_12 = arith.mulf %convert_element_type3A_4, %mul3A : vector<1000x64xf32>
    %get3A_13 = arith.constant 0 : index
    %get3A_14 = arith.constant 0 : index
    %get3A_15 = vector.load %arg3[%get3A_13, %get3A_14] : memref<64x256xf32, #tpu.memory_space<vmem>>, vector<64x256xf32>
    %dot_general3A = arith.constant dense<0.000000e+00> : vector<1000x256xf32>
    %dot_general3A_16 = tpu.matmul %mul3A_12, %get3A_15, %dot_general3A {dimension_numbers = #tpu.dot_dimension_numbers<[1], [0], [0], [1], [0, 0, 1, 1], [], []>, transpose_lhs_hint = false} : vector<1000x64xf32>, vector<64x256xf32>, vector<1000x256xf32> -> vector<1000x256xf32>
    %get3A_17 = arith.constant 0 : index
    %get3A_18 = arith.constant 0 : index
    %get3A_19 = vector.load %arg1[%get3A_17, %get3A_18] : memref<1000x256xf32, #tpu.memory_space<vmem>>, vector<1000x256xf32>
    %get3A_20 = arith.constant 0 : index
    %get3A_21 = arith.constant 0 : index
    %get3A_22 = vector.load %arg5[%get3A_20, %get3A_21] : memref<1x256xf32, #tpu.memory_space<vmem>>, vector<1x256xf32>
    %mul3A_23 = vector.broadcast %get3A_22 : vector<1x256xf32> to vector<1000x256xf32>
    %mul3A_24 = arith.mulf %dot_general3A_16, %mul3A_23 : vector<1000x256xf32>
    %sub3A = arith.subf %get3A_19, %mul3A_24 : vector<1000x256xf32>
    %swap3A = arith.constant 0 : index
    %swap3A_25 = arith.constant 0 : index
    %swap3A_26 = vector.load %arg6[%swap3A, %swap3A_25] : memref<1000x256xf32, #tpu.memory_space<vmem>>, vector<1000x256xf32>
    tpu.vector_store %arg6[%swap3A, %swap3A_25], %sub3A {strides = array<i32>} : memref<1000x256xf32, #tpu.memory_space<vmem>>, vector<1000x256xf32>,
    %eq3A_27 = arith.constant 0 : i32
    %eq3A_28 = arith.cmpi eq, %arg0, %eq3A_27 : i32
    %convert_element_type3A_29 = arith.extui %eq3A_28 : i1 to i32
    %cond3A = arith.constant 0 : i32
    %cond3A_30 = arith.cmpi ne, %convert_element_type3A_29, %cond3A : i32
    scf.if %cond3A_30 {
      %broadcast_in_dim3A = arith.constant 0.000000e+00 : f32
      %broadcast_in_dim3A_40 = vector.broadcast %broadcast_in_dim3A : f32 to vector<64x256xf32>
      %swap3A_41 = arith.constant 0 : index
      %swap3A_42 = arith.constant 0 : index
      %swap3A_43 = vector.load %arg7[%swap3A_41, %swap3A_42] : memref<64x256xf32, #tpu.memory_space<vmem>>, vector<64x256xf32>
      tpu.vector_store %arg7[%swap3A_41, %swap3A_42], %broadcast_in_dim3A_40 {strides = array<i32>} : memref<64x256xf32, #tpu.memory_space<vmem>>, vector<64x256xf32>,
    } else {
    }
    %get3A_31 = arith.constant 0 : index
    %get3A_32 = arith.constant 0 : index
    %get3A_33 = vector.load %arg7[%get3A_31, %get3A_32] : memref<64x256xf32, #tpu.memory_space<vmem>>, vector<64x256xf32>
    %mul3A_34 = arith.mulf %sub3A, %sub3A : vector<1000x256xf32>
    %dot_general3A_35 = arith.constant dense<0.000000e+00> : vector<64x256xf32>
    %dot_general3A_36 = tpu.matmul %convert_element_type3A_4, %mul3A_34, %dot_general3A_35 {dimension_numbers = #tpu.dot_dimension_numbers<[0], [0], [1], [1], [0, 1, 1, 1], [], []>, transpose_lhs_hint = false} : vector<1000x64xf32>, vector<1000x256xf32>, vector<64x256xf32> -> vector<64x256xf32>
    %add3A = arith.addf %get3A_33, %dot_general3A_36 : vector<64x256xf32>
    %swap3A_37 = arith.constant 0 : index
    %swap3A_38 = arith.constant 0 : index
    %swap3A_39 = vector.load %arg7[%swap3A_37, %swap3A_38] : memref<64x256xf32, #tpu.memory_space<vmem>>, vector<64x256xf32>
    tpu.vector_store %arg7[%swap3A_37, %swap3A_38], %add3A {strides = array<i32>} : memref<64x256xf32, #tpu.memory_space<vmem>>, vector<64x256xf32>,
    return
  }
  func.func @transform_0(%arg0: i32) -> (i32, i32) {
    %c0_i32 = arith.constant 0 : i32
    %c0_i32_0 = arith.constant 0 : i32
    return %arg0, %c0_i32 : i32, i32
  }
  func.func @transform_1(%arg0: i32) -> (i32, i32) {
    %c0_i32 = arith.constant 0 : i32
    %c0_i32_0 = arith.constant 0 : i32
    return %arg0, %c0_i32 : i32, i32
  }
  func.func @transform_2(%arg0: i32) -> (i32, i32) {
    %c0_i32 = arith.constant 0 : i32
    %c0_i32_0 = arith.constant 0 : i32
    %c0_i32_1 = arith.constant 0 : i32
    return %c0_i32, %c0_i32_0 : i32, i32
  }
  func.func @transform_3(%arg0: i32) -> (i32, i32) {
    %c0_i32 = arith.constant 0 : i32
    %c0_i32_0 = arith.constant 0 : i32
    %c0_i32_1 = arith.constant 0 : i32
    return %c0_i32, %c0_i32_0 : i32, i32
  }
  func.func @transform_4(%arg0: i32) -> (i32, i32) {
    %c0_i32 = arith.constant 0 : i32
    %c0_i32_0 = arith.constant 0 : i32
    %c0_i32_1 = arith.constant 0 : i32
    return %c0_i32, %c0_i32_0 : i32, i32
  }
  func.func @transform_5(%arg0: i32) -> (i32, i32) {
    %c0_i32 = arith.constant 0 : i32
    %c0_i32_0 = arith.constant 0 : i32
    return %arg0, %c0_i32 : i32, i32
  }
  func.func @transform_6(%arg0: i32) -> (i32, i32) {
    %c0_i32 = arith.constant 0 : i32
    %c0_i32_0 = arith.constant 0 : i32
    %c0_i32_1 = arith.constant 0 : i32
    return %c0_i32, %c0_i32_0 : i32, i32
  }
}

module attributes {stable_mosaic.version = 14 : i64} {
  func.func @_c3_body(%arg0: i32, %arg1: memref<1000x256xf32, #tpu.memory_space<vmem>>, %arg2: memref<1000x1xf32, #tpu.memory_space<vmem>>, %arg3: memref<64x256xf32, #tpu.memory_space<vmem>>, %arg4: memref<8x64xf32, #tpu.memory_space<vmem>>, %arg5: memref<1x256xf32, #tpu.memory_space<vmem>>, %arg6: memref<1x256xf32, #tpu.memory_space<vmem>>, %arg7: memref<256x256xf32, #tpu.memory_space<vmem>>, %arg8: memref<1x256xf32, #tpu.memory_space<vmem>>, %arg9: memref<1000x256xf32, #tpu.memory_space<vmem>>) attributes {dimension_semantics = [#tpu.dimension_semantics<arbitrary>], iteration_bounds = array<i64: 10>, scalar_prefetch = 0 : i64, scratch_operands = 0 : i64, tpu.core_type = #tpu.core_type<tc>, window_params = [{transform_indices = @transform_0, window_bounds = array<i64: 1000, 256>}, {transform_indices = @transform_1, window_bounds = array<i64: 1000, 1>}, {pipeline_mode = #tpu.pipeline_mode<synchronous>, transform_indices = @transform_2, window_bounds = array<i64: 64, 256>}, {pipeline_mode = #tpu.pipeline_mode<synchronous>, transform_indices = @transform_3, window_bounds = array<i64: 8, 64>}, {pipeline_mode = #tpu.pipeline_mode<synchronous>, transform_indices = @transform_4, window_bounds = array<i64: 1, 256>}, {pipeline_mode = #tpu.pipeline_mode<synchronous>, transform_indices = @transform_5, window_bounds = array<i64: 1, 256>}, {pipeline_mode = #tpu.pipeline_mode<synchronous>, transform_indices = @transform_6, window_bounds = array<i64: 256, 256>}, {pipeline_mode = #tpu.pipeline_mode<synchronous>, transform_indices = @transform_7, window_bounds = array<i64: 1, 256>}, {transform_indices = @transform_8, window_bounds = array<i64: 1000, 256>}]} {
    %get3A = arith.constant 0 : index
    %get3A_0 = arith.constant 0 : index
    %get3A_1 = vector.load %arg2[%get3A, %get3A_0] : memref<1000x1xf32, #tpu.memory_space<vmem>>, vector<1000x1xf32>
    %iota3A = tpu.iota {dimensions = array<i32: 1>} : vector<1000x64xi32>
    %convert_element_type3A = arith.sitofp %iota3A : vector<1000x64xi32> to vector<1000x64xf32>
    %eq3A = vector.broadcast %get3A_1 : vector<1000x1xf32> to vector<1000x64xf32>
    %eq3A_2 = arith.cmpf oeq, %eq3A, %convert_element_type3A : vector<1000x64xf32>
    %convert_element_type3A_3 = arith.extui %eq3A_2 : vector<1000x64xi1> to vector<1000x64xi32>
    %convert_element_type3A_4 = arith.sitofp %convert_element_type3A_3 : vector<1000x64xi32> to vector<1000x64xf32>
    %get3A_5 = arith.constant 0 : index
    %get3A_6 = arith.constant 0 : index
    %get3A_7 = vector.load %arg4[%get3A_5, %get3A_6] : memref<8x64xf32, #tpu.memory_space<vmem>>, vector<1x64xf32>
    %max3A = arith.constant 1.000000e+00 : f32
    %max3A_8 = vector.broadcast %max3A : f32 to vector<1x64xf32>
    %max3A_9 = arith.maximumf %get3A_7, %max3A_8 : vector<1x64xf32>
    %div3A = arith.constant 1.000000e+00 : f32
    %div3A_10 = vector.broadcast %div3A : f32 to vector<1x64xf32>
    %div3A_11 = arith.divf %div3A_10, %max3A_9 : vector<1x64xf32>
    %mul3A = vector.broadcast %div3A_11 : vector<1x64xf32> to vector<1000x64xf32>
    %mul3A_12 = arith.mulf %convert_element_type3A_4, %mul3A : vector<1000x64xf32>
    %get3A_13 = arith.constant 0 : index
    %get3A_14 = arith.constant 0 : index
    %get3A_15 = vector.load %arg3[%get3A_13, %get3A_14] : memref<64x256xf32, #tpu.memory_space<vmem>>, vector<64x256xf32>
    %dot_general3A = arith.constant dense<0.000000e+00> : vector<1000x256xf32>
    %dot_general3A_16 = tpu.matmul %mul3A_12, %get3A_15, %dot_general3A {dimension_numbers = #tpu.dot_dimension_numbers<[1], [0], [0], [1], [0, 0, 1, 1], [], []>, transpose_lhs_hint = false} : vector<1000x64xf32>, vector<64x256xf32>, vector<1000x256xf32> -> vector<1000x256xf32>
    %get3A_17 = arith.constant 0 : index
    %get3A_18 = arith.constant 0 : index
    %get3A_19 = vector.load %arg1[%get3A_17, %get3A_18] : memref<1000x256xf32, #tpu.memory_space<vmem>>, vector<1000x256xf32>
    %get3A_20 = arith.constant 0 : index
    %get3A_21 = arith.constant 0 : index
    %get3A_22 = vector.load %arg5[%get3A_20, %get3A_21] : memref<1x256xf32, #tpu.memory_space<vmem>>, vector<1x256xf32>
    %mul3A_23 = vector.broadcast %get3A_22 : vector<1x256xf32> to vector<1000x256xf32>
    %mul3A_24 = arith.mulf %mul3A_23, %get3A_19 : vector<1000x256xf32>
    %add3A = arith.constant 9.99999974E-6 : f32
    %add3A_25 = vector.broadcast %add3A : f32 to vector<1000x256xf32>
    %add3A_26 = arith.addf %dot_general3A_16, %add3A_25 : vector<1000x256xf32>
    %rsqrt3A = math.rsqrt %add3A_26 : vector<1000x256xf32>
    %mul3A_27 = arith.mulf %mul3A_24, %rsqrt3A : vector<1000x256xf32>
    %get3A_28 = arith.constant 0 : index
    %get3A_29 = arith.constant 0 : index
    %get3A_30 = vector.load %arg6[%get3A_28, %get3A_29] : memref<1x256xf32, #tpu.memory_space<vmem>>, vector<1x256xf32>
    %add3A_31 = vector.broadcast %get3A_30 : vector<1x256xf32> to vector<1000x256xf32>
    %add3A_32 = arith.addf %mul3A_27, %add3A_31 : vector<1000x256xf32>
    %get3A_33 = arith.constant 0 : index
    %get3A_34 = arith.constant 0 : index
    %get3A_35 = vector.load %arg7[%get3A_33, %get3A_34] : memref<256x256xf32, #tpu.memory_space<vmem>>, vector<256x256xf32>
    %dot_general3A_36 = arith.constant dense<0.000000e+00> : vector<1000x256xf32>
    %dot_general3A_37 = tpu.matmul %add3A_32, %get3A_35, %dot_general3A_36 {dimension_numbers = #tpu.dot_dimension_numbers<[1], [0], [0], [1], [0, 0, 1, 1], [], []>, transpose_lhs_hint = false} : vector<1000x256xf32>, vector<256x256xf32>, vector<1000x256xf32> -> vector<1000x256xf32>
    %get3A_38 = arith.constant 0 : index
    %get3A_39 = arith.constant 0 : index
    %get3A_40 = vector.load %arg8[%get3A_38, %get3A_39] : memref<1x256xf32, #tpu.memory_space<vmem>>, vector<1x256xf32>
    %add3A_41 = vector.broadcast %get3A_40 : vector<1x256xf32> to vector<1000x256xf32>
    %add3A_42 = arith.addf %dot_general3A_37, %add3A_41 : vector<1000x256xf32>
    %swap3A = arith.constant 0 : index
    %swap3A_43 = arith.constant 0 : index
    %swap3A_44 = vector.load %arg9[%swap3A, %swap3A_43] : memref<1000x256xf32, #tpu.memory_space<vmem>>, vector<1000x256xf32>
    tpu.vector_store %arg9[%swap3A, %swap3A_43], %add3A_42 {strides = array<i32>} : memref<1000x256xf32, #tpu.memory_space<vmem>>, vector<1000x256xf32>,
    return
  }
  func.func @transform_0(%arg0: i32) -> (i32, i32) {
    %c0_i32 = arith.constant 0 : i32
    %c0_i32_0 = arith.constant 0 : i32
    return %arg0, %c0_i32 : i32, i32
  }
  func.func @transform_1(%arg0: i32) -> (i32, i32) {
    %c0_i32 = arith.constant 0 : i32
    %c0_i32_0 = arith.constant 0 : i32
    return %arg0, %c0_i32 : i32, i32
  }
  func.func @transform_2(%arg0: i32) -> (i32, i32) {
    %c0_i32 = arith.constant 0 : i32
    %c0_i32_0 = arith.constant 0 : i32
    %c0_i32_1 = arith.constant 0 : i32
    return %c0_i32, %c0_i32_0 : i32, i32
  }
  func.func @transform_3(%arg0: i32) -> (i32, i32) {
    %c0_i32 = arith.constant 0 : i32
    %c0_i32_0 = arith.constant 0 : i32
    %c0_i32_1 = arith.constant 0 : i32
    return %c0_i32, %c0_i32_0 : i32, i32
  }
  func.func @transform_4(%arg0: i32) -> (i32, i32) {
    %c0_i32 = arith.constant 0 : i32
    %c0_i32_0 = arith.constant 0 : i32
    %c0_i32_1 = arith.constant 0 : i32
    return %c0_i32, %c0_i32_0 : i32, i32
  }
  func.func @transform_5(%arg0: i32) -> (i32, i32) {
    %c0_i32 = arith.constant 0 : i32
    %c0_i32_0 = arith.constant 0 : i32
    %c0_i32_1 = arith.constant 0 : i32
    return %c0_i32, %c0_i32_0 : i32, i32
  }
  func.func @transform_6(%arg0: i32) -> (i32, i32) {
    %c0_i32 = arith.constant 0 : i32
    %c0_i32_0 = arith.constant 0 : i32
    %c0_i32_1 = arith.constant 0 : i32
    return %c0_i32, %c0_i32_0 : i32, i32
  }
  func.func @transform_7(%arg0: i32) -> (i32, i32) {
    %c0_i32 = arith.constant 0 : i32
    %c0_i32_0 = arith.constant 0 : i32
    %c0_i32_1 = arith.constant 0 : i32
    return %c0_i32, %c0_i32_0 : i32, i32
  }
  func.func @transform_8(%arg0: i32) -> (i32, i32) {
    %c0_i32 = arith.constant 0 : i32
    %c0_i32_0 = arith.constant 0 : i32
    return %arg0, %c0_i32 : i32, i32
  }
}

</mosaic_0001>

<sc_bundles>
// kernel: kernel.15.cloned.1.call-start
scs
__scs_entry_jumppad:
0x0: {  	(pc) =	sbr.rel $0x88, $3  }
0x1: {  	(tag) =	ssettag $0x0;
	lr =	simm.s32 $0x1  }
0x2: {  	[smem:$0x3F7F] =	sst lr;
	_ =	strace $0xD0000000  }
0x3: {  	_ = 	snop  }
0x4: {  	_ = 	snop  }
0x5: {  	_ = 	snop  }
0x6: {  	_ = 	snop  }
0x7: {  	_ = 	snop  }
__scs_overlays_trampoline_lowered:
0x8: {  	[smem:$0x3F8E] =	sst s0  }
0x9: {  	[smem:$0x3F8F] =	sst s1  }
0xa: {  	[smem:$0x3F90] =	sst s2  }
0xb: {  	[smem:$0x3F91] =	sst s3  }
0xc: {  	[smem:$0x3F92] =	sst s4  }
0xd: {  	[smem:$0x3F93] =	sst s5  }
0xe: {  	[smem:$0x3F94] =	sst s6  }
0xf: {  	[smem:$0x3F95] =	sst s7  }
0x10: {  	[smem:$0x3F96] =	sst s8  }
0x11: {  	[smem:$0x3F97] =	sst s9;
	s0 =	simm.s32 @!p0 $0x0  }
0x12: {  	s1 =	sld [smem:$0x3F7D];
	s0 =	simm.s32 @p0 $0x1  }
0x13: {  	[smem:$0x3F98] =	sst s0;
	s0 =	simm.s32 @!p1 $0x0  }
0x14: {  	s2 =	sld [smem:$0x3F7C];
	s0 =	simm.s32 @p1 $0x1  }
0x15: {  	[smem:$0x3F99] =	sst s0;
	s0 =	simm.s32 @!p2 $0x0  }
0x16: {  	s3 =	sld [smem:$0x3FDB];
	s0 =	simm.s32 @p2 $0x1  }
0x17: {  	s4 =	simm.s32 $0x1BF5;
	[smem:$0x3F9B] =	sst s0  }
0x18: {  	s0 =	sld [smem:$0x3F7E];
	_ =	swait.ge [sflag:s4], $0x0  }
0x19: {  	s7 =	sld [smem:$0x3F7F]  }
0x1a: {  	s8 =	sadd.s32 $0xFFFFE003, lr  }
0x1b: {  	s9 =	sadd.s32 $0xFFFFFEF7, lr;
	s5 =	simm.s32 $0xFFFFFFFF;
	p2 =	slt.u32 s8, $0xFFFFF086  }
0x1c: {  	p1 =	slt.u32 s9, $0xF7A;
	s5 =	simm.s32 @!p2 $0x0  }
0x1d: {  	s5 =	simm.s32 @p1 $0x1;
	p0 =	seq.s32 s7, s2  }
0x1e: {  	s7 =	smul.u32 @!p0 $0xF7A, s2;
	p2 =	seq.s32 @!p0 s5, $0x0  }
0x1f: {  	s9 =	smul.u32 $0xF7A, s1;
	s8 =	simm.s32 @!p0 $0x1BF5;
	p2 =	por !p2, p0  }
0x20: {  	[sflag:s8] =	ssyncset.s32 @!p0 $0xFFFFF086;
	s6 =	sadd.s32 @!p0 s3, s7;
	s7 =	simm.s32 @!p0 $0x108  }
0x21: {  	s3 =	sadd.s32 s3, s9;
	s6 =	sadd.s32 @!p0 $0x88, s6;
	s7 =	simm.s32 @p2 $0x1082  }
0x22: {  	[simem:s7], [sflag:s8] =	dma.local @!p0 [hbm:s6], $0xF7A  }
0x23: {  	s9 =	sor.u32 $0xD0000000, s2;
	s6 =	simm.s32 $0x108;
	_ =	swait.ge @!p0 [sflag:s8], $0x0  }
0x24: {  	s3 =	sadd.s32 $0x88, s3;
	s6 =	simm.s32 @!p1 $0x1082;
	[sflag:s4] =	ssyncset.s32 $0xFFFFF086  }
0x25: {  	[simem:s6], [sflag:s4] =	dma.local [hbm:s3], $0xF7A  }
0x26: {  	[smem:$0x3F7F] =	sst s1;
	(tag) =	ssettag s2;
	_ =	strace s9  }
0x27: {  	s1 =	sld [smem:$0x3F8F]  }
0x28: {  	s2 =	sld [smem:$0x3F90]  }
0x29: {  	s4 =	sld [smem:$0x3F92]  }
0x2a: {  	p0 =	seq.s32 s5, $0x0;
	s5 =	sld [smem:$0x3F93]  }
0x2b: {  	s6 =	sld [smem:$0x3F94]  }
0x2c: {  	s7 =	sld [smem:$0x3F95]  }
0x2d: {  	s3 =	simm.s32 $0x108;
	s8 =	sld [smem:$0x3F96]  }
0x2e: {  	s3 =	simm.s32 @!p0 $0x1082;
	s9 =	sld [smem:$0x3F97]  }
0x2f: {  	lr =	sadd.s32 s0, s3;
	s0 =	sld [smem:$0x3F8E]  }
0x30: {  	s3 =	sld [smem:$0x3F91]  }
0x31: {  	[smem:$0x3F9A] =	sst s10  }
0x32: {  	s10 =	sld [smem:$0x3F98];
	_ =	sdelay $0x3  }
0x33: {  	p0 =	seq.s32 s10, $0x1;
	s10 =	sld [smem:$0x3F9A];
	_ =	sdelay $0x3  }
0x34: {  	[smem:$0x3F9A] =	sst s10  }
0x35: {  	s10 =	sld [smem:$0x3F99];
	_ =	sdelay $0x3  }
0x36: {  	p1 =	seq.s32 s10, $0x1;
	s10 =	sld [smem:$0x3F9A];
	_ =	sdelay $0x3  }
0x37: {  	[smem:$0x3F9A] =	sst s10  }
0x38: {  	s10 =	sld [smem:$0x3F9B]  }
0x39: {  	_ = 	snop;
	(pc) =	sbr.ind lr, $3  }
0x3a: {  	_ = 	snop  }
0x3b: {  	_ = 	snop  }
0x3c: {  	p2 =	seq.s32 s10, $0x1;
	s10 =	sld [smem:$0x3F9A]  }
0x3d: {  	_ =	shalt  }
0x3e: {  	_ =	shalt  }
0x3f: {  	_ =	shalt  }
0x40: {  	_ =	shalt  }
0x41: {  	_ =	shalt  }
0x42: {  	_ =	shalt  }
0x43: {  	_ =	shalt  }
0x44: {  	_ =	shalt  }
0x45: {  	_ =	shalt  }
0x46: {  	_ =	shalt  }
0x47: {  	_ =	shalt  }
0x48: {  	_ =	shalt  }
0x49: {  	_ =	shalt  }
0x4a: {  	_ =	shalt  }
0x4b: {  	_ =	shalt  }
0x4c: {  	_ =	shalt  }
0x4d: {  	_ =	shalt  }
0x4e: {  	_ =	shalt  }
0x4f: {  	_ =	shalt  }
0x50: {  	_ =	shalt  }
0x51: {  	_ =	shalt  }
0x52: {  	_ =	shalt  }
0x53: {  	_ =	shalt  }
0x54: {  	_ =	shalt  }
0x55: {  	_ =	shalt  }
0x56: {  	_ =	shalt  }
0x57: {  	_ =	shalt  }
0x58: {  	_ =	shalt  }
0x59: {  	_ =	shalt  }
0x5a: {  	_ =	shalt  }
0x5b: {  	_ =	shalt  }
0x5c: {  	_ =	shalt  }
0x5d: {  	_ =	shalt  }
0x5e: {  	_ =	shalt  }
0x5f: {  	_ =	shalt  }
0x60: {  	_ =	shalt  }
0x61: {  	_ =	shalt  }
0x62: {  	_ =	shalt  }
0x63: {  	_ =	shalt  }
0x64: {  	_ =	shalt  }
0x65: {  	_ =	shalt  }
0x66: {  	_ =	shalt  }
0x67: {  	_ =	shalt  }
0x68: {  	_ =	shalt  }
0x69: {  	_ =	shalt  }
0x6a: {  	_ =	shalt  }
0x6b: {  	_ =	shalt  }
0x6c: {  	_ =	shalt  }
0x6d: {  	_ =	shalt  }
0x6e: {  	_ =	shalt  }
0x6f: {  	_ =	shalt  }
0x70: {  	_ =	shalt  }
0x71: {  	_ =	shalt  }
0x72: {  	_ =	shalt  }
0x73: {  	_ =	shalt  }
0x74: {  	_ =	shalt  }
0x75: {  	_ =	shalt  }
0x76: {  	_ =	shalt  }
0x77: {  	_ =	shalt  }
0x78: {  	_ =	shalt  }
0x79: {  	_ =	shalt  }
0x7a: {  	_ =	shalt  }
0x7b: {  	_ =	shalt  }
0x7c: {  	_ =	shalt  }
0x7d: {  	_ =	shalt  }
0x7e: {  	_ =	shalt  }
0x7f: {  	_ =	shalt  }
0x80: {  	_ =	shalt  }
0x81: {  	_ =	shalt  }
0x82: {  	_ =	shalt  }
0x83: {  	_ =	shalt  }
0x84: {  	_ =	shalt  }
0x85: {  	_ =	shalt  }
0x86: {  	_ =	shalt  }
0x87: {  	_ =	shalt  }
.Lfunc_end0:
.L_simem_size_0:
called_computation_lowered:
.L_overlay_start_0:
0x88: {  	s2 =	sld [smem:$0x3FD9]  }
0x89: {  	s3 =	sld [smem:$0x3FFE];
	_ =	sdelay $0x1  }
0x8a: {  	s1 =	srdreg.scid  }
0x8b: {  	s0 =	sand.u32 $0x1, s1  }
0x8c: {  	s17 =	sshll.u32 s0, $0xA;
	s2 =	sadd.s32 s3, s2  }
0x8d: {  	s2 =	sadd.s32 s2, s17  }
0x8e: {  	[smem:$0x3FA6] =	sst s2  }
0x8f: {  	_ = 	snop  }
0x90: {  	s2 =	sld [smem:$0x3FD0];
	(tm) =	ssettm $0x1  }
0x91: {  	s18 =	sld [smem:$0x3FFB];
	_ =	sdelay $0x3  }
0x92: {  	_ =	strace s18  }
0x93: {  	s3 =	sld [smem:$0x3FFC];
	_ =	sdelay $0x3  }
0x94: {  	_ =	strace s3  }
0x95: {  	s3 =	sld [smem:$0x3FFD];
	_ =	sdelay $0x3  }
0x96: {  	_ =	strace s3  }
0x97: {  	_ =	strace $0x8FFFFFFF  }
0x98: {  	s19 =	sld [smem:$0x3FDB];
	_ =	sdelay $0x1  }
0x99: {  	s4 =	simm.s32 $_scs_section_size  }
0x9a: {  	s5 =	simm.s32 $_size__tile_overlayer_lowered;
	s6 =	simm.s32 $_tile_overlayer_lowered  }
0x9b: {  	s22 =	simm.s32 $0x1BFF;
	s21 =	sshll.u32 s6, $0x1;
	s3 =	sadd.s32 s4, s19  }
0x9c: {  	s7 =	simm.s32 $0x0;
	s20 =	sshll.u32 s5, $0x1;
	s5 =	sadd.s32 s21, s3  }
0x9d: {  	[timem:s7], [sflag:s22] =	dma.local [hbm:s5], s20  }
0x9e: {  	_ =	swait.ge [sflag:s22], s20  }
0x9f: {  	s4 =	ssub.s32 $0x0, s20;
	[sflag:s22] =	ssyncset.done $0x0  }
0xa0: {  	[sflag:s22] =	ssyncadd.s32 s4;
	_ =	sdelay $0x1  }
0xa1: {  	s23 =	simm.s32 $0x1B8B  }
0xa2: {  	_ =	swait.ge [sflag:s23], $0x1  }
0xa3: {  	[sflag:s23] =	ssyncset.done $0x0  }
0xa4: {  	s25 =	simm.s32 $0x1B8E;
	s24 =	sld [smem:$0x3FFE];
	[sflag:s23] =	ssyncadd.s32 $0xFFFFFFFF  }
0xa5: {  	s26 =	simm.s32 $execute0_lowered;
	[smem:$0x3FD2] =	sst s25  }
0xa6: {  	s5 =	sshll.u32 s26, $0x1;
	_ =	strace $0x80000046;
	[dreg:$0x1] =	wrdreg $0xFFFFFFFF  }
0xa7: {  	s28 =	simm.s32 $_size_execute0_lowered;
	s3 =	sadd.s32 s3, s5;
	[dreg:$0x0] =	wrdreg $0x0  }
0xa8: {  	s5 =	sshll.u32 s28, $0x1;
	[dreg:$0x2] =	wrdreg s3  }
0xa9: {  	[dreg:$0x3] =	wrdreg s5  }
0xaa: {  	[dreg:$0x4] =	wrdreg $0xC0  }
0xab: {  	_ =	task [dreg:s7], $0x5FFFF  }
0xac: {  	[dreg:$0x1] =	wrdreg $0xFFFFFFFF  }
0xad: {  	[dreg:$0x0] =	wrdreg $0x60  }
0xae: {  	[dreg:$0x2] =	wrdreg s2  }
0xaf: {  	[dreg:$0x3] =	wrdreg s24  }
0xb0: {  	[dreg:$0x4] =	wrdreg $0x9C000  }
0xb1: {  	[dreg:$0x5] =	wrdreg $0x9  }
0xb2: {  	_ =	task.clear_ibuf [dreg:s7], $0x6FFFF;
	_ =	strace $0x90000046  }
0xb3: {  	s29 =	simm.s32 $0x9;
	_ =	strace $0x80000048  }
0xb4: {  	_ =	swait.ge [sflag:s29], $0x1  }
0xb5: {  	[sflag:s29] =	ssyncadd.s32 $0xFFFFFFFF  }
0xb6: {  	_ =	strace $0x90000048  }
0xb7: {  	_ =	sfence  }
0xb8: {  	s30 =	sld [smem:$0x0];
	_ =	sdelay $0x2  }
0xb9: {  	s31 =	sshll.u32 s1, $0xD;
	s1 =	sshrl.u32 s1, $0x2  }
0xba: {  	s3 =	sand.u32 $0x4000, s31;
	s1 =	sadd.s32 s1, s30  }
0xbb: {  	s0 =	sor.u32 s3, s0;
	s1 =	sshll.u32 s1, $0x11  }
0xbc: {  	s0 =	sor.u32 s1, s0  }
0xbd: {  	s0 =	sadd.s32 $0x8F2B, s0  }
0xbe: {  	[sflag:s0] =	ssyncadd.remote.s32 $0x1  }
0xbf: {  	_ =	sfence.sel $0xFFFF  }
0xc0: {  	[dreg:$0x0] =	wrdreg $0xFFFFFFFF;
	(pc) =	sbr.abs _section_cstart, $3  }
0xc1: {  	[dreg:$0x1] =	wrdreg $0xFFFFFFFF  }
0xc2: {  	_ =	task.clear_ibuf [dreg:s7], $0x2FFFF;
	_ =	strace $0x9FFFFFFF  }
0xc3: {  	(tm) =	ssettm $0x7FFFFFFF  }
tec
execute0_lowered:
.L_overlay_start_1:
0x0: {  	(tag) =	ssettag $0x1  }
0x1: {  	s1 =	rddreg [dreg:$0x0];
	s11 =	stileid.u32  }
0x2: {  	s0 =	rddreg [dreg:$0x1];
	s7 =	smul.u32 $0x14000, s11  }
0x3: {  	s2 =	rddreg [dreg:$0x2];
	s12 =	smul.u32 $0x2710, s11  }
0x4: {  	s3 =	simm.s32 $0x0;
	s4 =	srdreg.scid;
	s29 =	smul.u32 $0x50000, s11  }
0x5: {  	s4 =	sand.u32 $0x1, s4;
	s8 =	sadd.s32 $0x277200, s0;
	s11 =	smul.u32 $0x8C00, s11  }
0x6: {  	[smem:$0x7FF] =	sst s3;
	s9 =	sadd.s32 $0x27C200, s0;
	s6 =	smul.u32 $0x140000, s4  }
0x7: {  	_ =	strace $0x80000047;
	[dreg:$0x4] =	wrdreg s8;
	s8 =	smul.u32 $0x2710, s4  }
0x8: {  	[dreg:$0x5] =	wrdreg s9;
	s28 =	ssub.s32 $0x2, s4;
	s4 =	smul.u32 $0x27100, s4  }
0x9: {  	s10 =	sshrl.u32 s28, $0x1;
	[dreg:$0x7] =	wrdreg s11;
	s9 =	sshrl.u32 s29, $0x2  }
0xa: {  	[dreg:$0x6] =	wrdreg s12;
	s6 =	sadd.s32 s7, s6;
	s4 =	sadd.s32 s12, s4  }
0xb: {  	s7 =	ssub.s32 s28, s10;
	s9 =	sadd.s32 s9, s2;
	[dreg:$0x8] =	wrdreg s4  }
0xc: {  	s13 =	smax.u32 s7, $0x1;
	[dreg:$0xa] =	wrdreg s9  }
0xd: {  	s14 =	sadd.s32 $0x1400, s9;
	[dreg:$0xc] =	wrdreg s13  }
0xe: {  	s15 =	sadd.s32 $0x2800, s9;
	[dreg:$0xd] =	wrdreg s14  }
0xf: {  	s16 =	sadd.s32 $0x3C00, s9;
	[dreg:$0xe] =	wrdreg s15  }
0x10: {  	s17 =	sadd.s32 $0x5000, s9;
	[dreg:$0xf] =	wrdreg s16  }
0x11: {  	s18 =	sadd.s32 $0x6400, s9;
	[dreg:$0x10] =	wrdreg s17  }
0x12: {  	s19 =	sadd.s32 $0x7800, s9;
	[dreg:$0x11] =	wrdreg s18  }
0x13: {  	s20 =	sadd.s32 $0x8C00, s9;
	[dreg:$0x12] =	wrdreg s19  }
0x14: {  	s21 =	sadd.s32 $0xA000, s9;
	[dreg:$0x13] =	wrdreg s20  }
0x15: {  	s22 =	sadd.s32 $0xB400, s9;
	[dreg:$0x14] =	wrdreg s21  }
0x16: {  	s31 =	simm.s32 $0x7400;
	s23 =	sadd.s32 $0xC800, s9;
	[dreg:$0x15] =	wrdreg s22  }
0x17: {  	s30 =	simm.s32 $0x0;
	s24 =	sadd.s32 $0xDC00, s9;
	[dreg:$0x16] =	wrdreg s23  }
0x18: {  	s5 =	sadd.s32 $0x2DBC00, s0;
	s25 =	sadd.s32 $0xF000, s9;
	[dreg:$0x17] =	wrdreg s24  }
0x19: {  	s6 =	sshrl.u32 s6, $0x3;
	s26 =	sadd.s32 $0x10400, s9;
	[dreg:$0x18] =	wrdreg s25  }
0x1a: {  	s28 =	sadd.s32 $0x11800, s9;
	s29 =	sadd.s32 $0x12C00, s9;
	[dreg:$0x19] =	wrdreg s26  }
0x1b: {  	s6 =	sadd.s32 s6, s0;
	s0 =	sadd.s32 $0x2E3680, s0;
	[dreg:$0x1a] =	wrdreg s28  }
0x1c: {  	[dreg:$0x1b] =	wrdreg s29;
	s13 =	simm.s32 $0x28;
	s14 =	simm.s32 $0x2400  }
0x1d: {  	s15 =	simm.s32 $0x4C00;
	s16 =	simm.s32 $0x3800;
	s17 =	simm.s32 $0x6000  }
0x1e: {  	s18 =	simm.s32 $0x1;
	s19 =	simm.s32 $0x3;
	s20 =	simm.s32 $0x2  }
0x1f: {  	s21 =	simm.s32 $0x4;
	s22 =	simm.s32 $0x8800;
	s24 =	simm.s32 $0x5  }
0x20: {  	s26 =	simm.s32 $0x6;
	[dreg:$0x9] =	wrdreg s0;
	s12 =	sadd.s32 $0x6200, s6  }
0x21: {  	v1 =	vimm.f32 $0.0e+00;
	v0 =	vmov s8;
	s0 =	simm.s32 $0x7;
	s6 =	simm.s32 $0x0;
	[dreg:$0xb] =	wrdreg s12  }
.LBB2_1:
0x22: {  	[dreg:$0x1c] =	wrdreg s6;
	s4 =	simm.s32 $0x0;
	s6 =	simm.s32 $0x200  }
.LBB2_2:
0x23: {  	p0 =	sne.s32 s6, $0x4E00;
	[tilespmem:s4+$0x7470] =	vst v1  }
0x24: {  	[tilespmem:s4+$0x7400] =	vst v1  }
0x25: {  	[tilespmem:s4+$0x7410] =	vst v1  }
.Ltmp0:
0x26: {  	[tilespmem:s4+$0x7420] =	vst v1;
	(pc) =	sbr.rel @p0 .LBB2_2-.Ltmp0, $4  }
0x27: {  	[tilespmem:s4+$0x7430] =	vst v1  }
0x28: {  	[tilespmem:s4+$0x7440] =	vst v1  }
0x29: {  	[tilespmem:s4+$0x7450] =	vst v1  }
0x2a: {  	[tilespmem:s4+$0x7460] =	vst v1;
	s4 =	sshra.s32 s6, $0x2;
	s6 =	sadd.s32 $0x200, s6  }
0x2b: {  	[tilespmem:s4+$0x7470] =	vst v1  }
0x2c: {  	[tilespmem:s4+$0x7400] =	vst v1  }
0x2d: {  	[tilespmem:s4+$0x7410] =	vst v1  }
0x2e: {  	[tilespmem:s4+$0x7420] =	vst v1  }
0x2f: {  	[tilespmem:s4+$0x7430] =	vst v1  }
0x30: {  	[tilespmem:s4+$0x7440] =	vst v1  }
0x31: {  	[tilespmem:s4+$0x7450] =	vst v1  }
0x32: {  	[tilespmem:s4+$0x7460] =	vst v1  }
0x33: {  	[spmem:s9] =	stream.linear.scatter [tilespmem:s31], [sflag:$0x7], $0x1400, $0x38;
	[tilespmem:$0x1DC00] =	vst v63  }
0x34: {  	_ =	swait.ge [sflag:s0], $0x1400  }
0x35: {  	[sflag:s0] =	ssyncset.done $0x0  }
0x36: {  	s23 =	rddreg [dreg:$0xd];
	[sflag:s0] =	ssyncadd.s32 $0xFFFFEC00  }
0x37: {  	[spmem:s23] =	stream.linear.scatter [tilespmem:s31], [sflag:$0x7], $0x1400, $0x38;
	[tilespmem:$0x1DC00] =	vst v63  }
0x38: {  	_ =	swait.ge [sflag:s0], $0x1400  }
0x39: {  	[sflag:s0] =	ssyncset.done $0x0  }
0x3a: {  	s25 =	rddreg [dreg:$0xe];
	[sflag:s0] =	ssyncadd.s32 $0xFFFFEC00  }
0x3b: {  	[spmem:s25] =	stream.linear.scatter [tilespmem:s31], [sflag:$0x7], $0x1400, $0x38;
	[tilespmem:$0x1DC00] =	vst v63  }
0x3c: {  	_ =	swait.ge [sflag:s0], $0x1400  }
0x3d: {  	[sflag:s0] =	ssyncset.done $0x0  }
0x3e: {  	s28 =	rddreg [dreg:$0xf];
	[sflag:s0] =	ssyncadd.s32 $0xFFFFEC00  }
0x3f: {  	[spmem:s28] =	stream.linear.scatter [tilespmem:s31], [sflag:$0x7], $0x1400, $0x38;
	[tilespmem:$0x1DC00] =	vst v63  }
0x40: {  	_ =	swait.ge [sflag:s0], $0x1400  }
0x41: {  	[sflag:s0] =	ssyncset.done $0x0  }
0x42: {  	s29 =	rddreg [dreg:$0x10];
	[sflag:s0] =	ssyncadd.s32 $0xFFFFEC00  }
0x43: {  	[spmem:s29] =	stream.linear.scatter [tilespmem:s31], [sflag:$0x7], $0x1400, $0x38;
	[tilespmem:$0x1DC00] =	vst v63  }
0x44: {  	_ =	swait.ge [sflag:s0], $0x1400  }
0x45: {  	[sflag:s0] =	ssyncset.done $0x0  }
0x46: {  	s6 =	rddreg [dreg:$0x11];
	[sflag:s0] =	ssyncadd.s32 $0xFFFFEC00  }
0x47: {  	[spmem:s6] =	stream.linear.scatter [tilespmem:s31], [sflag:$0x7], $0x1400, $0x38;
	[tilespmem:$0x1DC00] =	vst v63  }
0x48: {  	_ =	swait.ge [sflag:s0], $0x1400  }
0x49: {  	[sflag:s0] =	ssyncset.done $0x0  }
0x4a: {  	s7 =	rddreg [dreg:$0x12];
	[sflag:s0] =	ssyncadd.s32 $0xFFFFEC00  }
0x4b: {  	[spmem:s7] =	stream.linear.scatter [tilespmem:s31], [sflag:$0x7], $0x1400, $0x38;
	[tilespmem:$0x1DC00] =	vst v63  }
0x4c: {  	_ =	swait.ge [sflag:s0], $0x1400  }
0x4d: {  	[sflag:s0] =	ssyncset.done $0x0  }
0x4e: {  	s8 =	rddreg [dreg:$0x13];
	[sflag:s0] =	ssyncadd.s32 $0xFFFFEC00  }
0x4f: {  	[spmem:s8] =	stream.linear.scatter [tilespmem:s31], [sflag:$0x7], $0x1400, $0x38;
	[tilespmem:$0x1DC00] =	vst v63  }
0x50: {  	_ =	swait.ge [sflag:s0], $0x1400  }
0x51: {  	[sflag:s0] =	ssyncset.done $0x0  }
0x52: {  	s9 =	rddreg [dreg:$0x14];
	[sflag:s0] =	ssyncadd.s32 $0xFFFFEC00  }
0x53: {  	[spmem:s9] =	stream.linear.scatter [tilespmem:s31], [sflag:$0x7], $0x1400, $0x38;
	[tilespmem:$0x1DC00] =	vst v63  }
0x54: {  	_ =	swait.ge [sflag:s0], $0x1400  }
0x55: {  	[sflag:s0] =	ssyncset.done $0x0  }
0x56: {  	s10 =	rddreg [dreg:$0x15];
	[sflag:s0] =	ssyncadd.s32 $0xFFFFEC00  }
0x57: {  	[spmem:s10] =	stream.linear.scatter [tilespmem:s31], [sflag:$0x7], $0x1400, $0x38;
	[tilespmem:$0x1DC00] =	vst v63  }
0x58: {  	_ =	swait.ge [sflag:s0], $0x1400  }
0x59: {  	[sflag:s0] =	ssyncset.done $0x0  }
0x5a: {  	s11 =	rddreg [dreg:$0x16];
	[sflag:s0] =	ssyncadd.s32 $0xFFFFEC00  }
0x5b: {  	[spmem:s11] =	stream.linear.scatter [tilespmem:s31], [sflag:$0x7], $0x1400, $0x38;
	[tilespmem:$0x1DC00] =	vst v63  }
0x5c: {  	_ =	swait.ge [sflag:s0], $0x1400  }
0x5d: {  	[sflag:s0] =	ssyncset.done $0x0  }
0x5e: {  	s12 =	rddreg [dreg:$0x17];
	[sflag:s0] =	ssyncadd.s32 $0xFFFFEC00  }
0x5f: {  	[spmem:s12] =	stream.linear.scatter [tilespmem:s31], [sflag:$0x7], $0x1400, $0x38;
	[tilespmem:$0x1DC00] =	vst v63  }
0x60: {  	_ =	swait.ge [sflag:s0], $0x1400  }
0x61: {  	[sflag:s0] =	ssyncset.done $0x0  }
0x62: {  	s23 =	rddreg [dreg:$0x18];
	[sflag:s0] =	ssyncadd.s32 $0xFFFFEC00  }
0x63: {  	[spmem:s23] =	stream.linear.scatter [tilespmem:s31], [sflag:$0x7], $0x1400, $0x38;
	[tilespmem:$0x1DC00] =	vst v63  }
0x64: {  	_ =	swait.ge [sflag:s0], $0x1400  }
0x65: {  	[sflag:s0] =	ssyncset.done $0x0  }
0x66: {  	s25 =	rddreg [dreg:$0x19];
	[sflag:s0] =	ssyncadd.s32 $0xFFFFEC00  }
0x67: {  	[spmem:s25] =	stream.linear.scatter [tilespmem:s31], [sflag:$0x7], $0x1400, $0x38;
	[tilespmem:$0x1DC00] =	vst v63  }
0x68: {  	_ =	swait.ge [sflag:s0], $0x1400  }
0x69: {  	[sflag:s0] =	ssyncset.done $0x0  }
0x6a: {  	s28 =	rddreg [dreg:$0x1a];
	[sflag:s0] =	ssyncadd.s32 $0xFFFFEC00  }
0x6b: {  	[spmem:s28] =	stream.linear.scatter [tilespmem:s31], [sflag:$0x7], $0x1400, $0x38;
	[tilespmem:$0x1DC00] =	vst v63  }
0x6c: {  	_ =	swait.ge [sflag:s0], $0x1400  }
0x6d: {  	[sflag:s0] =	ssyncset.done $0x0  }
0x6e: {  	s29 =	rddreg [dreg:$0x1b];
	[sflag:s0] =	ssyncadd.s32 $0xFFFFEC00  }
0x6f: {  	[spmem:s29] =	stream.linear.scatter [tilespmem:s31], [sflag:$0x7], $0x1400, $0x38;
	[tilespmem:$0x1DC00] =	vst v63  }
0x70: {  	_ =	swait.ge [sflag:s0], $0x1400  }
0x71: {  	[sflag:s0] =	ssyncset.done $0x0  }
0x72: {  	[sflag:s0] =	ssyncadd.s32 $0xFFFFEC00  }
0x73: {  	s12 =	simm.s32 $0x0;
	[bflag:$0x0] =	sbarrier.arrive $0xFFFF  }
.LBB2_4:
0x74: {  	p0 =	seq.s32 s12, $0x0  }
0x75: {  	s6 =	simm.s32 @!p0 $0x5  }
0x76: {  	_ =	swait.ge @!p0 [sflag:s6], $0x1400  }
0x77: {  	[sflag:s6] =	ssyncset.done @!p0 $0x0  }
0x78: {  	[sflag:s6] =	ssyncadd.s32 @!p0 $0xFFFFEC00;
	s6 =	simm.s32 @!p0 $0x6  }
0x79: {  	s4 =	smul.u32 $0x7D0, s12;
	_ =	swait.ge @!p0 [sflag:s6], $0x1400  }
0x7a: {  	s7 =	rddreg [dreg:$0x6]  }
0x7b: {  	s7 =	sadd.s32 s7, s4  }
0x7c: {  	[sflag:s6] =	ssyncset.done @!p0 $0x0;
	s11 =	rddreg [dreg:$0x4];
	s7 =	sshrl.u32 s7, $0x3  }
0x7d: {  	[sflag:s6] =	ssyncadd.s32 @!p0 $0xFFFFEC00;
	s6 =	sadd.s32 s11, s7  }
0x7e: {  	[tilespmem:s30], [sflag:$0x7] =	stream.linear.gather [hbm4b:s6+s30], $0x7D0, $0x38;
	[tilespmem:$0x1DC00] =	vst v63  }
0x7f: {  	s23 =	smul.u32 $0x1C00, s12;
	_ =	swait.ge [sflag:s0], $0x7D0  }
0x80: {  	s25 =	rddreg [dreg:$0x7]  }
0x81: {  	s6 =	sadd.s32 s25, s23  }
0x82: {  	[sflag:s0] =	ssyncset.done $0x0;
	s28 =	rddreg [dreg:$0x5];
	s6 =	sshrl.u32 s6, $0x3  }
0x83: {  	s29 =	simm.s32 $0x800;
	[sflag:s0] =	ssyncadd.s32 $0xFFFFF830;
	s6 =	sadd.s32 s28, s6  }
0x84: {  	[tilespmem:s29], [sflag:$0x7] =	stream.linear.gather [hbm4b:s6+s30], $0x1900, $0x38;
	[tilespmem:$0x1DC00] =	vst v63  }
0x85: {  	_ =	swait.ge [sflag:s0], $0x1900  }
0x86: {  	[sflag:s0] =	ssyncset.done $0x0  }
0x87: {  	s7 =	simm.s32 $0x40;
	s6 =	simm.s32 $0x0;
	[sflag:s0] =	ssyncadd.s32 $0xFFFFE700  }
.LBB2_5:
0x88: {  	p0 =	sne.s32 s7, $0x1F00;
	v2 =	vld [tilespmem:s6+$0x0];
	_ =	sdelay $0x1  }
.Ltmp1:
0x89: {  	(pc) =	sbr.rel @p0 .LBB2_5-.Ltmp1, $3  }
0x8a: {  	_ =	sdelay $0x1  }
0x8b: {  	v2 =	vadd.s32 v0, v2  }
0x8c: {  	[tilespmem:s6+$0x0] =	vst v2;
	s6 =	sshra.s32 s7, $0x2;
	s7 =	sadd.s32 $0x40, s7  }
0x8d: {  	v2 =	vld [tilespmem:s6+$0x0];
	_ =	sdelay $0x3  }
0x8e: {  	s25 =	rddreg [dreg:$0x8]  }
0x8f: {  	s23 =	sadd.s32 s4, s25;
	v2 =	vadd.s32 v0, v2  }
0x90: {  	s29 =	simm.s32 $0x0;
	s4 =	sshll.u32 s23, $0x4;
	[tilespmem:s6+$0x0] =	vst v2  }
0x91: {  	[tilespmem:s14], [sflag:$0x1] =	stream.indirect.gather [hbm4b:s1+s13], $0x80, s29, s13, $0xb8;
	[tilespmem:$0x1DC00] =	vst v63  }
0x92: {  	s28 =	sadd.s32 s5, s4  }
0x93: {  	[tilespmem:s15], [sflag:$0x3] =	stream.linear.gather [hbm4b:s28+s29], $0x1400, $0x38;
	[tilespmem:$0x1DC00] =	vst v63  }
.LBB2_7:
0x94: {  	s25 =	sshllo.u32 s29, $0x1  }
0x95: {  	s6 =	smul.u32 $0x28, s25;
	_ =	sdelay $0x1  }
0x96: {  	[tilespmem:s16], [sflag:$0x2] =	stream.indirect.gather [hbm4b:s1+s13], $0x80, s6, s13, $0xb8;
	[tilespmem:$0x1DC00] =	vst v63  }
0x97: {  	s6 =	sadd.s32 s23, s6  }
0x98: {  	s6 =	sshll.u32 s6, $0x4  }
0x99: {  	s6 =	sadd.s32 s5, s6  }
0x9a: {  	[tilespmem:s17], [sflag:$0x4] =	stream.linear.gather [hbm4b:s6+s3], $0x1400, $0x38;
	[tilespmem:$0x1DC00] =	vst v63  }
0x9b: {  	_ =	swait.ge [sflag:s18], $0x1400  }
0x9c: {  	[sflag:s18] =	ssyncset.done $0x0  }
0x9d: {  	[sflag:s18] =	ssyncadd.s32 $0xFFFFEC00  }
0x9e: {  	_ =	swait.ge [sflag:s19], $0x1400  }
0x9f: {  	p0 =	seq.s32 s29, $0x0;
	[sflag:s19] =	ssyncset.done $0x0  }
0xa0: {  	s6 =	simm.s32 @!p0 $0x5;
	[sflag:s19] =	ssyncadd.s32 $0xFFFFEC00  }
0xa1: {  	_ =	swait.ge @!p0 [sflag:s6], $0x1400  }
0xa2: {  	[sflag:s6] =	ssyncset.done @!p0 $0x0  }
0xa3: {  	s28 =	simm.s32 $0x2500;
	[sflag:s6] =	ssyncadd.s32 @!p0 $0xFFFFEC00  }
0xa4: {  	s6 =	simm.s32 $0x4D00;
	v2 =	vld [tilespmem:s28+$0x80]  }
0xa5: {  	v3 =	vld [tilespmem:s6+$0x80];
	_ =	sdelay $0x2  }
0xa6: {  	v4 =	vld [tilespmem:s28+$0xFFFFFF80]  }
0xa7: {  	v5 =	vld [tilespmem:s6+$0xFFFFFF80]  }
0xa8: {  	v6 =	vld [tilespmem:s6+$0xFFFFFF00];
	v2 =	vmul.f32 v3, v2  }
0xa9: {  	s7 =	simm.s32 $0x7500;
	v3 =	vld [tilespmem:s28+$0xFFFFFF00]  }
0xaa: {  	[tilespmem:s7+$0x80] =	vst v2  }
0xab: {  	v2 =	vld [tilespmem:s28+$0x90]  }
0xac: {  	v4 =	vmul.f32 v5, v4;
	v5 =	vld [tilespmem:s6+$0x90]  }
0xad: {  	v7 =	vld [tilespmem:s28+$0x0]  }
0xae: {  	v8 =	vld [tilespmem:s6+$0x0];
	[tilespmem:s7+$0xFFFFFF80] =	vst v4;
	v3 =	vmul.f32 v6, v3  }
0xaf: {  	v4 =	vld [tilespmem:s28+$0xFFFFFF90]  }
0xb0: {  	v6 =	vld [tilespmem:s6+$0xFFFFFF90];
	[tilespmem:s7+$0xFFFFFF00] =	vst v3  }
0xb1: {  	v3 =	vld [tilespmem:s28+$0xFFFFFF10];
	v2 =	vmul.f32 v5, v2  }
0xb2: {  	v5 =	vld [tilespmem:s6+$0xFFFFFF10]  }
0xb3: {  	v7 =	vmul.f32 v8, v7;
	[tilespmem:s7+$0x90] =	vst v2  }
0xb4: {  	v2 =	vld [tilespmem:s28+$0xA0]  }
0xb5: {  	[tilespmem:s7+$0x0] =	vst v7;
	v4 =	vmul.f32 v6, v4;
	v6 =	vld [tilespmem:s6+$0xA0]  }
0xb6: {  	v7 =	vld [tilespmem:s28+$0x10]  }
0xb7: {  	v8 =	vld [tilespmem:s6+$0x10];
	[tilespmem:s7+$0xFFFFFF90] =	vst v4;
	v3 =	vmul.f32 v5, v3  }
0xb8: {  	v4 =	vld [tilespmem:s28+$0xFFFFFFA0]  }
0xb9: {  	v5 =	vld [tilespmem:s6+$0xFFFFFFA0];
	[tilespmem:s7+$0xFFFFFF10] =	vst v3  }
0xba: {  	v3 =	vld [tilespmem:s28+$0xFFFFFF20];
	v2 =	vmul.f32 v6, v2  }
0xbb: {  	v6 =	vld [tilespmem:s6+$0xFFFFFF20]  }
0xbc: {  	v7 =	vmul.f32 v8, v7;
	[tilespmem:s7+$0xA0] =	vst v2  }
0xbd: {  	v2 =	vld [tilespmem:s28+$0xB0]  }
0xbe: {  	[tilespmem:s7+$0x10] =	vst v7;
	v4 =	vmul.f32 v5, v4;
	v5 =	vld [tilespmem:s6+$0xB0]  }
0xbf: {  	v7 =	vld [tilespmem:s28+$0x20]  }
0xc0: {  	[tilespmem:s7+$0xFFFFFFA0] =	vst v4;
	v4 =	vld [tilespmem:s6+$0x20];
	v3 =	vmul.f32 v6, v3  }
0xc1: {  	v6 =	vld [tilespmem:s28+$0xFFFFFFB0]  }
0xc2: {  	v8 =	vld [tilespmem:s6+$0xFFFFFFB0];
	[tilespmem:s7+$0xFFFFFF20] =	vst v3  }
0xc3: {  	v3 =	vld [tilespmem:s28+$0xFFFFFF30];
	v2 =	vmul.f32 v5, v2  }
0xc4: {  	v5 =	vld [tilespmem:s6+$0xFFFFFF30]  }
0xc5: {  	v4 =	vmul.f32 v4, v7;
	[tilespmem:s7+$0xB0] =	vst v2  }
0xc6: {  	v2 =	vld [tilespmem:s28+$0xC0]  }
0xc7: {  	v6 =	vmul.f32 v8, v6;
	[tilespmem:s7+$0x20] =	vst v4;
	v4 =	vld [tilespmem:s6+$0xC0]  }
0xc8: {  	v7 =	vld [tilespmem:s28+$0x30]  }
0xc9: {  	[tilespmem:s7+$0xFFFFFFB0] =	vst v6;
	v3 =	vmul.f32 v5, v3;
	v5 =	vld [tilespmem:s6+$0x30]  }
0xca: {  	v6 =	vld [tilespmem:s28+$0xFFFFFFC0]  }
0xcb: {  	[tilespmem:s7+$0xFFFFFF30] =	vst v3;
	v3 =	vld [tilespmem:s6+$0xFFFFFFC0]  }
0xcc: {  	v8 =	vld [tilespmem:s28+$0xFFFFFF40];
	v2 =	vmul.f32 v4, v2  }
0xcd: {  	v4 =	vld [tilespmem:s6+$0xFFFFFF40]  }
0xce: {  	v5 =	vmul.f32 v5, v7;
	[tilespmem:s7+$0xC0] =	vst v2  }
0xcf: {  	v2 =	vld [tilespmem:s28+$0xD0]  }
0xd0: {  	v3 =	vmul.f32 v3, v6;
	[tilespmem:s7+$0x30] =	vst v5;
	v5 =	vld [tilespmem:s6+$0xD0]  }
0xd1: {  	v6 =	vld [tilespmem:s28+$0x40]  }
0xd2: {  	v4 =	vmul.f32 v4, v8;
	[tilespmem:s7+$0xFFFFFFC0] =	vst v3;
	v3 =	vld [tilespmem:s6+$0x40]  }
0xd3: {  	v7 =	vld [tilespmem:s28+$0xFFFFFFD0]  }
0xd4: {  	[tilespmem:s7+$0xFFFFFF40] =	vst v4;
	v4 =	vld [tilespmem:s6+$0xFFFFFFD0]  }
0xd5: {  	v8 =	vld [tilespmem:s28+$0xFFFFFF50];
	v2 =	vmul.f32 v5, v2  }
0xd6: {  	v5 =	vld [tilespmem:s6+$0xFFFFFF50]  }
0xd7: {  	v3 =	vmul.f32 v3, v6;
	[tilespmem:s7+$0xD0] =	vst v2  }
0xd8: {  	v9 =	vld [tilespmem:s28+$0xE0]  }
0xd9: {  	v2 =	vmul.f32 v4, v7;
	v7 =	vld [tilespmem:s6+$0xE0];
	[tilespmem:s7+$0x40] =	vst v3  }
0xda: {  	v3 =	vld [tilespmem:s28+$0x50]  }
0xdb: {  	v4 =	vmul.f32 v5, v8;
	[tilespmem:s7+$0xFFFFFFD0] =	vst v2;
	v6 =	vld [tilespmem:s6+$0x50]  }
0xdc: {  	v2 =	vld [tilespmem:s28+$0xFFFFFFE0]  }
0xdd: {  	v5 =	vld [tilespmem:s6+$0xFFFFFFE0];
	[tilespmem:s7+$0xFFFFFF50] =	vst v4  }
0xde: {  	s9 =	simm.s32 $0x0;
	v4 =	vld [tilespmem:s28+$0xFFFFFF60];
	v8 =	vmul.f32 v7, v9  }
0xdf: {  	s10 =	simm.s32 $0x2700;
	s11 =	simm.s32 $0x4D00;
	s8 =	simm.s32 $0x7500;
	v7 =	vld [tilespmem:s6+$0xFFFFFF60]  }
.LBB2_8:
0xe0: {  	v9 =	vld [tilespmem:s10+$0x80];
	v3 =	vmul.f32 v6, v3;
	[tilespmem:s7+$0xE0] =	vst v8  }
0xe1: {  	v6 =	vld [tilespmem:s28+$0xF0]  }
0xe2: {  	s11 =	sadd.s32 $0x200, s11;
	v2 =	vmul.f32 v5, v2;
	[tilespmem:s7+$0x50] =	vst v3;
	v3 =	vld [tilespmem:s6+$0xF0]  }
0xe3: {  	v5 =	vld [tilespmem:s11+$0x80]  }
0xe4: {  	v8 =	vld [tilespmem:s11+$0xFFFFFF00];
	v4 =	vmul.f32 v7, v4;
	[tilespmem:s7+$0xFFFFFFE0] =	vst v2  }
0xe5: {  	v2 =	vld [tilespmem:s10+$0xFFFFFF80]  }
0xe6: {  	v7 =	vld [tilespmem:s11+$0xFFFFFF80];
	[tilespmem:s7+$0xFFFFFF60] =	vst v4  }
0xe7: {  	v4 =	vld [tilespmem:s10+$0x0];
	v3 =	vmul.f32 v3, v6  }
0xe8: {  	v6 =	vld [tilespmem:s11+$0x0];
	v5 =	vmul.f32 v5, v9  }
0xe9: {  	s7 =	sadd.s32 $0x200, s7;
	v9 =	vld [tilespmem:s10+$0xFFFFFF00];
	[tilespmem:s8+$0xF0] =	vst v3  }
0xea: {  	s9 =	sadd.s32 $0x4, s9;
	[tilespmem:s7+$0x80] =	vst v5;
	v3 =	vld [tilespmem:s28+$0x60]  }
0xeb: {  	p1 =	slt.u32 s9, $0x24;
	v2 =	vmul.f32 v7, v2;
	v5 =	vld [tilespmem:s10+$0x90]  }
0xec: {  	v7 =	vld [tilespmem:s11+$0x90]  }
0xed: {  	[tilespmem:s7+$0xFFFFFF80] =	vst v2;
	v2 =	vmul.f32 v6, v4;
	v4 =	vld [tilespmem:s6+$0x60]  }
0xee: {  	v6 =	vmul.f32 v8, v9;
	v8 =	vld [tilespmem:s10+$0xFFFFFF90]  }
0xef: {  	v9 =	vld [tilespmem:s11+$0xFFFFFF90];
	[tilespmem:s7+$0x0] =	vst v2  }
0xf0: {  	[tilespmem:s7+$0xFFFFFF00] =	vst v6;
	v2 =	vld [tilespmem:s10+$0x10]  }
0xf1: {  	v6 =	vld [tilespmem:s10+$0xFFFFFF10];
	v5 =	vmul.f32 v7, v5  }
0xf2: {  	v7 =	vld [tilespmem:s11+$0xFFFFFF10];
	v3 =	vmul.f32 v4, v3  }
0xf3: {  	v4 =	vld [tilespmem:s11+$0x10];
	[tilespmem:s7+$0x90] =	vst v5  }
0xf4: {  	v5 =	vmul.f32 v9, v8;
	v8 =	vld [tilespmem:s10+$0xA0];
	[tilespmem:s8+$0x60] =	vst v3  }
0xf5: {  	v3 =	vld [tilespmem:s11+$0xA0]  }
0xf6: {  	[tilespmem:s7+$0xFFFFFF90] =	vst v5;
	v5 =	vld [tilespmem:s28+$0xFFFFFF70]  }
0xf7: {  	v6 =	vmul.f32 v7, v6;
	v7 =	vld [tilespmem:s10+$0xFFFFFFA0]  }
0xf8: {  	v9 =	vld [tilespmem:s11+$0xFFFFFFA0];
	v2 =	vmul.f32 v4, v2  }
0xf9: {  	[tilespmem:s7+$0xFFFFFF10] =	vst v6;
	v4 =	vld [tilespmem:s6+$0xFFFFFF70]  }
0xfa: {  	v6 =	vld [tilespmem:s10+$0xFFFFFF20];
	[tilespmem:s7+$0x10] =	vst v2;
	v2 =	vmul.f32 v3, v8  }
0xfb: {  	v3 =	vld [tilespmem:s11+$0xFFFFFF20]  }
0xfc: {  	v8 =	vld [tilespmem:s10+$0x20];
	[tilespmem:s7+$0xA0] =	vst v2  }
0xfd: {  	v2 =	vmul.f32 v9, v7;
	v7 =	vld [tilespmem:s10+$0xB0]  }
0xfe: {  	v9 =	vld [tilespmem:s11+$0xB0];
	v4 =	vmul.f32 v4, v5  }
0xff: {  	[tilespmem:s7+$0xFFFFFFA0] =	vst v2;
	v2 =	vld [tilespmem:s11+$0x20]  }
0x100: {  	v3 =	vmul.f32 v3, v6;
	v5 =	vld [tilespmem:s10+$0xFFFFFFB0];
	[tilespmem:s8+$0xFFFFFF70] =	vst v4  }
0x101: {  	v4 =	vld [tilespmem:s11+$0xFFFFFFB0]  }
0x102: {  	[tilespmem:s7+$0xFFFFFF20] =	vst v3;
	v3 =	vld [tilespmem:s28+$0xFFFFFFF0]  }
0x103: {  	v6 =	vld [tilespmem:s10+$0xFFFFFF30];
	v7 =	vmul.f32 v9, v7  }
0x104: {  	v9 =	vld [tilespmem:s11+$0xFFFFFF30];
	v2 =	vmul.f32 v2, v8  }
0x105: {  	[tilespmem:s7+$0xB0] =	vst v7;
	v7 =	vld [tilespmem:s6+$0xFFFFFFF0]  }
0x106: {  	v4 =	vmul.f32 v4, v5;
	[tilespmem:s7+$0x20] =	vst v2;
	v2 =	vld [tilespmem:s10+$0xC0]  }
0x107: {  	v5 =	vld [tilespmem:s11+$0xC0]  }
0x108: {  	[tilespmem:s7+$0xFFFFFFB0] =	vst v4;
	v4 =	vld [tilespmem:s10+$0x30]  }
0x109: {  	v6 =	vmul.f32 v9, v6;
	v8 =	vld [tilespmem:s11+$0x30]  }
0x10a: {  	v9 =	vld [tilespmem:s10+$0xFFFFFFC0];
	v3 =	vmul.f32 v7, v3  }
0x10b: {  	[tilespmem:s7+$0xFFFFFF30] =	vst v6;
	v6 =	vld [tilespmem:s11+$0xFFFFFFC0]  }
0x10c: {  	v7 =	vld [tilespmem:s10+$0xFFFFFF40];
	v2 =	vmul.f32 v5, v2;
	[tilespmem:s8+$0xFFFFFFF0] =	vst v3  }
0x10d: {  	v3 =	vld [tilespmem:s11+$0xFFFFFF40]  }
0x10e: {  	v4 =	vmul.f32 v8, v4;
	[tilespmem:s7+$0xC0] =	vst v2;
	v5 =	vld [tilespmem:s28+$0x70];
	s28 =	smov.u32 s10  }
0x10f: {  	v2 =	vld [tilespmem:s10+$0xD0]  }
0x110: {  	v6 =	vmul.f32 v6, v9;
	[tilespmem:s7+$0x30] =	vst v4;
	v4 =	vld [tilespmem:s11+$0xD0]  }
0x111: {  	v8 =	vld [tilespmem:s10+$0x40]  }
0x112: {  	v3 =	vmul.f32 v3, v7;
	[tilespmem:s7+$0xFFFFFFC0] =	vst v6;
	v6 =	vld [tilespmem:s11+$0x40]  }
0x113: {  	v7 =	vld [tilespmem:s10+$0xFFFFFFD0]  }
0x114: {  	[tilespmem:s7+$0xFFFFFF40] =	vst v3;
	v3 =	vld [tilespmem:s11+$0xFFFFFFD0]  }
0x115: {  	v9 =	vld [tilespmem:s10+$0xFFFFFF50];
	v2 =	vmul.f32 v4, v2  }
0x116: {  	v4 =	vld [tilespmem:s11+$0xFFFFFF50]  }
0x117: {  	v6 =	vmul.f32 v6, v8;
	[tilespmem:s7+$0xD0] =	vst v2;
	v8 =	vld [tilespmem:s6+$0x70];
	s6 =	smov.u32 s11  }
0x118: {  	v10 =	vld [tilespmem:s10+$0xE0]  }
0x119: {  	v2 =	vmul.f32 v3, v7;
	[tilespmem:s7+$0x40] =	vst v6;
	v7 =	vld [tilespmem:s11+$0xE0]  }
0x11a: {  	v3 =	vld [tilespmem:s10+$0x50]  }
.Ltmp2:
0x11b: {  	v4 =	vmul.f32 v4, v9;
	[tilespmem:s7+$0xFFFFFFD0] =	vst v2;
	v6 =	vld [tilespmem:s11+$0x50];
	(pc) =	sbr.rel @p1 .LBB2_8-.Ltmp2, $4  }
0x11c: {  	v2 =	vld [tilespmem:s10+$0xFFFFFFE0];
	v9 =	vmul.f32 v8, v5  }
0x11d: {  	[tilespmem:s7+$0xFFFFFF50] =	vst v4;
	v5 =	vld [tilespmem:s11+$0xFFFFFFE0]  }
0x11e: {  	v4 =	vld [tilespmem:s10+$0xFFFFFF60];
	v8 =	vmul.f32 v7, v10;
	[tilespmem:s8+$0x70] =	vst v9;
	s8 =	smov.u32 s7  }
0x11f: {  	s10 =	sadd.s32 $0x200, s10;
	v7 =	vld [tilespmem:s11+$0xFFFFFF60]  }
0x120: {  	v3 =	vmul.f32 v6, v3;
	_ =	sdelay $0x1  }
0x121: {  	[tilespmem:s7+$0x50] =	vst v3  }
0x122: {  	v3 =	vld [tilespmem:s28+$0x60]  }
0x123: {  	v6 =	vld [tilespmem:s6+$0x60]  }
0x124: {  	[tilespmem:s7+$0xE0] =	vst v8;
	v4 =	vmul.f32 v7, v4  }
0x125: {  	v2 =	vmul.f32 v5, v2;
	v5 =	vld [tilespmem:s6+$0xF0]  }
0x126: {  	v7 =	vld [tilespmem:s28+$0xF0];
	[tilespmem:s7+$0xFFFFFF60] =	vst v4  }
0x127: {  	v4 =	vld [tilespmem:s28+$0xFFFFFF70]  }
0x128: {  	[tilespmem:s7+$0xFFFFFFE0] =	vst v2;
	v2 =	vmul.f32 v6, v3;
	v3 =	vld [tilespmem:s6+$0xFFFFFF70]  }
0x129: {  	v6 =	vld [tilespmem:s28+$0xFFFFFFF0]  }
0x12a: {  	[tilespmem:s8+$0x60] =	vst v2;
	v2 =	vld [tilespmem:s6+$0xFFFFFFF0]  }
0x12b: {  	v8 =	vld [tilespmem:s28+$0x70]  }
0x12c: {  	v9 =	vld [tilespmem:s6+$0x70];
	_ =	sdelay $0x1  }
0x12d: {  	v5 =	vmul.f32 v5, v7  }
0x12e: {  	v3 =	vmul.f32 v3, v4  }
0x12f: {  	[tilespmem:s8+$0xF0] =	vst v5;
	v2 =	vmul.f32 v2, v6  }
0x130: {  	s9 =	sshll.u32 s29, $0x8;
	s10 =	smul.u32 $0x50, s29;
	[tilespmem:s8+$0xFFFFFF70] =	vst v3;
	v3 =	vmul.f32 v9, v8  }
0x131: {  	s6 =	sand.u32 $0x3FFFFF00, s9;
	[tilespmem:s8+$0xFFFFFFF0] =	vst v2  }
0x132: {  	s11 =	sadd.s32 $0x50, s10;
	s6 =	sadd.s32 $0x800, s6;
	[tilespmem:s8+$0x70] =	vst v3  }
0x133: {  	[spmem:s2] =	stream.indirect.scatter.add.f32 [tilespmem:s31], [sflag:$0x5], $0x80, s6, s13, $0xb8;
	[tilespmem:$0x1DC00] =	vst v63  }
0x134: {  	s6 =	sadd.s32 s23, s11  }
0x135: {  	s6 =	sshll.u32 s6, $0x4  }
0x136: {  	[tilespmem:s14], [sflag:$0x1] =	stream.indirect.gather [hbm4b:s1+s13], $0x80, s11, s13, $0xb8;
	[tilespmem:$0x1DC00] =	vst v63  }
0x137: {  	s6 =	sadd.s32 s5, s6  }
0x138: {  	[tilespmem:s15], [sflag:$0x3] =	stream.linear.gather [hbm4b:s6+s3], $0x1400, $0x38;
	[tilespmem:$0x1DC00] =	vst v63  }
0x139: {  	_ =	swait.ge [sflag:s20], $0x1400  }
0x13a: {  	[sflag:s20] =	ssyncset.done $0x0  }
0x13b: {  	[sflag:s20] =	ssyncadd.s32 $0xFFFFEC00  }
0x13c: {  	_ =	swait.ge [sflag:s21], $0x1400  }
0x13d: {  	[sflag:s21] =	ssyncset.done $0x0  }
0x13e: {  	s6 =	simm.s32 @!p0 $0x6;
	[sflag:s21] =	ssyncadd.s32 $0xFFFFEC00  }
0x13f: {  	_ =	swait.ge @!p0 [sflag:s6], $0x1400  }
0x140: {  	[sflag:s6] =	ssyncset.done @!p0 $0x0  }
0x141: {  	[sflag:s6] =	ssyncadd.s32 @!p0 $0xFFFFEC00;
	s6 =	simm.s32 $0x39F0  }
0x142: {  	s28 =	simm.s32 $0x6100;
	v2 =	vld [tilespmem:s6+$0xFFFFFF90]  }
0x143: {  	v3 =	vld [tilespmem:s28+$0x80];
	_ =	sdelay $0x2  }
0x144: {  	v4 =	vld [tilespmem:s6+$0xFFFFFE90]  }
0x145: {  	v5 =	vld [tilespmem:s28+$0xFFFFFF80]  }
0x146: {  	v6 =	vld [tilespmem:s28+$0xFFFFFF00];
	v2 =	vmul.f32 v3, v2  }
0x147: {  	s7 =	simm.s32 $0x89F0;
	v3 =	vld [tilespmem:s6+$0xFFFFFE10]  }
0x148: {  	[tilespmem:s7+$0xFFFFFF90] =	vst v2  }
0x149: {  	v2 =	vld [tilespmem:s6+$0xFFFFFFA0]  }
0x14a: {  	v4 =	vmul.f32 v5, v4;
	v5 =	vld [tilespmem:s28+$0x90]  }
0x14b: {  	v7 =	vld [tilespmem:s6+$0xFFFFFF10]  }
0x14c: {  	v8 =	vld [tilespmem:s28+$0x0];
	[tilespmem:s7+$0xFFFFFE90] =	vst v4;
	v3 =	vmul.f32 v6, v3  }
0x14d: {  	v4 =	vld [tilespmem:s6+$0xFFFFFEA0]  }
0x14e: {  	v6 =	vld [tilespmem:s28+$0xFFFFFF90];
	[tilespmem:s7+$0xFFFFFE10] =	vst v3  }
0x14f: {  	v3 =	vld [tilespmem:s6+$0xFFFFFE20];
	v2 =	vmul.f32 v5, v2  }
0x150: {  	v5 =	vld [tilespmem:s28+$0xFFFFFF10]  }
0x151: {  	v7 =	vmul.f32 v8, v7;
	[tilespmem:s7+$0xFFFFFFA0] =	vst v2  }
0x152: {  	v2 =	vld [tilespmem:s6+$0xFFFFFFB0]  }
0x153: {  	[tilespmem:s7+$0xFFFFFF10] =	vst v7;
	v4 =	vmul.f32 v6, v4;
	v6 =	vld [tilespmem:s28+$0xA0]  }
0x154: {  	v7 =	vld [tilespmem:s6+$0xFFFFFF20]  }
0x155: {  	v8 =	vld [tilespmem:s28+$0x10];
	[tilespmem:s7+$0xFFFFFEA0] =	vst v4;
	v3 =	vmul.f32 v5, v3  }
0x156: {  	v4 =	vld [tilespmem:s6+$0xFFFFFEB0]  }
0x157: {  	v5 =	vld [tilespmem:s28+$0xFFFFFFA0];
	[tilespmem:s7+$0xFFFFFE20] =	vst v3  }
0x158: {  	v3 =	vld [tilespmem:s6+$0xFFFFFE30];
	v2 =	vmul.f32 v6, v2  }
0x159: {  	v6 =	vld [tilespmem:s28+$0xFFFFFF20]  }
0x15a: {  	v7 =	vmul.f32 v8, v7;
	[tilespmem:s7+$0xFFFFFFB0] =	vst v2  }
0x15b: {  	v2 =	vld [tilespmem:s6+$0xFFFFFFC0]  }
0x15c: {  	[tilespmem:s7+$0xFFFFFF20] =	vst v7;
	v4 =	vmul.f32 v5, v4;
	v5 =	vld [tilespmem:s28+$0xB0]  }
0x15d: {  	v7 =	vld [tilespmem:s6+$0xFFFFFF30]  }
0x15e: {  	[tilespmem:s7+$0xFFFFFEB0] =	vst v4;
	v4 =	vld [tilespmem:s28+$0x20];
	v3 =	vmul.f32 v6, v3  }
0x15f: {  	v6 =	vld [tilespmem:s6+$0xFFFFFEC0]  }
0x160: {  	v8 =	vld [tilespmem:s28+$0xFFFFFFB0];
	[tilespmem:s7+$0xFFFFFE30] =	vst v3  }
0x161: {  	v3 =	vld [tilespmem:s6+$0xFFFFFE40];
	v2 =	vmul.f32 v5, v2  }
0x162: {  	v5 =	vld [tilespmem:s28+$0xFFFFFF30]  }
0x163: {  	v4 =	vmul.f32 v4, v7;
	[tilespmem:s7+$0xFFFFFFC0] =	vst v2  }
0x164: {  	v2 =	vld [tilespmem:s6+$0xFFFFFFD0]  }
0x165: {  	v6 =	vmul.f32 v8, v6;
	[tilespmem:s7+$0xFFFFFF30] =	vst v4;
	v4 =	vld [tilespmem:s28+$0xC0]  }
0x166: {  	v7 =	vld [tilespmem:s6+$0xFFFFFF40]  }
0x167: {  	[tilespmem:s7+$0xFFFFFEC0] =	vst v6;
	v3 =	vmul.f32 v5, v3;
	v5 =	vld [tilespmem:s28+$0x30]  }
0x168: {  	v6 =	vld [tilespmem:s6+$0xFFFFFED0]  }
0x169: {  	[tilespmem:s7+$0xFFFFFE40] =	vst v3;
	v3 =	vld [tilespmem:s28+$0xFFFFFFC0]  }
0x16a: {  	v8 =	vld [tilespmem:s6+$0xFFFFFE50];
	v2 =	vmul.f32 v4, v2  }
0x16b: {  	v4 =	vld [tilespmem:s28+$0xFFFFFF40]  }
0x16c: {  	v5 =	vmul.f32 v5, v7;
	[tilespmem:s7+$0xFFFFFFD0] =	vst v2  }
0x16d: {  	v2 =	vld [tilespmem:s6+$0xFFFFFFE0]  }
0x16e: {  	v3 =	vmul.f32 v3, v6;
	[tilespmem:s7+$0xFFFFFF40] =	vst v5;
	v5 =	vld [tilespmem:s28+$0xD0]  }
0x16f: {  	v6 =	vld [tilespmem:s6+$0xFFFFFF50]  }
0x170: {  	v4 =	vmul.f32 v4, v8;
	[tilespmem:s7+$0xFFFFFED0] =	vst v3;
	v3 =	vld [tilespmem:s28+$0x40]  }
0x171: {  	v7 =	vld [tilespmem:s6+$0xFFFFFEE0]  }
0x172: {  	[tilespmem:s7+$0xFFFFFE50] =	vst v4;
	v4 =	vld [tilespmem:s28+$0xFFFFFFD0]  }
0x173: {  	v8 =	vld [tilespmem:s6+$0xFFFFFE60];
	v2 =	vmul.f32 v5, v2  }
0x174: {  	v5 =	vld [tilespmem:s28+$0xFFFFFF50]  }
0x175: {  	v3 =	vmul.f32 v3, v6;
	[tilespmem:s7+$0xFFFFFFE0] =	vst v2  }
0x176: {  	v9 =	vld [tilespmem:s6+$0xFFFFFFF0]  }
0x177: {  	v2 =	vmul.f32 v4, v7;
	v7 =	vld [tilespmem:s28+$0xE0];
	[tilespmem:s7+$0xFFFFFF50] =	vst v3  }
0x178: {  	v3 =	vld [tilespmem:s6+$0xFFFFFF60]  }
0x179: {  	v4 =	vmul.f32 v5, v8;
	[tilespmem:s7+$0xFFFFFEE0] =	vst v2;
	v6 =	vld [tilespmem:s28+$0x50]  }
0x17a: {  	v2 =	vld [tilespmem:s6+$0xFFFFFEF0]  }
0x17b: {  	v5 =	vld [tilespmem:s28+$0xFFFFFFE0];
	[tilespmem:s7+$0xFFFFFE60] =	vst v4  }
0x17c: {  	s10 =	simm.s32 $0x3BF0;
	v4 =	vld [tilespmem:s6+$0xFFFFFE70];
	v8 =	vmul.f32 v7, v9  }
0x17d: {  	s9 =	simm.s32 $0x0;
	s8 =	simm.s32 $0x89F0;
	s11 =	simm.s32 $0x6100;
	v7 =	vld [tilespmem:s28+$0xFFFFFF60]  }
.LBB2_10:
0x17e: {  	v9 =	vld [tilespmem:s10+$0xFFFFFF90];
	v3 =	vmul.f32 v6, v3;
	[tilespmem:s7+$0xFFFFFFF0] =	vst v8  }
0x17f: {  	v6 =	vld [tilespmem:s6+$0x0]  }
0x180: {  	s11 =	sadd.s32 $0x200, s11;
	v2 =	vmul.f32 v5, v2;
	[tilespmem:s7+$0xFFFFFF60] =	vst v3;
	v3 =	vld [tilespmem:s28+$0xF0]  }
0x181: {  	v5 =	vld [tilespmem:s11+$0x80]  }
0x182: {  	v8 =	vld [tilespmem:s11+$0xFFFFFF00];
	v4 =	vmul.f32 v7, v4;
	[tilespmem:s7+$0xFFFFFEF0] =	vst v2  }
0x183: {  	v2 =	vld [tilespmem:s10+$0xFFFFFE90]  }
0x184: {  	v7 =	vld [tilespmem:s11+$0xFFFFFF80];
	[tilespmem:s7+$0xFFFFFE70] =	vst v4  }
0x185: {  	v4 =	vld [tilespmem:s10+$0xFFFFFF10];
	v3 =	vmul.f32 v3, v6  }
0x186: {  	v6 =	vld [tilespmem:s11+$0x0];
	v5 =	vmul.f32 v5, v9  }
0x187: {  	s7 =	sadd.s32 $0x200, s7;
	v9 =	vld [tilespmem:s10+$0xFFFFFE10];
	[tilespmem:s8+$0x0] =	vst v3  }
0x188: {  	s9 =	sadd.s32 $0x4, s9;
	[tilespmem:s7+$0xFFFFFF90] =	vst v5;
	v3 =	vld [tilespmem:s6+$0xFFFFFF70]  }
0x189: {  	p0 =	slt.u32 s9, $0x24;
	v2 =	vmul.f32 v7, v2;
	v5 =	vld [tilespmem:s10+$0xFFFFFFA0]  }
0x18a: {  	v7 =	vld [tilespmem:s11+$0x90]  }
0x18b: {  	[tilespmem:s7+$0xFFFFFE90] =	vst v2;
	v2 =	vmul.f32 v6, v4;
	v4 =	vld [tilespmem:s28+$0x60]  }
0x18c: {  	v6 =	vmul.f32 v8, v9;
	v8 =	vld [tilespmem:s10+$0xFFFFFEA0]  }
0x18d: {  	v9 =	vld [tilespmem:s11+$0xFFFFFF90];
	[tilespmem:s7+$0xFFFFFF10] =	vst v2  }
0x18e: {  	[tilespmem:s7+$0xFFFFFE10] =	vst v6;
	v2 =	vld [tilespmem:s10+$0xFFFFFF20]  }
0x18f: {  	v6 =	vld [tilespmem:s10+$0xFFFFFE20];
	v5 =	vmul.f32 v7, v5  }
0x190: {  	v7 =	vld [tilespmem:s11+$0xFFFFFF10];
	v3 =	vmul.f32 v4, v3  }
0x191: {  	v4 =	vld [tilespmem:s11+$0x10];
	[tilespmem:s7+$0xFFFFFFA0] =	vst v5  }
0x192: {  	v5 =	vmul.f32 v9, v8;
	v8 =	vld [tilespmem:s10+$0xFFFFFFB0];
	[tilespmem:s8+$0xFFFFFF70] =	vst v3  }
0x193: {  	v3 =	vld [tilespmem:s11+$0xA0]  }
0x194: {  	[tilespmem:s7+$0xFFFFFEA0] =	vst v5;
	v5 =	vld [tilespmem:s6+$0xFFFFFE80]  }
0x195: {  	v6 =	vmul.f32 v7, v6;
	v7 =	vld [tilespmem:s10+$0xFFFFFEB0]  }
0x196: {  	v9 =	vld [tilespmem:s11+$0xFFFFFFA0];
	v2 =	vmul.f32 v4, v2  }
0x197: {  	[tilespmem:s7+$0xFFFFFE20] =	vst v6;
	v4 =	vld [tilespmem:s28+$0xFFFFFF70]  }
0x198: {  	v6 =	vld [tilespmem:s10+$0xFFFFFE30];
	[tilespmem:s7+$0xFFFFFF20] =	vst v2;
	v2 =	vmul.f32 v3, v8  }
0x199: {  	v3 =	vld [tilespmem:s11+$0xFFFFFF20]  }
0x19a: {  	v8 =	vld [tilespmem:s10+$0xFFFFFF30];
	[tilespmem:s7+$0xFFFFFFB0] =	vst v2  }
0x19b: {  	v2 =	vmul.f32 v9, v7;
	v7 =	vld [tilespmem:s10+$0xFFFFFFC0]  }
0x19c: {  	v9 =	vld [tilespmem:s11+$0xB0];
	v4 =	vmul.f32 v4, v5  }
0x19d: {  	[tilespmem:s7+$0xFFFFFEB0] =	vst v2;
	v2 =	vld [tilespmem:s11+$0x20]  }
0x19e: {  	v3 =	vmul.f32 v3, v6;
	v5 =	vld [tilespmem:s10+$0xFFFFFEC0];
	[tilespmem:s8+$0xFFFFFE80] =	vst v4  }
0x19f: {  	v4 =	vld [tilespmem:s11+$0xFFFFFFB0]  }
0x1a0: {  	[tilespmem:s7+$0xFFFFFE30] =	vst v3;
	v3 =	vld [tilespmem:s6+$0xFFFFFF00]  }
0x1a1: {  	v6 =	vld [tilespmem:s10+$0xFFFFFE40];
	v7 =	vmul.f32 v9, v7  }
0x1a2: {  	v9 =	vld [tilespmem:s11+$0xFFFFFF30];
	v2 =	vmul.f32 v2, v8  }
0x1a3: {  	[tilespmem:s7+$0xFFFFFFC0] =	vst v7;
	v7 =	vld [tilespmem:s28+$0xFFFFFFF0]  }
0x1a4: {  	v4 =	vmul.f32 v4, v5;
	[tilespmem:s7+$0xFFFFFF30] =	vst v2;
	v2 =	vld [tilespmem:s10+$0xFFFFFFD0]  }
0x1a5: {  	v5 =	vld [tilespmem:s11+$0xC0]  }
0x1a6: {  	[tilespmem:s7+$0xFFFFFEC0] =	vst v4;
	v4 =	vld [tilespmem:s10+$0xFFFFFF40]  }
0x1a7: {  	v6 =	vmul.f32 v9, v6;
	v8 =	vld [tilespmem:s11+$0x30]  }
0x1a8: {  	v9 =	vld [tilespmem:s10+$0xFFFFFED0];
	v3 =	vmul.f32 v7, v3  }
0x1a9: {  	[tilespmem:s7+$0xFFFFFE40] =	vst v6;
	v6 =	vld [tilespmem:s11+$0xFFFFFFC0]  }
0x1aa: {  	v7 =	vld [tilespmem:s10+$0xFFFFFE50];
	v2 =	vmul.f32 v5, v2;
	[tilespmem:s8+$0xFFFFFF00] =	vst v3  }
0x1ab: {  	v3 =	vld [tilespmem:s11+$0xFFFFFF40]  }
0x1ac: {  	v4 =	vmul.f32 v8, v4;
	[tilespmem:s7+$0xFFFFFFD0] =	vst v2;
	v5 =	vld [tilespmem:s6+$0xFFFFFF80];
	s6 =	smov.u32 s10  }
0x1ad: {  	v2 =	vld [tilespmem:s10+$0xFFFFFFE0]  }
0x1ae: {  	v6 =	vmul.f32 v6, v9;
	[tilespmem:s7+$0xFFFFFF40] =	vst v4;
	v4 =	vld [tilespmem:s11+$0xD0]  }
0x1af: {  	v8 =	vld [tilespmem:s10+$0xFFFFFF50]  }
0x1b0: {  	v3 =	vmul.f32 v3, v7;
	[tilespmem:s7+$0xFFFFFED0] =	vst v6;
	v6 =	vld [tilespmem:s11+$0x40]  }
0x1b1: {  	v7 =	vld [tilespmem:s10+$0xFFFFFEE0]  }
0x1b2: {  	[tilespmem:s7+$0xFFFFFE50] =	vst v3;
	v3 =	vld [tilespmem:s11+$0xFFFFFFD0]  }
0x1b3: {  	v9 =	vld [tilespmem:s10+$0xFFFFFE60];
	v2 =	vmul.f32 v4, v2  }
0x1b4: {  	v4 =	vld [tilespmem:s11+$0xFFFFFF50]  }
0x1b5: {  	v6 =	vmul.f32 v6, v8;
	[tilespmem:s7+$0xFFFFFFE0] =	vst v2;
	v8 =	vld [tilespmem:s28+$0x70];
	s28 =	smov.u32 s11  }
0x1b6: {  	v10 =	vld [tilespmem:s10+$0xFFFFFFF0]  }
0x1b7: {  	v2 =	vmul.f32 v3, v7;
	[tilespmem:s7+$0xFFFFFF50] =	vst v6;
	v7 =	vld [tilespmem:s11+$0xE0]  }
0x1b8: {  	v3 =	vld [tilespmem:s10+$0xFFFFFF60]  }
.Ltmp3:
0x1b9: {  	v4 =	vmul.f32 v4, v9;
	[tilespmem:s7+$0xFFFFFEE0] =	vst v2;
	v6 =	vld [tilespmem:s11+$0x50];
	(pc) =	sbr.rel @p0 .LBB2_10-.Ltmp3, $4  }
0x1ba: {  	v2 =	vld [tilespmem:s10+$0xFFFFFEF0];
	v9 =	vmul.f32 v8, v5  }
0x1bb: {  	[tilespmem:s7+$0xFFFFFE60] =	vst v4;
	v5 =	vld [tilespmem:s11+$0xFFFFFFE0]  }
0x1bc: {  	v4 =	vld [tilespmem:s10+$0xFFFFFE70];
	v8 =	vmul.f32 v7, v10;
	[tilespmem:s8+$0xFFFFFF80] =	vst v9;
	s8 =	smov.u32 s7  }
0x1bd: {  	s10 =	sadd.s32 $0x200, s10;
	v7 =	vld [tilespmem:s11+$0xFFFFFF60]  }
0x1be: {  	v3 =	vmul.f32 v6, v3;
	_ =	sdelay $0x1  }
0x1bf: {  	[tilespmem:s7+$0xFFFFFF60] =	vst v3  }
0x1c0: {  	v3 =	vld [tilespmem:s6+$0xFFFFFF70]  }
0x1c1: {  	v59 =	vld [tilespmem:s28+$0x60]  }
0x1c2: {  	[tilespmem:s7+$0xFFFFFFF0] =	vst v8;
	v2 =	vmul.f32 v5, v2  }
0x1c3: {  	v60 =	vld [tilespmem:s6+$0x0];
	v4 =	vmul.f32 v7, v4  }
0x1c4: {  	v61 =	vld [tilespmem:s28+$0xF0];
	[tilespmem:s7+$0xFFFFFEF0] =	vst v2  }
0x1c5: {  	v62 =	vld [tilespmem:s6+$0xFFFFFF00];
	[tilespmem:s7+$0xFFFFFE70] =	vst v4  }
0x1c6: {  	v4 =	vld [tilespmem:s6+$0xFFFFFE80];
	v2 =	vmul.f32 v59, v3  }
0x1c7: {  	v3 =	vld [tilespmem:s28+$0xFFFFFF70]  }
0x1c8: {  	[tilespmem:s8+$0xFFFFFF70] =	vst v2;
	v2 =	vld [tilespmem:s28+$0xFFFFFFF0]  }
0x1c9: {  	v63 =	vld [tilespmem:s6+$0xFFFFFF80]  }
0x1ca: {  	v9 =	vld [tilespmem:s28+$0x70];
	_ =	sdelay $0x1  }
0x1cb: {  	s29 =	sadd.s32 $0x1, s29;
	v5 =	vmul.f32 v61, v60  }
0x1cc: {  	p0 =	sne.s32 s29, $0x18;
	v3 =	vmul.f32 v3, v4  }
.Ltmp4:
0x1cd: {  	[tilespmem:s8+$0x0] =	vst v5;
	v2 =	vmul.f32 v2, v62;
	(pc) =	sbr.rel @p0 .LBB2_7-.Ltmp4, $4  }
0x1ce: {  	s28 =	sshll.u32 s25, $0x7;
	[tilespmem:s8+$0xFFFFFE80] =	vst v3;
	v3 =	vmul.f32 v9, v63  }
0x1cf: {  	s6 =	sand.u32 $0x3FFFFF80, s28;
	[tilespmem:s8+$0xFFFFFF00] =	vst v2  }
0x1d0: {  	s6 =	sadd.s32 $0x800, s6;
	[tilespmem:s8+$0xFFFFFF80] =	vst v3  }
0x1d1: {  	[spmem:s2] =	stream.indirect.scatter.add.f32 [tilespmem:s22], [sflag:$0x6], $0x80, s6, s13, $0xb8;
	[tilespmem:$0x1DC00] =	vst v63  }
0x1d2: {  	s6 =	simm.s32 $0x7A8;
	s29 =	rddreg [dreg:$0x9]  }
0x1d3: {  	[tilespmem:s16], [sflag:$0x2] =	stream.indirect.gather [hbm4b:s1+s13], $0x80, s6, s13, $0xb8;
	[tilespmem:$0x1DC00] =	vst v63  }
0x1d4: {  	s4 =	sadd.s32 s4, s29  }
0x1d5: {  	[tilespmem:s17], [sflag:$0x4] =	stream.linear.gather [hbm4b:s4+s3], $0x1400, $0x38;
	[tilespmem:$0x1DC00] =	vst v63  }
0x1d6: {  	_ =	swait.ge [sflag:s18], $0x1400  }
0x1d7: {  	[sflag:s18] =	ssyncset.done $0x0  }
0x1d8: {  	[sflag:s18] =	ssyncadd.s32 $0xFFFFEC00  }
0x1d9: {  	_ =	swait.ge [sflag:s19], $0x1400  }
0x1da: {  	[sflag:s19] =	ssyncset.done $0x0  }
0x1db: {  	[sflag:s19] =	ssyncadd.s32 $0xFFFFEC00  }
0x1dc: {  	_ =	swait.ge [sflag:s24], $0x1400  }
0x1dd: {  	[sflag:s24] =	ssyncset.done $0x0  }
0x1de: {  	s4 =	simm.s32 $0x2500;
	[sflag:s24] =	ssyncadd.s32 $0xFFFFEC00  }
0x1df: {  	s6 =	simm.s32 $0x4D00;
	v2 =	vld [tilespmem:s4+$0x80]  }
0x1e0: {  	v3 =	vld [tilespmem:s6+$0x80];
	_ =	sdelay $0x2  }
0x1e1: {  	v4 =	vld [tilespmem:s4+$0xFFFFFF80]  }
0x1e2: {  	v5 =	vld [tilespmem:s6+$0xFFFFFF80]  }
0x1e3: {  	v6 =	vld [tilespmem:s6+$0xFFFFFF00];
	v2 =	vmul.f32 v3, v2  }
0x1e4: {  	s7 =	simm.s32 $0x7500;
	v3 =	vld [tilespmem:s4+$0xFFFFFF00]  }
0x1e5: {  	[tilespmem:s7+$0x80] =	vst v2  }
0x1e6: {  	v2 =	vld [tilespmem:s4+$0x90]  }
0x1e7: {  	v4 =	vmul.f32 v5, v4;
	v5 =	vld [tilespmem:s6+$0x90]  }
0x1e8: {  	v7 =	vld [tilespmem:s4+$0x0]  }
0x1e9: {  	v8 =	vld [tilespmem:s6+$0x0];
	[tilespmem:s7+$0xFFFFFF80] =	vst v4;
	v3 =	vmul.f32 v6, v3  }
0x1ea: {  	v4 =	vld [tilespmem:s4+$0xFFFFFF90]  }
0x1eb: {  	v6 =	vld [tilespmem:s6+$0xFFFFFF90];
	[tilespmem:s7+$0xFFFFFF00] =	vst v3  }
0x1ec: {  	v3 =	vld [tilespmem:s4+$0xFFFFFF10];
	v2 =	vmul.f32 v5, v2  }
0x1ed: {  	v5 =	vld [tilespmem:s6+$0xFFFFFF10]  }
0x1ee: {  	v7 =	vmul.f32 v8, v7;
	[tilespmem:s7+$0x90] =	vst v2  }
0x1ef: {  	v2 =	vld [tilespmem:s4+$0xA0]  }
0x1f0: {  	[tilespmem:s7+$0x0] =	vst v7;
	v4 =	vmul.f32 v6, v4;
	v6 =	vld [tilespmem:s6+$0xA0]  }
0x1f1: {  	v7 =	vld [tilespmem:s4+$0x10]  }
0x1f2: {  	v8 =	vld [tilespmem:s6+$0x10];
	[tilespmem:s7+$0xFFFFFF90] =	vst v4;
	v3 =	vmul.f32 v5, v3  }
0x1f3: {  	v4 =	vld [tilespmem:s4+$0xFFFFFFA0]  }
0x1f4: {  	v5 =	vld [tilespmem:s6+$0xFFFFFFA0];
	[tilespmem:s7+$0xFFFFFF10] =	vst v3  }
0x1f5: {  	v3 =	vld [tilespmem:s4+$0xFFFFFF20];
	v2 =	vmul.f32 v6, v2  }
0x1f6: {  	v6 =	vld [tilespmem:s6+$0xFFFFFF20]  }
0x1f7: {  	v7 =	vmul.f32 v8, v7;
	[tilespmem:s7+$0xA0] =	vst v2  }
0x1f8: {  	v2 =	vld [tilespmem:s4+$0xB0]  }
0x1f9: {  	[tilespmem:s7+$0x10] =	vst v7;
	v4 =	vmul.f32 v5, v4;
	v5 =	vld [tilespmem:s6+$0xB0]  }
0x1fa: {  	v7 =	vld [tilespmem:s4+$0x20]  }
0x1fb: {  	[tilespmem:s7+$0xFFFFFFA0] =	vst v4;
	v4 =	vld [tilespmem:s6+$0x20];
	v3 =	vmul.f32 v6, v3  }
0x1fc: {  	v6 =	vld [tilespmem:s4+$0xFFFFFFB0]  }
0x1fd: {  	v8 =	vld [tilespmem:s6+$0xFFFFFFB0];
	[tilespmem:s7+$0xFFFFFF20] =	vst v3  }
0x1fe: {  	v3 =	vld [tilespmem:s4+$0xFFFFFF30];
	v2 =	vmul.f32 v5, v2  }
0x1ff: {  	v5 =	vld [tilespmem:s6+$0xFFFFFF30]  }
0x200: {  	v4 =	vmul.f32 v4, v7;
	[tilespmem:s7+$0xB0] =	vst v2  }
0x201: {  	v2 =	vld [tilespmem:s4+$0xC0]  }
0x202: {  	v6 =	vmul.f32 v8, v6;
	[tilespmem:s7+$0x20] =	vst v4;
	v4 =	vld [tilespmem:s6+$0xC0]  }
0x203: {  	v7 =	vld [tilespmem:s4+$0x30]  }
0x204: {  	[tilespmem:s7+$0xFFFFFFB0] =	vst v6;
	v3 =	vmul.f32 v5, v3;
	v5 =	vld [tilespmem:s6+$0x30]  }
0x205: {  	v6 =	vld [tilespmem:s4+$0xFFFFFFC0]  }
0x206: {  	[tilespmem:s7+$0xFFFFFF30] =	vst v3;
	v3 =	vld [tilespmem:s6+$0xFFFFFFC0]  }
0x207: {  	v8 =	vld [tilespmem:s4+$0xFFFFFF40];
	v2 =	vmul.f32 v4, v2  }
0x208: {  	v4 =	vld [tilespmem:s6+$0xFFFFFF40]  }
0x209: {  	v5 =	vmul.f32 v5, v7;
	[tilespmem:s7+$0xC0] =	vst v2  }
0x20a: {  	v2 =	vld [tilespmem:s4+$0xD0]  }
0x20b: {  	v3 =	vmul.f32 v3, v6;
	[tilespmem:s7+$0x30] =	vst v5;
	v5 =	vld [tilespmem:s6+$0xD0]  }
0x20c: {  	v6 =	vld [tilespmem:s4+$0x40]  }
0x20d: {  	v4 =	vmul.f32 v4, v8;
	[tilespmem:s7+$0xFFFFFFC0] =	vst v3;
	v3 =	vld [tilespmem:s6+$0x40]  }
0x20e: {  	v7 =	vld [tilespmem:s4+$0xFFFFFFD0]  }
0x20f: {  	[tilespmem:s7+$0xFFFFFF40] =	vst v4;
	v4 =	vld [tilespmem:s6+$0xFFFFFFD0]  }
0x210: {  	v8 =	vld [tilespmem:s4+$0xFFFFFF50];
	v2 =	vmul.f32 v5, v2  }
0x211: {  	v5 =	vld [tilespmem:s6+$0xFFFFFF50]  }
0x212: {  	v3 =	vmul.f32 v3, v6;
	[tilespmem:s7+$0xD0] =	vst v2  }
0x213: {  	v9 =	vld [tilespmem:s4+$0xE0]  }
0x214: {  	v2 =	vmul.f32 v4, v7;
	v7 =	vld [tilespmem:s6+$0xE0];
	[tilespmem:s7+$0x40] =	vst v3  }
0x215: {  	v3 =	vld [tilespmem:s4+$0x50]  }
0x216: {  	v4 =	vmul.f32 v5, v8;
	[tilespmem:s7+$0xFFFFFFD0] =	vst v2;
	v6 =	vld [tilespmem:s6+$0x50]  }
0x217: {  	v2 =	vld [tilespmem:s4+$0xFFFFFFE0]  }
0x218: {  	v5 =	vld [tilespmem:s6+$0xFFFFFFE0];
	[tilespmem:s7+$0xFFFFFF50] =	vst v4  }
0x219: {  	s9 =	simm.s32 $0x0;
	v4 =	vld [tilespmem:s4+$0xFFFFFF60];
	v8 =	vmul.f32 v7, v9  }
0x21a: {  	s10 =	simm.s32 $0x2700;
	s11 =	simm.s32 $0x4D00;
	s8 =	simm.s32 $0x7500;
	v7 =	vld [tilespmem:s6+$0xFFFFFF60]  }
.LBB2_13:
0x21b: {  	v9 =	vld [tilespmem:s10+$0x80];
	v3 =	vmul.f32 v6, v3;
	[tilespmem:s7+$0xE0] =	vst v8  }
0x21c: {  	v6 =	vld [tilespmem:s4+$0xF0]  }
0x21d: {  	s11 =	sadd.s32 $0x200, s11;
	v2 =	vmul.f32 v5, v2;
	[tilespmem:s7+$0x50] =	vst v3;
	v3 =	vld [tilespmem:s6+$0xF0]  }
0x21e: {  	v5 =	vld [tilespmem:s11+$0x80]  }
0x21f: {  	v8 =	vld [tilespmem:s11+$0xFFFFFF00];
	v4 =	vmul.f32 v7, v4;
	[tilespmem:s7+$0xFFFFFFE0] =	vst v2  }
0x220: {  	v2 =	vld [tilespmem:s10+$0xFFFFFF80]  }
0x221: {  	v7 =	vld [tilespmem:s11+$0xFFFFFF80];
	[tilespmem:s7+$0xFFFFFF60] =	vst v4  }
0x222: {  	v4 =	vld [tilespmem:s10+$0x0];
	v3 =	vmul.f32 v3, v6  }
0x223: {  	v6 =	vld [tilespmem:s11+$0x0];
	v5 =	vmul.f32 v5, v9  }
0x224: {  	s7 =	sadd.s32 $0x200, s7;
	v9 =	vld [tilespmem:s10+$0xFFFFFF00];
	[tilespmem:s8+$0xF0] =	vst v3  }
0x225: {  	s9 =	sadd.s32 $0x4, s9;
	[tilespmem:s7+$0x80] =	vst v5;
	v3 =	vld [tilespmem:s4+$0x60]  }
0x226: {  	p0 =	slt.u32 s9, $0x24;
	v2 =	vmul.f32 v7, v2;
	v5 =	vld [tilespmem:s10+$0x90]  }
0x227: {  	v7 =	vld [tilespmem:s11+$0x90]  }
0x228: {  	[tilespmem:s7+$0xFFFFFF80] =	vst v2;
	v2 =	vmul.f32 v6, v4;
	v4 =	vld [tilespmem:s6+$0x60]  }
0x229: {  	v6 =	vmul.f32 v8, v9;
	v8 =	vld [tilespmem:s10+$0xFFFFFF90]  }
0x22a: {  	v9 =	vld [tilespmem:s11+$0xFFFFFF90];
	[tilespmem:s7+$0x0] =	vst v2  }
0x22b: {  	[tilespmem:s7+$0xFFFFFF00] =	vst v6;
	v2 =	vld [tilespmem:s10+$0x10]  }
0x22c: {  	v6 =	vld [tilespmem:s10+$0xFFFFFF10];
	v5 =	vmul.f32 v7, v5  }
0x22d: {  	v7 =	vld [tilespmem:s11+$0xFFFFFF10];
	v3 =	vmul.f32 v4, v3  }
0x22e: {  	v4 =	vld [tilespmem:s11+$0x10];
	[tilespmem:s7+$0x90] =	vst v5  }
0x22f: {  	v5 =	vmul.f32 v9, v8;
	v8 =	vld [tilespmem:s10+$0xA0];
	[tilespmem:s8+$0x60] =	vst v3  }
0x230: {  	v3 =	vld [tilespmem:s11+$0xA0]  }
0x231: {  	[tilespmem:s7+$0xFFFFFF90] =	vst v5;
	v5 =	vld [tilespmem:s4+$0xFFFFFF70]  }
0x232: {  	v6 =	vmul.f32 v7, v6;
	v7 =	vld [tilespmem:s10+$0xFFFFFFA0]  }
0x233: {  	v9 =	vld [tilespmem:s11+$0xFFFFFFA0];
	v2 =	vmul.f32 v4, v2  }
0x234: {  	[tilespmem:s7+$0xFFFFFF10] =	vst v6;
	v4 =	vld [tilespmem:s6+$0xFFFFFF70]  }
0x235: {  	v6 =	vld [tilespmem:s10+$0xFFFFFF20];
	[tilespmem:s7+$0x10] =	vst v2;
	v2 =	vmul.f32 v3, v8  }
0x236: {  	v3 =	vld [tilespmem:s11+$0xFFFFFF20]  }
0x237: {  	v8 =	vld [tilespmem:s10+$0x20];
	[tilespmem:s7+$0xA0] =	vst v2  }
0x238: {  	v2 =	vmul.f32 v9, v7;
	v7 =	vld [tilespmem:s10+$0xB0]  }
0x239: {  	v9 =	vld [tilespmem:s11+$0xB0];
	v4 =	vmul.f32 v4, v5  }
0x23a: {  	[tilespmem:s7+$0xFFFFFFA0] =	vst v2;
	v2 =	vld [tilespmem:s11+$0x20]  }
0x23b: {  	v3 =	vmul.f32 v3, v6;
	v5 =	vld [tilespmem:s10+$0xFFFFFFB0];
	[tilespmem:s8+$0xFFFFFF70] =	vst v4  }
0x23c: {  	v4 =	vld [tilespmem:s11+$0xFFFFFFB0]  }
0x23d: {  	[tilespmem:s7+$0xFFFFFF20] =	vst v3;
	v3 =	vld [tilespmem:s4+$0xFFFFFFF0]  }
0x23e: {  	v6 =	vld [tilespmem:s10+$0xFFFFFF30];
	v7 =	vmul.f32 v9, v7  }
0x23f: {  	v9 =	vld [tilespmem:s11+$0xFFFFFF30];
	v2 =	vmul.f32 v2, v8  }
0x240: {  	[tilespmem:s7+$0xB0] =	vst v7;
	v7 =	vld [tilespmem:s6+$0xFFFFFFF0]  }
0x241: {  	v4 =	vmul.f32 v4, v5;
	[tilespmem:s7+$0x20] =	vst v2;
	v2 =	vld [tilespmem:s10+$0xC0]  }
0x242: {  	v5 =	vld [tilespmem:s11+$0xC0]  }
0x243: {  	[tilespmem:s7+$0xFFFFFFB0] =	vst v4;
	v4 =	vld [tilespmem:s10+$0x30]  }
0x244: {  	v6 =	vmul.f32 v9, v6;
	v8 =	vld [tilespmem:s11+$0x30]  }
0x245: {  	v9 =	vld [tilespmem:s10+$0xFFFFFFC0];
	v3 =	vmul.f32 v7, v3  }
0x246: {  	[tilespmem:s7+$0xFFFFFF30] =	vst v6;
	v6 =	vld [tilespmem:s11+$0xFFFFFFC0]  }
0x247: {  	v7 =	vld [tilespmem:s10+$0xFFFFFF40];
	v2 =	vmul.f32 v5, v2;
	[tilespmem:s8+$0xFFFFFFF0] =	vst v3  }
0x248: {  	v3 =	vld [tilespmem:s11+$0xFFFFFF40]  }
0x249: {  	v4 =	vmul.f32 v8, v4;
	[tilespmem:s7+$0xC0] =	vst v2;
	v5 =	vld [tilespmem:s4+$0x70];
	s4 =	smov.u32 s10  }
0x24a: {  	v2 =	vld [tilespmem:s10+$0xD0]  }
0x24b: {  	v6 =	vmul.f32 v6, v9;
	[tilespmem:s7+$0x30] =	vst v4;
	v4 =	vld [tilespmem:s11+$0xD0]  }
0x24c: {  	v8 =	vld [tilespmem:s10+$0x40]  }
0x24d: {  	v3 =	vmul.f32 v3, v7;
	[tilespmem:s7+$0xFFFFFFC0] =	vst v6;
	v6 =	vld [tilespmem:s11+$0x40]  }
0x24e: {  	v7 =	vld [tilespmem:s10+$0xFFFFFFD0]  }
0x24f: {  	[tilespmem:s7+$0xFFFFFF40] =	vst v3;
	v3 =	vld [tilespmem:s11+$0xFFFFFFD0]  }
0x250: {  	v9 =	vld [tilespmem:s10+$0xFFFFFF50];
	v2 =	vmul.f32 v4, v2  }
0x251: {  	v4 =	vld [tilespmem:s11+$0xFFFFFF50]  }
0x252: {  	v6 =	vmul.f32 v6, v8;
	[tilespmem:s7+$0xD0] =	vst v2;
	v8 =	vld [tilespmem:s6+$0x70];
	s6 =	smov.u32 s11  }
0x253: {  	v10 =	vld [tilespmem:s10+$0xE0]  }
0x254: {  	v2 =	vmul.f32 v3, v7;
	[tilespmem:s7+$0x40] =	vst v6;
	v7 =	vld [tilespmem:s11+$0xE0]  }
0x255: {  	v3 =	vld [tilespmem:s10+$0x50]  }
.Ltmp5:
0x256: {  	v4 =	vmul.f32 v4, v9;
	[tilespmem:s7+$0xFFFFFFD0] =	vst v2;
	v6 =	vld [tilespmem:s11+$0x50];
	(pc) =	sbr.rel @p0 .LBB2_13-.Ltmp5, $4  }
0x257: {  	v2 =	vld [tilespmem:s10+$0xFFFFFFE0];
	v9 =	vmul.f32 v8, v5  }
0x258: {  	[tilespmem:s7+$0xFFFFFF50] =	vst v4;
	v5 =	vld [tilespmem:s11+$0xFFFFFFE0]  }
0x259: {  	v4 =	vld [tilespmem:s10+$0xFFFFFF60];
	v8 =	vmul.f32 v7, v10;
	[tilespmem:s8+$0x70] =	vst v9;
	s8 =	smov.u32 s7  }
0x25a: {  	s10 =	sadd.s32 $0x200, s10;
	v7 =	vld [tilespmem:s11+$0xFFFFFF60]  }
0x25b: {  	v3 =	vmul.f32 v6, v3;
	_ =	sdelay $0x1  }
0x25c: {  	[tilespmem:s7+$0x50] =	vst v3  }
0x25d: {  	v3 =	vld [tilespmem:s4+$0x60]  }
0x25e: {  	v6 =	vld [tilespmem:s6+$0x60]  }
0x25f: {  	[tilespmem:s7+$0xE0] =	vst v8;
	v4 =	vmul.f32 v7, v4  }
0x260: {  	v2 =	vmul.f32 v5, v2;
	v5 =	vld [tilespmem:s6+$0xF0]  }
0x261: {  	v7 =	vld [tilespmem:s4+$0xF0];
	[tilespmem:s7+$0xFFFFFF60] =	vst v4  }
0x262: {  	v4 =	vld [tilespmem:s4+$0xFFFFFF70]  }
0x263: {  	[tilespmem:s7+$0xFFFFFFE0] =	vst v2;
	v2 =	vmul.f32 v6, v3;
	v3 =	vld [tilespmem:s6+$0xFFFFFF70]  }
0x264: {  	v6 =	vld [tilespmem:s4+$0xFFFFFFF0]  }
0x265: {  	[tilespmem:s8+$0x60] =	vst v2;
	v2 =	vld [tilespmem:s6+$0xFFFFFFF0]  }
0x266: {  	v8 =	vld [tilespmem:s4+$0x70]  }
0x267: {  	v9 =	vld [tilespmem:s6+$0x70];
	_ =	sdelay $0x1  }
0x268: {  	v5 =	vmul.f32 v5, v7  }
0x269: {  	v3 =	vmul.f32 v3, v4  }
0x26a: {  	[tilespmem:s8+$0xF0] =	vst v5;
	v2 =	vmul.f32 v2, v6  }
0x26b: {  	[tilespmem:s8+$0xFFFFFF70] =	vst v3;
	v3 =	vmul.f32 v9, v8  }
0x26c: {  	[tilespmem:s8+$0xFFFFFFF0] =	vst v2  }
0x26d: {  	s29 =	simm.s32 $0x2000;
	[tilespmem:s8+$0x70] =	vst v3  }
0x26e: {  	[spmem:s2] =	stream.indirect.scatter.add.f32 [tilespmem:s31], [sflag:$0x5], $0x80, s29, s13, $0xb8;
	[tilespmem:$0x1DC00] =	vst v63  }
0x26f: {  	_ =	swait.ge [sflag:s20], $0x1400  }
0x270: {  	[sflag:s20] =	ssyncset.done $0x0  }
0x271: {  	[sflag:s20] =	ssyncadd.s32 $0xFFFFEC00  }
0x272: {  	_ =	swait.ge [sflag:s21], $0x1400  }
0x273: {  	[sflag:s21] =	ssyncset.done $0x0  }
0x274: {  	[sflag:s21] =	ssyncadd.s32 $0xFFFFEC00  }
0x275: {  	_ =	swait.ge [sflag:s26], $0x1400  }
0x276: {  	[sflag:s26] =	ssyncset.done $0x0  }
0x277: {  	s4 =	simm.s32 $0x39F0;
	[sflag:s26] =	ssyncadd.s32 $0xFFFFEC00  }
0x278: {  	s6 =	simm.s32 $0x6100;
	v2 =	vld [tilespmem:s4+$0xFFFFFF90]  }
0x279: {  	v3 =	vld [tilespmem:s6+$0x80];
	_ =	sdelay $0x2  }
0x27a: {  	v4 =	vld [tilespmem:s4+$0xFFFFFE90]  }
0x27b: {  	v5 =	vld [tilespmem:s6+$0xFFFFFF80]  }
0x27c: {  	v6 =	vld [tilespmem:s6+$0xFFFFFF00];
	v2 =	vmul.f32 v3, v2  }
0x27d: {  	s7 =	simm.s32 $0x89F0;
	v3 =	vld [tilespmem:s4+$0xFFFFFE10]  }
0x27e: {  	[tilespmem:s7+$0xFFFFFF90] =	vst v2  }
0x27f: {  	v2 =	vld [tilespmem:s4+$0xFFFFFFA0]  }
0x280: {  	v4 =	vmul.f32 v5, v4;
	v5 =	vld [tilespmem:s6+$0x90]  }
0x281: {  	v7 =	vld [tilespmem:s4+$0xFFFFFF10]  }
0x282: {  	v8 =	vld [tilespmem:s6+$0x0];
	[tilespmem:s7+$0xFFFFFE90] =	vst v4;
	v3 =	vmul.f32 v6, v3  }
0x283: {  	v4 =	vld [tilespmem:s4+$0xFFFFFEA0]  }
0x284: {  	v6 =	vld [tilespmem:s6+$0xFFFFFF90];
	[tilespmem:s7+$0xFFFFFE10] =	vst v3  }
0x285: {  	v3 =	vld [tilespmem:s4+$0xFFFFFE20];
	v2 =	vmul.f32 v5, v2  }
0x286: {  	v5 =	vld [tilespmem:s6+$0xFFFFFF10]  }
0x287: {  	v7 =	vmul.f32 v8, v7;
	[tilespmem:s7+$0xFFFFFFA0] =	vst v2  }
0x288: {  	v2 =	vld [tilespmem:s4+$0xFFFFFFB0]  }
0x289: {  	[tilespmem:s7+$0xFFFFFF10] =	vst v7;
	v4 =	vmul.f32 v6, v4;
	v6 =	vld [tilespmem:s6+$0xA0]  }
0x28a: {  	v7 =	vld [tilespmem:s4+$0xFFFFFF20]  }
0x28b: {  	v8 =	vld [tilespmem:s6+$0x10];
	[tilespmem:s7+$0xFFFFFEA0] =	vst v4;
	v3 =	vmul.f32 v5, v3  }
0x28c: {  	v4 =	vld [tilespmem:s4+$0xFFFFFEB0]  }
0x28d: {  	v5 =	vld [tilespmem:s6+$0xFFFFFFA0];
	[tilespmem:s7+$0xFFFFFE20] =	vst v3  }
0x28e: {  	v3 =	vld [tilespmem:s4+$0xFFFFFE30];
	v2 =	vmul.f32 v6, v2  }
0x28f: {  	v6 =	vld [tilespmem:s6+$0xFFFFFF20]  }
0x290: {  	v7 =	vmul.f32 v8, v7;
	[tilespmem:s7+$0xFFFFFFB0] =	vst v2  }
0x291: {  	v2 =	vld [tilespmem:s4+$0xFFFFFFC0]  }
0x292: {  	[tilespmem:s7+$0xFFFFFF20] =	vst v7;
	v4 =	vmul.f32 v5, v4;
	v5 =	vld [tilespmem:s6+$0xB0]  }
0x293: {  	v7 =	vld [tilespmem:s4+$0xFFFFFF30]  }
0x294: {  	[tilespmem:s7+$0xFFFFFEB0] =	vst v4;
	v4 =	vld [tilespmem:s6+$0x20];
	v3 =	vmul.f32 v6, v3  }
0x295: {  	v6 =	vld [tilespmem:s4+$0xFFFFFEC0]  }
0x296: {  	v8 =	vld [tilespmem:s6+$0xFFFFFFB0];
	[tilespmem:s7+$0xFFFFFE30] =	vst v3  }
0x297: {  	v3 =	vld [tilespmem:s4+$0xFFFFFE40];
	v2 =	vmul.f32 v5, v2  }
0x298: {  	v5 =	vld [tilespmem:s6+$0xFFFFFF30]  }
0x299: {  	v4 =	vmul.f32 v4, v7;
	[tilespmem:s7+$0xFFFFFFC0] =	vst v2  }
0x29a: {  	v2 =	vld [tilespmem:s4+$0xFFFFFFD0]  }
0x29b: {  	v6 =	vmul.f32 v8, v6;
	[tilespmem:s7+$0xFFFFFF30] =	vst v4;
	v4 =	vld [tilespmem:s6+$0xC0]  }
0x29c: {  	v7 =	vld [tilespmem:s4+$0xFFFFFF40]  }
0x29d: {  	[tilespmem:s7+$0xFFFFFEC0] =	vst v6;
	v3 =	vmul.f32 v5, v3;
	v5 =	vld [tilespmem:s6+$0x30]  }
0x29e: {  	v6 =	vld [tilespmem:s4+$0xFFFFFED0]  }
0x29f: {  	[tilespmem:s7+$0xFFFFFE40] =	vst v3;
	v3 =	vld [tilespmem:s6+$0xFFFFFFC0]  }
0x2a0: {  	v8 =	vld [tilespmem:s4+$0xFFFFFE50];
	v2 =	vmul.f32 v4, v2  }
0x2a1: {  	v4 =	vld [tilespmem:s6+$0xFFFFFF40]  }
0x2a2: {  	v5 =	vmul.f32 v5, v7;
	[tilespmem:s7+$0xFFFFFFD0] =	vst v2  }
0x2a3: {  	v2 =	vld [tilespmem:s4+$0xFFFFFFE0]  }
0x2a4: {  	v3 =	vmul.f32 v3, v6;
	[tilespmem:s7+$0xFFFFFF40] =	vst v5;
	v5 =	vld [tilespmem:s6+$0xD0]  }
0x2a5: {  	v6 =	vld [tilespmem:s4+$0xFFFFFF50]  }
0x2a6: {  	v4 =	vmul.f32 v4, v8;
	[tilespmem:s7+$0xFFFFFED0] =	vst v3;
	v3 =	vld [tilespmem:s6+$0x40]  }
0x2a7: {  	v7 =	vld [tilespmem:s4+$0xFFFFFEE0]  }
0x2a8: {  	[tilespmem:s7+$0xFFFFFE50] =	vst v4;
	v4 =	vld [tilespmem:s6+$0xFFFFFFD0]  }
0x2a9: {  	v8 =	vld [tilespmem:s4+$0xFFFFFE60];
	v2 =	vmul.f32 v5, v2  }
0x2aa: {  	v5 =	vld [tilespmem:s6+$0xFFFFFF50]  }
0x2ab: {  	v3 =	vmul.f32 v3, v6;
	[tilespmem:s7+$0xFFFFFFE0] =	vst v2  }
0x2ac: {  	v9 =	vld [tilespmem:s4+$0xFFFFFFF0]  }
0x2ad: {  	v2 =	vmul.f32 v4, v7;
	v7 =	vld [tilespmem:s6+$0xE0];
	[tilespmem:s7+$0xFFFFFF50] =	vst v3  }
0x2ae: {  	v3 =	vld [tilespmem:s4+$0xFFFFFF60]  }
0x2af: {  	v4 =	vmul.f32 v5, v8;
	[tilespmem:s7+$0xFFFFFEE0] =	vst v2;
	v6 =	vld [tilespmem:s6+$0x50]  }
0x2b0: {  	v2 =	vld [tilespmem:s4+$0xFFFFFEF0]  }
0x2b1: {  	v5 =	vld [tilespmem:s6+$0xFFFFFFE0];
	[tilespmem:s7+$0xFFFFFE60] =	vst v4  }
0x2b2: {  	s9 =	simm.s32 $0x0;
	v4 =	vld [tilespmem:s4+$0xFFFFFE70];
	v8 =	vmul.f32 v7, v9  }
0x2b3: {  	s10 =	simm.s32 $0x3BF0;
	s11 =	simm.s32 $0x6100;
	s8 =	simm.s32 $0x89F0;
	v7 =	vld [tilespmem:s6+$0xFFFFFF60]  }
.LBB2_15:
0x2b4: {  	v9 =	vld [tilespmem:s10+$0xFFFFFF90];
	v3 =	vmul.f32 v6, v3;
	[tilespmem:s7+$0xFFFFFFF0] =	vst v8  }
0x2b5: {  	v6 =	vld [tilespmem:s4+$0x0]  }
0x2b6: {  	s11 =	sadd.s32 $0x200, s11;
	v2 =	vmul.f32 v5, v2;
	[tilespmem:s7+$0xFFFFFF60] =	vst v3;
	v3 =	vld [tilespmem:s6+$0xF0]  }
0x2b7: {  	v5 =	vld [tilespmem:s11+$0x80]  }
0x2b8: {  	v8 =	vld [tilespmem:s11+$0xFFFFFF00];
	v4 =	vmul.f32 v7, v4;
	[tilespmem:s7+$0xFFFFFEF0] =	vst v2  }
0x2b9: {  	v2 =	vld [tilespmem:s10+$0xFFFFFE90]  }
0x2ba: {  	v7 =	vld [tilespmem:s11+$0xFFFFFF80];
	[tilespmem:s7+$0xFFFFFE70] =	vst v4  }
0x2bb: {  	v4 =	vld [tilespmem:s10+$0xFFFFFF10];
	v3 =	vmul.f32 v3, v6  }
0x2bc: {  	v6 =	vld [tilespmem:s11+$0x0];
	v5 =	vmul.f32 v5, v9  }
0x2bd: {  	s7 =	sadd.s32 $0x200, s7;
	v9 =	vld [tilespmem:s10+$0xFFFFFE10];
	[tilespmem:s8+$0x0] =	vst v3  }
0x2be: {  	s9 =	sadd.s32 $0x4, s9;
	[tilespmem:s7+$0xFFFFFF90] =	vst v5;
	v3 =	vld [tilespmem:s4+$0xFFFFFF70]  }
0x2bf: {  	p0 =	slt.u32 s9, $0x24;
	v2 =	vmul.f32 v7, v2;
	v5 =	vld [tilespmem:s10+$0xFFFFFFA0]  }
0x2c0: {  	v7 =	vld [tilespmem:s11+$0x90]  }
0x2c1: {  	[tilespmem:s7+$0xFFFFFE90] =	vst v2;
	v2 =	vmul.f32 v6, v4;
	v4 =	vld [tilespmem:s6+$0x60]  }
0x2c2: {  	v6 =	vmul.f32 v8, v9;
	v8 =	vld [tilespmem:s10+$0xFFFFFEA0]  }
0x2c3: {  	v9 =	vld [tilespmem:s11+$0xFFFFFF90];
	[tilespmem:s7+$0xFFFFFF10] =	vst v2  }
0x2c4: {  	[tilespmem:s7+$0xFFFFFE10] =	vst v6;
	v2 =	vld [tilespmem:s10+$0xFFFFFF20]  }
0x2c5: {  	v6 =	vld [tilespmem:s10+$0xFFFFFE20];
	v5 =	vmul.f32 v7, v5  }
0x2c6: {  	v7 =	vld [tilespmem:s11+$0xFFFFFF10];
	v3 =	vmul.f32 v4, v3  }
0x2c7: {  	v4 =	vld [tilespmem:s11+$0x10];
	[tilespmem:s7+$0xFFFFFFA0] =	vst v5  }
0x2c8: {  	v5 =	vmul.f32 v9, v8;
	v8 =	vld [tilespmem:s10+$0xFFFFFFB0];
	[tilespmem:s8+$0xFFFFFF70] =	vst v3  }
0x2c9: {  	v3 =	vld [tilespmem:s11+$0xA0]  }
0x2ca: {  	[tilespmem:s7+$0xFFFFFEA0] =	vst v5;
	v5 =	vld [tilespmem:s4+$0xFFFFFE80]  }
0x2cb: {  	v6 =	vmul.f32 v7, v6;
	v7 =	vld [tilespmem:s10+$0xFFFFFEB0]  }
0x2cc: {  	v9 =	vld [tilespmem:s11+$0xFFFFFFA0];
	v2 =	vmul.f32 v4, v2  }
0x2cd: {  	[tilespmem:s7+$0xFFFFFE20] =	vst v6;
	v4 =	vld [tilespmem:s6+$0xFFFFFF70]  }
0x2ce: {  	v6 =	vld [tilespmem:s10+$0xFFFFFE30];
	[tilespmem:s7+$0xFFFFFF20] =	vst v2;
	v2 =	vmul.f32 v3, v8  }
0x2cf: {  	v3 =	vld [tilespmem:s11+$0xFFFFFF20]  }
0x2d0: {  	v8 =	vld [tilespmem:s10+$0xFFFFFF30];
	[tilespmem:s7+$0xFFFFFFB0] =	vst v2  }
0x2d1: {  	v2 =	vmul.f32 v9, v7;
	v7 =	vld [tilespmem:s10+$0xFFFFFFC0]  }
0x2d2: {  	v9 =	vld [tilespmem:s11+$0xB0];
	v4 =	vmul.f32 v4, v5  }
0x2d3: {  	[tilespmem:s7+$0xFFFFFEB0] =	vst v2;
	v2 =	vld [tilespmem:s11+$0x20]  }
0x2d4: {  	v3 =	vmul.f32 v3, v6;
	v5 =	vld [tilespmem:s10+$0xFFFFFEC0];
	[tilespmem:s8+$0xFFFFFE80] =	vst v4  }
0x2d5: {  	v4 =	vld [tilespmem:s11+$0xFFFFFFB0]  }
0x2d6: {  	[tilespmem:s7+$0xFFFFFE30] =	vst v3;
	v3 =	vld [tilespmem:s4+$0xFFFFFF00]  }
0x2d7: {  	v6 =	vld [tilespmem:s10+$0xFFFFFE40];
	v7 =	vmul.f32 v9, v7  }
0x2d8: {  	v9 =	vld [tilespmem:s11+$0xFFFFFF30];
	v2 =	vmul.f32 v2, v8  }
0x2d9: {  	[tilespmem:s7+$0xFFFFFFC0] =	vst v7;
	v7 =	vld [tilespmem:s6+$0xFFFFFFF0]  }
0x2da: {  	v4 =	vmul.f32 v4, v5;
	[tilespmem:s7+$0xFFFFFF30] =	vst v2;
	v2 =	vld [tilespmem:s10+$0xFFFFFFD0]  }
0x2db: {  	v5 =	vld [tilespmem:s11+$0xC0]  }
0x2dc: {  	[tilespmem:s7+$0xFFFFFEC0] =	vst v4;
	v4 =	vld [tilespmem:s10+$0xFFFFFF40]  }
0x2dd: {  	v6 =	vmul.f32 v9, v6;
	v8 =	vld [tilespmem:s11+$0x30]  }
0x2de: {  	v9 =	vld [tilespmem:s10+$0xFFFFFED0];
	v3 =	vmul.f32 v7, v3  }
0x2df: {  	[tilespmem:s7+$0xFFFFFE40] =	vst v6;
	v6 =	vld [tilespmem:s11+$0xFFFFFFC0]  }
0x2e0: {  	v7 =	vld [tilespmem:s10+$0xFFFFFE50];
	v2 =	vmul.f32 v5, v2;
	[tilespmem:s8+$0xFFFFFF00] =	vst v3  }
0x2e1: {  	v3 =	vld [tilespmem:s11+$0xFFFFFF40]  }
0x2e2: {  	v4 =	vmul.f32 v8, v4;
	[tilespmem:s7+$0xFFFFFFD0] =	vst v2;
	v5 =	vld [tilespmem:s4+$0xFFFFFF80];
	s4 =	smov.u32 s10  }
0x2e3: {  	v2 =	vld [tilespmem:s10+$0xFFFFFFE0]  }
0x2e4: {  	v6 =	vmul.f32 v6, v9;
	[tilespmem:s7+$0xFFFFFF40] =	vst v4;
	v4 =	vld [tilespmem:s11+$0xD0]  }
0x2e5: {  	v8 =	vld [tilespmem:s10+$0xFFFFFF50]  }
0x2e6: {  	v3 =	vmul.f32 v3, v7;
	[tilespmem:s7+$0xFFFFFED0] =	vst v6;
	v6 =	vld [tilespmem:s11+$0x40]  }
0x2e7: {  	v7 =	vld [tilespmem:s10+$0xFFFFFEE0]  }
0x2e8: {  	[tilespmem:s7+$0xFFFFFE50] =	vst v3;
	v3 =	vld [tilespmem:s11+$0xFFFFFFD0]  }
0x2e9: {  	v9 =	vld [tilespmem:s10+$0xFFFFFE60];
	v2 =	vmul.f32 v4, v2  }
0x2ea: {  	v4 =	vld [tilespmem:s11+$0xFFFFFF50]  }
0x2eb: {  	v6 =	vmul.f32 v6, v8;
	[tilespmem:s7+$0xFFFFFFE0] =	vst v2;
	v8 =	vld [tilespmem:s6+$0x70];
	s6 =	smov.u32 s11  }
0x2ec: {  	v10 =	vld [tilespmem:s10+$0xFFFFFFF0]  }
0x2ed: {  	v2 =	vmul.f32 v3, v7;
	[tilespmem:s7+$0xFFFFFF50] =	vst v6;
	v7 =	vld [tilespmem:s11+$0xE0]  }
0x2ee: {  	v3 =	vld [tilespmem:s10+$0xFFFFFF60]  }
.Ltmp6:
0x2ef: {  	v4 =	vmul.f32 v4, v9;
	[tilespmem:s7+$0xFFFFFEE0] =	vst v2;
	v6 =	vld [tilespmem:s11+$0x50];
	(pc) =	sbr.rel @p0 .LBB2_15-.Ltmp6, $4  }
0x2f0: {  	v2 =	vld [tilespmem:s10+$0xFFFFFEF0];
	v9 =	vmul.f32 v8, v5  }
0x2f1: {  	[tilespmem:s7+$0xFFFFFE60] =	vst v4;
	v5 =	vld [tilespmem:s11+$0xFFFFFFE0]  }
0x2f2: {  	v4 =	vld [tilespmem:s10+$0xFFFFFE70];
	v8 =	vmul.f32 v7, v10;
	[tilespmem:s8+$0xFFFFFF80] =	vst v9;
	s8 =	smov.u32 s7  }
0x2f3: {  	s10 =	sadd.s32 $0x200, s10;
	v7 =	vld [tilespmem:s11+$0xFFFFFF60]  }
0x2f4: {  	v3 =	vmul.f32 v6, v3;
	_ =	sdelay $0x1  }
0x2f5: {  	[tilespmem:s7+$0xFFFFFF60] =	vst v3  }
0x2f6: {  	v3 =	vld [tilespmem:s4+$0xFFFFFF70]  }
0x2f7: {  	v59 =	vld [tilespmem:s6+$0x60]  }
0x2f8: {  	[tilespmem:s7+$0xFFFFFFF0] =	vst v8;
	v2 =	vmul.f32 v5, v2  }
0x2f9: {  	v60 =	vld [tilespmem:s4+$0x0];
	v4 =	vmul.f32 v7, v4  }
0x2fa: {  	v61 =	vld [tilespmem:s6+$0xF0];
	[tilespmem:s7+$0xFFFFFEF0] =	vst v2  }
0x2fb: {  	v62 =	vld [tilespmem:s4+$0xFFFFFF00];
	[tilespmem:s7+$0xFFFFFE70] =	vst v4  }
0x2fc: {  	v4 =	vld [tilespmem:s4+$0xFFFFFE80];
	v2 =	vmul.f32 v59, v3  }
0x2fd: {  	v3 =	vld [tilespmem:s6+$0xFFFFFF70]  }
0x2fe: {  	[tilespmem:s8+$0xFFFFFF70] =	vst v2;
	v2 =	vld [tilespmem:s6+$0xFFFFFFF0]  }
0x2ff: {  	v63 =	vld [tilespmem:s4+$0xFFFFFF80]  }
0x300: {  	v9 =	vld [tilespmem:s6+$0x70];
	_ =	sdelay $0x1  }
0x301: {  	s12 =	sadd.s32 $0x1, s12;
	v5 =	vmul.f32 v61, v60  }
0x302: {  	p0 =	sne.s32 s12, $0x5;
	v3 =	vmul.f32 v3, v4  }
.Ltmp7:
0x303: {  	[tilespmem:s8+$0x0] =	vst v5;
	v2 =	vmul.f32 v2, v62;
	(pc) =	sbr.rel @p0 .LBB2_4-.Ltmp7, $4  }
0x304: {  	[tilespmem:s8+$0xFFFFFE80] =	vst v3;
	v3 =	vmul.f32 v9, v63  }
0x305: {  	[tilespmem:s8+$0xFFFFFF00] =	vst v2  }
0x306: {  	s29 =	simm.s32 $0x2080;
	[tilespmem:s8+$0xFFFFFF80] =	vst v3  }
0x307: {  	[spmem:s2] =	stream.indirect.scatter.add.f32 [tilespmem:s22], [sflag:$0x6], $0x80, s29, s13, $0xb8;
	[tilespmem:$0x1DC00] =	vst v63  }
0x308: {  	_ =	swait.ge [sflag:s24], $0x1400  }
0x309: {  	[sflag:s24] =	ssyncset.done $0x0  }
0x30a: {  	[sflag:s24] =	ssyncadd.s32 $0xFFFFEC00  }
0x30b: {  	_ =	swait.ge [sflag:s26], $0x1400  }
0x30c: {  	[sflag:s26] =	ssyncset.done $0x0  }
0x30d: {  	[sflag:s26] =	ssyncadd.s32 $0xFFFFEC00  }
0x30e: {  	s4 =	stileid.u32;
	[bflag:$0x0] =	sbarrier.arrive $0xFFFF  }
0x30f: {  	s4 =	sshll.u32 s4, $0x6;
	s9 =	rddreg [dreg:$0xa]  }
0x310: {  	s4 =	sor.u32 $0x1C07, s4;
	s7 =	rddreg [dreg:$0xb];
	s6 =	sshrl.u32 s9, $0x3  }
0x311: {  	[hbm:s7], [sflag:s4] =	dma.local [spmem:s6], $0x2800  }
0x312: {  	_ =	swait.ge [sflag:s0], $0x2800  }
0x313: {  	s28 =	rddreg [dreg:$0x1c]  }
0x314: {  	s29 =	rddreg [dreg:$0xc];
	s6 =	sadd.s32 $0x1, s28  }
0x315: {  	p0 =	sne.s32 s6, s29  }
.Ltmp8:
0x316: {  	_ = 	snop;
	(pc) =	sbr.rel @p0 .LBB2_1-.Ltmp8, $3  }
0x317: {  	_ =	sdelay $0x1  }
0x318: {  	[sflag:s0] =	ssyncset.done $0x0  }
0x319: {  	[sflag:s0] =	ssyncadd.s32 $0xFFFFD800  }
0x31a: {  	_ =	sfence.sel $0x180000  }
0x31b: {  	[bflag:$0x0] =	sbarrier.arrive $0xFFFF  }
0x31c: {  	_ =	strace $0x90000047  }
0x31d: {  	s0 =	stileid.u32;
	[bflag:$0x2] =	sbarrier.arrive $0xFFFF  }
0x31e: {  	p0 =	sne.s32 s0, $0x0;
	s0 =	rddreg [dreg:$0x3]  }
0x31f: {  	s0 =	sadd.s32 @!p0 $0x100000, s0  }
0x320: {  	[sflag:s0] =	ssyncadd.tile.s32 @!p0 $0x1;
	_ =	shalt  }
.Lfunc_end2:
_tile_overlayer_lowered:
.L_overlay_start_2:
0x321: {  	(tag) =	ssettag $0x2  }
0x322: {  	s0 =	rddreg [dreg:$0x0];
	s2 =	stileid.u32  }
0x323: {  	s1 =	rddreg [dreg:$0x1];
	p0 =	sne.s32 s2, $0x0  }
0x324: {  	s3 =	rddreg [dreg:$0x2];
	[bflag:$0x3] =	sbarrier.arrive $0xFFFF;
	s2 =	simm.s32 @!p0 $0x1C07  }
0x325: {  	[timem:s3], [sflag:s2] =	dma.local @!p0 [hbm:s0], s1  }
0x326: {  	s0 =	simm.s32 @!p0 $0x7  }
0x327: {  	_ =	swait.ge @!p0 [sflag:s0], s1  }
0x328: {  	s1 =	ssub.s32 @!p0 $0x0, s1;
	[sflag:s0] =	ssyncset.done @!p0 $0x0  }
0x329: {  	[sflag:s0] =	ssyncadd.s32 @!p0 s1  }
0x32a: {  	[bflag:$0x3] =	sbarrier.arrive $0xFFFF  }
0x32b: {  	_ =	shalt  }

// kernel: kernel.18.cloned.1.call-start
scs
__scs_entry_jumppad:
0x0: {  	(pc) =	sbr.rel $0x88, $3  }
0x1: {  	(tag) =	ssettag $0x0;
	lr =	simm.s32 $0x1  }
0x2: {  	[smem:$0x3F7F] =	sst lr;
	_ =	strace $0xD0000000  }
0x3: {  	_ = 	snop  }
0x4: {  	_ = 	snop  }
0x5: {  	_ = 	snop  }
0x6: {  	_ = 	snop  }
0x7: {  	_ = 	snop  }
__scs_overlays_trampoline_lowered:
0x8: {  	[smem:$0x3F8E] =	sst s0  }
0x9: {  	[smem:$0x3F8F] =	sst s1  }
0xa: {  	[smem:$0x3F90] =	sst s2  }
0xb: {  	[smem:$0x3F91] =	sst s3  }
0xc: {  	[smem:$0x3F92] =	sst s4  }
0xd: {  	[smem:$0x3F93] =	sst s5  }
0xe: {  	[smem:$0x3F94] =	sst s6  }
0xf: {  	[smem:$0x3F95] =	sst s7  }
0x10: {  	[smem:$0x3F96] =	sst s8  }
0x11: {  	[smem:$0x3F97] =	sst s9;
	s0 =	simm.s32 @!p0 $0x0  }
0x12: {  	s1 =	sld [smem:$0x3F7D];
	s0 =	simm.s32 @p0 $0x1  }
0x13: {  	[smem:$0x3F98] =	sst s0;
	s0 =	simm.s32 @!p1 $0x0  }
0x14: {  	s2 =	sld [smem:$0x3F7C];
	s0 =	simm.s32 @p1 $0x1  }
0x15: {  	[smem:$0x3F99] =	sst s0;
	s0 =	simm.s32 @!p2 $0x0  }
0x16: {  	s3 =	sld [smem:$0x3FDB];
	s0 =	simm.s32 @p2 $0x1  }
0x17: {  	s4 =	simm.s32 $0x1BF5;
	[smem:$0x3F9B] =	sst s0  }
0x18: {  	s0 =	sld [smem:$0x3F7E];
	_ =	swait.ge [sflag:s4], $0x0  }
0x19: {  	s7 =	sld [smem:$0x3F7F]  }
0x1a: {  	s8 =	sadd.s32 $0xFFFFE003, lr  }
0x1b: {  	s9 =	sadd.s32 $0xFFFFFEF7, lr;
	s5 =	simm.s32 $0xFFFFFFFF;
	p2 =	slt.u32 s8, $0xFFFFF086  }
0x1c: {  	p1 =	slt.u32 s9, $0xF7A;
	s5 =	simm.s32 @!p2 $0x0  }
0x1d: {  	s5 =	simm.s32 @p1 $0x1;
	p0 =	seq.s32 s7, s2  }
0x1e: {  	s7 =	smul.u32 @!p0 $0xF7A, s2;
	p2 =	seq.s32 @!p0 s5, $0x0  }
0x1f: {  	s9 =	smul.u32 $0xF7A, s1;
	s8 =	simm.s32 @!p0 $0x1BF5;
	p2 =	por !p2, p0  }
0x20: {  	[sflag:s8] =	ssyncset.s32 @!p0 $0xFFFFF086;
	s6 =	sadd.s32 @!p0 s3, s7;
	s7 =	simm.s32 @!p0 $0x108  }
0x21: {  	s3 =	sadd.s32 s3, s9;
	s6 =	sadd.s32 @!p0 $0x88, s6;
	s7 =	simm.s32 @p2 $0x1082  }
0x22: {  	[simem:s7], [sflag:s8] =	dma.local @!p0 [hbm:s6], $0xF7A  }
0x23: {  	s9 =	sor.u32 $0xD0000000, s2;
	s6 =	simm.s32 $0x108;
	_ =	swait.ge @!p0 [sflag:s8], $0x0  }
0x24: {  	s3 =	sadd.s32 $0x88, s3;
	s6 =	simm.s32 @!p1 $0x1082;
	[sflag:s4] =	ssyncset.s32 $0xFFFFF086  }
0x25: {  	[simem:s6], [sflag:s4] =	dma.local [hbm:s3], $0xF7A  }
0x26: {  	[smem:$0x3F7F] =	sst s1;
	(tag) =	ssettag s2;
	_ =	strace s9  }
0x27: {  	s1 =	sld [smem:$0x3F8F]  }
0x28: {  	s2 =	sld [smem:$0x3F90]  }
0x29: {  	s4 =	sld [smem:$0x3F92]  }
0x2a: {  	p0 =	seq.s32 s5, $0x0;
	s5 =	sld [smem:$0x3F93]  }
0x2b: {  	s6 =	sld [smem:$0x3F94]  }
0x2c: {  	s7 =	sld [smem:$0x3F95]  }
0x2d: {  	s3 =	simm.s32 $0x108;
	s8 =	sld [smem:$0x3F96]  }
0x2e: {  	s3 =	simm.s32 @!p0 $0x1082;
	s9 =	sld [smem:$0x3F97]  }
0x2f: {  	lr =	sadd.s32 s0, s3;
	s0 =	sld [smem:$0x3F8E]  }
0x30: {  	s3 =	sld [smem:$0x3F91]  }
0x31: {  	[smem:$0x3F9A] =	sst s10  }
0x32: {  	s10 =	sld [smem:$0x3F98];
	_ =	sdelay $0x3  }
0x33: {  	p0 =	seq.s32 s10, $0x1;
	s10 =	sld [smem:$0x3F9A];
	_ =	sdelay $0x3  }
0x34: {  	[smem:$0x3F9A] =	sst s10  }
0x35: {  	s10 =	sld [smem:$0x3F99];
	_ =	sdelay $0x3  }
0x36: {  	p1 =	seq.s32 s10, $0x1;
	s10 =	sld [smem:$0x3F9A];
	_ =	sdelay $0x3  }
0x37: {  	[smem:$0x3F9A] =	sst s10  }
0x38: {  	s10 =	sld [smem:$0x3F9B]  }
0x39: {  	_ = 	snop;
	(pc) =	sbr.ind lr, $3  }
0x3a: {  	_ = 	snop  }
0x3b: {  	_ = 	snop  }
0x3c: {  	p2 =	seq.s32 s10, $0x1;
	s10 =	sld [smem:$0x3F9A]  }
0x3d: {  	_ =	shalt  }
0x3e: {  	_ =	shalt  }
0x3f: {  	_ =	shalt  }
0x40: {  	_ =	shalt  }
0x41: {  	_ =	shalt  }
0x42: {  	_ =	shalt  }
0x43: {  	_ =	shalt  }
0x44: {  	_ =	shalt  }
0x45: {  	_ =	shalt  }
0x46: {  	_ =	shalt  }
0x47: {  	_ =	shalt  }
0x48: {  	_ =	shalt  }
0x49: {  	_ =	shalt  }
0x4a: {  	_ =	shalt  }
0x4b: {  	_ =	shalt  }
0x4c: {  	_ =	shalt  }
0x4d: {  	_ =	shalt  }
0x4e: {  	_ =	shalt  }
0x4f: {  	_ =	shalt  }
0x50: {  	_ =	shalt  }
0x51: {  	_ =	shalt  }
0x52: {  	_ =	shalt  }
0x53: {  	_ =	shalt  }
0x54: {  	_ =	shalt  }
0x55: {  	_ =	shalt  }
0x56: {  	_ =	shalt  }
0x57: {  	_ =	shalt  }
0x58: {  	_ =	shalt  }
0x59: {  	_ =	shalt  }
0x5a: {  	_ =	shalt  }
0x5b: {  	_ =	shalt  }
0x5c: {  	_ =	shalt  }
0x5d: {  	_ =	shalt  }
0x5e: {  	_ =	shalt  }
0x5f: {  	_ =	shalt  }
0x60: {  	_ =	shalt  }
0x61: {  	_ =	shalt  }
0x62: {  	_ =	shalt  }
0x63: {  	_ =	shalt  }
0x64: {  	_ =	shalt  }
0x65: {  	_ =	shalt  }
0x66: {  	_ =	shalt  }
0x67: {  	_ =	shalt  }
0x68: {  	_ =	shalt  }
0x69: {  	_ =	shalt  }
0x6a: {  	_ =	shalt  }
0x6b: {  	_ =	shalt  }
0x6c: {  	_ =	shalt  }
0x6d: {  	_ =	shalt  }
0x6e: {  	_ =	shalt  }
0x6f: {  	_ =	shalt  }
0x70: {  	_ =	shalt  }
0x71: {  	_ =	shalt  }
0x72: {  	_ =	shalt  }
0x73: {  	_ =	shalt  }
0x74: {  	_ =	shalt  }
0x75: {  	_ =	shalt  }
0x76: {  	_ =	shalt  }
0x77: {  	_ =	shalt  }
0x78: {  	_ =	shalt  }
0x79: {  	_ =	shalt  }
0x7a: {  	_ =	shalt  }
0x7b: {  	_ =	shalt  }
0x7c: {  	_ =	shalt  }
0x7d: {  	_ =	shalt  }
0x7e: {  	_ =	shalt  }
0x7f: {  	_ =	shalt  }
0x80: {  	_ =	shalt  }
0x81: {  	_ =	shalt  }
0x82: {  	_ =	shalt  }
0x83: {  	_ =	shalt  }
0x84: {  	_ =	shalt  }
0x85: {  	_ =	shalt  }
0x86: {  	_ =	shalt  }
0x87: {  	_ =	shalt  }
.Lfunc_end0:
.L_simem_size_0:
called_computation.1_lowered:
.L_overlay_start_0:
0x88: {  	s2 =	sld [smem:$0x3FD9]  }
0x89: {  	s3 =	sld [smem:$0x3FFE];
	_ =	sdelay $0x1  }
0x8a: {  	s1 =	srdreg.scid  }
0x8b: {  	s0 =	sand.u32 $0x1, s1  }
0x8c: {  	s17 =	sshll.u32 s0, $0xA;
	s2 =	sadd.s32 s3, s2  }
0x8d: {  	s2 =	sadd.s32 s2, s17  }
0x8e: {  	[smem:$0x3FA6] =	sst s2  }
0x8f: {  	_ = 	snop  }
0x90: {  	s18 =	sld [smem:$0x3FD0];
	(tm) =	ssettm $0x1  }
0x91: {  	s19 =	sld [smem:$0x3FFB];
	_ =	sdelay $0x3  }
0x92: {  	_ =	strace s19  }
0x93: {  	s2 =	sld [smem:$0x3FFC];
	_ =	sdelay $0x3  }
0x94: {  	_ =	strace s2  }
0x95: {  	s2 =	sld [smem:$0x3FFD];
	_ =	sdelay $0x3  }
0x96: {  	_ =	strace s2  }
0x97: {  	_ =	strace $0x8FFFFFFF  }
0x98: {  	s20 =	sld [smem:$0x3FDB];
	_ =	sdelay $0x1  }
0x99: {  	s4 =	simm.s32 $_scs_section_size  }
0x9a: {  	s5 =	simm.s32 $_size__tile_overlayer_lowered;
	s6 =	simm.s32 $_tile_overlayer_lowered  }
0x9b: {  	s7 =	simm.s32 $0x1BFF;
	s21 =	sshll.u32 s6, $0x1;
	s4 =	sadd.s32 s4, s20  }
0x9c: {  	s22 =	simm.s32 $0x0;
	s5 =	sshll.u32 s5, $0x1;
	s6 =	sadd.s32 s21, s4  }
0x9d: {  	[timem:s22], [sflag:s7] =	dma.local [hbm:s6], s5  }
0x9e: {  	_ =	swait.ge [sflag:s7], s5  }
0x9f: {  	s5 =	ssub.s32 $0x0, s5;
	[sflag:s7] =	ssyncset.done $0x0  }
0xa0: {  	[sflag:s7] =	ssyncadd.s32 s5;
	_ =	sdelay $0x1  }
0xa1: {  	s23 =	simm.s32 $0x1B8B  }
0xa2: {  	_ =	swait.ge [sflag:s23], $0x1  }
0xa3: {  	[sflag:s23] =	ssyncset.done $0x0  }
0xa4: {  	[sflag:s23] =	ssyncadd.s32 $0xFFFFFFFF  }
0xa5: {  	s5 =	sld [smem:$0x0]  }
0xa6: {  	s6 =	sand.u32 $0xFFFFFFFE, s1  }
0xa7: {  	p0 =	sne.s32 s1, s6  }
0xa8: {  	s6 =	sshll.u32 @p0 s6, $0xE  }
0xa9: {  	s6 =	sadd.s32 @p0 $0x11B8D, s6;
	s7 =	sshll.u32 @p0 s5, $0x11  }
0xaa: {  	s6 =	sor.u32 @p0 s7, s6  }
0xab: {  	[sflag:s6] =	ssyncadd.remote.s32 @p0 $0x1;
	_ =	sdelay $0x1  }
0xac: {  	s6 =	simm.s32 @p0 $0x1B8D  }
0xad: {  	_ =	swait.eq @p0 [sflag:s6], $0x1  }
0xae: {  	[sflag:s6] =	ssyncadd.s32 @p0 $0xFFFFFFFF  }
0xaf: {  	s7 =	sshll.u32 @!p0 s1, $0xE  }
0xb0: {  	s7 =	sor.u32 @!p0 $0x4000, s7;
	s6 =	simm.s32 @!p0 $0x1B8D  }
0xb1: {  	s5 =	sshll.u32 @!p0 s5, $0x11;
	s7 =	sadd.s32 @!p0 $0x11B8D, s7;
	_ =	swait.eq @!p0 [sflag:s6], $0x1  }
0xb2: {  	s5 =	sor.u32 @!p0 s5, s7;
	[sflag:s6] =	ssyncadd.s32 @!p0 $0xFFFFFFFF  }
0xb3: {  	s25 =	simm.s32 $0x1B8E;
	s24 =	sld [smem:$0x3FFE];
	[sflag:s5] =	ssyncadd.remote.s32 @!p0 $0x1  }
0xb4: {  	s26 =	simm.s32 $execute0_lowered;
	[smem:$0x3FD2] =	sst s25  }
0xb5: {  	s6 =	sshll.u32 s26, $0x1;
	_ =	strace $0x80000049;
	[dreg:$0x1] =	wrdreg $0xFFFFFFFF  }
0xb6: {  	s28 =	simm.s32 $_size_execute0_lowered;
	s4 =	sadd.s32 s4, s6;
	[dreg:$0x0] =	wrdreg $0x0  }
0xb7: {  	s6 =	sshll.u32 s28, $0x1;
	[dreg:$0x2] =	wrdreg s4  }
0xb8: {  	[dreg:$0x3] =	wrdreg s6  }
0xb9: {  	[dreg:$0x4] =	wrdreg $0xC0  }
0xba: {  	_ =	task [dreg:s22], $0x5FFFF  }
0xbb: {  	[dreg:$0x1] =	wrdreg $0xFFFFFFFF  }
0xbc: {  	[dreg:$0x0] =	wrdreg $0x60  }
0xbd: {  	[dreg:$0x2] =	wrdreg s18  }
0xbe: {  	[dreg:$0x3] =	wrdreg s24  }
0xbf: {  	[dreg:$0x4] =	wrdreg $0x9C000  }
0xc0: {  	[dreg:$0x5] =	wrdreg $0xA  }
0xc1: {  	_ =	task.clear_ibuf [dreg:s22], $0x6FFFF;
	_ =	strace $0x90000049  }
0xc2: {  	s29 =	simm.s32 $0xA;
	_ =	strace $0x8000004B  }
0xc3: {  	_ =	swait.ge [sflag:s29], $0x1  }
0xc4: {  	[sflag:s29] =	ssyncadd.s32 $0xFFFFFFFF  }
0xc5: {  	_ =	strace $0x9000004B  }
0xc6: {  	_ =	sfence  }
0xc7: {  	s30 =	sld [smem:$0x0];
	_ =	sdelay $0x2  }
0xc8: {  	s31 =	sshll.u32 s1, $0xD;
	s1 =	sshrl.u32 s1, $0x2  }
0xc9: {  	s4 =	sand.u32 $0x4000, s31;
	s1 =	sadd.s32 s1, s30  }
0xca: {  	s0 =	sor.u32 s4, s0;
	s1 =	sshll.u32 s1, $0x11  }
0xcb: {  	s0 =	sor.u32 s1, s0  }
0xcc: {  	s0 =	sadd.s32 $0x8F2B, s0  }
0xcd: {  	[sflag:s0] =	ssyncadd.remote.s32 $0x1  }
0xce: {  	_ =	sfence.sel $0xFFFF  }
0xcf: {  	[dreg:$0x0] =	wrdreg $0xFFFFFFFF;
	(pc) =	sbr.abs _section_cstart, $3  }
0xd0: {  	[dreg:$0x1] =	wrdreg $0xFFFFFFFF  }
0xd1: {  	_ =	task.clear_ibuf [dreg:s22], $0x2FFFF;
	_ =	strace $0x9FFFFFFF  }
0xd2: {  	(tm) =	ssettm $0x7FFFFFFF  }
0xd3: {  	_ =	shalt  }
tec
execute0_lowered:
.L_overlay_start_1:
0x0: {  	(tag) =	ssettag $0x1  }
0x1: {  	s1 =	rddreg [dreg:$0x0];
	s11 =	stileid.u32  }
0x2: {  	s0 =	rddreg [dreg:$0x1];
	s7 =	smul.u32 $0x14000, s11  }
0x3: {  	s2 =	rddreg [dreg:$0x2];
	s12 =	smul.u32 $0x2710, s11  }
0x4: {  	s3 =	simm.s32 $0x0;
	s4 =	srdreg.scid;
	s29 =	smul.u32 $0x50000, s11  }
0x5: {  	s4 =	sand.u32 $0x1, s4;
	s8 =	sadd.s32 $0x277200, s0;
	s11 =	smul.u32 $0x8C00, s11  }
0x6: {  	[smem:$0x7FF] =	sst s3;
	s9 =	sadd.s32 $0x27C200, s0;
	s6 =	smul.u32 $0x140000, s4  }
0x7: {  	_ =	strace $0x8000004A;
	[dreg:$0x4] =	wrdreg s8;
	s8 =	smul.u32 $0x2710, s4  }
0x8: {  	[dreg:$0x5] =	wrdreg s9;
	s28 =	ssub.s32 $0x2, s4;
	s4 =	smul.u32 $0x27100, s4  }
0x9: {  	s10 =	sshrl.u32 s28, $0x1;
	[dreg:$0x7] =	wrdreg s11;
	s9 =	sshrl.u32 s29, $0x2  }
0xa: {  	[dreg:$0x6] =	wrdreg s12;
	s6 =	sadd.s32 s7, s6;
	s4 =	sadd.s32 s12, s4  }
0xb: {  	s7 =	ssub.s32 s28, s10;
	s9 =	sadd.s32 s9, s2;
	[dreg:$0x8] =	wrdreg s4  }
0xc: {  	s13 =	smax.u32 s7, $0x1;
	[dreg:$0xa] =	wrdreg s9  }
0xd: {  	s14 =	sadd.s32 $0x1400, s9;
	[dreg:$0xc] =	wrdreg s13  }
0xe: {  	s15 =	sadd.s32 $0x2800, s9;
	[dreg:$0xd] =	wrdreg s14  }
0xf: {  	s16 =	sadd.s32 $0x3C00, s9;
	[dreg:$0xe] =	wrdreg s15  }
0x10: {  	s17 =	sadd.s32 $0x5000, s9;
	[dreg:$0xf] =	wrdreg s16  }
0x11: {  	s18 =	sadd.s32 $0x6400, s9;
	[dreg:$0x10] =	wrdreg s17  }
0x12: {  	s19 =	sadd.s32 $0x7800, s9;
	[dreg:$0x11] =	wrdreg s18  }
0x13: {  	s20 =	sadd.s32 $0x8C00, s9;
	[dreg:$0x12] =	wrdreg s19  }
0x14: {  	s21 =	sadd.s32 $0xA000, s9;
	[dreg:$0x13] =	wrdreg s20  }
0x15: {  	s22 =	sadd.s32 $0xB400, s9;
	[dreg:$0x14] =	wrdreg s21  }
0x16: {  	s31 =	simm.s32 $0x7400;
	s23 =	sadd.s32 $0xC800, s9;
	[dreg:$0x15] =	wrdreg s22  }
0x17: {  	s30 =	simm.s32 $0x0;
	s24 =	sadd.s32 $0xDC00, s9;
	[dreg:$0x16] =	wrdreg s23  }
0x18: {  	s5 =	sadd.s32 $0xA2EC00, s0;
	s25 =	sadd.s32 $0xF000, s9;
	[dreg:$0x17] =	wrdreg s24  }
0x19: {  	s6 =	sshrl.u32 s6, $0x3;
	s26 =	sadd.s32 $0x10400, s9;
	[dreg:$0x18] =	wrdreg s25  }
0x1a: {  	s28 =	sadd.s32 $0x11800, s9;
	s29 =	sadd.s32 $0x12C00, s9;
	[dreg:$0x19] =	wrdreg s26  }
0x1b: {  	s6 =	sadd.s32 s6, s0;
	s0 =	sadd.s32 $0xA36680, s0;
	[dreg:$0x1a] =	wrdreg s28  }
0x1c: {  	[dreg:$0x1b] =	wrdreg s29;
	s13 =	simm.s32 $0x28;
	s14 =	simm.s32 $0x2400  }
0x1d: {  	s15 =	simm.s32 $0x4C00;
	s16 =	simm.s32 $0x3800;
	s17 =	simm.s32 $0x6000  }
0x1e: {  	s18 =	simm.s32 $0x1;
	s19 =	simm.s32 $0x3;
	s20 =	simm.s32 $0x2  }
0x1f: {  	s21 =	simm.s32 $0x4;
	s22 =	simm.s32 $0x8800;
	s24 =	simm.s32 $0x5  }
0x20: {  	s26 =	simm.s32 $0x6;
	[dreg:$0x9] =	wrdreg s0;
	s12 =	sadd.s32 $0x56200, s6  }
0x21: {  	v1 =	vimm.f32 $0.0e+00;
	v0 =	vmov s8;
	s0 =	simm.s32 $0x7;
	s6 =	simm.s32 $0x0;
	[dreg:$0xb] =	wrdreg s12  }
.LBB2_1:
0x22: {  	[dreg:$0x1c] =	wrdreg s6;
	s4 =	simm.s32 $0x0;
	s6 =	simm.s32 $0x200  }
.LBB2_2:
0x23: {  	p0 =	sne.s32 s6, $0x4E00;
	[tilespmem:s4+$0x7470] =	vst v1  }
0x24: {  	[tilespmem:s4+$0x7400] =	vst v1  }
0x25: {  	[tilespmem:s4+$0x7410] =	vst v1  }
.Ltmp0:
0x26: {  	[tilespmem:s4+$0x7420] =	vst v1;
	(pc) =	sbr.rel @p0 .LBB2_2-.Ltmp0, $4  }
0x27: {  	[tilespmem:s4+$0x7430] =	vst v1  }
0x28: {  	[tilespmem:s4+$0x7440] =	vst v1  }
0x29: {  	[tilespmem:s4+$0x7450] =	vst v1  }
0x2a: {  	[tilespmem:s4+$0x7460] =	vst v1;
	s4 =	sshra.s32 s6, $0x2;
	s6 =	sadd.s32 $0x200, s6  }
0x2b: {  	[tilespmem:s4+$0x7470] =	vst v1  }
0x2c: {  	[tilespmem:s4+$0x7400] =	vst v1  }
0x2d: {  	[tilespmem:s4+$0x7410] =	vst v1  }
0x2e: {  	[tilespmem:s4+$0x7420] =	vst v1  }
0x2f: {  	[tilespmem:s4+$0x7430] =	vst v1  }
0x30: {  	[tilespmem:s4+$0x7440] =	vst v1  }
0x31: {  	[tilespmem:s4+$0x7450] =	vst v1  }
0x32: {  	[tilespmem:s4+$0x7460] =	vst v1  }
0x33: {  	[spmem:s9] =	stream.linear.scatter [tilespmem:s31], [sflag:$0x7], $0x1400, $0x38;
	[tilespmem:$0x1DC00] =	vst v63  }
0x34: {  	_ =	swait.ge [sflag:s0], $0x1400  }
0x35: {  	[sflag:s0] =	ssyncset.done $0x0  }
0x36: {  	s23 =	rddreg [dreg:$0xd];
	[sflag:s0] =	ssyncadd.s32 $0xFFFFEC00  }
0x37: {  	[spmem:s23] =	stream.linear.scatter [tilespmem:s31], [sflag:$0x7], $0x1400, $0x38;
	[tilespmem:$0x1DC00] =	vst v63  }
0x38: {  	_ =	swait.ge [sflag:s0], $0x1400  }
0x39: {  	[sflag:s0] =	ssyncset.done $0x0  }
0x3a: {  	s25 =	rddreg [dreg:$0xe];
	[sflag:s0] =	ssyncadd.s32 $0xFFFFEC00  }
0x3b: {  	[spmem:s25] =	stream.linear.scatter [tilespmem:s31], [sflag:$0x7], $0x1400, $0x38;
	[tilespmem:$0x1DC00] =	vst v63  }
0x3c: {  	_ =	swait.ge [sflag:s0], $0x1400  }
0x3d: {  	[sflag:s0] =	ssyncset.done $0x0  }
0x3e: {  	s28 =	rddreg [dreg:$0xf];
	[sflag:s0] =	ssyncadd.s32 $0xFFFFEC00  }
0x3f: {  	[spmem:s28] =	stream.linear.scatter [tilespmem:s31], [sflag:$0x7], $0x1400, $0x38;
	[tilespmem:$0x1DC00] =	vst v63  }
0x40: {  	_ =	swait.ge [sflag:s0], $0x1400  }
0x41: {  	[sflag:s0] =	ssyncset.done $0x0  }
0x42: {  	s29 =	rddreg [dreg:$0x10];
	[sflag:s0] =	ssyncadd.s32 $0xFFFFEC00  }
0x43: {  	[spmem:s29] =	stream.linear.scatter [tilespmem:s31], [sflag:$0x7], $0x1400, $0x38;
	[tilespmem:$0x1DC00] =	vst v63  }
0x44: {  	_ =	swait.ge [sflag:s0], $0x1400  }
0x45: {  	[sflag:s0] =	ssyncset.done $0x0  }
0x46: {  	s6 =	rddreg [dreg:$0x11];
	[sflag:s0] =	ssyncadd.s32 $0xFFFFEC00  }
0x47: {  	[spmem:s6] =	stream.linear.scatter [tilespmem:s31], [sflag:$0x7], $0x1400, $0x38;
	[tilespmem:$0x1DC00] =	vst v63  }
0x48: {  	_ =	swait.ge [sflag:s0], $0x1400  }
0x49: {  	[sflag:s0] =	ssyncset.done $0x0  }
0x4a: {  	s7 =	rddreg [dreg:$0x12];
	[sflag:s0] =	ssyncadd.s32 $0xFFFFEC00  }
0x4b: {  	[spmem:s7] =	stream.linear.scatter [tilespmem:s31], [sflag:$0x7], $0x1400, $0x38;
	[tilespmem:$0x1DC00] =	vst v63  }
0x4c: {  	_ =	swait.ge [sflag:s0], $0x1400  }
0x4d: {  	[sflag:s0] =	ssyncset.done $0x0  }
0x4e: {  	s8 =	rddreg [dreg:$0x13];
	[sflag:s0] =	ssyncadd.s32 $0xFFFFEC00  }
0x4f: {  	[spmem:s8] =	stream.linear.scatter [tilespmem:s31], [sflag:$0x7], $0x1400, $0x38;
	[tilespmem:$0x1DC00] =	vst v63  }
0x50: {  	_ =	swait.ge [sflag:s0], $0x1400  }
0x51: {  	[sflag:s0] =	ssyncset.done $0x0  }
0x52: {  	s9 =	rddreg [dreg:$0x14];
	[sflag:s0] =	ssyncadd.s32 $0xFFFFEC00  }
0x53: {  	[spmem:s9] =	stream.linear.scatter [tilespmem:s31], [sflag:$0x7], $0x1400, $0x38;
	[tilespmem:$0x1DC00] =	vst v63  }
0x54: {  	_ =	swait.ge [sflag:s0], $0x1400  }
0x55: {  	[sflag:s0] =	ssyncset.done $0x0  }
0x56: {  	s10 =	rddreg [dreg:$0x15];
	[sflag:s0] =	ssyncadd.s32 $0xFFFFEC00  }
0x57: {  	[spmem:s10] =	stream.linear.scatter [tilespmem:s31], [sflag:$0x7], $0x1400, $0x38;
	[tilespmem:$0x1DC00] =	vst v63  }
0x58: {  	_ =	swait.ge [sflag:s0], $0x1400  }
0x59: {  	[sflag:s0] =	ssyncset.done $0x0  }
0x5a: {  	s11 =	rddreg [dreg:$0x16];
	[sflag:s0] =	ssyncadd.s32 $0xFFFFEC00  }
0x5b: {  	[spmem:s11] =	stream.linear.scatter [tilespmem:s31], [sflag:$0x7], $0x1400, $0x38;
	[tilespmem:$0x1DC00] =	vst v63  }
0x5c: {  	_ =	swait.ge [sflag:s0], $0x1400  }
0x5d: {  	[sflag:s0] =	ssyncset.done $0x0  }
0x5e: {  	s12 =	rddreg [dreg:$0x17];
	[sflag:s0] =	ssyncadd.s32 $0xFFFFEC00  }
0x5f: {  	[spmem:s12] =	stream.linear.scatter [tilespmem:s31], [sflag:$0x7], $0x1400, $0x38;
	[tilespmem:$0x1DC00] =	vst v63  }
0x60: {  	_ =	swait.ge [sflag:s0], $0x1400  }
0x61: {  	[sflag:s0] =	ssyncset.done $0x0  }
0x62: {  	s23 =	rddreg [dreg:$0x18];
	[sflag:s0] =	ssyncadd.s32 $0xFFFFEC00  }
0x63: {  	[spmem:s23] =	stream.linear.scatter [tilespmem:s31], [sflag:$0x7], $0x1400, $0x38;
	[tilespmem:$0x1DC00] =	vst v63  }
0x64: {  	_ =	swait.ge [sflag:s0], $0x1400  }
0x65: {  	[sflag:s0] =	ssyncset.done $0x0  }
0x66: {  	s25 =	rddreg [dreg:$0x19];
	[sflag:s0] =	ssyncadd.s32 $0xFFFFEC00  }
0x67: {  	[spmem:s25] =	stream.linear.scatter [tilespmem:s31], [sflag:$0x7], $0x1400, $0x38;
	[tilespmem:$0x1DC00] =	vst v63  }
0x68: {  	_ =	swait.ge [sflag:s0], $0x1400  }
0x69: {  	[sflag:s0] =	ssyncset.done $0x0  }
0x6a: {  	s28 =	rddreg [dreg:$0x1a];
	[sflag:s0] =	ssyncadd.s32 $0xFFFFEC00  }
0x6b: {  	[spmem:s28] =	stream.linear.scatter [tilespmem:s31], [sflag:$0x7], $0x1400, $0x38;
	[tilespmem:$0x1DC00] =	vst v63  }
0x6c: {  	_ =	swait.ge [sflag:s0], $0x1400  }
0x6d: {  	[sflag:s0] =	ssyncset.done $0x0  }
0x6e: {  	s29 =	rddreg [dreg:$0x1b];
	[sflag:s0] =	ssyncadd.s32 $0xFFFFEC00  }
0x6f: {  	[spmem:s29] =	stream.linear.scatter [tilespmem:s31], [sflag:$0x7], $0x1400, $0x38;
	[tilespmem:$0x1DC00] =	vst v63  }
0x70: {  	_ =	swait.ge [sflag:s0], $0x1400  }
0x71: {  	[sflag:s0] =	ssyncset.done $0x0  }
0x72: {  	[sflag:s0] =	ssyncadd.s32 $0xFFFFEC00  }
0x73: {  	s12 =	simm.s32 $0x0;
	[bflag:$0x0] =	sbarrier.arrive $0xFFFF  }
.LBB2_4:
0x74: {  	p0 =	seq.s32 s12, $0x0  }
0x75: {  	s6 =	simm.s32 @!p0 $0x5  }
0x76: {  	_ =	swait.ge @!p0 [sflag:s6], $0x1400  }
0x77: {  	[sflag:s6] =	ssyncset.done @!p0 $0x0  }
0x78: {  	[sflag:s6] =	ssyncadd.s32 @!p0 $0xFFFFEC00;
	s6 =	simm.s32 @!p0 $0x6  }
0x79: {  	s4 =	smul.u32 $0x7D0, s12;
	_ =	swait.ge @!p0 [sflag:s6], $0x1400  }
0x7a: {  	s7 =	rddreg [dreg:$0x6]  }
0x7b: {  	s7 =	sadd.s32 s7, s4  }
0x7c: {  	[sflag:s6] =	ssyncset.done @!p0 $0x0;
	s11 =	rddreg [dreg:$0x4];
	s7 =	sshrl.u32 s7, $0x3  }
0x7d: {  	[sflag:s6] =	ssyncadd.s32 @!p0 $0xFFFFEC00;
	s6 =	sadd.s32 s11, s7  }
0x7e: {  	[tilespmem:s30], [sflag:$0x7] =	stream.linear.gather [hbm4b:s6+s30], $0x7D0, $0x38;
	[tilespmem:$0x1DC00] =	vst v63  }
0x7f: {  	s23 =	smul.u32 $0x1C00, s12;
	_ =	swait.ge [sflag:s0], $0x7D0  }
0x80: {  	s25 =	rddreg [dreg:$0x7]  }
0x81: {  	s6 =	sadd.s32 s25, s23  }
0x82: {  	[sflag:s0] =	ssyncset.done $0x0;
	s28 =	rddreg [dreg:$0x5];
	s6 =	sshrl.u32 s6, $0x3  }
0x83: {  	s29 =	simm.s32 $0x800;
	[sflag:s0] =	ssyncadd.s32 $0xFFFFF830;
	s6 =	sadd.s32 s28, s6  }
0x84: {  	[tilespmem:s29], [sflag:$0x7] =	stream.linear.gather [hbm4b:s6+s30], $0x1900, $0x38;
	[tilespmem:$0x1DC00] =	vst v63  }
0x85: {  	_ =	swait.ge [sflag:s0], $0x1900  }
0x86: {  	[sflag:s0] =	ssyncset.done $0x0  }
0x87: {  	s7 =	simm.s32 $0x40;
	s6 =	simm.s32 $0x0;
	[sflag:s0] =	ssyncadd.s32 $0xFFFFE700  }
.LBB2_5:
0x88: {  	p0 =	sne.s32 s7, $0x1F00;
	v2 =	vld [tilespmem:s6+$0x0];
	_ =	sdelay $0x1  }
.Ltmp1:
0x89: {  	(pc) =	sbr.rel @p0 .LBB2_5-.Ltmp1, $3  }
0x8a: {  	_ =	sdelay $0x1  }
0x8b: {  	v2 =	vadd.s32 v0, v2  }
0x8c: {  	[tilespmem:s6+$0x0] =	vst v2;
	s6 =	sshra.s32 s7, $0x2;
	s7 =	sadd.s32 $0x40, s7  }
0x8d: {  	v2 =	vld [tilespmem:s6+$0x0];
	_ =	sdelay $0x3  }
0x8e: {  	s25 =	rddreg [dreg:$0x8]  }
0x8f: {  	s23 =	sadd.s32 s4, s25;
	v2 =	vadd.s32 v0, v2  }
0x90: {  	s29 =	simm.s32 $0x0;
	s4 =	sshll.u32 s23, $0x4;
	[tilespmem:s6+$0x0] =	vst v2  }
0x91: {  	[tilespmem:s14], [sflag:$0x1] =	stream.indirect.gather [hbm4b:s1+s13], $0x80, s29, s13, $0xb8;
	[tilespmem:$0x1DC00] =	vst v63  }
0x92: {  	s28 =	sadd.s32 s5, s4  }
0x93: {  	[tilespmem:s15], [sflag:$0x3] =	stream.linear.gather [hbm4b:s28+s29], $0x1400, $0x38;
	[tilespmem:$0x1DC00] =	vst v63  }
.LBB2_7:
0x94: {  	s25 =	sshllo.u32 s29, $0x1  }
0x95: {  	s6 =	smul.u32 $0x28, s25;
	_ =	sdelay $0x1  }
0x96: {  	[tilespmem:s16], [sflag:$0x2] =	stream.indirect.gather [hbm4b:s1+s13], $0x80, s6, s13, $0xb8;
	[tilespmem:$0x1DC00] =	vst v63  }
0x97: {  	s6 =	sadd.s32 s23, s6  }
0x98: {  	s6 =	sshll.u32 s6, $0x4  }
0x99: {  	s6 =	sadd.s32 s5, s6  }
0x9a: {  	[tilespmem:s17], [sflag:$0x4] =	stream.linear.gather [hbm4b:s6+s3], $0x1400, $0x38;
	[tilespmem:$0x1DC00] =	vst v63  }
0x9b: {  	_ =	swait.ge [sflag:s18], $0x1400  }
0x9c: {  	[sflag:s18] =	ssyncset.done $0x0  }
0x9d: {  	[sflag:s18] =	ssyncadd.s32 $0xFFFFEC00  }
0x9e: {  	_ =	swait.ge [sflag:s19], $0x1400  }
0x9f: {  	p0 =	seq.s32 s29, $0x0;
	[sflag:s19] =	ssyncset.done $0x0  }
0xa0: {  	s6 =	simm.s32 @!p0 $0x5;
	[sflag:s19] =	ssyncadd.s32 $0xFFFFEC00  }
0xa1: {  	_ =	swait.ge @!p0 [sflag:s6], $0x1400  }
0xa2: {  	[sflag:s6] =	ssyncset.done @!p0 $0x0  }
0xa3: {  	s28 =	simm.s32 $0x2500;
	[sflag:s6] =	ssyncadd.s32 @!p0 $0xFFFFEC00  }
0xa4: {  	s6 =	simm.s32 $0x4D00;
	v2 =	vld [tilespmem:s28+$0x80]  }
0xa5: {  	v3 =	vld [tilespmem:s6+$0x80];
	_ =	sdelay $0x2  }
0xa6: {  	v4 =	vld [tilespmem:s28+$0xFFFFFF80]  }
0xa7: {  	v5 =	vld [tilespmem:s6+$0xFFFFFF80]  }
0xa8: {  	v6 =	vld [tilespmem:s6+$0xFFFFFF00];
	v2 =	vmul.f32 v3, v2  }
0xa9: {  	s7 =	simm.s32 $0x7500;
	v3 =	vld [tilespmem:s28+$0xFFFFFF00]  }
0xaa: {  	[tilespmem:s7+$0x80] =	vst v2  }
0xab: {  	v2 =	vld [tilespmem:s28+$0x90]  }
0xac: {  	v4 =	vmul.f32 v5, v4;
	v5 =	vld [tilespmem:s6+$0x90]  }
0xad: {  	v7 =	vld [tilespmem:s28+$0x0]  }
0xae: {  	v8 =	vld [tilespmem:s6+$0x0];
	[tilespmem:s7+$0xFFFFFF80] =	vst v4;
	v3 =	vmul.f32 v6, v3  }
0xaf: {  	v4 =	vld [tilespmem:s28+$0xFFFFFF90]  }
0xb0: {  	v6 =	vld [tilespmem:s6+$0xFFFFFF90];
	[tilespmem:s7+$0xFFFFFF00] =	vst v3  }
0xb1: {  	v3 =	vld [tilespmem:s28+$0xFFFFFF10];
	v2 =	vmul.f32 v5, v2  }
0xb2: {  	v5 =	vld [tilespmem:s6+$0xFFFFFF10]  }
0xb3: {  	v7 =	vmul.f32 v8, v7;
	[tilespmem:s7+$0x90] =	vst v2  }
0xb4: {  	v2 =	vld [tilespmem:s28+$0xA0]  }
0xb5: {  	[tilespmem:s7+$0x0] =	vst v7;
	v4 =	vmul.f32 v6, v4;
	v6 =	vld [tilespmem:s6+$0xA0]  }
0xb6: {  	v7 =	vld [tilespmem:s28+$0x10]  }
0xb7: {  	v8 =	vld [tilespmem:s6+$0x10];
	[tilespmem:s7+$0xFFFFFF90] =	vst v4;
	v3 =	vmul.f32 v5, v3  }
0xb8: {  	v4 =	vld [tilespmem:s28+$0xFFFFFFA0]  }
0xb9: {  	v5 =	vld [tilespmem:s6+$0xFFFFFFA0];
	[tilespmem:s7+$0xFFFFFF10] =	vst v3  }
0xba: {  	v3 =	vld [tilespmem:s28+$0xFFFFFF20];
	v2 =	vmul.f32 v6, v2  }
0xbb: {  	v6 =	vld [tilespmem:s6+$0xFFFFFF20]  }
0xbc: {  	v7 =	vmul.f32 v8, v7;
	[tilespmem:s7+$0xA0] =	vst v2  }
0xbd: {  	v2 =	vld [tilespmem:s28+$0xB0]  }
0xbe: {  	[tilespmem:s7+$0x10] =	vst v7;
	v4 =	vmul.f32 v5, v4;
	v5 =	vld [tilespmem:s6+$0xB0]  }
0xbf: {  	v7 =	vld [tilespmem:s28+$0x20]  }
0xc0: {  	[tilespmem:s7+$0xFFFFFFA0] =	vst v4;
	v4 =	vld [tilespmem:s6+$0x20];
	v3 =	vmul.f32 v6, v3  }
0xc1: {  	v6 =	vld [tilespmem:s28+$0xFFFFFFB0]  }
0xc2: {  	v8 =	vld [tilespmem:s6+$0xFFFFFFB0];
	[tilespmem:s7+$0xFFFFFF20] =	vst v3  }
0xc3: {  	v3 =	vld [tilespmem:s28+$0xFFFFFF30];
	v2 =	vmul.f32 v5, v2  }
0xc4: {  	v5 =	vld [tilespmem:s6+$0xFFFFFF30]  }
0xc5: {  	v4 =	vmul.f32 v4, v7;
	[tilespmem:s7+$0xB0] =	vst v2  }
0xc6: {  	v2 =	vld [tilespmem:s28+$0xC0]  }
0xc7: {  	v6 =	vmul.f32 v8, v6;
	[tilespmem:s7+$0x20] =	vst v4;
	v4 =	vld [tilespmem:s6+$0xC0]  }
0xc8: {  	v7 =	vld [tilespmem:s28+$0x30]  }
0xc9: {  	[tilespmem:s7+$0xFFFFFFB0] =	vst v6;
	v3 =	vmul.f32 v5, v3;
	v5 =	vld [tilespmem:s6+$0x30]  }
0xca: {  	v6 =	vld [tilespmem:s28+$0xFFFFFFC0]  }
0xcb: {  	[tilespmem:s7+$0xFFFFFF30] =	vst v3;
	v3 =	vld [tilespmem:s6+$0xFFFFFFC0]  }
0xcc: {  	v8 =	vld [tilespmem:s28+$0xFFFFFF40];
	v2 =	vmul.f32 v4, v2  }
0xcd: {  	v4 =	vld [tilespmem:s6+$0xFFFFFF40]  }
0xce: {  	v5 =	vmul.f32 v5, v7;
	[tilespmem:s7+$0xC0] =	vst v2  }
0xcf: {  	v2 =	vld [tilespmem:s28+$0xD0]  }
0xd0: {  	v3 =	vmul.f32 v3, v6;
	[tilespmem:s7+$0x30] =	vst v5;
	v5 =	vld [tilespmem:s6+$0xD0]  }
0xd1: {  	v6 =	vld [tilespmem:s28+$0x40]  }
0xd2: {  	v4 =	vmul.f32 v4, v8;
	[tilespmem:s7+$0xFFFFFFC0] =	vst v3;
	v3 =	vld [tilespmem:s6+$0x40]  }
0xd3: {  	v7 =	vld [tilespmem:s28+$0xFFFFFFD0]  }
0xd4: {  	[tilespmem:s7+$0xFFFFFF40] =	vst v4;
	v4 =	vld [tilespmem:s6+$0xFFFFFFD0]  }
0xd5: {  	v8 =	vld [tilespmem:s28+$0xFFFFFF50];
	v2 =	vmul.f32 v5, v2  }
0xd6: {  	v5 =	vld [tilespmem:s6+$0xFFFFFF50]  }
0xd7: {  	v3 =	vmul.f32 v3, v6;
	[tilespmem:s7+$0xD0] =	vst v2  }
0xd8: {  	v9 =	vld [tilespmem:s28+$0xE0]  }
0xd9: {  	v2 =	vmul.f32 v4, v7;
	v7 =	vld [tilespmem:s6+$0xE0];
	[tilespmem:s7+$0x40] =	vst v3  }
0xda: {  	v3 =	vld [tilespmem:s28+$0x50]  }
0xdb: {  	v4 =	vmul.f32 v5, v8;
	[tilespmem:s7+$0xFFFFFFD0] =	vst v2;
	v6 =	vld [tilespmem:s6+$0x50]  }
0xdc: {  	v2 =	vld [tilespmem:s28+$0xFFFFFFE0]  }
0xdd: {  	v5 =	vld [tilespmem:s6+$0xFFFFFFE0];
	[tilespmem:s7+$0xFFFFFF50] =	vst v4  }
0xde: {  	s9 =	simm.s32 $0x0;
	v4 =	vld [tilespmem:s28+$0xFFFFFF60];
	v8 =	vmul.f32 v7, v9  }
0xdf: {  	s10 =	simm.s32 $0x2700;
	s11 =	simm.s32 $0x4D00;
	s8 =	simm.s32 $0x7500;
	v7 =	vld [tilespmem:s6+$0xFFFFFF60]  }
.LBB2_8:
0xe0: {  	v9 =	vld [tilespmem:s10+$0x80];
	v3 =	vmul.f32 v6, v3;
	[tilespmem:s7+$0xE0] =	vst v8  }
0xe1: {  	v6 =	vld [tilespmem:s28+$0xF0]  }
0xe2: {  	s11 =	sadd.s32 $0x200, s11;
	v2 =	vmul.f32 v5, v2;
	[tilespmem:s7+$0x50] =	vst v3;
	v3 =	vld [tilespmem:s6+$0xF0]  }
0xe3: {  	v5 =	vld [tilespmem:s11+$0x80]  }
0xe4: {  	v8 =	vld [tilespmem:s11+$0xFFFFFF00];
	v4 =	vmul.f32 v7, v4;
	[tilespmem:s7+$0xFFFFFFE0] =	vst v2  }
0xe5: {  	v2 =	vld [tilespmem:s10+$0xFFFFFF80]  }
0xe6: {  	v7 =	vld [tilespmem:s11+$0xFFFFFF80];
	[tilespmem:s7+$0xFFFFFF60] =	vst v4  }
0xe7: {  	v4 =	vld [tilespmem:s10+$0x0];
	v3 =	vmul.f32 v3, v6  }
0xe8: {  	v6 =	vld [tilespmem:s11+$0x0];
	v5 =	vmul.f32 v5, v9  }
0xe9: {  	s7 =	sadd.s32 $0x200, s7;
	v9 =	vld [tilespmem:s10+$0xFFFFFF00];
	[tilespmem:s8+$0xF0] =	vst v3  }
0xea: {  	s9 =	sadd.s32 $0x4, s9;
	[tilespmem:s7+$0x80] =	vst v5;
	v3 =	vld [tilespmem:s28+$0x60]  }
0xeb: {  	p1 =	slt.u32 s9, $0x24;
	v2 =	vmul.f32 v7, v2;
	v5 =	vld [tilespmem:s10+$0x90]  }
0xec: {  	v7 =	vld [tilespmem:s11+$0x90]  }
0xed: {  	[tilespmem:s7+$0xFFFFFF80] =	vst v2;
	v2 =	vmul.f32 v6, v4;
	v4 =	vld [tilespmem:s6+$0x60]  }
0xee: {  	v6 =	vmul.f32 v8, v9;
	v8 =	vld [tilespmem:s10+$0xFFFFFF90]  }
0xef: {  	v9 =	vld [tilespmem:s11+$0xFFFFFF90];
	[tilespmem:s7+$0x0] =	vst v2  }
0xf0: {  	[tilespmem:s7+$0xFFFFFF00] =	vst v6;
	v2 =	vld [tilespmem:s10+$0x10]  }
0xf1: {  	v6 =	vld [tilespmem:s10+$0xFFFFFF10];
	v5 =	vmul.f32 v7, v5  }
0xf2: {  	v7 =	vld [tilespmem:s11+$0xFFFFFF10];
	v3 =	vmul.f32 v4, v3  }
0xf3: {  	v4 =	vld [tilespmem:s11+$0x10];
	[tilespmem:s7+$0x90] =	vst v5  }
0xf4: {  	v5 =	vmul.f32 v9, v8;
	v8 =	vld [tilespmem:s10+$0xA0];
	[tilespmem:s8+$0x60] =	vst v3  }
0xf5: {  	v3 =	vld [tilespmem:s11+$0xA0]  }
0xf6: {  	[tilespmem:s7+$0xFFFFFF90] =	vst v5;
	v5 =	vld [tilespmem:s28+$0xFFFFFF70]  }
0xf7: {  	v6 =	vmul.f32 v7, v6;
	v7 =	vld [tilespmem:s10+$0xFFFFFFA0]  }
0xf8: {  	v9 =	vld [tilespmem:s11+$0xFFFFFFA0];
	v2 =	vmul.f32 v4, v2  }
0xf9: {  	[tilespmem:s7+$0xFFFFFF10] =	vst v6;
	v4 =	vld [tilespmem:s6+$0xFFFFFF70]  }
0xfa: {  	v6 =	vld [tilespmem:s10+$0xFFFFFF20];
	[tilespmem:s7+$0x10] =	vst v2;
	v2 =	vmul.f32 v3, v8  }
0xfb: {  	v3 =	vld [tilespmem:s11+$0xFFFFFF20]  }
0xfc: {  	v8 =	vld [tilespmem:s10+$0x20];
	[tilespmem:s7+$0xA0] =	vst v2  }
0xfd: {  	v2 =	vmul.f32 v9, v7;
	v7 =	vld [tilespmem:s10+$0xB0]  }
0xfe: {  	v9 =	vld [tilespmem:s11+$0xB0];
	v4 =	vmul.f32 v4, v5  }
0xff: {  	[tilespmem:s7+$0xFFFFFFA0] =	vst v2;
	v2 =	vld [tilespmem:s11+$0x20]  }
0x100: {  	v3 =	vmul.f32 v3, v6;
	v5 =	vld [tilespmem:s10+$0xFFFFFFB0];
	[tilespmem:s8+$0xFFFFFF70] =	vst v4  }
0x101: {  	v4 =	vld [tilespmem:s11+$0xFFFFFFB0]  }
0x102: {  	[tilespmem:s7+$0xFFFFFF20] =	vst v3;
	v3 =	vld [tilespmem:s28+$0xFFFFFFF0]  }
0x103: {  	v6 =	vld [tilespmem:s10+$0xFFFFFF30];
	v7 =	vmul.f32 v9, v7  }
0x104: {  	v9 =	vld [tilespmem:s11+$0xFFFFFF30];
	v2 =	vmul.f32 v2, v8  }
0x105: {  	[tilespmem:s7+$0xB0] =	vst v7;
	v7 =	vld [tilespmem:s6+$0xFFFFFFF0]  }
0x106: {  	v4 =	vmul.f32 v4, v5;
	[tilespmem:s7+$0x20] =	vst v2;
	v2 =	vld [tilespmem:s10+$0xC0]  }
0x107: {  	v5 =	vld [tilespmem:s11+$0xC0]  }
0x108: {  	[tilespmem:s7+$0xFFFFFFB0] =	vst v4;
	v4 =	vld [tilespmem:s10+$0x30]  }
0x109: {  	v6 =	vmul.f32 v9, v6;
	v8 =	vld [tilespmem:s11+$0x30]  }
0x10a: {  	v9 =	vld [tilespmem:s10+$0xFFFFFFC0];
	v3 =	vmul.f32 v7, v3  }
0x10b: {  	[tilespmem:s7+$0xFFFFFF30] =	vst v6;
	v6 =	vld [tilespmem:s11+$0xFFFFFFC0]  }
0x10c: {  	v7 =	vld [tilespmem:s10+$0xFFFFFF40];
	v2 =	vmul.f32 v5, v2;
	[tilespmem:s8+$0xFFFFFFF0] =	vst v3  }
0x10d: {  	v3 =	vld [tilespmem:s11+$0xFFFFFF40]  }
0x10e: {  	v4 =	vmul.f32 v8, v4;
	[tilespmem:s7+$0xC0] =	vst v2;
	v5 =	vld [tilespmem:s28+$0x70];
	s28 =	smov.u32 s10  }
0x10f: {  	v2 =	vld [tilespmem:s10+$0xD0]  }
0x110: {  	v6 =	vmul.f32 v6, v9;
	[tilespmem:s7+$0x30] =	vst v4;
	v4 =	vld [tilespmem:s11+$0xD0]  }
0x111: {  	v8 =	vld [tilespmem:s10+$0x40]  }
0x112: {  	v3 =	vmul.f32 v3, v7;
	[tilespmem:s7+$0xFFFFFFC0] =	vst v6;
	v6 =	vld [tilespmem:s11+$0x40]  }
0x113: {  	v7 =	vld [tilespmem:s10+$0xFFFFFFD0]  }
0x114: {  	[tilespmem:s7+$0xFFFFFF40] =	vst v3;
	v3 =	vld [tilespmem:s11+$0xFFFFFFD0]  }
0x115: {  	v9 =	vld [tilespmem:s10+$0xFFFFFF50];
	v2 =	vmul.f32 v4, v2  }
0x116: {  	v4 =	vld [tilespmem:s11+$0xFFFFFF50]  }
0x117: {  	v6 =	vmul.f32 v6, v8;
	[tilespmem:s7+$0xD0] =	vst v2;
	v8 =	vld [tilespmem:s6+$0x70];
	s6 =	smov.u32 s11  }
0x118: {  	v10 =	vld [tilespmem:s10+$0xE0]  }
0x119: {  	v2 =	vmul.f32 v3, v7;
	[tilespmem:s7+$0x40] =	vst v6;
	v7 =	vld [tilespmem:s11+$0xE0]  }
0x11a: {  	v3 =	vld [tilespmem:s10+$0x50]  }
.Ltmp2:
0x11b: {  	v4 =	vmul.f32 v4, v9;
	[tilespmem:s7+$0xFFFFFFD0] =	vst v2;
	v6 =	vld [tilespmem:s11+$0x50];
	(pc) =	sbr.rel @p1 .LBB2_8-.Ltmp2, $4  }
0x11c: {  	v2 =	vld [tilespmem:s10+$0xFFFFFFE0];
	v9 =	vmul.f32 v8, v5  }
0x11d: {  	[tilespmem:s7+$0xFFFFFF50] =	vst v4;
	v5 =	vld [tilespmem:s11+$0xFFFFFFE0]  }
0x11e: {  	v4 =	vld [tilespmem:s10+$0xFFFFFF60];
	v8 =	vmul.f32 v7, v10;
	[tilespmem:s8+$0x70] =	vst v9;
	s8 =	smov.u32 s7  }
0x11f: {  	s10 =	sadd.s32 $0x200, s10;
	v7 =	vld [tilespmem:s11+$0xFFFFFF60]  }
0x120: {  	v3 =	vmul.f32 v6, v3;
	_ =	sdelay $0x1  }
0x121: {  	[tilespmem:s7+$0x50] =	vst v3  }
0x122: {  	v3 =	vld [tilespmem:s28+$0x60]  }
0x123: {  	v6 =	vld [tilespmem:s6+$0x60]  }
0x124: {  	[tilespmem:s7+$0xE0] =	vst v8;
	v4 =	vmul.f32 v7, v4  }
0x125: {  	v2 =	vmul.f32 v5, v2;
	v5 =	vld [tilespmem:s6+$0xF0]  }
0x126: {  	v7 =	vld [tilespmem:s28+$0xF0];
	[tilespmem:s7+$0xFFFFFF60] =	vst v4  }
0x127: {  	v4 =	vld [tilespmem:s28+$0xFFFFFF70]  }
0x128: {  	[tilespmem:s7+$0xFFFFFFE0] =	vst v2;
	v2 =	vmul.f32 v6, v3;
	v3 =	vld [tilespmem:s6+$0xFFFFFF70]  }
0x129: {  	v6 =	vld [tilespmem:s28+$0xFFFFFFF0]  }
0x12a: {  	[tilespmem:s8+$0x60] =	vst v2;
	v2 =	vld [tilespmem:s6+$0xFFFFFFF0]  }
0x12b: {  	v8 =	vld [tilespmem:s28+$0x70]  }
0x12c: {  	v9 =	vld [tilespmem:s6+$0x70];
	_ =	sdelay $0x1  }
0x12d: {  	v5 =	vmul.f32 v5, v7  }
0x12e: {  	v3 =	vmul.f32 v3, v4  }
0x12f: {  	[tilespmem:s8+$0xF0] =	vst v5;
	v2 =	vmul.f32 v2, v6  }
0x130: {  	s9 =	sshll.u32 s29, $0x8;
	s10 =	smul.u32 $0x50, s29;
	[tilespmem:s8+$0xFFFFFF70] =	vst v3;
	v3 =	vmul.f32 v9, v8  }
0x131: {  	s6 =	sand.u32 $0x3FFFFF00, s9;
	[tilespmem:s8+$0xFFFFFFF0] =	vst v2  }
0x132: {  	s11 =	sadd.s32 $0x50, s10;
	s6 =	sadd.s32 $0x800, s6;
	[tilespmem:s8+$0x70] =	vst v3  }
0x133: {  	[spmem:s2] =	stream.indirect.scatter.add.f32 [tilespmem:s31], [sflag:$0x5], $0x80, s6, s13, $0xb8;
	[tilespmem:$0x1DC00] =	vst v63  }
0x134: {  	s6 =	sadd.s32 s23, s11  }
0x135: {  	s6 =	sshll.u32 s6, $0x4  }
0x136: {  	[tilespmem:s14], [sflag:$0x1] =	stream.indirect.gather [hbm4b:s1+s13], $0x80, s11, s13, $0xb8;
	[tilespmem:$0x1DC00] =	vst v63  }
0x137: {  	s6 =	sadd.s32 s5, s6  }
0x138: {  	[tilespmem:s15], [sflag:$0x3] =	stream.linear.gather [hbm4b:s6+s3], $0x1400, $0x38;
	[tilespmem:$0x1DC00] =	vst v63  }
0x139: {  	_ =	swait.ge [sflag:s20], $0x1400  }
0x13a: {  	[sflag:s20] =	ssyncset.done $0x0  }
0x13b: {  	[sflag:s20] =	ssyncadd.s32 $0xFFFFEC00  }
0x13c: {  	_ =	swait.ge [sflag:s21], $0x1400  }
0x13d: {  	[sflag:s21] =	ssyncset.done $0x0  }
0x13e: {  	s6 =	simm.s32 @!p0 $0x6;
	[sflag:s21] =	ssyncadd.s32 $0xFFFFEC00  }
0x13f: {  	_ =	swait.ge @!p0 [sflag:s6], $0x1400  }
0x140: {  	[sflag:s6] =	ssyncset.done @!p0 $0x0  }
0x141: {  	[sflag:s6] =	ssyncadd.s32 @!p0 $0xFFFFEC00;
	s6 =	simm.s32 $0x39F0  }
0x142: {  	s28 =	simm.s32 $0x6100;
	v2 =	vld [tilespmem:s6+$0xFFFFFF90]  }
0x143: {  	v3 =	vld [tilespmem:s28+$0x80];
	_ =	sdelay $0x2  }
0x144: {  	v4 =	vld [tilespmem:s6+$0xFFFFFE90]  }
0x145: {  	v5 =	vld [tilespmem:s28+$0xFFFFFF80]  }
0x146: {  	v6 =	vld [tilespmem:s28+$0xFFFFFF00];
	v2 =	vmul.f32 v3, v2  }
0x147: {  	s7 =	simm.s32 $0x89F0;
	v3 =	vld [tilespmem:s6+$0xFFFFFE10]  }
0x148: {  	[tilespmem:s7+$0xFFFFFF90] =	vst v2  }
0x149: {  	v2 =	vld [tilespmem:s6+$0xFFFFFFA0]  }
0x14a: {  	v4 =	vmul.f32 v5, v4;
	v5 =	vld [tilespmem:s28+$0x90]  }
0x14b: {  	v7 =	vld [tilespmem:s6+$0xFFFFFF10]  }
0x14c: {  	v8 =	vld [tilespmem:s28+$0x0];
	[tilespmem:s7+$0xFFFFFE90] =	vst v4;
	v3 =	vmul.f32 v6, v3  }
0x14d: {  	v4 =	vld [tilespmem:s6+$0xFFFFFEA0]  }
0x14e: {  	v6 =	vld [tilespmem:s28+$0xFFFFFF90];
	[tilespmem:s7+$0xFFFFFE10] =	vst v3  }
0x14f: {  	v3 =	vld [tilespmem:s6+$0xFFFFFE20];
	v2 =	vmul.f32 v5, v2  }
0x150: {  	v5 =	vld [tilespmem:s28+$0xFFFFFF10]  }
0x151: {  	v7 =	vmul.f32 v8, v7;
	[tilespmem:s7+$0xFFFFFFA0] =	vst v2  }
0x152: {  	v2 =	vld [tilespmem:s6+$0xFFFFFFB0]  }
0x153: {  	[tilespmem:s7+$0xFFFFFF10] =	vst v7;
	v4 =	vmul.f32 v6, v4;
	v6 =	vld [tilespmem:s28+$0xA0]  }
0x154: {  	v7 =	vld [tilespmem:s6+$0xFFFFFF20]  }
0x155: {  	v8 =	vld [tilespmem:s28+$0x10];
	[tilespmem:s7+$0xFFFFFEA0] =	vst v4;
	v3 =	vmul.f32 v5, v3  }
0x156: {  	v4 =	vld [tilespmem:s6+$0xFFFFFEB0]  }
0x157: {  	v5 =	vld [tilespmem:s28+$0xFFFFFFA0];
	[tilespmem:s7+$0xFFFFFE20] =	vst v3  }
0x158: {  	v3 =	vld [tilespmem:s6+$0xFFFFFE30];
	v2 =	vmul.f32 v6, v2  }
0x159: {  	v6 =	vld [tilespmem:s28+$0xFFFFFF20]  }
0x15a: {  	v7 =	vmul.f32 v8, v7;
	[tilespmem:s7+$0xFFFFFFB0] =	vst v2  }
0x15b: {  	v2 =	vld [tilespmem:s6+$0xFFFFFFC0]  }
0x15c: {  	[tilespmem:s7+$0xFFFFFF20] =	vst v7;
	v4 =	vmul.f32 v5, v4;
	v5 =	vld [tilespmem:s28+$0xB0]  }
0x15d: {  	v7 =	vld [tilespmem:s6+$0xFFFFFF30]  }
0x15e: {  	[tilespmem:s7+$0xFFFFFEB0] =	vst v4;
	v4 =	vld [tilespmem:s28+$0x20];
	v3 =	vmul.f32 v6, v3  }
0x15f: {  	v6 =	vld [tilespmem:s6+$0xFFFFFEC0]  }
0x160: {  	v8 =	vld [tilespmem:s28+$0xFFFFFFB0];
	[tilespmem:s7+$0xFFFFFE30] =	vst v3  }
0x161: {  	v3 =	vld [tilespmem:s6+$0xFFFFFE40];
	v2 =	vmul.f32 v5, v2  }
0x162: {  	v5 =	vld [tilespmem:s28+$0xFFFFFF30]  }
0x163: {  	v4 =	vmul.f32 v4, v7;
	[tilespmem:s7+$0xFFFFFFC0] =	vst v2  }
0x164: {  	v2 =	vld [tilespmem:s6+$0xFFFFFFD0]  }
0x165: {  	v6 =	vmul.f32 v8, v6;
	[tilespmem:s7+$0xFFFFFF30] =	vst v4;
	v4 =	vld [tilespmem:s28+$0xC0]  }
0x166: {  	v7 =	vld [tilespmem:s6+$0xFFFFFF40]  }
0x167: {  	[tilespmem:s7+$0xFFFFFEC0] =	vst v6;
	v3 =	vmul.f32 v5, v3;
	v5 =	vld [tilespmem:s28+$0x30]  }
0x168: {  	v6 =	vld [tilespmem:s6+$0xFFFFFED0]  }
0x169: {  	[tilespmem:s7+$0xFFFFFE40] =	vst v3;
	v3 =	vld [tilespmem:s28+$0xFFFFFFC0]  }
0x16a: {  	v8 =	vld [tilespmem:s6+$0xFFFFFE50];
	v2 =	vmul.f32 v4, v2  }
0x16b: {  	v4 =	vld [tilespmem:s28+$0xFFFFFF40]  }
0x16c: {  	v5 =	vmul.f32 v5, v7;
	[tilespmem:s7+$0xFFFFFFD0] =	vst v2  }
0x16d: {  	v2 =	vld [tilespmem:s6+$0xFFFFFFE0]  }
0x16e: {  	v3 =	vmul.f32 v3, v6;
	[tilespmem:s7+$0xFFFFFF40] =	vst v5;
	v5 =	vld [tilespmem:s28+$0xD0]  }
0x16f: {  	v6 =	vld [tilespmem:s6+$0xFFFFFF50]  }
0x170: {  	v4 =	vmul.f32 v4, v8;
	[tilespmem:s7+$0xFFFFFED0] =	vst v3;
	v3 =	vld [tilespmem:s28+$0x40]  }
0x171: {  	v7 =	vld [tilespmem:s6+$0xFFFFFEE0]  }
0x172: {  	[tilespmem:s7+$0xFFFFFE50] =	vst v4;
	v4 =	vld [tilespmem:s28+$0xFFFFFFD0]  }
0x173: {  	v8 =	vld [tilespmem:s6+$0xFFFFFE60];
	v2 =	vmul.f32 v5, v2  }
0x174: {  	v5 =	vld [tilespmem:s28+$0xFFFFFF50]  }
0x175: {  	v3 =	vmul.f32 v3, v6;
	[tilespmem:s7+$0xFFFFFFE0] =	vst v2  }
0x176: {  	v9 =	vld [tilespmem:s6+$0xFFFFFFF0]  }
0x177: {  	v2 =	vmul.f32 v4, v7;
	v7 =	vld [tilespmem:s28+$0xE0];
	[tilespmem:s7+$0xFFFFFF50] =	vst v3  }
0x178: {  	v3 =	vld [tilespmem:s6+$0xFFFFFF60]  }
0x179: {  	v4 =	vmul.f32 v5, v8;
	[tilespmem:s7+$0xFFFFFEE0] =	vst v2;
	v6 =	vld [tilespmem:s28+$0x50]  }
0x17a: {  	v2 =	vld [tilespmem:s6+$0xFFFFFEF0]  }
0x17b: {  	v5 =	vld [tilespmem:s28+$0xFFFFFFE0];
	[tilespmem:s7+$0xFFFFFE60] =	vst v4  }
0x17c: {  	s10 =	simm.s32 $0x3BF0;
	v4 =	vld [tilespmem:s6+$0xFFFFFE70];
	v8 =	vmul.f32 v7, v9  }
0x17d: {  	s9 =	simm.s32 $0x0;
	s8 =	simm.s32 $0x89F0;
	s11 =	simm.s32 $0x6100;
	v7 =	vld [tilespmem:s28+$0xFFFFFF60]  }
.LBB2_10:
0x17e: {  	v9 =	vld [tilespmem:s10+$0xFFFFFF90];
	v3 =	vmul.f32 v6, v3;
	[tilespmem:s7+$0xFFFFFFF0] =	vst v8  }
0x17f: {  	v6 =	vld [tilespmem:s6+$0x0]  }
0x180: {  	s11 =	sadd.s32 $0x200, s11;
	v2 =	vmul.f32 v5, v2;
	[tilespmem:s7+$0xFFFFFF60] =	vst v3;
	v3 =	vld [tilespmem:s28+$0xF0]  }
0x181: {  	v5 =	vld [tilespmem:s11+$0x80]  }
0x182: {  	v8 =	vld [tilespmem:s11+$0xFFFFFF00];
	v4 =	vmul.f32 v7, v4;
	[tilespmem:s7+$0xFFFFFEF0] =	vst v2  }
0x183: {  	v2 =	vld [tilespmem:s10+$0xFFFFFE90]  }
0x184: {  	v7 =	vld [tilespmem:s11+$0xFFFFFF80];
	[tilespmem:s7+$0xFFFFFE70] =	vst v4  }
0x185: {  	v4 =	vld [tilespmem:s10+$0xFFFFFF10];
	v3 =	vmul.f32 v3, v6  }
0x186: {  	v6 =	vld [tilespmem:s11+$0x0];
	v5 =	vmul.f32 v5, v9  }
0x187: {  	s7 =	sadd.s32 $0x200, s7;
	v9 =	vld [tilespmem:s10+$0xFFFFFE10];
	[tilespmem:s8+$0x0] =	vst v3  }
0x188: {  	s9 =	sadd.s32 $0x4, s9;
	[tilespmem:s7+$0xFFFFFF90] =	vst v5;
	v3 =	vld [tilespmem:s6+$0xFFFFFF70]  }
0x189: {  	p0 =	slt.u32 s9, $0x24;
	v2 =	vmul.f32 v7, v2;
	v5 =	vld [tilespmem:s10+$0xFFFFFFA0]  }
0x18a: {  	v7 =	vld [tilespmem:s11+$0x90]  }
0x18b: {  	[tilespmem:s7+$0xFFFFFE90] =	vst v2;
	v2 =	vmul.f32 v6, v4;
	v4 =	vld [tilespmem:s28+$0x60]  }
0x18c: {  	v6 =	vmul.f32 v8, v9;
	v8 =	vld [tilespmem:s10+$0xFFFFFEA0]  }
0x18d: {  	v9 =	vld [tilespmem:s11+$0xFFFFFF90];
	[tilespmem:s7+$0xFFFFFF10] =	vst v2  }
0x18e: {  	[tilespmem:s7+$0xFFFFFE10] =	vst v6;
	v2 =	vld [tilespmem:s10+$0xFFFFFF20]  }
0x18f: {  	v6 =	vld [tilespmem:s10+$0xFFFFFE20];
	v5 =	vmul.f32 v7, v5  }
0x190: {  	v7 =	vld [tilespmem:s11+$0xFFFFFF10];
	v3 =	vmul.f32 v4, v3  }
0x191: {  	v4 =	vld [tilespmem:s11+$0x10];
	[tilespmem:s7+$0xFFFFFFA0] =	vst v5  }
0x192: {  	v5 =	vmul.f32 v9, v8;
	v8 =	vld [tilespmem:s10+$0xFFFFFFB0];
	[tilespmem:s8+$0xFFFFFF70] =	vst v3  }
0x193: {  	v3 =	vld [tilespmem:s11+$0xA0]  }
0x194: {  	[tilespmem:s7+$0xFFFFFEA0] =	vst v5;
	v5 =	vld [tilespmem:s6+$0xFFFFFE80]  }
0x195: {  	v6 =	vmul.f32 v7, v6;
	v7 =	vld [tilespmem:s10+$0xFFFFFEB0]  }
0x196: {  	v9 =	vld [tilespmem:s11+$0xFFFFFFA0];
	v2 =	vmul.f32 v4, v2  }
0x197: {  	[tilespmem:s7+$0xFFFFFE20] =	vst v6;
	v4 =	vld [tilespmem:s28+$0xFFFFFF70]  }
0x198: {  	v6 =	vld [tilespmem:s10+$0xFFFFFE30];
	[tilespmem:s7+$0xFFFFFF20] =	vst v2;
	v2 =	vmul.f32 v3, v8  }
0x199: {  	v3 =	vld [tilespmem:s11+$0xFFFFFF20]  }
0x19a: {  	v8 =	vld [tilespmem:s10+$0xFFFFFF30];
	[tilespmem:s7+$0xFFFFFFB0] =	vst v2  }
0x19b: {  	v2 =	vmul.f32 v9, v7;
	v7 =	vld [tilespmem:s10+$0xFFFFFFC0]  }
0x19c: {  	v9 =	vld [tilespmem:s11+$0xB0];
	v4 =	vmul.f32 v4, v5  }
0x19d: {  	[tilespmem:s7+$0xFFFFFEB0] =	vst v2;
	v2 =	vld [tilespmem:s11+$0x20]  }
0x19e: {  	v3 =	vmul.f32 v3, v6;
	v5 =	vld [tilespmem:s10+$0xFFFFFEC0];
	[tilespmem:s8+$0xFFFFFE80] =	vst v4  }
0x19f: {  	v4 =	vld [tilespmem:s11+$0xFFFFFFB0]  }
0x1a0: {  	[tilespmem:s7+$0xFFFFFE30] =	vst v3;
	v3 =	vld [tilespmem:s6+$0xFFFFFF00]  }
0x1a1: {  	v6 =	vld [tilespmem:s10+$0xFFFFFE40];
	v7 =	vmul.f32 v9, v7  }
0x1a2: {  	v9 =	vld [tilespmem:s11+$0xFFFFFF30];
	v2 =	vmul.f32 v2, v8  }
0x1a3: {  	[tilespmem:s7+$0xFFFFFFC0] =	vst v7;
	v7 =	vld [tilespmem:s28+$0xFFFFFFF0]  }
0x1a4: {  	v4 =	vmul.f32 v4, v5;
	[tilespmem:s7+$0xFFFFFF30] =	vst v2;
	v2 =	vld [tilespmem:s10+$0xFFFFFFD0]  }
0x1a5: {  	v5 =	vld [tilespmem:s11+$0xC0]  }
0x1a6: {  	[tilespmem:s7+$0xFFFFFEC0] =	vst v4;
	v4 =	vld [tilespmem:s10+$0xFFFFFF40]  }
0x1a7: {  	v6 =	vmul.f32 v9, v6;
	v8 =	vld [tilespmem:s11+$0x30]  }
0x1a8: {  	v9 =	vld [tilespmem:s10+$0xFFFFFED0];
	v3 =	vmul.f32 v7, v3  }
0x1a9: {  	[tilespmem:s7+$0xFFFFFE40] =	vst v6;
	v6 =	vld [tilespmem:s11+$0xFFFFFFC0]  }
0x1aa: {  	v7 =	vld [tilespmem:s10+$0xFFFFFE50];
	v2 =	vmul.f32 v5, v2;
	[tilespmem:s8+$0xFFFFFF00] =	vst v3  }
0x1ab: {  	v3 =	vld [tilespmem:s11+$0xFFFFFF40]  }
0x1ac: {  	v4 =	vmul.f32 v8, v4;
	[tilespmem:s7+$0xFFFFFFD0] =	vst v2;
	v5 =	vld [tilespmem:s6+$0xFFFFFF80];
	s6 =	smov.u32 s10  }
0x1ad: {  	v2 =	vld [tilespmem:s10+$0xFFFFFFE0]  }
0x1ae: {  	v6 =	vmul.f32 v6, v9;
	[tilespmem:s7+$0xFFFFFF40] =	vst v4;
	v4 =	vld [tilespmem:s11+$0xD0]  }
0x1af: {  	v8 =	vld [tilespmem:s10+$0xFFFFFF50]  }
0x1b0: {  	v3 =	vmul.f32 v3, v7;
	[tilespmem:s7+$0xFFFFFED0] =	vst v6;
	v6 =	vld [tilespmem:s11+$0x40]  }
0x1b1: {  	v7 =	vld [tilespmem:s10+$0xFFFFFEE0]  }
0x1b2: {  	[tilespmem:s7+$0xFFFFFE50] =	vst v3;
	v3 =	vld [tilespmem:s11+$0xFFFFFFD0]  }
0x1b3: {  	v9 =	vld [tilespmem:s10+$0xFFFFFE60];
	v2 =	vmul.f32 v4, v2  }
0x1b4: {  	v4 =	vld [tilespmem:s11+$0xFFFFFF50]  }
0x1b5: {  	v6 =	vmul.f32 v6, v8;
	[tilespmem:s7+$0xFFFFFFE0] =	vst v2;
	v8 =	vld [tilespmem:s28+$0x70];
	s28 =	smov.u32 s11  }
0x1b6: {  	v10 =	vld [tilespmem:s10+$0xFFFFFFF0]  }
0x1b7: {  	v2 =	vmul.f32 v3, v7;
	[tilespmem:s7+$0xFFFFFF50] =	vst v6;
	v7 =	vld [tilespmem:s11+$0xE0]  }
0x1b8: {  	v3 =	vld [tilespmem:s10+$0xFFFFFF60]  }
.Ltmp3:
0x1b9: {  	v4 =	vmul.f32 v4, v9;
	[tilespmem:s7+$0xFFFFFEE0] =	vst v2;
	v6 =	vld [tilespmem:s11+$0x50];
	(pc) =	sbr.rel @p0 .LBB2_10-.Ltmp3, $4  }
0x1ba: {  	v2 =	vld [tilespmem:s10+$0xFFFFFEF0];
	v9 =	vmul.f32 v8, v5  }
0x1bb: {  	[tilespmem:s7+$0xFFFFFE60] =	vst v4;
	v5 =	vld [tilespmem:s11+$0xFFFFFFE0]  }
0x1bc: {  	v4 =	vld [tilespmem:s10+$0xFFFFFE70];
	v8 =	vmul.f32 v7, v10;
	[tilespmem:s8+$0xFFFFFF80] =	vst v9;
	s8 =	smov.u32 s7  }
0x1bd: {  	s10 =	sadd.s32 $0x200, s10;
	v7 =	vld [tilespmem:s11+$0xFFFFFF60]  }
0x1be: {  	v3 =	vmul.f32 v6, v3;
	_ =	sdelay $0x1  }
0x1bf: {  	[tilespmem:s7+$0xFFFFFF60] =	vst v3  }
0x1c0: {  	v3 =	vld [tilespmem:s6+$0xFFFFFF70]  }
0x1c1: {  	v59 =	vld [tilespmem:s28+$0x60]  }
0x1c2: {  	[tilespmem:s7+$0xFFFFFFF0] =	vst v8;
	v2 =	vmul.f32 v5, v2  }
0x1c3: {  	v60 =	vld [tilespmem:s6+$0x0];
	v4 =	vmul.f32 v7, v4  }
0x1c4: {  	v61 =	vld [tilespmem:s28+$0xF0];
	[tilespmem:s7+$0xFFFFFEF0] =	vst v2  }
0x1c5: {  	v62 =	vld [tilespmem:s6+$0xFFFFFF00];
	[tilespmem:s7+$0xFFFFFE70] =	vst v4  }
0x1c6: {  	v4 =	vld [tilespmem:s6+$0xFFFFFE80];
	v2 =	vmul.f32 v59, v3  }
0x1c7: {  	v3 =	vld [tilespmem:s28+$0xFFFFFF70]  }
0x1c8: {  	[tilespmem:s8+$0xFFFFFF70] =	vst v2;
	v2 =	vld [tilespmem:s28+$0xFFFFFFF0]  }
0x1c9: {  	v63 =	vld [tilespmem:s6+$0xFFFFFF80]  }
0x1ca: {  	v9 =	vld [tilespmem:s28+$0x70];
	_ =	sdelay $0x1  }
0x1cb: {  	s29 =	sadd.s32 $0x1, s29;
	v5 =	vmul.f32 v61, v60  }
0x1cc: {  	p0 =	sne.s32 s29, $0x18;
	v3 =	vmul.f32 v3, v4  }
.Ltmp4:
0x1cd: {  	[tilespmem:s8+$0x0] =	vst v5;
	v2 =	vmul.f32 v2, v62;
	(pc) =	sbr.rel @p0 .LBB2_7-.Ltmp4, $4  }
0x1ce: {  	s28 =	sshll.u32 s25, $0x7;
	[tilespmem:s8+$0xFFFFFE80] =	vst v3;
	v3 =	vmul.f32 v9, v63  }
0x1cf: {  	s6 =	sand.u32 $0x3FFFFF80, s28;
	[tilespmem:s8+$0xFFFFFF00] =	vst v2  }
0x1d0: {  	s6 =	sadd.s32 $0x800, s6;
	[tilespmem:s8+$0xFFFFFF80] =	vst v3  }
0x1d1: {  	[spmem:s2] =	stream.indirect.scatter.add.f32 [tilespmem:s22], [sflag:$0x6], $0x80, s6, s13, $0xb8;
	[tilespmem:$0x1DC00] =	vst v63  }
0x1d2: {  	s6 =	simm.s32 $0x7A8;
	s29 =	rddreg [dreg:$0x9]  }
0x1d3: {  	[tilespmem:s16], [sflag:$0x2] =	stream.indirect.gather [hbm4b:s1+s13], $0x80, s6, s13, $0xb8;
	[tilespmem:$0x1DC00] =	vst v63  }
0x1d4: {  	s4 =	sadd.s32 s4, s29  }
0x1d5: {  	[tilespmem:s17], [sflag:$0x4] =	stream.linear.gather [hbm4b:s4+s3], $0x1400, $0x38;
	[tilespmem:$0x1DC00] =	vst v63  }
0x1d6: {  	_ =	swait.ge [sflag:s18], $0x1400  }
0x1d7: {  	[sflag:s18] =	ssyncset.done $0x0  }
0x1d8: {  	[sflag:s18] =	ssyncadd.s32 $0xFFFFEC00  }
0x1d9: {  	_ =	swait.ge [sflag:s19], $0x1400  }
0x1da: {  	[sflag:s19] =	ssyncset.done $0x0  }
0x1db: {  	[sflag:s19] =	ssyncadd.s32 $0xFFFFEC00  }
0x1dc: {  	_ =	swait.ge [sflag:s24], $0x1400  }
0x1dd: {  	[sflag:s24] =	ssyncset.done $0x0  }
0x1de: {  	s4 =	simm.s32 $0x2500;
	[sflag:s24] =	ssyncadd.s32 $0xFFFFEC00  }
0x1df: {  	s6 =	simm.s32 $0x4D00;
	v2 =	vld [tilespmem:s4+$0x80]  }
0x1e0: {  	v3 =	vld [tilespmem:s6+$0x80];
	_ =	sdelay $0x2  }
0x1e1: {  	v4 =	vld [tilespmem:s4+$0xFFFFFF80]  }
0x1e2: {  	v5 =	vld [tilespmem:s6+$0xFFFFFF80]  }
0x1e3: {  	v6 =	vld [tilespmem:s6+$0xFFFFFF00];
	v2 =	vmul.f32 v3, v2  }
0x1e4: {  	s7 =	simm.s32 $0x7500;
	v3 =	vld [tilespmem:s4+$0xFFFFFF00]  }
0x1e5: {  	[tilespmem:s7+$0x80] =	vst v2  }
0x1e6: {  	v2 =	vld [tilespmem:s4+$0x90]  }
0x1e7: {  	v4 =	vmul.f32 v5, v4;
	v5 =	vld [tilespmem:s6+$0x90]  }
0x1e8: {  	v7 =	vld [tilespmem:s4+$0x0]  }
0x1e9: {  	v8 =	vld [tilespmem:s6+$0x0];
	[tilespmem:s7+$0xFFFFFF80] =	vst v4;
	v3 =	vmul.f32 v6, v3  }
0x1ea: {  	v4 =	vld [tilespmem:s4+$0xFFFFFF90]  }
0x1eb: {  	v6 =	vld [tilespmem:s6+$0xFFFFFF90];
	[tilespmem:s7+$0xFFFFFF00] =	vst v3  }
0x1ec: {  	v3 =	vld [tilespmem:s4+$0xFFFFFF10];
	v2 =	vmul.f32 v5, v2  }
0x1ed: {  	v5 =	vld [tilespmem:s6+$0xFFFFFF10]  }
0x1ee: {  	v7 =	vmul.f32 v8, v7;
	[tilespmem:s7+$0x90] =	vst v2  }
0x1ef: {  	v2 =	vld [tilespmem:s4+$0xA0]  }
0x1f0: {  	[tilespmem:s7+$0x0] =	vst v7;
	v4 =	vmul.f32 v6, v4;
	v6 =	vld [tilespmem:s6+$0xA0]  }
0x1f1: {  	v7 =	vld [tilespmem:s4+$0x10]  }
0x1f2: {  	v8 =	vld [tilespmem:s6+$0x10];
	[tilespmem:s7+$0xFFFFFF90] =	vst v4;
	v3 =	vmul.f32 v5, v3  }
0x1f3: {  	v4 =	vld [tilespmem:s4+$0xFFFFFFA0]  }
0x1f4: {  	v5 =	vld [tilespmem:s6+$0xFFFFFFA0];
	[tilespmem:s7+$0xFFFFFF10] =	vst v3  }
0x1f5: {  	v3 =	vld [tilespmem:s4+$0xFFFFFF20];
	v2 =	vmul.f32 v6, v2  }
0x1f6: {  	v6 =	vld [tilespmem:s6+$0xFFFFFF20]  }
0x1f7: {  	v7 =	vmul.f32 v8, v7;
	[tilespmem:s7+$0xA0] =	vst v2  }
0x1f8: {  	v2 =	vld [tilespmem:s4+$0xB0]  }
0x1f9: {  	[tilespmem:s7+$0x10] =	vst v7;
	v4 =	vmul.f32 v5, v4;
	v5 =	vld [tilespmem:s6+$0xB0]  }
0x1fa: {  	v7 =	vld [tilespmem:s4+$0x20]  }
0x1fb: {  	[tilespmem:s7+$0xFFFFFFA0] =	vst v4;
	v4 =	vld [tilespmem:s6+$0x20];
	v3 =	vmul.f32 v6, v3  }
0x1fc: {  	v6 =	vld [tilespmem:s4+$0xFFFFFFB0]  }
0x1fd: {  	v8 =	vld [tilespmem:s6+$0xFFFFFFB0];
	[tilespmem:s7+$0xFFFFFF20] =	vst v3  }
0x1fe: {  	v3 =	vld [tilespmem:s4+$0xFFFFFF30];
	v2 =	vmul.f32 v5, v2  }
0x1ff: {  	v5 =	vld [tilespmem:s6+$0xFFFFFF30]  }
0x200: {  	v4 =	vmul.f32 v4, v7;
	[tilespmem:s7+$0xB0] =	vst v2  }
0x201: {  	v2 =	vld [tilespmem:s4+$0xC0]  }
0x202: {  	v6 =	vmul.f32 v8, v6;
	[tilespmem:s7+$0x20] =	vst v4;
	v4 =	vld [tilespmem:s6+$0xC0]  }
0x203: {  	v7 =	vld [tilespmem:s4+$0x30]  }
0x204: {  	[tilespmem:s7+$0xFFFFFFB0] =	vst v6;
	v3 =	vmul.f32 v5, v3;
	v5 =	vld [tilespmem:s6+$0x30]  }
0x205: {  	v6 =	vld [tilespmem:s4+$0xFFFFFFC0]  }
0x206: {  	[tilespmem:s7+$0xFFFFFF30] =	vst v3;
	v3 =	vld [tilespmem:s6+$0xFFFFFFC0]  }
0x207: {  	v8 =	vld [tilespmem:s4+$0xFFFFFF40];
	v2 =	vmul.f32 v4, v2  }
0x208: {  	v4 =	vld [tilespmem:s6+$0xFFFFFF40]  }
0x209: {  	v5 =	vmul.f32 v5, v7;
	[tilespmem:s7+$0xC0] =	vst v2  }
0x20a: {  	v2 =	vld [tilespmem:s4+$0xD0]  }
0x20b: {  	v3 =	vmul.f32 v3, v6;
	[tilespmem:s7+$0x30] =	vst v5;
	v5 =	vld [tilespmem:s6+$0xD0]  }
0x20c: {  	v6 =	vld [tilespmem:s4+$0x40]  }
0x20d: {  	v4 =	vmul.f32 v4, v8;
	[tilespmem:s7+$0xFFFFFFC0] =	vst v3;
	v3 =	vld [tilespmem:s6+$0x40]  }
0x20e: {  	v7 =	vld [tilespmem:s4+$0xFFFFFFD0]  }
0x20f: {  	[tilespmem:s7+$0xFFFFFF40] =	vst v4;
	v4 =	vld [tilespmem:s6+$0xFFFFFFD0]  }
0x210: {  	v8 =	vld [tilespmem:s4+$0xFFFFFF50];
	v2 =	vmul.f32 v5, v2  }
0x211: {  	v5 =	vld [tilespmem:s6+$0xFFFFFF50]  }
0x212: {  	v3 =	vmul.f32 v3, v6;
	[tilespmem:s7+$0xD0] =	vst v2  }
0x213: {  	v9 =	vld [tilespmem:s4+$0xE0]  }
0x214: {  	v2 =	vmul.f32 v4, v7;
	v7 =	vld [tilespmem:s6+$0xE0];
	[tilespmem:s7+$0x40] =	vst v3  }
0x215: {  	v3 =	vld [tilespmem:s4+$0x50]  }
0x216: {  	v4 =	vmul.f32 v5, v8;
	[tilespmem:s7+$0xFFFFFFD0] =	vst v2;
	v6 =	vld [tilespmem:s6+$0x50]  }
0x217: {  	v2 =	vld [tilespmem:s4+$0xFFFFFFE0]  }
0x218: {  	v5 =	vld [tilespmem:s6+$0xFFFFFFE0];
	[tilespmem:s7+$0xFFFFFF50] =	vst v4  }
0x219: {  	s9 =	simm.s32 $0x0;
	v4 =	vld [tilespmem:s4+$0xFFFFFF60];
	v8 =	vmul.f32 v7, v9  }
0x21a: {  	s10 =	simm.s32 $0x2700;
	s11 =	simm.s32 $0x4D00;
	s8 =	simm.s32 $0x7500;
	v7 =	vld [tilespmem:s6+$0xFFFFFF60]  }
.LBB2_13:
0x21b: {  	v9 =	vld [tilespmem:s10+$0x80];
	v3 =	vmul.f32 v6, v3;
	[tilespmem:s7+$0xE0] =	vst v8  }
0x21c: {  	v6 =	vld [tilespmem:s4+$0xF0]  }
0x21d: {  	s11 =	sadd.s32 $0x200, s11;
	v2 =	vmul.f32 v5, v2;
	[tilespmem:s7+$0x50] =	vst v3;
	v3 =	vld [tilespmem:s6+$0xF0]  }
0x21e: {  	v5 =	vld [tilespmem:s11+$0x80]  }
0x21f: {  	v8 =	vld [tilespmem:s11+$0xFFFFFF00];
	v4 =	vmul.f32 v7, v4;
	[tilespmem:s7+$0xFFFFFFE0] =	vst v2  }
0x220: {  	v2 =	vld [tilespmem:s10+$0xFFFFFF80]  }
0x221: {  	v7 =	vld [tilespmem:s11+$0xFFFFFF80];
	[tilespmem:s7+$0xFFFFFF60] =	vst v4  }
0x222: {  	v4 =	vld [tilespmem:s10+$0x0];
	v3 =	vmul.f32 v3, v6  }
0x223: {  	v6 =	vld [tilespmem:s11+$0x0];
	v5 =	vmul.f32 v5, v9  }
0x224: {  	s7 =	sadd.s32 $0x200, s7;
	v9 =	vld [tilespmem:s10+$0xFFFFFF00];
	[tilespmem:s8+$0xF0] =	vst v3  }
0x225: {  	s9 =	sadd.s32 $0x4, s9;
	[tilespmem:s7+$0x80] =	vst v5;
	v3 =	vld [tilespmem:s4+$0x60]  }
0x226: {  	p0 =	slt.u32 s9, $0x24;
	v2 =	vmul.f32 v7, v2;
	v5 =	vld [tilespmem:s10+$0x90]  }
0x227: {  	v7 =	vld [tilespmem:s11+$0x90]  }
0x228: {  	[tilespmem:s7+$0xFFFFFF80] =	vst v2;
	v2 =	vmul.f32 v6, v4;
	v4 =	vld [tilespmem:s6+$0x60]  }
0x229: {  	v6 =	vmul.f32 v8, v9;
	v8 =	vld [tilespmem:s10+$0xFFFFFF90]  }
0x22a: {  	v9 =	vld [tilespmem:s11+$0xFFFFFF90];
	[tilespmem:s7+$0x0] =	vst v2  }
0x22b: {  	[tilespmem:s7+$0xFFFFFF00] =	vst v6;
	v2 =	vld [tilespmem:s10+$0x10]  }
0x22c: {  	v6 =	vld [tilespmem:s10+$0xFFFFFF10];
	v5 =	vmul.f32 v7, v5  }
0x22d: {  	v7 =	vld [tilespmem:s11+$0xFFFFFF10];
	v3 =	vmul.f32 v4, v3  }
0x22e: {  	v4 =	vld [tilespmem:s11+$0x10];
	[tilespmem:s7+$0x90] =	vst v5  }
0x22f: {  	v5 =	vmul.f32 v9, v8;
	v8 =	vld [tilespmem:s10+$0xA0];
	[tilespmem:s8+$0x60] =	vst v3  }
0x230: {  	v3 =	vld [tilespmem:s11+$0xA0]  }
0x231: {  	[tilespmem:s7+$0xFFFFFF90] =	vst v5;
	v5 =	vld [tilespmem:s4+$0xFFFFFF70]  }
0x232: {  	v6 =	vmul.f32 v7, v6;
	v7 =	vld [tilespmem:s10+$0xFFFFFFA0]  }
0x233: {  	v9 =	vld [tilespmem:s11+$0xFFFFFFA0];
	v2 =	vmul.f32 v4, v2  }
0x234: {  	[tilespmem:s7+$0xFFFFFF10] =	vst v6;
	v4 =	vld [tilespmem:s6+$0xFFFFFF70]  }
0x235: {  	v6 =	vld [tilespmem:s10+$0xFFFFFF20];
	[tilespmem:s7+$0x10] =	vst v2;
	v2 =	vmul.f32 v3, v8  }
0x236: {  	v3 =	vld [tilespmem:s11+$0xFFFFFF20]  }
0x237: {  	v8 =	vld [tilespmem:s10+$0x20];
	[tilespmem:s7+$0xA0] =	vst v2  }
0x238: {  	v2 =	vmul.f32 v9, v7;
	v7 =	vld [tilespmem:s10+$0xB0]  }
0x239: {  	v9 =	vld [tilespmem:s11+$0xB0];
	v4 =	vmul.f32 v4, v5  }
0x23a: {  	[tilespmem:s7+$0xFFFFFFA0] =	vst v2;
	v2 =	vld [tilespmem:s11+$0x20]  }
0x23b: {  	v3 =	vmul.f32 v3, v6;
	v5 =	vld [tilespmem:s10+$0xFFFFFFB0];
	[tilespmem:s8+$0xFFFFFF70] =	vst v4  }
0x23c: {  	v4 =	vld [tilespmem:s11+$0xFFFFFFB0]  }
0x23d: {  	[tilespmem:s7+$0xFFFFFF20] =	vst v3;
	v3 =	vld [tilespmem:s4+$0xFFFFFFF0]  }
0x23e: {  	v6 =	vld [tilespmem:s10+$0xFFFFFF30];
	v7 =	vmul.f32 v9, v7  }
0x23f: {  	v9 =	vld [tilespmem:s11+$0xFFFFFF30];
	v2 =	vmul.f32 v2, v8  }
0x240: {  	[tilespmem:s7+$0xB0] =	vst v7;
	v7 =	vld [tilespmem:s6+$0xFFFFFFF0]  }
0x241: {  	v4 =	vmul.f32 v4, v5;
	[tilespmem:s7+$0x20] =	vst v2;
	v2 =	vld [tilespmem:s10+$0xC0]  }
0x242: {  	v5 =	vld [tilespmem:s11+$0xC0]  }
0x243: {  	[tilespmem:s7+$0xFFFFFFB0] =	vst v4;
	v4 =	vld [tilespmem:s10+$0x30]  }
0x244: {  	v6 =	vmul.f32 v9, v6;
	v8 =	vld [tilespmem:s11+$0x30]  }
0x245: {  	v9 =	vld [tilespmem:s10+$0xFFFFFFC0];
	v3 =	vmul.f32 v7, v3  }
0x246: {  	[tilespmem:s7+$0xFFFFFF30] =	vst v6;
	v6 =	vld [tilespmem:s11+$0xFFFFFFC0]  }
0x247: {  	v7 =	vld [tilespmem:s10+$0xFFFFFF40];
	v2 =	vmul.f32 v5, v2;
	[tilespmem:s8+$0xFFFFFFF0] =	vst v3  }
0x248: {  	v3 =	vld [tilespmem:s11+$0xFFFFFF40]  }
0x249: {  	v4 =	vmul.f32 v8, v4;
	[tilespmem:s7+$0xC0] =	vst v2;
	v5 =	vld [tilespmem:s4+$0x70];
	s4 =	smov.u32 s10  }
0x24a: {  	v2 =	vld [tilespmem:s10+$0xD0]  }
0x24b: {  	v6 =	vmul.f32 v6, v9;
	[tilespmem:s7+$0x30] =	vst v4;
	v4 =	vld [tilespmem:s11+$0xD0]  }
0x24c: {  	v8 =	vld [tilespmem:s10+$0x40]  }
0x24d: {  	v3 =	vmul.f32 v3, v7;
	[tilespmem:s7+$0xFFFFFFC0] =	vst v6;
	v6 =	vld [tilespmem:s11+$0x40]  }
0x24e: {  	v7 =	vld [tilespmem:s10+$0xFFFFFFD0]  }
0x24f: {  	[tilespmem:s7+$0xFFFFFF40] =	vst v3;
	v3 =	vld [tilespmem:s11+$0xFFFFFFD0]  }
0x250: {  	v9 =	vld [tilespmem:s10+$0xFFFFFF50];
	v2 =	vmul.f32 v4, v2  }
0x251: {  	v4 =	vld [tilespmem:s11+$0xFFFFFF50]  }
0x252: {  	v6 =	vmul.f32 v6, v8;
	[tilespmem:s7+$0xD0] =	vst v2;
	v8 =	vld [tilespmem:s6+$0x70];
	s6 =	smov.u32 s11  }
0x253: {  	v10 =	vld [tilespmem:s10+$0xE0]  }
0x254: {  	v2 =	vmul.f32 v3, v7;
	[tilespmem:s7+$0x40] =	vst v6;
	v7 =	vld [tilespmem:s11+$0xE0]  }
0x255: {  	v3 =	vld [tilespmem:s10+$0x50]  }
.Ltmp5:
0x256: {  	v4 =	vmul.f32 v4, v9;
	[tilespmem:s7+$0xFFFFFFD0] =	vst v2;
	v6 =	vld [tilespmem:s11+$0x50];
	(pc) =	sbr.rel @p0 .LBB2_13-.Ltmp5, $4  }
0x257: {  	v2 =	vld [tilespmem:s10+$0xFFFFFFE0];
	v9 =	vmul.f32 v8, v5  }
0x258: {  	[tilespmem:s7+$0xFFFFFF50] =	vst v4;
	v5 =	vld [tilespmem:s11+$0xFFFFFFE0]  }
0x259: {  	v4 =	vld [tilespmem:s10+$0xFFFFFF60];
	v8 =	vmul.f32 v7, v10;
	[tilespmem:s8+$0x70] =	vst v9;
	s8 =	smov.u32 s7  }
0x25a: {  	s10 =	sadd.s32 $0x200, s10;
	v7 =	vld [tilespmem:s11+$0xFFFFFF60]  }
0x25b: {  	v3 =	vmul.f32 v6, v3;
	_ =	sdelay $0x1  }
0x25c: {  	[tilespmem:s7+$0x50] =	vst v3  }
0x25d: {  	v3 =	vld [tilespmem:s4+$0x60]  }
0x25e: {  	v6 =	vld [tilespmem:s6+$0x60]  }
0x25f: {  	[tilespmem:s7+$0xE0] =	vst v8;
	v4 =	vmul.f32 v7, v4  }
0x260: {  	v2 =	vmul.f32 v5, v2;
	v5 =	vld [tilespmem:s6+$0xF0]  }
0x261: {  	v7 =	vld [tilespmem:s4+$0xF0];
	[tilespmem:s7+$0xFFFFFF60] =	vst v4  }
0x262: {  	v4 =	vld [tilespmem:s4+$0xFFFFFF70]  }
0x263: {  	[tilespmem:s7+$0xFFFFFFE0] =	vst v2;
	v2 =	vmul.f32 v6, v3;
	v3 =	vld [tilespmem:s6+$0xFFFFFF70]  }
0x264: {  	v6 =	vld [tilespmem:s4+$0xFFFFFFF0]  }
0x265: {  	[tilespmem:s8+$0x60] =	vst v2;
	v2 =	vld [tilespmem:s6+$0xFFFFFFF0]  }
0x266: {  	v8 =	vld [tilespmem:s4+$0x70]  }
0x267: {  	v9 =	vld [tilespmem:s6+$0x70];
	_ =	sdelay $0x1  }
0x268: {  	v5 =	vmul.f32 v5, v7  }
0x269: {  	v3 =	vmul.f32 v3, v4  }
0x26a: {  	[tilespmem:s8+$0xF0] =	vst v5;
	v2 =	vmul.f32 v2, v6  }
0x26b: {  	[tilespmem:s8+$0xFFFFFF70] =	vst v3;
	v3 =	vmul.f32 v9, v8  }
0x26c: {  	[tilespmem:s8+$0xFFFFFFF0] =	vst v2  }
0x26d: {  	s29 =	simm.s32 $0x2000;
	[tilespmem:s8+$0x70] =	vst v3  }
0x26e: {  	[spmem:s2] =	stream.indirect.scatter.add.f32 [tilespmem:s31], [sflag:$0x5], $0x80, s29, s13, $0xb8;
	[tilespmem:$0x1DC00] =	vst v63  }
0x26f: {  	_ =	swait.ge [sflag:s20], $0x1400  }
0x270: {  	[sflag:s20] =	ssyncset.done $0x0  }
0x271: {  	[sflag:s20] =	ssyncadd.s32 $0xFFFFEC00  }
0x272: {  	_ =	swait.ge [sflag:s21], $0x1400  }
0x273: {  	[sflag:s21] =	ssyncset.done $0x0  }
0x274: {  	[sflag:s21] =	ssyncadd.s32 $0xFFFFEC00  }
0x275: {  	_ =	swait.ge [sflag:s26], $0x1400  }
0x276: {  	[sflag:s26] =	ssyncset.done $0x0  }
0x277: {  	s4 =	simm.s32 $0x39F0;
	[sflag:s26] =	ssyncadd.s32 $0xFFFFEC00  }
0x278: {  	s6 =	simm.s32 $0x6100;
	v2 =	vld [tilespmem:s4+$0xFFFFFF90]  }
0x279: {  	v3 =	vld [tilespmem:s6+$0x80];
	_ =	sdelay $0x2  }
0x27a: {  	v4 =	vld [tilespmem:s4+$0xFFFFFE90]  }
0x27b: {  	v5 =	vld [tilespmem:s6+$0xFFFFFF80]  }
0x27c: {  	v6 =	vld [tilespmem:s6+$0xFFFFFF00];
	v2 =	vmul.f32 v3, v2  }
0x27d: {  	s7 =	simm.s32 $0x89F0;
	v3 =	vld [tilespmem:s4+$0xFFFFFE10]  }
0x27e: {  	[tilespmem:s7+$0xFFFFFF90] =	vst v2  }
0x27f: {  	v2 =	vld [tilespmem:s4+$0xFFFFFFA0]  }
0x280: {  	v4 =	vmul.f32 v5, v4;
	v5 =	vld [tilespmem:s6+$0x90]  }
0x281: {  	v7 =	vld [tilespmem:s4+$0xFFFFFF10]  }
0x282: {  	v8 =	vld [tilespmem:s6+$0x0];
	[tilespmem:s7+$0xFFFFFE90] =	vst v4;
	v3 =	vmul.f32 v6, v3  }
0x283: {  	v4 =	vld [tilespmem:s4+$0xFFFFFEA0]  }
0x284: {  	v6 =	vld [tilespmem:s6+$0xFFFFFF90];
	[tilespmem:s7+$0xFFFFFE10] =	vst v3  }
0x285: {  	v3 =	vld [tilespmem:s4+$0xFFFFFE20];
	v2 =	vmul.f32 v5, v2  }
0x286: {  	v5 =	vld [tilespmem:s6+$0xFFFFFF10]  }
0x287: {  	v7 =	vmul.f32 v8, v7;
	[tilespmem:s7+$0xFFFFFFA0] =	vst v2  }
0x288: {  	v2 =	vld [tilespmem:s4+$0xFFFFFFB0]  }
0x289: {  	[tilespmem:s7+$0xFFFFFF10] =	vst v7;
	v4 =	vmul.f32 v6, v4;
	v6 =	vld [tilespmem:s6+$0xA0]  }
0x28a: {  	v7 =	vld [tilespmem:s4+$0xFFFFFF20]  }
0x28b: {  	v8 =	vld [tilespmem:s6+$0x10];
	[tilespmem:s7+$0xFFFFFEA0] =	vst v4;
	v3 =	vmul.f32 v5, v3  }
0x28c: {  	v4 =	vld [tilespmem:s4+$0xFFFFFEB0]  }
0x28d: {  	v5 =	vld [tilespmem:s6+$0xFFFFFFA0];
	[tilespmem:s7+$0xFFFFFE20] =	vst v3  }
0x28e: {  	v3 =	vld [tilespmem:s4+$0xFFFFFE30];
	v2 =	vmul.f32 v6, v2  }
0x28f: {  	v6 =	vld [tilespmem:s6+$0xFFFFFF20]  }
0x290: {  	v7 =	vmul.f32 v8, v7;
	[tilespmem:s7+$0xFFFFFFB0] =	vst v2  }
0x291: {  	v2 =	vld [tilespmem:s4+$0xFFFFFFC0]  }
0x292: {  	[tilespmem:s7+$0xFFFFFF20] =	vst v7;
	v4 =	vmul.f32 v5, v4;
	v5 =	vld [tilespmem:s6+$0xB0]  }
0x293: {  	v7 =	vld [tilespmem:s4+$0xFFFFFF30]  }
0x294: {  	[tilespmem:s7+$0xFFFFFEB0] =	vst v4;
	v4 =	vld [tilespmem:s6+$0x20];
	v3 =	vmul.f32 v6, v3  }
0x295: {  	v6 =	vld [tilespmem:s4+$0xFFFFFEC0]  }
0x296: {  	v8 =	vld [tilespmem:s6+$0xFFFFFFB0];
	[tilespmem:s7+$0xFFFFFE30] =	vst v3  }
0x297: {  	v3 =	vld [tilespmem:s4+$0xFFFFFE40];
	v2 =	vmul.f32 v5, v2  }
0x298: {  	v5 =	vld [tilespmem:s6+$0xFFFFFF30]  }
0x299: {  	v4 =	vmul.f32 v4, v7;
	[tilespmem:s7+$0xFFFFFFC0] =	vst v2  }
0x29a: {  	v2 =	vld [tilespmem:s4+$0xFFFFFFD0]  }
0x29b: {  	v6 =	vmul.f32 v8, v6;
	[tilespmem:s7+$0xFFFFFF30] =	vst v4;
	v4 =	vld [tilespmem:s6+$0xC0]  }
0x29c: {  	v7 =	vld [tilespmem:s4+$0xFFFFFF40]  }
0x29d: {  	[tilespmem:s7+$0xFFFFFEC0] =	vst v6;
	v3 =	vmul.f32 v5, v3;
	v5 =	vld [tilespmem:s6+$0x30]  }
0x29e: {  	v6 =	vld [tilespmem:s4+$0xFFFFFED0]  }
0x29f: {  	[tilespmem:s7+$0xFFFFFE40] =	vst v3;
	v3 =	vld [tilespmem:s6+$0xFFFFFFC0]  }
0x2a0: {  	v8 =	vld [tilespmem:s4+$0xFFFFFE50];
	v2 =	vmul.f32 v4, v2  }
0x2a1: {  	v4 =	vld [tilespmem:s6+$0xFFFFFF40]  }
0x2a2: {  	v5 =	vmul.f32 v5, v7;
	[tilespmem:s7+$0xFFFFFFD0] =	vst v2  }
0x2a3: {  	v2 =	vld [tilespmem:s4+$0xFFFFFFE0]  }
0x2a4: {  	v3 =	vmul.f32 v3, v6;
	[tilespmem:s7+$0xFFFFFF40] =	vst v5;
	v5 =	vld [tilespmem:s6+$0xD0]  }
0x2a5: {  	v6 =	vld [tilespmem:s4+$0xFFFFFF50]  }
0x2a6: {  	v4 =	vmul.f32 v4, v8;
	[tilespmem:s7+$0xFFFFFED0] =	vst v3;
	v3 =	vld [tilespmem:s6+$0x40]  }
0x2a7: {  	v7 =	vld [tilespmem:s4+$0xFFFFFEE0]  }
0x2a8: {  	[tilespmem:s7+$0xFFFFFE50] =	vst v4;
	v4 =	vld [tilespmem:s6+$0xFFFFFFD0]  }
0x2a9: {  	v8 =	vld [tilespmem:s4+$0xFFFFFE60];
	v2 =	vmul.f32 v5, v2  }
0x2aa: {  	v5 =	vld [tilespmem:s6+$0xFFFFFF50]  }
0x2ab: {  	v3 =	vmul.f32 v3, v6;
	[tilespmem:s7+$0xFFFFFFE0] =	vst v2  }
0x2ac: {  	v9 =	vld [tilespmem:s4+$0xFFFFFFF0]  }
0x2ad: {  	v2 =	vmul.f32 v4, v7;
	v7 =	vld [tilespmem:s6+$0xE0];
	[tilespmem:s7+$0xFFFFFF50] =	vst v3  }
0x2ae: {  	v3 =	vld [tilespmem:s4+$0xFFFFFF60]  }
0x2af: {  	v4 =	vmul.f32 v5, v8;
	[tilespmem:s7+$0xFFFFFEE0] =	vst v2;
	v6 =	vld [tilespmem:s6+$0x50]  }
0x2b0: {  	v2 =	vld [tilespmem:s4+$0xFFFFFEF0]  }
0x2b1: {  	v5 =	vld [tilespmem:s6+$0xFFFFFFE0];
	[tilespmem:s7+$0xFFFFFE60] =	vst v4  }
0x2b2: {  	s9 =	simm.s32 $0x0;
	v4 =	vld [tilespmem:s4+$0xFFFFFE70];
	v8 =	vmul.f32 v7, v9  }
0x2b3: {  	s10 =	simm.s32 $0x3BF0;
	s11 =	simm.s32 $0x6100;
	s8 =	simm.s32 $0x89F0;
	v7 =	vld [tilespmem:s6+$0xFFFFFF60]  }
.LBB2_15:
0x2b4: {  	v9 =	vld [tilespmem:s10+$0xFFFFFF90];
	v3 =	vmul.f32 v6, v3;
	[tilespmem:s7+$0xFFFFFFF0] =	vst v8  }
0x2b5: {  	v6 =	vld [tilespmem:s4+$0x0]  }
0x2b6: {  	s11 =	sadd.s32 $0x200, s11;
	v2 =	vmul.f32 v5, v2;
	[tilespmem:s7+$0xFFFFFF60] =	vst v3;
	v3 =	vld [tilespmem:s6+$0xF0]  }
0x2b7: {  	v5 =	vld [tilespmem:s11+$0x80]  }
0x2b8: {  	v8 =	vld [tilespmem:s11+$0xFFFFFF00];
	v4 =	vmul.f32 v7, v4;
	[tilespmem:s7+$0xFFFFFEF0] =	vst v2  }
0x2b9: {  	v2 =	vld [tilespmem:s10+$0xFFFFFE90]  }
0x2ba: {  	v7 =	vld [tilespmem:s11+$0xFFFFFF80];
	[tilespmem:s7+$0xFFFFFE70] =	vst v4  }
0x2bb: {  	v4 =	vld [tilespmem:s10+$0xFFFFFF10];
	v3 =	vmul.f32 v3, v6  }
0x2bc: {  	v6 =	vld [tilespmem:s11+$0x0];
	v5 =	vmul.f32 v5, v9  }
0x2bd: {  	s7 =	sadd.s32 $0x200, s7;
	v9 =	vld [tilespmem:s10+$0xFFFFFE10];
	[tilespmem:s8+$0x0] =	vst v3  }
0x2be: {  	s9 =	sadd.s32 $0x4, s9;
	[tilespmem:s7+$0xFFFFFF90] =	vst v5;
	v3 =	vld [tilespmem:s4+$0xFFFFFF70]  }
0x2bf: {  	p0 =	slt.u32 s9, $0x24;
	v2 =	vmul.f32 v7, v2;
	v5 =	vld [tilespmem:s10+$0xFFFFFFA0]  }
0x2c0: {  	v7 =	vld [tilespmem:s11+$0x90]  }
0x2c1: {  	[tilespmem:s7+$0xFFFFFE90] =	vst v2;
	v2 =	vmul.f32 v6, v4;
	v4 =	vld [tilespmem:s6+$0x60]  }
0x2c2: {  	v6 =	vmul.f32 v8, v9;
	v8 =	vld [tilespmem:s10+$0xFFFFFEA0]  }
0x2c3: {  	v9 =	vld [tilespmem:s11+$0xFFFFFF90];
	[tilespmem:s7+$0xFFFFFF10] =	vst v2  }
0x2c4: {  	[tilespmem:s7+$0xFFFFFE10] =	vst v6;
	v2 =	vld [tilespmem:s10+$0xFFFFFF20]  }
0x2c5: {  	v6 =	vld [tilespmem:s10+$0xFFFFFE20];
	v5 =	vmul.f32 v7, v5  }
0x2c6: {  	v7 =	vld [tilespmem:s11+$0xFFFFFF10];
	v3 =	vmul.f32 v4, v3  }
0x2c7: {  	v4 =	vld [tilespmem:s11+$0x10];
	[tilespmem:s7+$0xFFFFFFA0] =	vst v5  }
0x2c8: {  	v5 =	vmul.f32 v9, v8;
	v8 =	vld [tilespmem:s10+$0xFFFFFFB0];
	[tilespmem:s8+$0xFFFFFF70] =	vst v3  }
0x2c9: {  	v3 =	vld [tilespmem:s11+$0xA0]  }
0x2ca: {  	[tilespmem:s7+$0xFFFFFEA0] =	vst v5;
	v5 =	vld [tilespmem:s4+$0xFFFFFE80]  }
0x2cb: {  	v6 =	vmul.f32 v7, v6;
	v7 =	vld [tilespmem:s10+$0xFFFFFEB0]  }
0x2cc: {  	v9 =	vld [tilespmem:s11+$0xFFFFFFA0];
	v2 =	vmul.f32 v4, v2  }
0x2cd: {  	[tilespmem:s7+$0xFFFFFE20] =	vst v6;
	v4 =	vld [tilespmem:s6+$0xFFFFFF70]  }
0x2ce: {  	v6 =	vld [tilespmem:s10+$0xFFFFFE30];
	[tilespmem:s7+$0xFFFFFF20] =	vst v2;
	v2 =	vmul.f32 v3, v8  }
0x2cf: {  	v3 =	vld [tilespmem:s11+$0xFFFFFF20]  }
0x2d0: {  	v8 =	vld [tilespmem:s10+$0xFFFFFF30];
	[tilespmem:s7+$0xFFFFFFB0] =	vst v2  }
0x2d1: {  	v2 =	vmul.f32 v9, v7;
	v7 =	vld [tilespmem:s10+$0xFFFFFFC0]  }
0x2d2: {  	v9 =	vld [tilespmem:s11+$0xB0];
	v4 =	vmul.f32 v4, v5  }
0x2d3: {  	[tilespmem:s7+$0xFFFFFEB0] =	vst v2;
	v2 =	vld [tilespmem:s11+$0x20]  }
0x2d4: {  	v3 =	vmul.f32 v3, v6;
	v5 =	vld [tilespmem:s10+$0xFFFFFEC0];
	[tilespmem:s8+$0xFFFFFE80] =	vst v4  }
0x2d5: {  	v4 =	vld [tilespmem:s11+$0xFFFFFFB0]  }
0x2d6: {  	[tilespmem:s7+$0xFFFFFE30] =	vst v3;
	v3 =	vld [tilespmem:s4+$0xFFFFFF00]  }
0x2d7: {  	v6 =	vld [tilespmem:s10+$0xFFFFFE40];
	v7 =	vmul.f32 v9, v7  }
0x2d8: {  	v9 =	vld [tilespmem:s11+$0xFFFFFF30];
	v2 =	vmul.f32 v2, v8  }
0x2d9: {  	[tilespmem:s7+$0xFFFFFFC0] =	vst v7;
	v7 =	vld [tilespmem:s6+$0xFFFFFFF0]  }
0x2da: {  	v4 =	vmul.f32 v4, v5;
	[tilespmem:s7+$0xFFFFFF30] =	vst v2;
	v2 =	vld [tilespmem:s10+$0xFFFFFFD0]  }
0x2db: {  	v5 =	vld [tilespmem:s11+$0xC0]  }
0x2dc: {  	[tilespmem:s7+$0xFFFFFEC0] =	vst v4;
	v4 =	vld [tilespmem:s10+$0xFFFFFF40]  }
0x2dd: {  	v6 =	vmul.f32 v9, v6;
	v8 =	vld [tilespmem:s11+$0x30]  }
0x2de: {  	v9 =	vld [tilespmem:s10+$0xFFFFFED0];
	v3 =	vmul.f32 v7, v3  }
0x2df: {  	[tilespmem:s7+$0xFFFFFE40] =	vst v6;
	v6 =	vld [tilespmem:s11+$0xFFFFFFC0]  }
0x2e0: {  	v7 =	vld [tilespmem:s10+$0xFFFFFE50];
	v2 =	vmul.f32 v5, v2;
	[tilespmem:s8+$0xFFFFFF00] =	vst v3  }
0x2e1: {  	v3 =	vld [tilespmem:s11+$0xFFFFFF40]  }
0x2e2: {  	v4 =	vmul.f32 v8, v4;
	[tilespmem:s7+$0xFFFFFFD0] =	vst v2;
	v5 =	vld [tilespmem:s4+$0xFFFFFF80];
	s4 =	smov.u32 s10  }
0x2e3: {  	v2 =	vld [tilespmem:s10+$0xFFFFFFE0]  }
0x2e4: {  	v6 =	vmul.f32 v6, v9;
	[tilespmem:s7+$0xFFFFFF40] =	vst v4;
	v4 =	vld [tilespmem:s11+$0xD0]  }
0x2e5: {  	v8 =	vld [tilespmem:s10+$0xFFFFFF50]  }
0x2e6: {  	v3 =	vmul.f32 v3, v7;
	[tilespmem:s7+$0xFFFFFED0] =	vst v6;
	v6 =	vld [tilespmem:s11+$0x40]  }
0x2e7: {  	v7 =	vld [tilespmem:s10+$0xFFFFFEE0]  }
0x2e8: {  	[tilespmem:s7+$0xFFFFFE50] =	vst v3;
	v3 =	vld [tilespmem:s11+$0xFFFFFFD0]  }
0x2e9: {  	v9 =	vld [tilespmem:s10+$0xFFFFFE60];
	v2 =	vmul.f32 v4, v2  }
0x2ea: {  	v4 =	vld [tilespmem:s11+$0xFFFFFF50]  }
0x2eb: {  	v6 =	vmul.f32 v6, v8;
	[tilespmem:s7+$0xFFFFFFE0] =	vst v2;
	v8 =	vld [tilespmem:s6+$0x70];
	s6 =	smov.u32 s11  }
0x2ec: {  	v10 =	vld [tilespmem:s10+$0xFFFFFFF0]  }
0x2ed: {  	v2 =	vmul.f32 v3, v7;
	[tilespmem:s7+$0xFFFFFF50] =	vst v6;
	v7 =	vld [tilespmem:s11+$0xE0]  }
0x2ee: {  	v3 =	vld [tilespmem:s10+$0xFFFFFF60]  }
.Ltmp6:
0x2ef: {  	v4 =	vmul.f32 v4, v9;
	[tilespmem:s7+$0xFFFFFEE0] =	vst v2;
	v6 =	vld [tilespmem:s11+$0x50];
	(pc) =	sbr.rel @p0 .LBB2_15-.Ltmp6, $4  }
0x2f0: {  	v2 =	vld [tilespmem:s10+$0xFFFFFEF0];
	v9 =	vmul.f32 v8, v5  }
0x2f1: {  	[tilespmem:s7+$0xFFFFFE60] =	vst v4;
	v5 =	vld [tilespmem:s11+$0xFFFFFFE0]  }
0x2f2: {  	v4 =	vld [tilespmem:s10+$0xFFFFFE70];
	v8 =	vmul.f32 v7, v10;
	[tilespmem:s8+$0xFFFFFF80] =	vst v9;
	s8 =	smov.u32 s7  }
0x2f3: {  	s10 =	sadd.s32 $0x200, s10;
	v7 =	vld [tilespmem:s11+$0xFFFFFF60]  }
0x2f4: {  	v3 =	vmul.f32 v6, v3;
	_ =	sdelay $0x1  }
0x2f5: {  	[tilespmem:s7+$0xFFFFFF60] =	vst v3  }
0x2f6: {  	v3 =	vld [tilespmem:s4+$0xFFFFFF70]  }
0x2f7: {  	v59 =	vld [tilespmem:s6+$0x60]  }
0x2f8: {  	[tilespmem:s7+$0xFFFFFFF0] =	vst v8;
	v2 =	vmul.f32 v5, v2  }
0x2f9: {  	v60 =	vld [tilespmem:s4+$0x0];
	v4 =	vmul.f32 v7, v4  }
0x2fa: {  	v61 =	vld [tilespmem:s6+$0xF0];
	[tilespmem:s7+$0xFFFFFEF0] =	vst v2  }
0x2fb: {  	v62 =	vld [tilespmem:s4+$0xFFFFFF00];
	[tilespmem:s7+$0xFFFFFE70] =	vst v4  }
0x2fc: {  	v4 =	vld [tilespmem:s4+$0xFFFFFE80];
	v2 =	vmul.f32 v59, v3  }
0x2fd: {  	v3 =	vld [tilespmem:s6+$0xFFFFFF70]  }
0x2fe: {  	[tilespmem:s8+$0xFFFFFF70] =	vst v2;
	v2 =	vld [tilespmem:s6+$0xFFFFFFF0]  }
0x2ff: {  	v63 =	vld [tilespmem:s4+$0xFFFFFF80]  }
0x300: {  	v9 =	vld [tilespmem:s6+$0x70];
	_ =	sdelay $0x1  }
0x301: {  	s12 =	sadd.s32 $0x1, s12;
	v5 =	vmul.f32 v61, v60  }
0x302: {  	p0 =	sne.s32 s12, $0x5;
	v3 =	vmul.f32 v3, v4  }
.Ltmp7:
0x303: {  	[tilespmem:s8+$0x0] =	vst v5;
	v2 =	vmul.f32 v2, v62;
	(pc) =	sbr.rel @p0 .LBB2_4-.Ltmp7, $4  }
0x304: {  	[tilespmem:s8+$0xFFFFFE80] =	vst v3;
	v3 =	vmul.f32 v9, v63  }
0x305: {  	[tilespmem:s8+$0xFFFFFF00] =	vst v2  }
0x306: {  	s29 =	simm.s32 $0x2080;
	[tilespmem:s8+$0xFFFFFF80] =	vst v3  }
0x307: {  	[spmem:s2] =	stream.indirect.scatter.add.f32 [tilespmem:s22], [sflag:$0x6], $0x80, s29, s13, $0xb8;
	[tilespmem:$0x1DC00] =	vst v63  }
0x308: {  	_ =	swait.ge [sflag:s24], $0x1400  }
0x309: {  	[sflag:s24] =	ssyncset.done $0x0  }
0x30a: {  	[sflag:s24] =	ssyncadd.s32 $0xFFFFEC00  }
0x30b: {  	_ =	swait.ge [sflag:s26], $0x1400  }
0x30c: {  	[sflag:s26] =	ssyncset.done $0x0  }
0x30d: {  	[sflag:s26] =	ssyncadd.s32 $0xFFFFEC00  }
0x30e: {  	s4 =	stileid.u32;
	[bflag:$0x0] =	sbarrier.arrive $0xFFFF  }
0x30f: {  	s4 =	sshll.u32 s4, $0x6;
	s9 =	rddreg [dreg:$0xa]  }
0x310: {  	s4 =	sor.u32 $0x1C07, s4;
	s7 =	rddreg [dreg:$0xb];
	s6 =	sshrl.u32 s9, $0x3  }
0x311: {  	[hbm:s7], [sflag:s4] =	dma.local [spmem:s6], $0x2800  }
0x312: {  	_ =	swait.ge [sflag:s0], $0x2800  }
0x313: {  	s28 =	rddreg [dreg:$0x1c]  }
0x314: {  	s29 =	rddreg [dreg:$0xc];
	s6 =	sadd.s32 $0x1, s28  }
0x315: {  	p0 =	sne.s32 s6, s29  }
.Ltmp8:
0x316: {  	_ = 	snop;
	(pc) =	sbr.rel @p0 .LBB2_1-.Ltmp8, $3  }
0x317: {  	_ =	sdelay $0x1  }
0x318: {  	[sflag:s0] =	ssyncset.done $0x0  }
0x319: {  	[sflag:s0] =	ssyncadd.s32 $0xFFFFD800  }
0x31a: {  	_ =	sfence.sel $0x180000  }
0x31b: {  	[bflag:$0x0] =	sbarrier.arrive $0xFFFF  }
0x31c: {  	_ =	strace $0x9000004A  }
0x31d: {  	s0 =	stileid.u32;
	[bflag:$0x2] =	sbarrier.arrive $0xFFFF  }
0x31e: {  	p0 =	sne.s32 s0, $0x0;
	s0 =	rddreg [dreg:$0x3]  }
0x31f: {  	s0 =	sadd.s32 @!p0 $0x100000, s0  }
0x320: {  	[sflag:s0] =	ssyncadd.tile.s32 @!p0 $0x1;
	_ =	shalt  }
.Lfunc_end2:
_tile_overlayer_lowered:
.L_overlay_start_2:
0x321: {  	(tag) =	ssettag $0x2  }
0x322: {  	s0 =	rddreg [dreg:$0x0];
	s2 =	stileid.u32  }
0x323: {  	s1 =	rddreg [dreg:$0x1];
	p0 =	sne.s32 s2, $0x0  }
0x324: {  	s3 =	rddreg [dreg:$0x2];
	[bflag:$0x3] =	sbarrier.arrive $0xFFFF;
	s2 =	simm.s32 @!p0 $0x1C07  }
0x325: {  	[timem:s3], [sflag:s2] =	dma.local @!p0 [hbm:s0], s1  }
0x326: {  	s0 =	simm.s32 @!p0 $0x7  }
0x327: {  	_ =	swait.ge @!p0 [sflag:s0], s1  }
0x328: {  	s1 =	ssub.s32 @!p0 $0x0, s1;
	[sflag:s0] =	ssyncset.done @!p0 $0x0  }
0x329: {  	[sflag:s0] =	ssyncadd.s32 @!p0 s1  }
0x32a: {  	[bflag:$0x3] =	sbarrier.arrive $0xFFFF  }
0x32b: {  	_ =	shalt  }

</sc_bundles>
